<compile_context>
chip_gen: v7x
topology: tpu7x:2x2x1
jax: 0.10.2.dev20260603
libtpu: 0.0.44.dev20260713+nightly
codegen_flags: <defaults>
</compile_context>

<pallas_src>
import functools

import jax
import jax.numpy as jnp
from jax import lax
from jax.experimental import pallas as pl
from jax.experimental.pallas import tpu as pltpu
from jax.experimental.pallas import tpu_sc as plsc

NUM_EMB = 1000000
DIM = 32
B = 16384
J = 50

_NS = 16
_SPT = B // _NS
_JPC = J // 2


def _emb_kernel(idx_hbm, table_hbm, out_hbm, xbuf, rows_a, rows_b, tbuf,
                sem_i, sem_a, sem_b):
    cid = lax.axis_index("c")
    sid = lax.axis_index("s")
    pltpu.async_copy(
        idx_hbm.at[pl.ds(cid * _JPC, _JPC), pl.ds(sid * _SPT, _SPT)],
        xbuf, sem_i).wait()

    bufs = (rows_a, rows_b)
    sems = (sem_a, sem_b)
    gathers = [None] * _JPC
    gathers[0] = pltpu.async_copy(
        table_hbm.at[xbuf.at[0]], bufs[0], sems[0])
    for ci in range(_JPC):
        rows_v = bufs[ci % 2]
        if ci + 1 < _JPC:
            gathers[ci + 1] = pltpu.async_copy(
                table_hbm.at[xbuf.at[ci + 1]], bufs[(ci + 1) % 2],
                sems[(ci + 1) % 2])
        gathers[ci].wait()

        def c_body(c, carry2, rows_v=rows_v):
            cvec = jnp.full((16,), c, dtype=jnp.int32)

            def i_body(i, carry3):
                for u in range(4):
                    r = (i * 4 + u) * 16 + lax.iota(jnp.int32, 16)
                    tbuf[c, pl.ds((i * 4 + u) * 16, 16)] = plsc.load_gather(
                        rows_v, [r, cvec])
                return carry3

            lax.fori_loop(0, _SPT // 64, i_body, 0)
            return carry2

        lax.fori_loop(0, DIM, c_body, 0)
        pltpu.sync_copy(
            tbuf, out_hbm.at[cid * _JPC + ci, :, pl.ds(sid * _SPT, _SPT)])


@jax.jit
def _embedding_lookup(idx2d, weight):
    mesh = plsc.VectorSubcoreMesh(core_axis_name="c", subcore_axis_name="s")
    f = functools.partial(
        pl.kernel,
        mesh=mesh,
        out_type=jax.ShapeDtypeStruct((J, DIM, B), jnp.float32),
        scratch_types=[
            pltpu.VMEM((_JPC, _SPT), jnp.int32),
            pltpu.VMEM((_SPT, DIM), jnp.float32),
            pltpu.VMEM((_SPT, DIM), jnp.float32),
            pltpu.VMEM((DIM, _SPT), jnp.float32),
            pltpu.SemaphoreType.DMA,
            pltpu.SemaphoreType.DMA,
            pltpu.SemaphoreType.DMA,
        ],
        compiler_params=pltpu.CompilerParams(
            use_tc_tiling_on_sc=False, needs_layout_passes=False),
    )(_emb_kernel)
    return f(idx2d, weight)


def kernel(x, weight):
    idx2d = jnp.minimum(x.astype(jnp.int32), NUM_EMB - 1).T
    out = _embedding_lookup(idx2d, weight)
    return out.transpose(2, 0, 1)

# --- scband reference (transcript-rebuilt; emitter-appended) ---
"""Pipeline reference for scband-embedding-41661182771609 (READ-ONLY COPY).

The authoritative reference and input builder live on the scoring server;
editing this copy changes nothing except your own understanding.
"""

import jax, jax.numpy as jnp
import numpy as np

NUM_EMBEDDINGS = 1000000
EMBEDDING_DIM = 32

def setup_inputs(seed: int = 0) -> dict:
    key = jax.random.key(seed)
    k1, k2 = jax.random.split(key)
    x = jax.random.randint(k1, (16384, 50), 0, NUM_EMBEDDINGS, dtype=jnp.int64 if jax.config.jax_enable_x64 else jnp.int32)
    weight = jax.random.normal(k2, (NUM_EMBEDDINGS, EMBEDDING_DIM), dtype=jnp.float32)
    return {"x": x, "weight": weight}

def reference(x, weight):
    # Faithful to nn.Embedding forward: gather rows of the table by index.
    idx = x.astype(jnp.int32)
    return jnp.take(weight, idx, axis=0)

if __name__ == "__main__":
    import jax
    _d = setup_inputs()
    print(jax.jit(kernel)(*tuple(_d.values())))

</pallas_src>

<mosaic_0001>
#map = affine_map<(d0, d1) -> (0, 0)>
#map1 = affine_map<(d0, d1) -> (0, 0, 0)>
module attributes {stable_mosaic.version = 14 : i64} {
  func.func @_emb_kernel(%arg0: i32, %arg1: i32, %arg2: memref<50x16384xi32, #tpu.memory_space<hbm>>, %arg3: memref<1000000x32xf32, #tpu.memory_space<hbm>>, %arg4: memref<50x32x16384xf32, #tpu.memory_space<hbm>>, %arg5: memref<25x1024xi32, #tpu.memory_space<vmem>>, %arg6: memref<1024x32xf32, #tpu.memory_space<vmem>>, %arg7: memref<1024x32xf32, #tpu.memory_space<vmem>>, %arg8: memref<32x1024xf32, #tpu.memory_space<vmem>>, %arg9: memref<!tpu.dma_semaphore, #tpu.memory_space<semaphore_mem>>, %arg10: memref<!tpu.dma_semaphore, #tpu.memory_space<semaphore_mem>>, %arg11: memref<!tpu.dma_semaphore, #tpu.memory_space<semaphore_mem>>) attributes {dimension_semantics = [#tpu.dimension_semantics<core_parallel>, #tpu.dimension_semantics<subcore_parallel>], iteration_bounds = array<i64: 2, 16>, scalar_prefetch = 0 : i64, scratch_operands = 7 : i64, tpu.core_type = #tpu.core_type<sc_vector_subcore>, window_params = [{transform_indices = #map}, {transform_indices = #map}, {transform_indices = #map1}]} {
    %mul3A = arith.constant 25 : i32
    %mul3A_0 = arith.muli %arg0, %mul3A : i32
    %mul3A_1 = arith.constant 1024 : i32
    %mul3A_2 = arith.muli %arg1, %mul3A_1 : i32
    %dma_start3A = tpu.memref_slice %arg2[%mul3A_0, %mul3A_2] : memref<50x16384xi32, #tpu.memory_space<hbm>> -> memref<25x1024xi32, #tpu.memory_space<hbm>>
    %dma_start3A_3 = tpu.memref_slice %arg2[%mul3A_0, %mul3A_2] : memref<50x16384xi32, #tpu.memory_space<hbm>> -> memref<25x1024xi32, #tpu.memory_space<hbm>>
    tpu.enqueue_dma source(%dma_start3A_3 : memref<25x1024xi32, #tpu.memory_space<hbm>>) target(%arg5 : memref<25x1024xi32, #tpu.memory_space<vmem>>) target_semaphore(%arg9 : memref<!tpu.dma_semaphore, #tpu.memory_space<semaphore_mem>>)
    %dma_wait3A = tpu.memref_slice %arg2[%mul3A_0, %mul3A_2] : memref<50x16384xi32, #tpu.memory_space<hbm>> -> memref<25x1024xi32, #tpu.memory_space<hbm>>
    %dma_wait3A_4 = tpu.memref_slice %arg2[%mul3A_0, %mul3A_2] : memref<50x16384xi32, #tpu.memory_space<hbm>> -> memref<25x1024xi32, #tpu.memory_space<hbm>>
    tpu.wait_dma2 semaphore(%arg9 : memref<!tpu.dma_semaphore, #tpu.memory_space<semaphore_mem>>) src(%dma_wait3A_4 : memref<25x1024xi32, #tpu.memory_space<hbm>>) dst(%arg5 : memref<25x1024xi32, #tpu.memory_space<vmem>>)
    %dma_start3A_5 = arith.constant 0 : i32
    %dma_start3A_6 = arith.constant 0 : i32
    %dma_start3A_7 = tpu.memref_slice %arg5[%dma_start3A_5, %dma_start3A_6] : memref<25x1024xi32, #tpu.memory_space<vmem>> -> memref<1x1024xi32, #tpu.memory_space<vmem>>
    %dma_start3A_8 = tpu.memref_squeeze %dma_start3A_7 : memref<1x1024xi32, #tpu.memory_space<vmem>> -> memref<1024xi32, #tpu.memory_space<vmem>>
    %dma_start3A_9 = arith.constant 0 : i32
    %dma_start3A_10 = arith.constant 0 : i32
    %dma_start3A_11 = tpu.memref_slice %arg3[%dma_start3A_9, %dma_start3A_10] : memref<1000000x32xf32, #tpu.memory_space<hbm>> -> memref<1000000x32xf32, #tpu.memory_space<hbm>>
    tpu.enqueue_indirect_dma source(%dma_start3A_11 : memref<1000000x32xf32, #tpu.memory_space<hbm>>) target(%arg6 : memref<1024x32xf32, #tpu.memory_space<vmem>>) offsets(%dma_start3A_8 : memref<1024xi32, #tpu.memory_space<vmem>>) semaphore(%arg10 : memref<!tpu.dma_semaphore, #tpu.memory_space<semaphore_mem>>)
    %dma_start3A_12 = arith.constant 1 : i32
    %dma_start3A_13 = arith.constant 0 : i32
    %dma_start3A_14 = tpu.memref_slice %arg5[%dma_start3A_12, %dma_start3A_13] : memref<25x1024xi32, #tpu.memory_space<vmem>> -> memref<1x1024xi32, #tpu.memory_space<vmem>>
    %dma_start3A_15 = tpu.memref_squeeze %dma_start3A_14 : memref<1x1024xi32, #tpu.memory_space<vmem>> -> memref<1024xi32, #tpu.memory_space<vmem>>
    %dma_start3A_16 = arith.constant 0 : i32
    %dma_start3A_17 = arith.constant 0 : i32
    %dma_start3A_18 = tpu.memref_slice %arg3[%dma_start3A_16, %dma_start3A_17] : memref<1000000x32xf32, #tpu.memory_space<hbm>> -> memref<1000000x32xf32, #tpu.memory_space<hbm>>
    tpu.enqueue_indirect_dma source(%dma_start3A_18 : memref<1000000x32xf32, #tpu.memory_space<hbm>>) target(%arg7 : memref<1024x32xf32, #tpu.memory_space<vmem>>) offsets(%dma_start3A_15 : memref<1024xi32, #tpu.memory_space<vmem>>) semaphore(%arg11 : memref<!tpu.dma_semaphore, #tpu.memory_space<semaphore_mem>>)
    %dma_wait3A_19 = arith.constant 0 : i32
    %dma_wait3A_20 = arith.constant 0 : i32
    %dma_wait3A_21 = tpu.memref_slice %arg5[%dma_wait3A_19, %dma_wait3A_20] : memref<25x1024xi32, #tpu.memory_space<vmem>> -> memref<1x1024xi32, #tpu.memory_space<vmem>>
    %dma_wait3A_22 = tpu.memref_squeeze %dma_wait3A_21 : memref<1x1024xi32, #tpu.memory_space<vmem>> -> memref<1024xi32, #tpu.memory_space<vmem>>
    %dma_wait3A_23 = arith.constant 0 : i32
    %dma_wait3A_24 = arith.constant 0 : i32
    %dma_wait3A_25 = tpu.memref_slice %arg3[%dma_wait3A_23, %dma_wait3A_24] : memref<1000000x32xf32, #tpu.memory_space<hbm>> -> memref<1000000x32xf32, #tpu.memory_space<hbm>>
    tpu.wait_indirect_dma semaphore(%arg10 : memref<!tpu.dma_semaphore, #tpu.memory_space<semaphore_mem>>) src(%dma_wait3A_25 : memref<1000000x32xf32, #tpu.memory_space<hbm>>) dst(%arg6 : memref<1024x32xf32, #tpu.memory_space<vmem>>)
    %scan3A = arith.constant 0 : i32
    %scan3A_26 = arith.constant 0 : i32
    %scan3A_27 = arith.constant 32 : i32
    %scan3A_28 = arith.addi %scan3A_26, %scan3A_27 : i32
    %scan3A_29 = arith.constant 1 : i32
    scf.for %scan3A_653 = %scan3A_26 to %scan3A_28 step %scan3A_29  : i32 {
      %broadcast_in_dim3A = vector.broadcast %scan3A_653 : i32 to vector<16xi32>
      %scan3A_654 = arith.constant 0 : i32
      %scan3A_655 = arith.constant 0 : i32
      %scan3A_656 = arith.constant 16 : i32
      %scan3A_657 = arith.addi %scan3A_655, %scan3A_656 : i32
      %scan3A_658 = arith.constant 1 : i32
      scf.for %scan3A_660 = %scan3A_655 to %scan3A_657 step %scan3A_658  : i32 {
        %mul3A_661 = arith.constant 4 : i32
        %mul3A_662 = arith.muli %scan3A_660, %mul3A_661 : i32
        %add3A_663 = arith.constant 0 : i32
        %add3A_664 = arith.addi %mul3A_662, %add3A_663 : i32
        %mul3A_665 = arith.constant 16 : i32
        %mul3A_666 = arith.muli %add3A_664, %mul3A_665 : i32
        %iota3A = tpu.iota {dimensions = array<i32: 0>} : vector<16xi32>
        %add3A_667 = vector.broadcast %mul3A_666 : i32 to vector<16xi32>
        %add3A_668 = arith.addi %add3A_667, %iota3A : vector<16xi32>
        %gather3A = tpu.vector_load_idx %arg6[%add3A_668, %broadcast_in_dim3A] : memref<1024x32xf32, #tpu.memory_space<vmem>>[vector<16xi32>, vector<16xi32>], vector<16xf32>,
        %mul3A_669 = arith.constant 4 : i32
        %mul3A_670 = arith.muli %scan3A_660, %mul3A_669 : i32
        %add3A_671 = arith.constant 0 : i32
        %add3A_672 = arith.addi %mul3A_670, %add3A_671 : i32
        %mul3A_673 = arith.constant 16 : i32
        %mul3A_674 = arith.muli %add3A_672, %mul3A_673 : i32
        %swap3A = arith.index_cast %scan3A_653 : i32 to index
        %swap3A_675 = arith.index_cast %mul3A_674 : i32 to index
        %swap3A_676 = tpu.vector_load %arg8[%swap3A, %swap3A_675] {strides = array<i32>} : memref<32x1024xf32, #tpu.memory_space<vmem>>, vector<16xf32>,
        tpu.vector_store %arg8[%swap3A, %swap3A_675], %gather3A {strides = array<i32>} : memref<32x1024xf32, #tpu.memory_space<vmem>>, vector<16xf32>,
        %mul3A_677 = arith.constant 4 : i32
        %mul3A_678 = arith.muli %scan3A_660, %mul3A_677 : i32
        %add3A_679 = arith.constant 1 : i32
        %add3A_680 = arith.addi %mul3A_678, %add3A_679 : i32
        %mul3A_681 = arith.constant 16 : i32
        %mul3A_682 = arith.muli %add3A_680, %mul3A_681 : i32
        %iota3A_683 = tpu.iota {dimensions = array<i32: 0>} : vector<16xi32>
        %add3A_684 = vector.broadcast %mul3A_682 : i32 to vector<16xi32>
        %add3A_685 = arith.addi %add3A_684, %iota3A_683 : vector<16xi32>
        %gather3A_686 = tpu.vector_load_idx %arg6[%add3A_685, %broadcast_in_dim3A] : memref<1024x32xf32, #tpu.memory_space<vmem>>[vector<16xi32>, vector<16xi32>], vector<16xf32>,
        %mul3A_687 = arith.constant 4 : i32
        %mul3A_688 = arith.muli %scan3A_660, %mul3A_687 : i32
        %add3A_689 = arith.constant 1 : i32
        %add3A_690 = arith.addi %mul3A_688, %add3A_689 : i32
        %mul3A_691 = arith.constant 16 : i32
        %mul3A_692 = arith.muli %add3A_690, %mul3A_691 : i32
        %swap3A_693 = arith.index_cast %scan3A_653 : i32 to index
        %swap3A_694 = arith.index_cast %mul3A_692 : i32 to index
        %swap3A_695 = tpu.vector_load %arg8[%swap3A_693, %swap3A_694] {strides = array<i32>} : memref<32x1024xf32, #tpu.memory_space<vmem>>, vector<16xf32>,
        tpu.vector_store %arg8[%swap3A_693, %swap3A_694], %gather3A_686 {strides = array<i32>} : memref<32x1024xf32, #tpu.memory_space<vmem>>, vector<16xf32>,
        %mul3A_696 = arith.constant 4 : i32
        %mul3A_697 = arith.muli %scan3A_660, %mul3A_696 : i32
        %add3A_698 = arith.constant 2 : i32
        %add3A_699 = arith.addi %mul3A_697, %add3A_698 : i32
        %mul3A_700 = arith.constant 16 : i32
        %mul3A_701 = arith.muli %add3A_699, %mul3A_700 : i32
        %iota3A_702 = tpu.iota {dimensions = array<i32: 0>} : vector<16xi32>
        %add3A_703 = vector.broadcast %mul3A_701 : i32 to vector<16xi32>
        %add3A_704 = arith.addi %add3A_703, %iota3A_702 : vector<16xi32>
        %gather3A_705 = tpu.vector_load_idx %arg6[%add3A_704, %broadcast_in_dim3A] : memref<1024x32xf32, #tpu.memory_space<vmem>>[vector<16xi32>, vector<16xi32>], vector<16xf32>,
        %mul3A_706 = arith.constant 4 : i32
        %mul3A_707 = arith.muli %scan3A_660, %mul3A_706 : i32
        %add3A_708 = arith.constant 2 : i32
        %add3A_709 = arith.addi %mul3A_707, %add3A_708 : i32
        %mul3A_710 = arith.constant 16 : i32
        %mul3A_711 = arith.muli %add3A_709, %mul3A_710 : i32
        %swap3A_712 = arith.index_cast %scan3A_653 : i32 to index
        %swap3A_713 = arith.index_cast %mul3A_711 : i32 to index
        %swap3A_714 = tpu.vector_load %arg8[%swap3A_712, %swap3A_713] {strides = array<i32>} : memref<32x1024xf32, #tpu.memory_space<vmem>>, vector<16xf32>,
        tpu.vector_store %arg8[%swap3A_712, %swap3A_713], %gather3A_705 {strides = array<i32>} : memref<32x1024xf32, #tpu.memory_space<vmem>>, vector<16xf32>,
        %mul3A_715 = arith.constant 4 : i32
        %mul3A_716 = arith.muli %scan3A_660, %mul3A_715 : i32
        %add3A_717 = arith.constant 3 : i32
        %add3A_718 = arith.addi %mul3A_716, %add3A_717 : i32
        %mul3A_719 = arith.constant 16 : i32
        %mul3A_720 = arith.muli %add3A_718, %mul3A_719 : i32
        %iota3A_721 = tpu.iota {dimensions = array<i32: 0>} : vector<16xi32>
        %add3A_722 = vector.broadcast %mul3A_720 : i32 to vector<16xi32>
        %add3A_723 = arith.addi %add3A_722, %iota3A_721 : vector<16xi32>
        %gather3A_724 = tpu.vector_load_idx %arg6[%add3A_723, %broadcast_in_dim3A] : memref<1024x32xf32, #tpu.memory_space<vmem>>[vector<16xi32>, vector<16xi32>], vector<16xf32>,
        %mul3A_725 = arith.constant 4 : i32
        %mul3A_726 = arith.muli %scan3A_660, %mul3A_725 : i32
        %add3A_727 = arith.constant 3 : i32
        %add3A_728 = arith.addi %mul3A_726, %add3A_727 : i32
        %mul3A_729 = arith.constant 16 : i32
        %mul3A_730 = arith.muli %add3A_728, %mul3A_729 : i32
        %swap3A_731 = arith.index_cast %scan3A_653 : i32 to index
        %swap3A_732 = arith.index_cast %mul3A_730 : i32 to index
        %swap3A_733 = tpu.vector_load %arg8[%swap3A_731, %swap3A_732] {strides = array<i32>} : memref<32x1024xf32, #tpu.memory_space<vmem>>, vector<16xf32>,
        tpu.vector_store %arg8[%swap3A_731, %swap3A_732], %gather3A_724 {strides = array<i32>} : memref<32x1024xf32, #tpu.memory_space<vmem>>, vector<16xf32>,
      }
      %scan3A_659 = arith.constant 16 : i32
    }
    %scan3A_30 = arith.constant 32 : i32
    %mul3A_31 = arith.constant 25 : i32
    %mul3A_32 = arith.muli %arg0, %mul3A_31 : i32
    %add3A = arith.constant 0 : i32
    %add3A_33 = arith.addi %mul3A_32, %add3A : i32
    %mul3A_34 = arith.constant 1024 : i32
    %mul3A_35 = arith.muli %arg1, %mul3A_34 : i32
    "tpu.region"() ({
      %run_scoped3A = tpu.sem_alloc : memref<!tpu.dma_semaphore, #tpu.memory_space<semaphore_mem>>
      %dma_start3A_653 = arith.constant 0 : i32
      %dma_start3A_654 = tpu.memref_slice %arg4[%add3A_33, %dma_start3A_653, %mul3A_35] : memref<50x32x16384xf32, #tpu.memory_space<hbm>> -> memref<1x32x1024xf32, #tpu.memory_space<hbm>>
      %dma_start3A_655 = tpu.memref_squeeze %dma_start3A_654 : memref<1x32x1024xf32, #tpu.memory_space<hbm>> -> memref<32x1024xf32, #tpu.memory_space<hbm>>
      %dma_start3A_656 = arith.constant 0 : i32
      %dma_start3A_657 = tpu.memref_slice %arg4[%add3A_33, %dma_start3A_656, %mul3A_35] : memref<50x32x16384xf32, #tpu.memory_space<hbm>> -> memref<1x32x1024xf32, #tpu.memory_space<hbm>>
      %dma_start3A_658 = tpu.memref_squeeze %dma_start3A_657 : memref<1x32x1024xf32, #tpu.memory_space<hbm>> -> memref<32x1024xf32, #tpu.memory_space<hbm>>
      tpu.enqueue_dma source(%arg8 : memref<32x1024xf32, #tpu.memory_space<vmem>>) target(%dma_start3A_658 : memref<32x1024xf32, #tpu.memory_space<hbm>>) target_semaphore(%run_scoped3A : memref<!tpu.dma_semaphore, #tpu.memory_space<semaphore_mem>>)
      %dma_wait3A_659 = arith.constant 0 : i32
      %dma_wait3A_660 = tpu.memref_slice %arg4[%add3A_33, %dma_wait3A_659, %mul3A_35] : memref<50x32x16384xf32, #tpu.memory_space<hbm>> -> memref<1x32x1024xf32, #tpu.memory_space<hbm>>
      %dma_wait3A_661 = tpu.memref_squeeze %dma_wait3A_660 : memref<1x32x1024xf32, #tpu.memory_space<hbm>> -> memref<32x1024xf32, #tpu.memory_space<hbm>>
      %dma_wait3A_662 = arith.constant 0 : i32
      %dma_wait3A_663 = tpu.memref_slice %arg4[%add3A_33, %dma_wait3A_662, %mul3A_35] : memref<50x32x16384xf32, #tpu.memory_space<hbm>> -> memref<1x32x1024xf32, #tpu.memory_space<hbm>>
      %dma_wait3A_664 = tpu.memref_squeeze %dma_wait3A_663 : memref<1x32x1024xf32, #tpu.memory_space<hbm>> -> memref<32x1024xf32, #tpu.memory_space<hbm>>
      tpu.wait_dma2 semaphore(%run_scoped3A : memref<!tpu.dma_semaphore, #tpu.memory_space<semaphore_mem>>) src(%arg8 : memref<32x1024xf32, #tpu.memory_space<vmem>>) dst(%dma_wait3A_664 : memref<32x1024xf32, #tpu.memory_space<hbm>>)
      tpu.yield
    }) : () -> ()
    %dma_start3A_36 = arith.constant 2 : i32
    %dma_start3A_37 = arith.constant 0 : i32
    %dma_start3A_38 = tpu.memref_slice %arg5[%dma_start3A_36, %dma_start3A_37] : memref<25x1024xi32, #tpu.memory_space<vmem>> -> memref<1x1024xi32, #tpu.memory_space<vmem>>
    %dma_start3A_39 = tpu.memref_squeeze %dma_start3A_38 : memref<1x1024xi32, #tpu.memory_space<vmem>> -> memref<1024xi32, #tpu.memory_space<vmem>>
    %dma_start3A_40 = arith.constant 0 : i32
    %dma_start3A_41 = arith.constant 0 : i32
    %dma_start3A_42 = tpu.memref_slice %arg3[%dma_start3A_40, %dma_start3A_41] : memref<1000000x32xf32, #tpu.memory_space<hbm>> -> memref<1000000x32xf32, #tpu.memory_space<hbm>>
    tpu.enqueue_indirect_dma source(%dma_start3A_42 : memref<1000000x32xf32, #tpu.memory_space<hbm>>) target(%arg6 : memref<1024x32xf32, #tpu.memory_space<vmem>>) offsets(%dma_start3A_39 : memref<1024xi32, #tpu.memory_space<vmem>>) semaphore(%arg10 : memref<!tpu.dma_semaphore, #tpu.memory_space<semaphore_mem>>)
    %dma_wait3A_43 = arith.constant 1 : i32
    %dma_wait3A_44 = arith.constant 0 : i32
    %dma_wait3A_45 = tpu.memref_slice %arg5[%dma_wait3A_43, %dma_wait3A_44] : memref<25x1024xi32, #tpu.memory_space<vmem>> -> memref<1x1024xi32, #tpu.memory_space<vmem>>
    %dma_wait3A_46 = tpu.memref_squeeze %dma_wait3A_45 : memref<1x1024xi32, #tpu.memory_space<vmem>> -> memref<1024xi32, #tpu.memory_space<vmem>>
    %dma_wait3A_47 = arith.constant 0 : i32
    %dma_wait3A_48 = arith.constant 0 : i32
    %dma_wait3A_49 = tpu.memref_slice %arg3[%dma_wait3A_47, %dma_wait3A_48] : memref<1000000x32xf32, #tpu.memory_space<hbm>> -> memref<1000000x32xf32, #tpu.memory_space<hbm>>
    tpu.wait_indirect_dma semaphore(%arg11 : memref<!tpu.dma_semaphore, #tpu.memory_space<semaphore_mem>>) src(%dma_wait3A_49 : memref<1000000x32xf32, #tpu.memory_space<hbm>>) dst(%arg7 : memref<1024x32xf32, #tpu.memory_space<vmem>>)
    %scan3A_50 = arith.constant 0 : i32
    %scan3A_51 = arith.constant 0 : i32
    %scan3A_52 = arith.constant 32 : i32
    %scan3A_53 = arith.addi %scan3A_51, %scan3A_52 : i32
    %scan3A_54 = arith.constant 1 : i32
    scf.for %scan3A_653 = %scan3A_51 to %scan3A_53 step %scan3A_54  : i32 {
      %broadcast_in_dim3A = vector.broadcast %scan3A_653 : i32 to vector<16xi32>
      %scan3A_654 = arith.constant 0 : i32
      %scan3A_655 = arith.constant 0 : i32
      %scan3A_656 = arith.constant 16 : i32
      %scan3A_657 = arith.addi %scan3A_655, %scan3A_656 : i32
      %scan3A_658 = arith.constant 1 : i32
      scf.for %scan3A_660 = %scan3A_655 to %scan3A_657 step %scan3A_658  : i32 {
        %mul3A_661 = arith.constant 4 : i32
        %mul3A_662 = arith.muli %scan3A_660, %mul3A_661 : i32
        %add3A_663 = arith.constant 0 : i32
        %add3A_664 = arith.addi %mul3A_662, %add3A_663 : i32
        %mul3A_665 = arith.constant 16 : i32
        %mul3A_666 = arith.muli %add3A_664, %mul3A_665 : i32
        %iota3A = tpu.iota {dimensions = array<i32: 0>} : vector<16xi32>
        %add3A_667 = vector.broadcast %mul3A_666 : i32 to vector<16xi32>
        %add3A_668 = arith.addi %add3A_667, %iota3A : vector<16xi32>
        %gather3A = tpu.vector_load_idx %arg7[%add3A_668, %broadcast_in_dim3A] : memref<1024x32xf32, #tpu.memory_space<vmem>>[vector<16xi32>, vector<16xi32>], vector<16xf32>,
        %mul3A_669 = arith.constant 4 : i32
        %mul3A_670 = arith.muli %scan3A_660, %mul3A_669 : i32
        %add3A_671 = arith.constant 0 : i32
        %add3A_672 = arith.addi %mul3A_670, %add3A_671 : i32
        %mul3A_673 = arith.constant 16 : i32
        %mul3A_674 = arith.muli %add3A_672, %mul3A_673 : i32
        %swap3A = arith.index_cast %scan3A_653 : i32 to index
        %swap3A_675 = arith.index_cast %mul3A_674 : i32 to index
        %swap3A_676 = tpu.vector_load %arg8[%swap3A, %swap3A_675] {strides = array<i32>} : memref<32x1024xf32, #tpu.memory_space<vmem>>, vector<16xf32>,
        tpu.vector_store %arg8[%swap3A, %swap3A_675], %gather3A {strides = array<i32>} : memref<32x1024xf32, #tpu.memory_space<vmem>>, vector<16xf32>,
        %mul3A_677 = arith.constant 4 : i32
        %mul3A_678 = arith.muli %scan3A_660, %mul3A_677 : i32
        %add3A_679 = arith.constant 1 : i32
        %add3A_680 = arith.addi %mul3A_678, %add3A_679 : i32
        %mul3A_681 = arith.constant 16 : i32
        %mul3A_682 = arith.muli %add3A_680, %mul3A_681 : i32
        %iota3A_683 = tpu.iota {dimensions = array<i32: 0>} : vector<16xi32>
        %add3A_684 = vector.broadcast %mul3A_682 : i32 to vector<16xi32>
        %add3A_685 = arith.addi %add3A_684, %iota3A_683 : vector<16xi32>
        %gather3A_686 = tpu.vector_load_idx %arg7[%add3A_685, %broadcast_in_dim3A] : memref<1024x32xf32, #tpu.memory_space<vmem>>[vector<16xi32>, vector<16xi32>], vector<16xf32>,
        %mul3A_687 = arith.constant 4 : i32
        %mul3A_688 = arith.muli %scan3A_660, %mul3A_687 : i32
        %add3A_689 = arith.constant 1 : i32
        %add3A_690 = arith.addi %mul3A_688, %add3A_689 : i32
        %mul3A_691 = arith.constant 16 : i32
        %mul3A_692 = arith.muli %add3A_690, %mul3A_691 : i32
        %swap3A_693 = arith.index_cast %scan3A_653 : i32 to index
        %swap3A_694 = arith.index_cast %mul3A_692 : i32 to index
        %swap3A_695 = tpu.vector_load %arg8[%swap3A_693, %swap3A_694] {strides = array<i32>} : memref<32x1024xf32, #tpu.memory_space<vmem>>, vector<16xf32>,
        tpu.vector_store %arg8[%swap3A_693, %swap3A_694], %gather3A_686 {strides = array<i32>} : memref<32x1024xf32, #tpu.memory_space<vmem>>, vector<16xf32>,
        %mul3A_696 = arith.constant 4 : i32
        %mul3A_697 = arith.muli %scan3A_660, %mul3A_696 : i32
        %add3A_698 = arith.constant 2 : i32
        %add3A_699 = arith.addi %mul3A_697, %add3A_698 : i32
        %mul3A_700 = arith.constant 16 : i32
        %mul3A_701 = arith.muli %add3A_699, %mul3A_700 : i32
        %iota3A_702 = tpu.iota {dimensions = array<i32: 0>} : vector<16xi32>
        %add3A_703 = vector.broadcast %mul3A_701 : i32 to vector<16xi32>
        %add3A_704 = arith.addi %add3A_703, %iota3A_702 : vector<16xi32>
        %gather3A_705 = tpu.vector_load_idx %arg7[%add3A_704, %broadcast_in_dim3A] : memref<1024x32xf32, #tpu.memory_space<vmem>>[vector<16xi32>, vector<16xi32>], vector<16xf32>,
        %mul3A_706 = arith.constant 4 : i32
        %mul3A_707 = arith.muli %scan3A_660, %mul3A_706 : i32
        %add3A_708 = arith.constant 2 : i32
        %add3A_709 = arith.addi %mul3A_707, %add3A_708 : i32
        %mul3A_710 = arith.constant 16 : i32
        %mul3A_711 = arith.muli %add3A_709, %mul3A_710 : i32
        %swap3A_712 = arith.index_cast %scan3A_653 : i32 to index
        %swap3A_713 = arith.index_cast %mul3A_711 : i32 to index
        %swap3A_714 = tpu.vector_load %arg8[%swap3A_712, %swap3A_713] {strides = array<i32>} : memref<32x1024xf32, #tpu.memory_space<vmem>>, vector<16xf32>,
        tpu.vector_store %arg8[%swap3A_712, %swap3A_713], %gather3A_705 {strides = array<i32>} : memref<32x1024xf32, #tpu.memory_space<vmem>>, vector<16xf32>,
        %mul3A_715 = arith.constant 4 : i32
        %mul3A_716 = arith.muli %scan3A_660, %mul3A_715 : i32
        %add3A_717 = arith.constant 3 : i32
        %add3A_718 = arith.addi %mul3A_716, %add3A_717 : i32
        %mul3A_719 = arith.constant 16 : i32
        %mul3A_720 = arith.muli %add3A_718, %mul3A_719 : i32
        %iota3A_721 = tpu.iota {dimensions = array<i32: 0>} : vector<16xi32>
        %add3A_722 = vector.broadcast %mul3A_720 : i32 to vector<16xi32>
        %add3A_723 = arith.addi %add3A_722, %iota3A_721 : vector<16xi32>
        %gather3A_724 = tpu.vector_load_idx %arg7[%add3A_723, %broadcast_in_dim3A] : memref<1024x32xf32, #tpu.memory_space<vmem>>[vector<16xi32>, vector<16xi32>], vector<16xf32>,
        %mul3A_725 = arith.constant 4 : i32
        %mul3A_726 = arith.muli %scan3A_660, %mul3A_725 : i32
        %add3A_727 = arith.constant 3 : i32
        %add3A_728 = arith.addi %mul3A_726, %add3A_727 : i32
        %mul3A_729 = arith.constant 16 : i32
        %mul3A_730 = arith.muli %add3A_728, %mul3A_729 : i32
        %swap3A_731 = arith.index_cast %scan3A_653 : i32 to index
        %swap3A_732 = arith.index_cast %mul3A_730 : i32 to index
        %swap3A_733 = tpu.vector_load %arg8[%swap3A_731, %swap3A_732] {strides = array<i32>} : memref<32x1024xf32, #tpu.memory_space<vmem>>, vector<16xf32>,
        tpu.vector_store %arg8[%swap3A_731, %swap3A_732], %gather3A_724 {strides = array<i32>} : memref<32x1024xf32, #tpu.memory_space<vmem>>, vector<16xf32>,
      }
      %scan3A_659 = arith.constant 16 : i32
    }
    %scan3A_55 = arith.constant 32 : i32
    %mul3A_56 = arith.constant 25 : i32
    %mul3A_57 = arith.muli %arg0, %mul3A_56 : i32
    %add3A_58 = arith.constant 1 : i32
    %add3A_59 = arith.addi %mul3A_57, %add3A_58 : i32
    %mul3A_60 = arith.constant 1024 : i32
    %mul3A_61 = arith.muli %arg1, %mul3A_60 : i32
    "tpu.region"() ({
      %run_scoped3A = tpu.sem_alloc : memref<!tpu.dma_semaphore, #tpu.memory_space<semaphore_mem>>
      %dma_start3A_653 = arith.constant 0 : i32
      %dma_start3A_654 = tpu.memref_slice %arg4[%add3A_59, %dma_start3A_653, %mul3A_61] : memref<50x32x16384xf32, #tpu.memory_space<hbm>> -> memref<1x32x1024xf32, #tpu.memory_space<hbm>>
      %dma_start3A_655 = tpu.memref_squeeze %dma_start3A_654 : memref<1x32x1024xf32, #tpu.memory_space<hbm>> -> memref<32x1024xf32, #tpu.memory_space<hbm>>
      %dma_start3A_656 = arith.constant 0 : i32
      %dma_start3A_657 = tpu.memref_slice %arg4[%add3A_59, %dma_start3A_656, %mul3A_61] : memref<50x32x16384xf32, #tpu.memory_space<hbm>> -> memref<1x32x1024xf32, #tpu.memory_space<hbm>>
      %dma_start3A_658 = tpu.memref_squeeze %dma_start3A_657 : memref<1x32x1024xf32, #tpu.memory_space<hbm>> -> memref<32x1024xf32, #tpu.memory_space<hbm>>
      tpu.enqueue_dma source(%arg8 : memref<32x1024xf32, #tpu.memory_space<vmem>>) target(%dma_start3A_658 : memref<32x1024xf32, #tpu.memory_space<hbm>>) target_semaphore(%run_scoped3A : memref<!tpu.dma_semaphore, #tpu.memory_space<semaphore_mem>>)
      %dma_wait3A_659 = arith.constant 0 : i32
      %dma_wait3A_660 = tpu.memref_slice %arg4[%add3A_59, %dma_wait3A_659, %mul3A_61] : memref<50x32x16384xf32, #tpu.memory_space<hbm>> -> memref<1x32x1024xf32, #tpu.memory_space<hbm>>
      %dma_wait3A_661 = tpu.memref_squeeze %dma_wait3A_660 : memref<1x32x1024xf32, #tpu.memory_space<hbm>> -> memref<32x1024xf32, #tpu.memory_space<hbm>>
      %dma_wait3A_662 = arith.constant 0 : i32
      %dma_wait3A_663 = tpu.memref_slice %arg4[%add3A_59, %dma_wait3A_662, %mul3A_61] : memref<50x32x16384xf32, #tpu.memory_space<hbm>> -> memref<1x32x1024xf32, #tpu.memory_space<hbm>>
      %dma_wait3A_664 = tpu.memref_squeeze %dma_wait3A_663 : memref<1x32x1024xf32, #tpu.memory_space<hbm>> -> memref<32x1024xf32, #tpu.memory_space<hbm>>
      tpu.wait_dma2 semaphore(%run_scoped3A : memref<!tpu.dma_semaphore, #tpu.memory_space<semaphore_mem>>) src(%arg8 : memref<32x1024xf32, #tpu.memory_space<vmem>>) dst(%dma_wait3A_664 : memref<32x1024xf32, #tpu.memory_space<hbm>>)
      tpu.yield
    }) : () -> ()
    %dma_start3A_62 = arith.constant 3 : i32
    %dma_start3A_63 = arith.constant 0 : i32
    %dma_start3A_64 = tpu.memref_slice %arg5[%dma_start3A_62, %dma_start3A_63] : memref<25x1024xi32, #tpu.memory_space<vmem>> -> memref<1x1024xi32, #tpu.memory_space<vmem>>
    %dma_start3A_65 = tpu.memref_squeeze %dma_start3A_64 : memref<1x1024xi32, #tpu.memory_space<vmem>> -> memref<1024xi32, #tpu.memory_space<vmem>>
    %dma_start3A_66 = arith.constant 0 : i32
    %dma_start3A_67 = arith.constant 0 : i32
    %dma_start3A_68 = tpu.memref_slice %arg3[%dma_start3A_66, %dma_start3A_67] : memref<1000000x32xf32, #tpu.memory_space<hbm>> -> memref<1000000x32xf32, #tpu.memory_space<hbm>>
    tpu.enqueue_indirect_dma source(%dma_start3A_68 : memref<1000000x32xf32, #tpu.memory_space<hbm>>) target(%arg7 : memref<1024x32xf32, #tpu.memory_space<vmem>>) offsets(%dma_start3A_65 : memref<1024xi32, #tpu.memory_space<vmem>>) semaphore(%arg11 : memref<!tpu.dma_semaphore, #tpu.memory_space<semaphore_mem>>)
    %dma_wait3A_69 = arith.constant 2 : i32
    %dma_wait3A_70 = arith.constant 0 : i32
    %dma_wait3A_71 = tpu.memref_slice %arg5[%dma_wait3A_69, %dma_wait3A_70] : memref<25x1024xi32, #tpu.memory_space<vmem>> -> memref<1x1024xi32, #tpu.memory_space<vmem>>
    %dma_wait3A_72 = tpu.memref_squeeze %dma_wait3A_71 : memref<1x1024xi32, #tpu.memory_space<vmem>> -> memref<1024xi32, #tpu.memory_space<vmem>>
    %dma_wait3A_73 = arith.constant 0 : i32
    %dma_wait3A_74 = arith.constant 0 : i32
    %dma_wait3A_75 = tpu.memref_slice %arg3[%dma_wait3A_73, %dma_wait3A_74] : memref<1000000x32xf32, #tpu.memory_space<hbm>> -> memref<1000000x32xf32, #tpu.memory_space<hbm>>
    tpu.wait_indirect_dma semaphore(%arg10 : memref<!tpu.dma_semaphore, #tpu.memory_space<semaphore_mem>>) src(%dma_wait3A_75 : memref<1000000x32xf32, #tpu.memory_space<hbm>>) dst(%arg6 : memref<1024x32xf32, #tpu.memory_space<vmem>>)
    %scan3A_76 = arith.constant 0 : i32
    %scan3A_77 = arith.constant 0 : i32
    %scan3A_78 = arith.constant 32 : i32
    %scan3A_79 = arith.addi %scan3A_77, %scan3A_78 : i32
    %scan3A_80 = arith.constant 1 : i32
    scf.for %scan3A_653 = %scan3A_77 to %scan3A_79 step %scan3A_80  : i32 {
      %broadcast_in_dim3A = vector.broadcast %scan3A_653 : i32 to vector<16xi32>
      %scan3A_654 = arith.constant 0 : i32
      %scan3A_655 = arith.constant 0 : i32
      %scan3A_656 = arith.constant 16 : i32
      %scan3A_657 = arith.addi %scan3A_655, %scan3A_656 : i32
      %scan3A_658 = arith.constant 1 : i32
      scf.for %scan3A_660 = %scan3A_655 to %scan3A_657 step %scan3A_658  : i32 {
        %mul3A_661 = arith.constant 4 : i32
        %mul3A_662 = arith.muli %scan3A_660, %mul3A_661 : i32
        %add3A_663 = arith.constant 0 : i32
        %add3A_664 = arith.addi %mul3A_662, %add3A_663 : i32
        %mul3A_665 = arith.constant 16 : i32
        %mul3A_666 = arith.muli %add3A_664, %mul3A_665 : i32
        %iota3A = tpu.iota {dimensions = array<i32: 0>} : vector<16xi32>
        %add3A_667 = vector.broadcast %mul3A_666 : i32 to vector<16xi32>
        %add3A_668 = arith.addi %add3A_667, %iota3A : vector<16xi32>
        %gather3A = tpu.vector_load_idx %arg6[%add3A_668, %broadcast_in_dim3A] : memref<1024x32xf32, #tpu.memory_space<vmem>>[vector<16xi32>, vector<16xi32>], vector<16xf32>,
        %mul3A_669 = arith.constant 4 : i32
        %mul3A_670 = arith.muli %scan3A_660, %mul3A_669 : i32
        %add3A_671 = arith.constant 0 : i32
        %add3A_672 = arith.addi %mul3A_670, %add3A_671 : i32
        %mul3A_673 = arith.constant 16 : i32
        %mul3A_674 = arith.muli %add3A_672, %mul3A_673 : i32
        %swap3A = arith.index_cast %scan3A_653 : i32 to index
        %swap3A_675 = arith.index_cast %mul3A_674 : i32 to index
        %swap3A_676 = tpu.vector_load %arg8[%swap3A, %swap3A_675] {strides = array<i32>} : memref<32x1024xf32, #tpu.memory_space<vmem>>, vector<16xf32>,
        tpu.vector_store %arg8[%swap3A, %swap3A_675], %gather3A {strides = array<i32>} : memref<32x1024xf32, #tpu.memory_space<vmem>>, vector<16xf32>,
        %mul3A_677 = arith.constant 4 : i32
        %mul3A_678 = arith.muli %scan3A_660, %mul3A_677 : i32
        %add3A_679 = arith.constant 1 : i32
        %add3A_680 = arith.addi %mul3A_678, %add3A_679 : i32
        %mul3A_681 = arith.constant 16 : i32
        %mul3A_682 = arith.muli %add3A_680, %mul3A_681 : i32
        %iota3A_683 = tpu.iota {dimensions = array<i32: 0>} : vector<16xi32>
        %add3A_684 = vector.broadcast %mul3A_682 : i32 to vector<16xi32>
        %add3A_685 = arith.addi %add3A_684, %iota3A_683 : vector<16xi32>
        %gather3A_686 = tpu.vector_load_idx %arg6[%add3A_685, %broadcast_in_dim3A] : memref<1024x32xf32, #tpu.memory_space<vmem>>[vector<16xi32>, vector<16xi32>], vector<16xf32>,
        %mul3A_687 = arith.constant 4 : i32
        %mul3A_688 = arith.muli %scan3A_660, %mul3A_687 : i32
        %add3A_689 = arith.constant 1 : i32
        %add3A_690 = arith.addi %mul3A_688, %add3A_689 : i32
        %mul3A_691 = arith.constant 16 : i32
        %mul3A_692 = arith.muli %add3A_690, %mul3A_691 : i32
        %swap3A_693 = arith.index_cast %scan3A_653 : i32 to index
        %swap3A_694 = arith.index_cast %mul3A_692 : i32 to index
        %swap3A_695 = tpu.vector_load %arg8[%swap3A_693, %swap3A_694] {strides = array<i32>} : memref<32x1024xf32, #tpu.memory_space<vmem>>, vector<16xf32>,
        tpu.vector_store %arg8[%swap3A_693, %swap3A_694], %gather3A_686 {strides = array<i32>} : memref<32x1024xf32, #tpu.memory_space<vmem>>, vector<16xf32>,
        %mul3A_696 = arith.constant 4 : i32
        %mul3A_697 = arith.muli %scan3A_660, %mul3A_696 : i32
        %add3A_698 = arith.constant 2 : i32
        %add3A_699 = arith.addi %mul3A_697, %add3A_698 : i32
        %mul3A_700 = arith.constant 16 : i32
        %mul3A_701 = arith.muli %add3A_699, %mul3A_700 : i32
        %iota3A_702 = tpu.iota {dimensions = array<i32: 0>} : vector<16xi32>
        %add3A_703 = vector.broadcast %mul3A_701 : i32 to vector<16xi32>
        %add3A_704 = arith.addi %add3A_703, %iota3A_702 : vector<16xi32>
        %gather3A_705 = tpu.vector_load_idx %arg6[%add3A_704, %broadcast_in_dim3A] : memref<1024x32xf32, #tpu.memory_space<vmem>>[vector<16xi32>, vector<16xi32>], vector<16xf32>,
        %mul3A_706 = arith.constant 4 : i32
        %mul3A_707 = arith.muli %scan3A_660, %mul3A_706 : i32
        %add3A_708 = arith.constant 2 : i32
        %add3A_709 = arith.addi %mul3A_707, %add3A_708 : i32
        %mul3A_710 = arith.constant 16 : i32
        %mul3A_711 = arith.muli %add3A_709, %mul3A_710 : i32
        %swap3A_712 = arith.index_cast %scan3A_653 : i32 to index
        %swap3A_713 = arith.index_cast %mul3A_711 : i32 to index
        %swap3A_714 = tpu.vector_load %arg8[%swap3A_712, %swap3A_713] {strides = array<i32>} : memref<32x1024xf32, #tpu.memory_space<vmem>>, vector<16xf32>,
        tpu.vector_store %arg8[%swap3A_712, %swap3A_713], %gather3A_705 {strides = array<i32>} : memref<32x1024xf32, #tpu.memory_space<vmem>>, vector<16xf32>,
        %mul3A_715 = arith.constant 4 : i32
        %mul3A_716 = arith.muli %scan3A_660, %mul3A_715 : i32
        %add3A_717 = arith.constant 3 : i32
        %add3A_718 = arith.addi %mul3A_716, %add3A_717 : i32
        %mul3A_719 = arith.constant 16 : i32
        %mul3A_720 = arith.muli %add3A_718, %mul3A_719 : i32
        %iota3A_721 = tpu.iota {dimensions = array<i32: 0>} : vector<16xi32>
        %add3A_722 = vector.broadcast %mul3A_720 : i32 to vector<16xi32>
        %add3A_723 = arith.addi %add3A_722, %iota3A_721 : vector<16xi32>
        %gather3A_724 = tpu.vector_load_idx %arg6[%add3A_723, %broadcast_in_dim3A] : memref<1024x32xf32, #tpu.memory_space<vmem>>[vector<16xi32>, vector<16xi32>], vector<16xf32>,
        %mul3A_725 = arith.constant 4 : i32
        %mul3A_726 = arith.muli %scan3A_660, %mul3A_725 : i32
        %add3A_727 = arith.constant 3 : i32
        %add3A_728 = arith.addi %mul3A_726, %add3A_727 : i32
        %mul3A_729 = arith.constant 16 : i32
        %mul3A_730 = arith.muli %add3A_728, %mul3A_729 : i32
        %swap3A_731 = arith.index_cast %scan3A_653 : i32 to index
        %swap3A_732 = arith.index_cast %mul3A_730 : i32 to index
        %swap3A_733 = tpu.vector_load %arg8[%swap3A_731, %swap3A_732] {strides = array<i32>} : memref<32x1024xf32, #tpu.memory_space<vmem>>, vector<16xf32>,
        tpu.vector_store %arg8[%swap3A_731, %swap3A_732], %gather3A_724 {strides = array<i32>} : memref<32x1024xf32, #tpu.memory_space<vmem>>, vector<16xf32>,
      }
      %scan3A_659 = arith.constant 16 : i32
    }
    %scan3A_81 = arith.constant 32 : i32
    %mul3A_82 = arith.constant 25 : i32
    %mul3A_83 = arith.muli %arg0, %mul3A_82 : i32
    %add3A_84 = arith.constant 2 : i32
    %add3A_85 = arith.addi %mul3A_83, %add3A_84 : i32
    %mul3A_86 = arith.constant 1024 : i32
    %mul3A_87 = arith.muli %arg1, %mul3A_86 : i32
    "tpu.region"() ({
      %run_scoped3A = tpu.sem_alloc : memref<!tpu.dma_semaphore, #tpu.memory_space<semaphore_mem>>
      %dma_start3A_653 = arith.constant 0 : i32
      %dma_start3A_654 = tpu.memref_slice %arg4[%add3A_85, %dma_start3A_653, %mul3A_87] : memref<50x32x16384xf32, #tpu.memory_space<hbm>> -> memref<1x32x1024xf32, #tpu.memory_space<hbm>>
      %dma_start3A_655 = tpu.memref_squeeze %dma_start3A_654 : memref<1x32x1024xf32, #tpu.memory_space<hbm>> -> memref<32x1024xf32, #tpu.memory_space<hbm>>
      %dma_start3A_656 = arith.constant 0 : i32
      %dma_start3A_657 = tpu.memref_slice %arg4[%add3A_85, %dma_start3A_656, %mul3A_87] : memref<50x32x16384xf32, #tpu.memory_space<hbm>> -> memref<1x32x1024xf32, #tpu.memory_space<hbm>>
      %dma_start3A_658 = tpu.memref_squeeze %dma_start3A_657 : memref<1x32x1024xf32, #tpu.memory_space<hbm>> -> memref<32x1024xf32, #tpu.memory_space<hbm>>
      tpu.enqueue_dma source(%arg8 : memref<32x1024xf32, #tpu.memory_space<vmem>>) target(%dma_start3A_658 : memref<32x1024xf32, #tpu.memory_space<hbm>>) target_semaphore(%run_scoped3A : memref<!tpu.dma_semaphore, #tpu.memory_space<semaphore_mem>>)
      %dma_wait3A_659 = arith.constant 0 : i32
      %dma_wait3A_660 = tpu.memref_slice %arg4[%add3A_85, %dma_wait3A_659, %mul3A_87] : memref<50x32x16384xf32, #tpu.memory_space<hbm>> -> memref<1x32x1024xf32, #tpu.memory_space<hbm>>
      %dma_wait3A_661 = tpu.memref_squeeze %dma_wait3A_660 : memref<1x32x1024xf32, #tpu.memory_space<hbm>> -> memref<32x1024xf32, #tpu.memory_space<hbm>>
      %dma_wait3A_662 = arith.constant 0 : i32
      %dma_wait3A_663 = tpu.memref_slice %arg4[%add3A_85, %dma_wait3A_662, %mul3A_87] : memref<50x32x16384xf32, #tpu.memory_space<hbm>> -> memref<1x32x1024xf32, #tpu.memory_space<hbm>>
      %dma_wait3A_664 = tpu.memref_squeeze %dma_wait3A_663 : memref<1x32x1024xf32, #tpu.memory_space<hbm>> -> memref<32x1024xf32, #tpu.memory_space<hbm>>
      tpu.wait_dma2 semaphore(%run_scoped3A : memref<!tpu.dma_semaphore, #tpu.memory_space<semaphore_mem>>) src(%arg8 : memref<32x1024xf32, #tpu.memory_space<vmem>>) dst(%dma_wait3A_664 : memref<32x1024xf32, #tpu.memory_space<hbm>>)
      tpu.yield
    }) : () -> ()
    %dma_start3A_88 = arith.constant 4 : i32
    %dma_start3A_89 = arith.constant 0 : i32
    %dma_start3A_90 = tpu.memref_slice %arg5[%dma_start3A_88, %dma_start3A_89] : memref<25x1024xi32, #tpu.memory_space<vmem>> -> memref<1x1024xi32, #tpu.memory_space<vmem>>
    %dma_start3A_91 = tpu.memref_squeeze %dma_start3A_90 : memref<1x1024xi32, #tpu.memory_space<vmem>> -> memref<1024xi32, #tpu.memory_space<vmem>>
    %dma_start3A_92 = arith.constant 0 : i32
    %dma_start3A_93 = arith.constant 0 : i32
    %dma_start3A_94 = tpu.memref_slice %arg3[%dma_start3A_92, %dma_start3A_93] : memref<1000000x32xf32, #tpu.memory_space<hbm>> -> memref<1000000x32xf32, #tpu.memory_space<hbm>>
    tpu.enqueue_indirect_dma source(%dma_start3A_94 : memref<1000000x32xf32, #tpu.memory_space<hbm>>) target(%arg6 : memref<1024x32xf32, #tpu.memory_space<vmem>>) offsets(%dma_start3A_91 : memref<1024xi32, #tpu.memory_space<vmem>>) semaphore(%arg10 : memref<!tpu.dma_semaphore, #tpu.memory_space<semaphore_mem>>)
    %dma_wait3A_95 = arith.constant 3 : i32
    %dma_wait3A_96 = arith.constant 0 : i32
    %dma_wait3A_97 = tpu.memref_slice %arg5[%dma_wait3A_95, %dma_wait3A_96] : memref<25x1024xi32, #tpu.memory_space<vmem>> -> memref<1x1024xi32, #tpu.memory_space<vmem>>
    %dma_wait3A_98 = tpu.memref_squeeze %dma_wait3A_97 : memref<1x1024xi32, #tpu.memory_space<vmem>> -> memref<1024xi32, #tpu.memory_space<vmem>>
    %dma_wait3A_99 = arith.constant 0 : i32
    %dma_wait3A_100 = arith.constant 0 : i32
    %dma_wait3A_101 = tpu.memref_slice %arg3[%dma_wait3A_99, %dma_wait3A_100] : memref<1000000x32xf32, #tpu.memory_space<hbm>> -> memref<1000000x32xf32, #tpu.memory_space<hbm>>
    tpu.wait_indirect_dma semaphore(%arg11 : memref<!tpu.dma_semaphore, #tpu.memory_space<semaphore_mem>>) src(%dma_wait3A_101 : memref<1000000x32xf32, #tpu.memory_space<hbm>>) dst(%arg7 : memref<1024x32xf32, #tpu.memory_space<vmem>>)
    %scan3A_102 = arith.constant 0 : i32
    %scan3A_103 = arith.constant 0 : i32
    %scan3A_104 = arith.constant 32 : i32
    %scan3A_105 = arith.addi %scan3A_103, %scan3A_104 : i32
    %scan3A_106 = arith.constant 1 : i32
    scf.for %scan3A_653 = %scan3A_103 to %scan3A_105 step %scan3A_106  : i32 {
      %broadcast_in_dim3A = vector.broadcast %scan3A_653 : i32 to vector<16xi32>
      %scan3A_654 = arith.constant 0 : i32
      %scan3A_655 = arith.constant 0 : i32
      %scan3A_656 = arith.constant 16 : i32
      %scan3A_657 = arith.addi %scan3A_655, %scan3A_656 : i32
      %scan3A_658 = arith.constant 1 : i32
      scf.for %scan3A_660 = %scan3A_655 to %scan3A_657 step %scan3A_658  : i32 {
        %mul3A_661 = arith.constant 4 : i32
        %mul3A_662 = arith.muli %scan3A_660, %mul3A_661 : i32
        %add3A_663 = arith.constant 0 : i32
        %add3A_664 = arith.addi %mul3A_662, %add3A_663 : i32
        %mul3A_665 = arith.constant 16 : i32
        %mul3A_666 = arith.muli %add3A_664, %mul3A_665 : i32
        %iota3A = tpu.iota {dimensions = array<i32: 0>} : vector<16xi32>
        %add3A_667 = vector.broadcast %mul3A_666 : i32 to vector<16xi32>
        %add3A_668 = arith.addi %add3A_667, %iota3A : vector<16xi32>
        %gather3A = tpu.vector_load_idx %arg7[%add3A_668, %broadcast_in_dim3A] : memref<1024x32xf32, #tpu.memory_space<vmem>>[vector<16xi32>, vector<16xi32>], vector<16xf32>,
        %mul3A_669 = arith.constant 4 : i32
        %mul3A_670 = arith.muli %scan3A_660, %mul3A_669 : i32
        %add3A_671 = arith.constant 0 : i32
        %add3A_672 = arith.addi %mul3A_670, %add3A_671 : i32
        %mul3A_673 = arith.constant 16 : i32
        %mul3A_674 = arith.muli %add3A_672, %mul3A_673 : i32
        %swap3A = arith.index_cast %scan3A_653 : i32 to index
        %swap3A_675 = arith.index_cast %mul3A_674 : i32 to index
        %swap3A_676 = tpu.vector_load %arg8[%swap3A, %swap3A_675] {strides = array<i32>} : memref<32x1024xf32, #tpu.memory_space<vmem>>, vector<16xf32>,
        tpu.vector_store %arg8[%swap3A, %swap3A_675], %gather3A {strides = array<i32>} : memref<32x1024xf32, #tpu.memory_space<vmem>>, vector<16xf32>,
        %mul3A_677 = arith.constant 4 : i32
        %mul3A_678 = arith.muli %scan3A_660, %mul3A_677 : i32
        %add3A_679 = arith.constant 1 : i32
        %add3A_680 = arith.addi %mul3A_678, %add3A_679 : i32
        %mul3A_681 = arith.constant 16 : i32
        %mul3A_682 = arith.muli %add3A_680, %mul3A_681 : i32
        %iota3A_683 = tpu.iota {dimensions = array<i32: 0>} : vector<16xi32>
        %add3A_684 = vector.broadcast %mul3A_682 : i32 to vector<16xi32>
        %add3A_685 = arith.addi %add3A_684, %iota3A_683 : vector<16xi32>
        %gather3A_686 = tpu.vector_load_idx %arg7[%add3A_685, %broadcast_in_dim3A] : memref<1024x32xf32, #tpu.memory_space<vmem>>[vector<16xi32>, vector<16xi32>], vector<16xf32>,
        %mul3A_687 = arith.constant 4 : i32
        %mul3A_688 = arith.muli %scan3A_660, %mul3A_687 : i32
        %add3A_689 = arith.constant 1 : i32
        %add3A_690 = arith.addi %mul3A_688, %add3A_689 : i32
        %mul3A_691 = arith.constant 16 : i32
        %mul3A_692 = arith.muli %add3A_690, %mul3A_691 : i32
        %swap3A_693 = arith.index_cast %scan3A_653 : i32 to index
        %swap3A_694 = arith.index_cast %mul3A_692 : i32 to index
        %swap3A_695 = tpu.vector_load %arg8[%swap3A_693, %swap3A_694] {strides = array<i32>} : memref<32x1024xf32, #tpu.memory_space<vmem>>, vector<16xf32>,
        tpu.vector_store %arg8[%swap3A_693, %swap3A_694], %gather3A_686 {strides = array<i32>} : memref<32x1024xf32, #tpu.memory_space<vmem>>, vector<16xf32>,
        %mul3A_696 = arith.constant 4 : i32
        %mul3A_697 = arith.muli %scan3A_660, %mul3A_696 : i32
        %add3A_698 = arith.constant 2 : i32
        %add3A_699 = arith.addi %mul3A_697, %add3A_698 : i32
        %mul3A_700 = arith.constant 16 : i32
        %mul3A_701 = arith.muli %add3A_699, %mul3A_700 : i32
        %iota3A_702 = tpu.iota {dimensions = array<i32: 0>} : vector<16xi32>
        %add3A_703 = vector.broadcast %mul3A_701 : i32 to vector<16xi32>
        %add3A_704 = arith.addi %add3A_703, %iota3A_702 : vector<16xi32>
        %gather3A_705 = tpu.vector_load_idx %arg7[%add3A_704, %broadcast_in_dim3A] : memref<1024x32xf32, #tpu.memory_space<vmem>>[vector<16xi32>, vector<16xi32>], vector<16xf32>,
        %mul3A_706 = arith.constant 4 : i32
        %mul3A_707 = arith.muli %scan3A_660, %mul3A_706 : i32
        %add3A_708 = arith.constant 2 : i32
        %add3A_709 = arith.addi %mul3A_707, %add3A_708 : i32
        %mul3A_710 = arith.constant 16 : i32
        %mul3A_711 = arith.muli %add3A_709, %mul3A_710 : i32
        %swap3A_712 = arith.index_cast %scan3A_653 : i32 to index
        %swap3A_713 = arith.index_cast %mul3A_711 : i32 to index
        %swap3A_714 = tpu.vector_load %arg8[%swap3A_712, %swap3A_713] {strides = array<i32>} : memref<32x1024xf32, #tpu.memory_space<vmem>>, vector<16xf32>,
        tpu.vector_store %arg8[%swap3A_712, %swap3A_713], %gather3A_705 {strides = array<i32>} : memref<32x1024xf32, #tpu.memory_space<vmem>>, vector<16xf32>,
        %mul3A_715 = arith.constant 4 : i32
        %mul3A_716 = arith.muli %scan3A_660, %mul3A_715 : i32
        %add3A_717 = arith.constant 3 : i32
        %add3A_718 = arith.addi %mul3A_716, %add3A_717 : i32
        %mul3A_719 = arith.constant 16 : i32
        %mul3A_720 = arith.muli %add3A_718, %mul3A_719 : i32
        %iota3A_721 = tpu.iota {dimensions = array<i32: 0>} : vector<16xi32>
        %add3A_722 = vector.broadcast %mul3A_720 : i32 to vector<16xi32>
        %add3A_723 = arith.addi %add3A_722, %iota3A_721 : vector<16xi32>
        %gather3A_724 = tpu.vector_load_idx %arg7[%add3A_723, %broadcast_in_dim3A] : memref<1024x32xf32, #tpu.memory_space<vmem>>[vector<16xi32>, vector<16xi32>], vector<16xf32>,
        %mul3A_725 = arith.constant 4 : i32
        %mul3A_726 = arith.muli %scan3A_660, %mul3A_725 : i32
        %add3A_727 = arith.constant 3 : i32
        %add3A_728 = arith.addi %mul3A_726, %add3A_727 : i32
        %mul3A_729 = arith.constant 16 : i32
        %mul3A_730 = arith.muli %add3A_728, %mul3A_729 : i32
        %swap3A_731 = arith.index_cast %scan3A_653 : i32 to index
        %swap3A_732 = arith.index_cast %mul3A_730 : i32 to index
        %swap3A_733 = tpu.vector_load %arg8[%swap3A_731, %swap3A_732] {strides = array<i32>} : memref<32x1024xf32, #tpu.memory_space<vmem>>, vector<16xf32>,
        tpu.vector_store %arg8[%swap3A_731, %swap3A_732], %gather3A_724 {strides = array<i32>} : memref<32x1024xf32, #tpu.memory_space<vmem>>, vector<16xf32>,
      }
      %scan3A_659 = arith.constant 16 : i32
    }
    %scan3A_107 = arith.constant 32 : i32
    %mul3A_108 = arith.constant 25 : i32
    %mul3A_109 = arith.muli %arg0, %mul3A_108 : i32
    %add3A_110 = arith.constant 3 : i32
    %add3A_111 = arith.addi %mul3A_109, %add3A_110 : i32
    %mul3A_112 = arith.constant 1024 : i32
    %mul3A_113 = arith.muli %arg1, %mul3A_112 : i32
    "tpu.region"() ({
      %run_scoped3A = tpu.sem_alloc : memref<!tpu.dma_semaphore, #tpu.memory_space<semaphore_mem>>
      %dma_start3A_653 = arith.constant 0 : i32
      %dma_start3A_654 = tpu.memref_slice %arg4[%add3A_111, %dma_start3A_653, %mul3A_113] : memref<50x32x16384xf32, #tpu.memory_space<hbm>> -> memref<1x32x1024xf32, #tpu.memory_space<hbm>>
      %dma_start3A_655 = tpu.memref_squeeze %dma_start3A_654 : memref<1x32x1024xf32, #tpu.memory_space<hbm>> -> memref<32x1024xf32, #tpu.memory_space<hbm>>
      %dma_start3A_656 = arith.constant 0 : i32
      %dma_start3A_657 = tpu.memref_slice %arg4[%add3A_111, %dma_start3A_656, %mul3A_113] : memref<50x32x16384xf32, #tpu.memory_space<hbm>> -> memref<1x32x1024xf32, #tpu.memory_space<hbm>>
      %dma_start3A_658 = tpu.memref_squeeze %dma_start3A_657 : memref<1x32x1024xf32, #tpu.memory_space<hbm>> -> memref<32x1024xf32, #tpu.memory_space<hbm>>
      tpu.enqueue_dma source(%arg8 : memref<32x1024xf32, #tpu.memory_space<vmem>>) target(%dma_start3A_658 : memref<32x1024xf32, #tpu.memory_space<hbm>>) target_semaphore(%run_scoped3A : memref<!tpu.dma_semaphore, #tpu.memory_space<semaphore_mem>>)
      %dma_wait3A_659 = arith.constant 0 : i32
      %dma_wait3A_660 = tpu.memref_slice %arg4[%add3A_111, %dma_wait3A_659, %mul3A_113] : memref<50x32x16384xf32, #tpu.memory_space<hbm>> -> memref<1x32x1024xf32, #tpu.memory_space<hbm>>
      %dma_wait3A_661 = tpu.memref_squeeze %dma_wait3A_660 : memref<1x32x1024xf32, #tpu.memory_space<hbm>> -> memref<32x1024xf32, #tpu.memory_space<hbm>>
      %dma_wait3A_662 = arith.constant 0 : i32
      %dma_wait3A_663 = tpu.memref_slice %arg4[%add3A_111, %dma_wait3A_662, %mul3A_113] : memref<50x32x16384xf32, #tpu.memory_space<hbm>> -> memref<1x32x1024xf32, #tpu.memory_space<hbm>>
      %dma_wait3A_664 = tpu.memref_squeeze %dma_wait3A_663 : memref<1x32x1024xf32, #tpu.memory_space<hbm>> -> memref<32x1024xf32, #tpu.memory_space<hbm>>
      tpu.wait_dma2 semaphore(%run_scoped3A : memref<!tpu.dma_semaphore, #tpu.memory_space<semaphore_mem>>) src(%arg8 : memref<32x1024xf32, #tpu.memory_space<vmem>>) dst(%dma_wait3A_664 : memref<32x1024xf32, #tpu.memory_space<hbm>>)
      tpu.yield
    }) : () -> ()
    %dma_start3A_114 = arith.constant 5 : i32
    %dma_start3A_115 = arith.constant 0 : i32
    %dma_start3A_116 = tpu.memref_slice %arg5[%dma_start3A_114, %dma_start3A_115] : memref<25x1024xi32, #tpu.memory_space<vmem>> -> memref<1x1024xi32, #tpu.memory_space<vmem>>
    %dma_start3A_117 = tpu.memref_squeeze %dma_start3A_116 : memref<1x1024xi32, #tpu.memory_space<vmem>> -> memref<1024xi32, #tpu.memory_space<vmem>>
    %dma_start3A_118 = arith.constant 0 : i32
    %dma_start3A_119 = arith.constant 0 : i32
    %dma_start3A_120 = tpu.memref_slice %arg3[%dma_start3A_118, %dma_start3A_119] : memref<1000000x32xf32, #tpu.memory_space<hbm>> -> memref<1000000x32xf32, #tpu.memory_space<hbm>>
    tpu.enqueue_indirect_dma source(%dma_start3A_120 : memref<1000000x32xf32, #tpu.memory_space<hbm>>) target(%arg7 : memref<1024x32xf32, #tpu.memory_space<vmem>>) offsets(%dma_start3A_117 : memref<1024xi32, #tpu.memory_space<vmem>>) semaphore(%arg11 : memref<!tpu.dma_semaphore, #tpu.memory_space<semaphore_mem>>)
    %dma_wait3A_121 = arith.constant 4 : i32
    %dma_wait3A_122 = arith.constant 0 : i32
    %dma_wait3A_123 = tpu.memref_slice %arg5[%dma_wait3A_121, %dma_wait3A_122] : memref<25x1024xi32, #tpu.memory_space<vmem>> -> memref<1x1024xi32, #tpu.memory_space<vmem>>
    %dma_wait3A_124 = tpu.memref_squeeze %dma_wait3A_123 : memref<1x1024xi32, #tpu.memory_space<vmem>> -> memref<1024xi32, #tpu.memory_space<vmem>>
    %dma_wait3A_125 = arith.constant 0 : i32
    %dma_wait3A_126 = arith.constant 0 : i32
    %dma_wait3A_127 = tpu.memref_slice %arg3[%dma_wait3A_125, %dma_wait3A_126] : memref<1000000x32xf32, #tpu.memory_space<hbm>> -> memref<1000000x32xf32, #tpu.memory_space<hbm>>
    tpu.wait_indirect_dma semaphore(%arg10 : memref<!tpu.dma_semaphore, #tpu.memory_space<semaphore_mem>>) src(%dma_wait3A_127 : memref<1000000x32xf32, #tpu.memory_space<hbm>>) dst(%arg6 : memref<1024x32xf32, #tpu.memory_space<vmem>>)
    %scan3A_128 = arith.constant 0 : i32
    %scan3A_129 = arith.constant 0 : i32
    %scan3A_130 = arith.constant 32 : i32
    %scan3A_131 = arith.addi %scan3A_129, %scan3A_130 : i32
    %scan3A_132 = arith.constant 1 : i32
    scf.for %scan3A_653 = %scan3A_129 to %scan3A_131 step %scan3A_132  : i32 {
      %broadcast_in_dim3A = vector.broadcast %scan3A_653 : i32 to vector<16xi32>
      %scan3A_654 = arith.constant 0 : i32
      %scan3A_655 = arith.constant 0 : i32
      %scan3A_656 = arith.constant 16 : i32
      %scan3A_657 = arith.addi %scan3A_655, %scan3A_656 : i32
      %scan3A_658 = arith.constant 1 : i32
      scf.for %scan3A_660 = %scan3A_655 to %scan3A_657 step %scan3A_658  : i32 {
        %mul3A_661 = arith.constant 4 : i32
        %mul3A_662 = arith.muli %scan3A_660, %mul3A_661 : i32
        %add3A_663 = arith.constant 0 : i32
        %add3A_664 = arith.addi %mul3A_662, %add3A_663 : i32
        %mul3A_665 = arith.constant 16 : i32
        %mul3A_666 = arith.muli %add3A_664, %mul3A_665 : i32
        %iota3A = tpu.iota {dimensions = array<i32: 0>} : vector<16xi32>
        %add3A_667 = vector.broadcast %mul3A_666 : i32 to vector<16xi32>
        %add3A_668 = arith.addi %add3A_667, %iota3A : vector<16xi32>
        %gather3A = tpu.vector_load_idx %arg6[%add3A_668, %broadcast_in_dim3A] : memref<1024x32xf32, #tpu.memory_space<vmem>>[vector<16xi32>, vector<16xi32>], vector<16xf32>,
        %mul3A_669 = arith.constant 4 : i32
        %mul3A_670 = arith.muli %scan3A_660, %mul3A_669 : i32
        %add3A_671 = arith.constant 0 : i32
        %add3A_672 = arith.addi %mul3A_670, %add3A_671 : i32
        %mul3A_673 = arith.constant 16 : i32
        %mul3A_674 = arith.muli %add3A_672, %mul3A_673 : i32
        %swap3A = arith.index_cast %scan3A_653 : i32 to index
        %swap3A_675 = arith.index_cast %mul3A_674 : i32 to index
        %swap3A_676 = tpu.vector_load %arg8[%swap3A, %swap3A_675] {strides = array<i32>} : memref<32x1024xf32, #tpu.memory_space<vmem>>, vector<16xf32>,
        tpu.vector_store %arg8[%swap3A, %swap3A_675], %gather3A {strides = array<i32>} : memref<32x1024xf32, #tpu.memory_space<vmem>>, vector<16xf32>,
        %mul3A_677 = arith.constant 4 : i32
        %mul3A_678 = arith.muli %scan3A_660, %mul3A_677 : i32
        %add3A_679 = arith.constant 1 : i32
        %add3A_680 = arith.addi %mul3A_678, %add3A_679 : i32
        %mul3A_681 = arith.constant 16 : i32
        %mul3A_682 = arith.muli %add3A_680, %mul3A_681 : i32
        %iota3A_683 = tpu.iota {dimensions = array<i32: 0>} : vector<16xi32>
        %add3A_684 = vector.broadcast %mul3A_682 : i32 to vector<16xi32>
        %add3A_685 = arith.addi %add3A_684, %iota3A_683 : vector<16xi32>
        %gather3A_686 = tpu.vector_load_idx %arg6[%add3A_685, %broadcast_in_dim3A] : memref<1024x32xf32, #tpu.memory_space<vmem>>[vector<16xi32>, vector<16xi32>], vector<16xf32>,
        %mul3A_687 = arith.constant 4 : i32
        %mul3A_688 = arith.muli %scan3A_660, %mul3A_687 : i32
        %add3A_689 = arith.constant 1 : i32
        %add3A_690 = arith.addi %mul3A_688, %add3A_689 : i32
        %mul3A_691 = arith.constant 16 : i32
        %mul3A_692 = arith.muli %add3A_690, %mul3A_691 : i32
        %swap3A_693 = arith.index_cast %scan3A_653 : i32 to index
        %swap3A_694 = arith.index_cast %mul3A_692 : i32 to index
        %swap3A_695 = tpu.vector_load %arg8[%swap3A_693, %swap3A_694] {strides = array<i32>} : memref<32x1024xf32, #tpu.memory_space<vmem>>, vector<16xf32>,
        tpu.vector_store %arg8[%swap3A_693, %swap3A_694], %gather3A_686 {strides = array<i32>} : memref<32x1024xf32, #tpu.memory_space<vmem>>, vector<16xf32>,
        %mul3A_696 = arith.constant 4 : i32
        %mul3A_697 = arith.muli %scan3A_660, %mul3A_696 : i32
        %add3A_698 = arith.constant 2 : i32
        %add3A_699 = arith.addi %mul3A_697, %add3A_698 : i32
        %mul3A_700 = arith.constant 16 : i32
        %mul3A_701 = arith.muli %add3A_699, %mul3A_700 : i32
        %iota3A_702 = tpu.iota {dimensions = array<i32: 0>} : vector<16xi32>
        %add3A_703 = vector.broadcast %mul3A_701 : i32 to vector<16xi32>
        %add3A_704 = arith.addi %add3A_703, %iota3A_702 : vector<16xi32>
        %gather3A_705 = tpu.vector_load_idx %arg6[%add3A_704, %broadcast_in_dim3A] : memref<1024x32xf32, #tpu.memory_space<vmem>>[vector<16xi32>, vector<16xi32>], vector<16xf32>,
        %mul3A_706 = arith.constant 4 : i32
        %mul3A_707 = arith.muli %scan3A_660, %mul3A_706 : i32
        %add3A_708 = arith.constant 2 : i32
        %add3A_709 = arith.addi %mul3A_707, %add3A_708 : i32
        %mul3A_710 = arith.constant 16 : i32
        %mul3A_711 = arith.muli %add3A_709, %mul3A_710 : i32
        %swap3A_712 = arith.index_cast %scan3A_653 : i32 to index
        %swap3A_713 = arith.index_cast %mul3A_711 : i32 to index
        %swap3A_714 = tpu.vector_load %arg8[%swap3A_712, %swap3A_713] {strides = array<i32>} : memref<32x1024xf32, #tpu.memory_space<vmem>>, vector<16xf32>,
        tpu.vector_store %arg8[%swap3A_712, %swap3A_713], %gather3A_705 {strides = array<i32>} : memref<32x1024xf32, #tpu.memory_space<vmem>>, vector<16xf32>,
        %mul3A_715 = arith.constant 4 : i32
        %mul3A_716 = arith.muli %scan3A_660, %mul3A_715 : i32
        %add3A_717 = arith.constant 3 : i32
        %add3A_718 = arith.addi %mul3A_716, %add3A_717 : i32
        %mul3A_719 = arith.constant 16 : i32
        %mul3A_720 = arith.muli %add3A_718, %mul3A_719 : i32
        %iota3A_721 = tpu.iota {dimensions = array<i32: 0>} : vector<16xi32>
        %add3A_722 = vector.broadcast %mul3A_720 : i32 to vector<16xi32>
        %add3A_723 = arith.addi %add3A_722, %iota3A_721 : vector<16xi32>
        %gather3A_724 = tpu.vector_load_idx %arg6[%add3A_723, %broadcast_in_dim3A] : memref<1024x32xf32, #tpu.memory_space<vmem>>[vector<16xi32>, vector<16xi32>], vector<16xf32>,
        %mul3A_725 = arith.constant 4 : i32
        %mul3A_726 = arith.muli %scan3A_660, %mul3A_725 : i32
        %add3A_727 = arith.constant 3 : i32
        %add3A_728 = arith.addi %mul3A_726, %add3A_727 : i32
        %mul3A_729 = arith.constant 16 : i32
        %mul3A_730 = arith.muli %add3A_728, %mul3A_729 : i32
        %swap3A_731 = arith.index_cast %scan3A_653 : i32 to index
        %swap3A_732 = arith.index_cast %mul3A_730 : i32 to index
        %swap3A_733 = tpu.vector_load %arg8[%swap3A_731, %swap3A_732] {strides = array<i32>} : memref<32x1024xf32, #tpu.memory_space<vmem>>, vector<16xf32>,
        tpu.vector_store %arg8[%swap3A_731, %swap3A_732], %gather3A_724 {strides = array<i32>} : memref<32x1024xf32, #tpu.memory_space<vmem>>, vector<16xf32>,
      }
      %scan3A_659 = arith.constant 16 : i32
    }
    %scan3A_133 = arith.constant 32 : i32
    %mul3A_134 = arith.constant 25 : i32
    %mul3A_135 = arith.muli %arg0, %mul3A_134 : i32
    %add3A_136 = arith.constant 4 : i32
    %add3A_137 = arith.addi %mul3A_135, %add3A_136 : i32
    %mul3A_138 = arith.constant 1024 : i32
    %mul3A_139 = arith.muli %arg1, %mul3A_138 : i32
    "tpu.region"() ({
      %run_scoped3A = tpu.sem_alloc : memref<!tpu.dma_semaphore, #tpu.memory_space<semaphore_mem>>
      %dma_start3A_653 = arith.constant 0 : i32
      %dma_start3A_654 = tpu.memref_slice %arg4[%add3A_137, %dma_start3A_653, %mul3A_139] : memref<50x32x16384xf32, #tpu.memory_space<hbm>> -> memref<1x32x1024xf32, #tpu.memory_space<hbm>>
      %dma_start3A_655 = tpu.memref_squeeze %dma_start3A_654 : memref<1x32x1024xf32, #tpu.memory_space<hbm>> -> memref<32x1024xf32, #tpu.memory_space<hbm>>
      %dma_start3A_656 = arith.constant 0 : i32
      %dma_start3A_657 = tpu.memref_slice %arg4[%add3A_137, %dma_start3A_656, %mul3A_139] : memref<50x32x16384xf32, #tpu.memory_space<hbm>> -> memref<1x32x1024xf32, #tpu.memory_space<hbm>>
      %dma_start3A_658 = tpu.memref_squeeze %dma_start3A_657 : memref<1x32x1024xf32, #tpu.memory_space<hbm>> -> memref<32x1024xf32, #tpu.memory_space<hbm>>
      tpu.enqueue_dma source(%arg8 : memref<32x1024xf32, #tpu.memory_space<vmem>>) target(%dma_start3A_658 : memref<32x1024xf32, #tpu.memory_space<hbm>>) target_semaphore(%run_scoped3A : memref<!tpu.dma_semaphore, #tpu.memory_space<semaphore_mem>>)
      %dma_wait3A_659 = arith.constant 0 : i32
      %dma_wait3A_660 = tpu.memref_slice %arg4[%add3A_137, %dma_wait3A_659, %mul3A_139] : memref<50x32x16384xf32, #tpu.memory_space<hbm>> -> memref<1x32x1024xf32, #tpu.memory_space<hbm>>
      %dma_wait3A_661 = tpu.memref_squeeze %dma_wait3A_660 : memref<1x32x1024xf32, #tpu.memory_space<hbm>> -> memref<32x1024xf32, #tpu.memory_space<hbm>>
      %dma_wait3A_662 = arith.constant 0 : i32
      %dma_wait3A_663 = tpu.memref_slice %arg4[%add3A_137, %dma_wait3A_662, %mul3A_139] : memref<50x32x16384xf32, #tpu.memory_space<hbm>> -> memref<1x32x1024xf32, #tpu.memory_space<hbm>>
      %dma_wait3A_664 = tpu.memref_squeeze %dma_wait3A_663 : memref<1x32x1024xf32, #tpu.memory_space<hbm>> -> memref<32x1024xf32, #tpu.memory_space<hbm>>
      tpu.wait_dma2 semaphore(%run_scoped3A : memref<!tpu.dma_semaphore, #tpu.memory_space<semaphore_mem>>) src(%arg8 : memref<32x1024xf32, #tpu.memory_space<vmem>>) dst(%dma_wait3A_664 : memref<32x1024xf32, #tpu.memory_space<hbm>>)
      tpu.yield
    }) : () -> ()
    %dma_start3A_140 = arith.constant 6 : i32
    %dma_start3A_141 = arith.constant 0 : i32
    %dma_start3A_142 = tpu.memref_slice %arg5[%dma_start3A_140, %dma_start3A_141] : memref<25x1024xi32, #tpu.memory_space<vmem>> -> memref<1x1024xi32, #tpu.memory_space<vmem>>
    %dma_start3A_143 = tpu.memref_squeeze %dma_start3A_142 : memref<1x1024xi32, #tpu.memory_space<vmem>> -> memref<1024xi32, #tpu.memory_space<vmem>>
    %dma_start3A_144 = arith.constant 0 : i32
    %dma_start3A_145 = arith.constant 0 : i32
    %dma_start3A_146 = tpu.memref_slice %arg3[%dma_start3A_144, %dma_start3A_145] : memref<1000000x32xf32, #tpu.memory_space<hbm>> -> memref<1000000x32xf32, #tpu.memory_space<hbm>>
    tpu.enqueue_indirect_dma source(%dma_start3A_146 : memref<1000000x32xf32, #tpu.memory_space<hbm>>) target(%arg6 : memref<1024x32xf32, #tpu.memory_space<vmem>>) offsets(%dma_start3A_143 : memref<1024xi32, #tpu.memory_space<vmem>>) semaphore(%arg10 : memref<!tpu.dma_semaphore, #tpu.memory_space<semaphore_mem>>)
    %dma_wait3A_147 = arith.constant 5 : i32
    %dma_wait3A_148 = arith.constant 0 : i32
    %dma_wait3A_149 = tpu.memref_slice %arg5[%dma_wait3A_147, %dma_wait3A_148] : memref<25x1024xi32, #tpu.memory_space<vmem>> -> memref<1x1024xi32, #tpu.memory_space<vmem>>
    %dma_wait3A_150 = tpu.memref_squeeze %dma_wait3A_149 : memref<1x1024xi32, #tpu.memory_space<vmem>> -> memref<1024xi32, #tpu.memory_space<vmem>>
    %dma_wait3A_151 = arith.constant 0 : i32
    %dma_wait3A_152 = arith.constant 0 : i32
    %dma_wait3A_153 = tpu.memref_slice %arg3[%dma_wait3A_151, %dma_wait3A_152] : memref<1000000x32xf32, #tpu.memory_space<hbm>> -> memref<1000000x32xf32, #tpu.memory_space<hbm>>
    tpu.wait_indirect_dma semaphore(%arg11 : memref<!tpu.dma_semaphore, #tpu.memory_space<semaphore_mem>>) src(%dma_wait3A_153 : memref<1000000x32xf32, #tpu.memory_space<hbm>>) dst(%arg7 : memref<1024x32xf32, #tpu.memory_space<vmem>>)
    %scan3A_154 = arith.constant 0 : i32
    %scan3A_155 = arith.constant 0 : i32
    %scan3A_156 = arith.constant 32 : i32
    %scan3A_157 = arith.addi %scan3A_155, %scan3A_156 : i32
    %scan3A_158 = arith.constant 1 : i32
    scf.for %scan3A_653 = %scan3A_155 to %scan3A_157 step %scan3A_158  : i32 {
      %broadcast_in_dim3A = vector.broadcast %scan3A_653 : i32 to vector<16xi32>
      %scan3A_654 = arith.constant 0 : i32
      %scan3A_655 = arith.constant 0 : i32
      %scan3A_656 = arith.constant 16 : i32
      %scan3A_657 = arith.addi %scan3A_655, %scan3A_656 : i32
      %scan3A_658 = arith.constant 1 : i32
      scf.for %scan3A_660 = %scan3A_655 to %scan3A_657 step %scan3A_658  : i32 {
        %mul3A_661 = arith.constant 4 : i32
        %mul3A_662 = arith.muli %scan3A_660, %mul3A_661 : i32
        %add3A_663 = arith.constant 0 : i32
        %add3A_664 = arith.addi %mul3A_662, %add3A_663 : i32
        %mul3A_665 = arith.constant 16 : i32
        %mul3A_666 = arith.muli %add3A_664, %mul3A_665 : i32
        %iota3A = tpu.iota {dimensions = array<i32: 0>} : vector<16xi32>
        %add3A_667 = vector.broadcast %mul3A_666 : i32 to vector<16xi32>
        %add3A_668 = arith.addi %add3A_667, %iota3A : vector<16xi32>
        %gather3A = tpu.vector_load_idx %arg7[%add3A_668, %broadcast_in_dim3A] : memref<1024x32xf32, #tpu.memory_space<vmem>>[vector<16xi32>, vector<16xi32>], vector<16xf32>,
        %mul3A_669 = arith.constant 4 : i32
        %mul3A_670 = arith.muli %scan3A_660, %mul3A_669 : i32
        %add3A_671 = arith.constant 0 : i32
        %add3A_672 = arith.addi %mul3A_670, %add3A_671 : i32
        %mul3A_673 = arith.constant 16 : i32
        %mul3A_674 = arith.muli %add3A_672, %mul3A_673 : i32
        %swap3A = arith.index_cast %scan3A_653 : i32 to index
        %swap3A_675 = arith.index_cast %mul3A_674 : i32 to index
        %swap3A_676 = tpu.vector_load %arg8[%swap3A, %swap3A_675] {strides = array<i32>} : memref<32x1024xf32, #tpu.memory_space<vmem>>, vector<16xf32>,
        tpu.vector_store %arg8[%swap3A, %swap3A_675], %gather3A {strides = array<i32>} : memref<32x1024xf32, #tpu.memory_space<vmem>>, vector<16xf32>,
        %mul3A_677 = arith.constant 4 : i32
        %mul3A_678 = arith.muli %scan3A_660, %mul3A_677 : i32
        %add3A_679 = arith.constant 1 : i32
        %add3A_680 = arith.addi %mul3A_678, %add3A_679 : i32
        %mul3A_681 = arith.constant 16 : i32
        %mul3A_682 = arith.muli %add3A_680, %mul3A_681 : i32
        %iota3A_683 = tpu.iota {dimensions = array<i32: 0>} : vector<16xi32>
        %add3A_684 = vector.broadcast %mul3A_682 : i32 to vector<16xi32>
        %add3A_685 = arith.addi %add3A_684, %iota3A_683 : vector<16xi32>
        %gather3A_686 = tpu.vector_load_idx %arg7[%add3A_685, %broadcast_in_dim3A] : memref<1024x32xf32, #tpu.memory_space<vmem>>[vector<16xi32>, vector<16xi32>], vector<16xf32>,
        %mul3A_687 = arith.constant 4 : i32
        %mul3A_688 = arith.muli %scan3A_660, %mul3A_687 : i32
        %add3A_689 = arith.constant 1 : i32
        %add3A_690 = arith.addi %mul3A_688, %add3A_689 : i32
        %mul3A_691 = arith.constant 16 : i32
        %mul3A_692 = arith.muli %add3A_690, %mul3A_691 : i32
        %swap3A_693 = arith.index_cast %scan3A_653 : i32 to index
        %swap3A_694 = arith.index_cast %mul3A_692 : i32 to index
        %swap3A_695 = tpu.vector_load %arg8[%swap3A_693, %swap3A_694] {strides = array<i32>} : memref<32x1024xf32, #tpu.memory_space<vmem>>, vector<16xf32>,
        tpu.vector_store %arg8[%swap3A_693, %swap3A_694], %gather3A_686 {strides = array<i32>} : memref<32x1024xf32, #tpu.memory_space<vmem>>, vector<16xf32>,
        %mul3A_696 = arith.constant 4 : i32
        %mul3A_697 = arith.muli %scan3A_660, %mul3A_696 : i32
        %add3A_698 = arith.constant 2 : i32
        %add3A_699 = arith.addi %mul3A_697, %add3A_698 : i32
        %mul3A_700 = arith.constant 16 : i32
        %mul3A_701 = arith.muli %add3A_699, %mul3A_700 : i32
        %iota3A_702 = tpu.iota {dimensions = array<i32: 0>} : vector<16xi32>
        %add3A_703 = vector.broadcast %mul3A_701 : i32 to vector<16xi32>
        %add3A_704 = arith.addi %add3A_703, %iota3A_702 : vector<16xi32>
        %gather3A_705 = tpu.vector_load_idx %arg7[%add3A_704, %broadcast_in_dim3A] : memref<1024x32xf32, #tpu.memory_space<vmem>>[vector<16xi32>, vector<16xi32>], vector<16xf32>,
        %mul3A_706 = arith.constant 4 : i32
        %mul3A_707 = arith.muli %scan3A_660, %mul3A_706 : i32
        %add3A_708 = arith.constant 2 : i32
        %add3A_709 = arith.addi %mul3A_707, %add3A_708 : i32
        %mul3A_710 = arith.constant 16 : i32
        %mul3A_711 = arith.muli %add3A_709, %mul3A_710 : i32
        %swap3A_712 = arith.index_cast %scan3A_653 : i32 to index
        %swap3A_713 = arith.index_cast %mul3A_711 : i32 to index
        %swap3A_714 = tpu.vector_load %arg8[%swap3A_712, %swap3A_713] {strides = array<i32>} : memref<32x1024xf32, #tpu.memory_space<vmem>>, vector<16xf32>,
        tpu.vector_store %arg8[%swap3A_712, %swap3A_713], %gather3A_705 {strides = array<i32>} : memref<32x1024xf32, #tpu.memory_space<vmem>>, vector<16xf32>,
        %mul3A_715 = arith.constant 4 : i32
        %mul3A_716 = arith.muli %scan3A_660, %mul3A_715 : i32
        %add3A_717 = arith.constant 3 : i32
        %add3A_718 = arith.addi %mul3A_716, %add3A_717 : i32
        %mul3A_719 = arith.constant 16 : i32
        %mul3A_720 = arith.muli %add3A_718, %mul3A_719 : i32
        %iota3A_721 = tpu.iota {dimensions = array<i32: 0>} : vector<16xi32>
        %add3A_722 = vector.broadcast %mul3A_720 : i32 to vector<16xi32>
        %add3A_723 = arith.addi %add3A_722, %iota3A_721 : vector<16xi32>
        %gather3A_724 = tpu.vector_load_idx %arg7[%add3A_723, %broadcast_in_dim3A] : memref<1024x32xf32, #tpu.memory_space<vmem>>[vector<16xi32>, vector<16xi32>], vector<16xf32>,
        %mul3A_725 = arith.constant 4 : i32
        %mul3A_726 = arith.muli %scan3A_660, %mul3A_725 : i32
        %add3A_727 = arith.constant 3 : i32
        %add3A_728 = arith.addi %mul3A_726, %add3A_727 : i32
        %mul3A_729 = arith.constant 16 : i32
        %mul3A_730 = arith.muli %add3A_728, %mul3A_729 : i32
        %swap3A_731 = arith.index_cast %scan3A_653 : i32 to index
        %swap3A_732 = arith.index_cast %mul3A_730 : i32 to index
        %swap3A_733 = tpu.vector_load %arg8[%swap3A_731, %swap3A_732] {strides = array<i32>} : memref<32x1024xf32, #tpu.memory_space<vmem>>, vector<16xf32>,
        tpu.vector_store %arg8[%swap3A_731, %swap3A_732], %gather3A_724 {strides = array<i32>} : memref<32x1024xf32, #tpu.memory_space<vmem>>, vector<16xf32>,
      }
      %scan3A_659 = arith.constant 16 : i32
    }
    %scan3A_159 = arith.constant 32 : i32
    %mul3A_160 = arith.constant 25 : i32
    %mul3A_161 = arith.muli %arg0, %mul3A_160 : i32
    %add3A_162 = arith.constant 5 : i32
    %add3A_163 = arith.addi %mul3A_161, %add3A_162 : i32
    %mul3A_164 = arith.constant 1024 : i32
    %mul3A_165 = arith.muli %arg1, %mul3A_164 : i32
    "tpu.region"() ({
      %run_scoped3A = tpu.sem_alloc : memref<!tpu.dma_semaphore, #tpu.memory_space<semaphore_mem>>
      %dma_start3A_653 = arith.constant 0 : i32
      %dma_start3A_654 = tpu.memref_slice %arg4[%add3A_163, %dma_start3A_653, %mul3A_165] : memref<50x32x16384xf32, #tpu.memory_space<hbm>> -> memref<1x32x1024xf32, #tpu.memory_space<hbm>>
      %dma_start3A_655 = tpu.memref_squeeze %dma_start3A_654 : memref<1x32x1024xf32, #tpu.memory_space<hbm>> -> memref<32x1024xf32, #tpu.memory_space<hbm>>
      %dma_start3A_656 = arith.constant 0 : i32
      %dma_start3A_657 = tpu.memref_slice %arg4[%add3A_163, %dma_start3A_656, %mul3A_165] : memref<50x32x16384xf32, #tpu.memory_space<hbm>> -> memref<1x32x1024xf32, #tpu.memory_space<hbm>>
      %dma_start3A_658 = tpu.memref_squeeze %dma_start3A_657 : memref<1x32x1024xf32, #tpu.memory_space<hbm>> -> memref<32x1024xf32, #tpu.memory_space<hbm>>
      tpu.enqueue_dma source(%arg8 : memref<32x1024xf32, #tpu.memory_space<vmem>>) target(%dma_start3A_658 : memref<32x1024xf32, #tpu.memory_space<hbm>>) target_semaphore(%run_scoped3A : memref<!tpu.dma_semaphore, #tpu.memory_space<semaphore_mem>>)
      %dma_wait3A_659 = arith.constant 0 : i32
      %dma_wait3A_660 = tpu.memref_slice %arg4[%add3A_163, %dma_wait3A_659, %mul3A_165] : memref<50x32x16384xf32, #tpu.memory_space<hbm>> -> memref<1x32x1024xf32, #tpu.memory_space<hbm>>
      %dma_wait3A_661 = tpu.memref_squeeze %dma_wait3A_660 : memref<1x32x1024xf32, #tpu.memory_space<hbm>> -> memref<32x1024xf32, #tpu.memory_space<hbm>>
      %dma_wait3A_662 = arith.constant 0 : i32
      %dma_wait3A_663 = tpu.memref_slice %arg4[%add3A_163, %dma_wait3A_662, %mul3A_165] : memref<50x32x16384xf32, #tpu.memory_space<hbm>> -> memref<1x32x1024xf32, #tpu.memory_space<hbm>>
      %dma_wait3A_664 = tpu.memref_squeeze %dma_wait3A_663 : memref<1x32x1024xf32, #tpu.memory_space<hbm>> -> memref<32x1024xf32, #tpu.memory_space<hbm>>
      tpu.wait_dma2 semaphore(%run_scoped3A : memref<!tpu.dma_semaphore, #tpu.memory_space<semaphore_mem>>) src(%arg8 : memref<32x1024xf32, #tpu.memory_space<vmem>>) dst(%dma_wait3A_664 : memref<32x1024xf32, #tpu.memory_space<hbm>>)
      tpu.yield
    }) : () -> ()
    %dma_start3A_166 = arith.constant 7 : i32
    %dma_start3A_167 = arith.constant 0 : i32
    %dma_start3A_168 = tpu.memref_slice %arg5[%dma_start3A_166, %dma_start3A_167] : memref<25x1024xi32, #tpu.memory_space<vmem>> -> memref<1x1024xi32, #tpu.memory_space<vmem>>
    %dma_start3A_169 = tpu.memref_squeeze %dma_start3A_168 : memref<1x1024xi32, #tpu.memory_space<vmem>> -> memref<1024xi32, #tpu.memory_space<vmem>>
    %dma_start3A_170 = arith.constant 0 : i32
    %dma_start3A_171 = arith.constant 0 : i32
    %dma_start3A_172 = tpu.memref_slice %arg3[%dma_start3A_170, %dma_start3A_171] : memref<1000000x32xf32, #tpu.memory_space<hbm>> -> memref<1000000x32xf32, #tpu.memory_space<hbm>>
    tpu.enqueue_indirect_dma source(%dma_start3A_172 : memref<1000000x32xf32, #tpu.memory_space<hbm>>) target(%arg7 : memref<1024x32xf32, #tpu.memory_space<vmem>>) offsets(%dma_start3A_169 : memref<1024xi32, #tpu.memory_space<vmem>>) semaphore(%arg11 : memref<!tpu.dma_semaphore, #tpu.memory_space<semaphore_mem>>)
    %dma_wait3A_173 = arith.constant 6 : i32
    %dma_wait3A_174 = arith.constant 0 : i32
    %dma_wait3A_175 = tpu.memref_slice %arg5[%dma_wait3A_173, %dma_wait3A_174] : memref<25x1024xi32, #tpu.memory_space<vmem>> -> memref<1x1024xi32, #tpu.memory_space<vmem>>
    %dma_wait3A_176 = tpu.memref_squeeze %dma_wait3A_175 : memref<1x1024xi32, #tpu.memory_space<vmem>> -> memref<1024xi32, #tpu.memory_space<vmem>>
    %dma_wait3A_177 = arith.constant 0 : i32
    %dma_wait3A_178 = arith.constant 0 : i32
    %dma_wait3A_179 = tpu.memref_slice %arg3[%dma_wait3A_177, %dma_wait3A_178] : memref<1000000x32xf32, #tpu.memory_space<hbm>> -> memref<1000000x32xf32, #tpu.memory_space<hbm>>
    tpu.wait_indirect_dma semaphore(%arg10 : memref<!tpu.dma_semaphore, #tpu.memory_space<semaphore_mem>>) src(%dma_wait3A_179 : memref<1000000x32xf32, #tpu.memory_space<hbm>>) dst(%arg6 : memref<1024x32xf32, #tpu.memory_space<vmem>>)
    %scan3A_180 = arith.constant 0 : i32
    %scan3A_181 = arith.constant 0 : i32
    %scan3A_182 = arith.constant 32 : i32
    %scan3A_183 = arith.addi %scan3A_181, %scan3A_182 : i32
    %scan3A_184 = arith.constant 1 : i32
    scf.for %scan3A_653 = %scan3A_181 to %scan3A_183 step %scan3A_184  : i32 {
      %broadcast_in_dim3A = vector.broadcast %scan3A_653 : i32 to vector<16xi32>
      %scan3A_654 = arith.constant 0 : i32
      %scan3A_655 = arith.constant 0 : i32
      %scan3A_656 = arith.constant 16 : i32
      %scan3A_657 = arith.addi %scan3A_655, %scan3A_656 : i32
      %scan3A_658 = arith.constant 1 : i32
      scf.for %scan3A_660 = %scan3A_655 to %scan3A_657 step %scan3A_658  : i32 {
        %mul3A_661 = arith.constant 4 : i32
        %mul3A_662 = arith.muli %scan3A_660, %mul3A_661 : i32
        %add3A_663 = arith.constant 0 : i32
        %add3A_664 = arith.addi %mul3A_662, %add3A_663 : i32
        %mul3A_665 = arith.constant 16 : i32
        %mul3A_666 = arith.muli %add3A_664, %mul3A_665 : i32
        %iota3A = tpu.iota {dimensions = array<i32: 0>} : vector<16xi32>
        %add3A_667 = vector.broadcast %mul3A_666 : i32 to vector<16xi32>
        %add3A_668 = arith.addi %add3A_667, %iota3A : vector<16xi32>
        %gather3A = tpu.vector_load_idx %arg6[%add3A_668, %broadcast_in_dim3A] : memref<1024x32xf32, #tpu.memory_space<vmem>>[vector<16xi32>, vector<16xi32>], vector<16xf32>,
        %mul3A_669 = arith.constant 4 : i32
        %mul3A_670 = arith.muli %scan3A_660, %mul3A_669 : i32
        %add3A_671 = arith.constant 0 : i32
        %add3A_672 = arith.addi %mul3A_670, %add3A_671 : i32
        %mul3A_673 = arith.constant 16 : i32
        %mul3A_674 = arith.muli %add3A_672, %mul3A_673 : i32
        %swap3A = arith.index_cast %scan3A_653 : i32 to index
        %swap3A_675 = arith.index_cast %mul3A_674 : i32 to index
        %swap3A_676 = tpu.vector_load %arg8[%swap3A, %swap3A_675] {strides = array<i32>} : memref<32x1024xf32, #tpu.memory_space<vmem>>, vector<16xf32>,
        tpu.vector_store %arg8[%swap3A, %swap3A_675], %gather3A {strides = array<i32>} : memref<32x1024xf32, #tpu.memory_space<vmem>>, vector<16xf32>,
        %mul3A_677 = arith.constant 4 : i32
        %mul3A_678 = arith.muli %scan3A_660, %mul3A_677 : i32
        %add3A_679 = arith.constant 1 : i32
        %add3A_680 = arith.addi %mul3A_678, %add3A_679 : i32
        %mul3A_681 = arith.constant 16 : i32
        %mul3A_682 = arith.muli %add3A_680, %mul3A_681 : i32
        %iota3A_683 = tpu.iota {dimensions = array<i32: 0>} : vector<16xi32>
        %add3A_684 = vector.broadcast %mul3A_682 : i32 to vector<16xi32>
        %add3A_685 = arith.addi %add3A_684, %iota3A_683 : vector<16xi32>
        %gather3A_686 = tpu.vector_load_idx %arg6[%add3A_685, %broadcast_in_dim3A] : memref<1024x32xf32, #tpu.memory_space<vmem>>[vector<16xi32>, vector<16xi32>], vector<16xf32>,
        %mul3A_687 = arith.constant 4 : i32
        %mul3A_688 = arith.muli %scan3A_660, %mul3A_687 : i32
        %add3A_689 = arith.constant 1 : i32
        %add3A_690 = arith.addi %mul3A_688, %add3A_689 : i32
        %mul3A_691 = arith.constant 16 : i32
        %mul3A_692 = arith.muli %add3A_690, %mul3A_691 : i32
        %swap3A_693 = arith.index_cast %scan3A_653 : i32 to index
        %swap3A_694 = arith.index_cast %mul3A_692 : i32 to index
        %swap3A_695 = tpu.vector_load %arg8[%swap3A_693, %swap3A_694] {strides = array<i32>} : memref<32x1024xf32, #tpu.memory_space<vmem>>, vector<16xf32>,
        tpu.vector_store %arg8[%swap3A_693, %swap3A_694], %gather3A_686 {strides = array<i32>} : memref<32x1024xf32, #tpu.memory_space<vmem>>, vector<16xf32>,
        %mul3A_696 = arith.constant 4 : i32
        %mul3A_697 = arith.muli %scan3A_660, %mul3A_696 : i32
        %add3A_698 = arith.constant 2 : i32
        %add3A_699 = arith.addi %mul3A_697, %add3A_698 : i32
        %mul3A_700 = arith.constant 16 : i32
        %mul3A_701 = arith.muli %add3A_699, %mul3A_700 : i32
        %iota3A_702 = tpu.iota {dimensions = array<i32: 0>} : vector<16xi32>
        %add3A_703 = vector.broadcast %mul3A_701 : i32 to vector<16xi32>
        %add3A_704 = arith.addi %add3A_703, %iota3A_702 : vector<16xi32>
        %gather3A_705 = tpu.vector_load_idx %arg6[%add3A_704, %broadcast_in_dim3A] : memref<1024x32xf32, #tpu.memory_space<vmem>>[vector<16xi32>, vector<16xi32>], vector<16xf32>,
        %mul3A_706 = arith.constant 4 : i32
        %mul3A_707 = arith.muli %scan3A_660, %mul3A_706 : i32
        %add3A_708 = arith.constant 2 : i32
        %add3A_709 = arith.addi %mul3A_707, %add3A_708 : i32
        %mul3A_710 = arith.constant 16 : i32
        %mul3A_711 = arith.muli %add3A_709, %mul3A_710 : i32
        %swap3A_712 = arith.index_cast %scan3A_653 : i32 to index
        %swap3A_713 = arith.index_cast %mul3A_711 : i32 to index
        %swap3A_714 = tpu.vector_load %arg8[%swap3A_712, %swap3A_713] {strides = array<i32>} : memref<32x1024xf32, #tpu.memory_space<vmem>>, vector<16xf32>,
        tpu.vector_store %arg8[%swap3A_712, %swap3A_713], %gather3A_705 {strides = array<i32>} : memref<32x1024xf32, #tpu.memory_space<vmem>>, vector<16xf32>,
        %mul3A_715 = arith.constant 4 : i32
        %mul3A_716 = arith.muli %scan3A_660, %mul3A_715 : i32
        %add3A_717 = arith.constant 3 : i32
        %add3A_718 = arith.addi %mul3A_716, %add3A_717 : i32
        %mul3A_719 = arith.constant 16 : i32
        %mul3A_720 = arith.muli %add3A_718, %mul3A_719 : i32
        %iota3A_721 = tpu.iota {dimensions = array<i32: 0>} : vector<16xi32>
        %add3A_722 = vector.broadcast %mul3A_720 : i32 to vector<16xi32>
        %add3A_723 = arith.addi %add3A_722, %iota3A_721 : vector<16xi32>
        %gather3A_724 = tpu.vector_load_idx %arg6[%add3A_723, %broadcast_in_dim3A] : memref<1024x32xf32, #tpu.memory_space<vmem>>[vector<16xi32>, vector<16xi32>], vector<16xf32>,
        %mul3A_725 = arith.constant 4 : i32
        %mul3A_726 = arith.muli %scan3A_660, %mul3A_725 : i32
        %add3A_727 = arith.constant 3 : i32
        %add3A_728 = arith.addi %mul3A_726, %add3A_727 : i32
        %mul3A_729 = arith.constant 16 : i32
        %mul3A_730 = arith.muli %add3A_728, %mul3A_729 : i32
        %swap3A_731 = arith.index_cast %scan3A_653 : i32 to index
        %swap3A_732 = arith.index_cast %mul3A_730 : i32 to index
        %swap3A_733 = tpu.vector_load %arg8[%swap3A_731, %swap3A_732] {strides = array<i32>} : memref<32x1024xf32, #tpu.memory_space<vmem>>, vector<16xf32>,
        tpu.vector_store %arg8[%swap3A_731, %swap3A_732], %gather3A_724 {strides = array<i32>} : memref<32x1024xf32, #tpu.memory_space<vmem>>, vector<16xf32>,
      }
      %scan3A_659 = arith.constant 16 : i32
    }
    %scan3A_185 = arith.constant 32 : i32
    %mul3A_186 = arith.constant 25 : i32
    %mul3A_187 = arith.muli %arg0, %mul3A_186 : i32
    %add3A_188 = arith.constant 6 : i32
    %add3A_189 = arith.addi %mul3A_187, %add3A_188 : i32
    %mul3A_190 = arith.constant 1024 : i32
    %mul3A_191 = arith.muli %arg1, %mul3A_190 : i32
    "tpu.region"() ({
      %run_scoped3A = tpu.sem_alloc : memref<!tpu.dma_semaphore, #tpu.memory_space<semaphore_mem>>
      %dma_start3A_653 = arith.constant 0 : i32
      %dma_start3A_654 = tpu.memref_slice %arg4[%add3A_189, %dma_start3A_653, %mul3A_191] : memref<50x32x16384xf32, #tpu.memory_space<hbm>> -> memref<1x32x1024xf32, #tpu.memory_space<hbm>>
      %dma_start3A_655 = tpu.memref_squeeze %dma_start3A_654 : memref<1x32x1024xf32, #tpu.memory_space<hbm>> -> memref<32x1024xf32, #tpu.memory_space<hbm>>
      %dma_start3A_656 = arith.constant 0 : i32
      %dma_start3A_657 = tpu.memref_slice %arg4[%add3A_189, %dma_start3A_656, %mul3A_191] : memref<50x32x16384xf32, #tpu.memory_space<hbm>> -> memref<1x32x1024xf32, #tpu.memory_space<hbm>>
      %dma_start3A_658 = tpu.memref_squeeze %dma_start3A_657 : memref<1x32x1024xf32, #tpu.memory_space<hbm>> -> memref<32x1024xf32, #tpu.memory_space<hbm>>
      tpu.enqueue_dma source(%arg8 : memref<32x1024xf32, #tpu.memory_space<vmem>>) target(%dma_start3A_658 : memref<32x1024xf32, #tpu.memory_space<hbm>>) target_semaphore(%run_scoped3A : memref<!tpu.dma_semaphore, #tpu.memory_space<semaphore_mem>>)
      %dma_wait3A_659 = arith.constant 0 : i32
      %dma_wait3A_660 = tpu.memref_slice %arg4[%add3A_189, %dma_wait3A_659, %mul3A_191] : memref<50x32x16384xf32, #tpu.memory_space<hbm>> -> memref<1x32x1024xf32, #tpu.memory_space<hbm>>
      %dma_wait3A_661 = tpu.memref_squeeze %dma_wait3A_660 : memref<1x32x1024xf32, #tpu.memory_space<hbm>> -> memref<32x1024xf32, #tpu.memory_space<hbm>>
      %dma_wait3A_662 = arith.constant 0 : i32
      %dma_wait3A_663 = tpu.memref_slice %arg4[%add3A_189, %dma_wait3A_662, %mul3A_191] : memref<50x32x16384xf32, #tpu.memory_space<hbm>> -> memref<1x32x1024xf32, #tpu.memory_space<hbm>>
      %dma_wait3A_664 = tpu.memref_squeeze %dma_wait3A_663 : memref<1x32x1024xf32, #tpu.memory_space<hbm>> -> memref<32x1024xf32, #tpu.memory_space<hbm>>
      tpu.wait_dma2 semaphore(%run_scoped3A : memref<!tpu.dma_semaphore, #tpu.memory_space<semaphore_mem>>) src(%arg8 : memref<32x1024xf32, #tpu.memory_space<vmem>>) dst(%dma_wait3A_664 : memref<32x1024xf32, #tpu.memory_space<hbm>>)
      tpu.yield
    }) : () -> ()
    %dma_start3A_192 = arith.constant 8 : i32
    %dma_start3A_193 = arith.constant 0 : i32
    %dma_start3A_194 = tpu.memref_slice %arg5[%dma_start3A_192, %dma_start3A_193] : memref<25x1024xi32, #tpu.memory_space<vmem>> -> memref<1x1024xi32, #tpu.memory_space<vmem>>
    %dma_start3A_195 = tpu.memref_squeeze %dma_start3A_194 : memref<1x1024xi32, #tpu.memory_space<vmem>> -> memref<1024xi32, #tpu.memory_space<vmem>>
    %dma_start3A_196 = arith.constant 0 : i32
    %dma_start3A_197 = arith.constant 0 : i32
    %dma_start3A_198 = tpu.memref_slice %arg3[%dma_start3A_196, %dma_start3A_197] : memref<1000000x32xf32, #tpu.memory_space<hbm>> -> memref<1000000x32xf32, #tpu.memory_space<hbm>>
    tpu.enqueue_indirect_dma source(%dma_start3A_198 : memref<1000000x32xf32, #tpu.memory_space<hbm>>) target(%arg6 : memref<1024x32xf32, #tpu.memory_space<vmem>>) offsets(%dma_start3A_195 : memref<1024xi32, #tpu.memory_space<vmem>>) semaphore(%arg10 : memref<!tpu.dma_semaphore, #tpu.memory_space<semaphore_mem>>)
    %dma_wait3A_199 = arith.constant 7 : i32
    %dma_wait3A_200 = arith.constant 0 : i32
    %dma_wait3A_201 = tpu.memref_slice %arg5[%dma_wait3A_199, %dma_wait3A_200] : memref<25x1024xi32, #tpu.memory_space<vmem>> -> memref<1x1024xi32, #tpu.memory_space<vmem>>
    %dma_wait3A_202 = tpu.memref_squeeze %dma_wait3A_201 : memref<1x1024xi32, #tpu.memory_space<vmem>> -> memref<1024xi32, #tpu.memory_space<vmem>>
    %dma_wait3A_203 = arith.constant 0 : i32
    %dma_wait3A_204 = arith.constant 0 : i32
    %dma_wait3A_205 = tpu.memref_slice %arg3[%dma_wait3A_203, %dma_wait3A_204] : memref<1000000x32xf32, #tpu.memory_space<hbm>> -> memref<1000000x32xf32, #tpu.memory_space<hbm>>
    tpu.wait_indirect_dma semaphore(%arg11 : memref<!tpu.dma_semaphore, #tpu.memory_space<semaphore_mem>>) src(%dma_wait3A_205 : memref<1000000x32xf32, #tpu.memory_space<hbm>>) dst(%arg7 : memref<1024x32xf32, #tpu.memory_space<vmem>>)
    %scan3A_206 = arith.constant 0 : i32
    %scan3A_207 = arith.constant 0 : i32
    %scan3A_208 = arith.constant 32 : i32
    %scan3A_209 = arith.addi %scan3A_207, %scan3A_208 : i32
    %scan3A_210 = arith.constant 1 : i32
    scf.for %scan3A_653 = %scan3A_207 to %scan3A_209 step %scan3A_210  : i32 {
      %broadcast_in_dim3A = vector.broadcast %scan3A_653 : i32 to vector<16xi32>
      %scan3A_654 = arith.constant 0 : i32
      %scan3A_655 = arith.constant 0 : i32
      %scan3A_656 = arith.constant 16 : i32
      %scan3A_657 = arith.addi %scan3A_655, %scan3A_656 : i32
      %scan3A_658 = arith.constant 1 : i32
      scf.for %scan3A_660 = %scan3A_655 to %scan3A_657 step %scan3A_658  : i32 {
        %mul3A_661 = arith.constant 4 : i32
        %mul3A_662 = arith.muli %scan3A_660, %mul3A_661 : i32
        %add3A_663 = arith.constant 0 : i32
        %add3A_664 = arith.addi %mul3A_662, %add3A_663 : i32
        %mul3A_665 = arith.constant 16 : i32
        %mul3A_666 = arith.muli %add3A_664, %mul3A_665 : i32
        %iota3A = tpu.iota {dimensions = array<i32: 0>} : vector<16xi32>
        %add3A_667 = vector.broadcast %mul3A_666 : i32 to vector<16xi32>
        %add3A_668 = arith.addi %add3A_667, %iota3A : vector<16xi32>
        %gather3A = tpu.vector_load_idx %arg7[%add3A_668, %broadcast_in_dim3A] : memref<1024x32xf32, #tpu.memory_space<vmem>>[vector<16xi32>, vector<16xi32>], vector<16xf32>,
        %mul3A_669 = arith.constant 4 : i32
        %mul3A_670 = arith.muli %scan3A_660, %mul3A_669 : i32
        %add3A_671 = arith.constant 0 : i32
        %add3A_672 = arith.addi %mul3A_670, %add3A_671 : i32
        %mul3A_673 = arith.constant 16 : i32
        %mul3A_674 = arith.muli %add3A_672, %mul3A_673 : i32
        %swap3A = arith.index_cast %scan3A_653 : i32 to index
        %swap3A_675 = arith.index_cast %mul3A_674 : i32 to index
        %swap3A_676 = tpu.vector_load %arg8[%swap3A, %swap3A_675] {strides = array<i32>} : memref<32x1024xf32, #tpu.memory_space<vmem>>, vector<16xf32>,
        tpu.vector_store %arg8[%swap3A, %swap3A_675], %gather3A {strides = array<i32>} : memref<32x1024xf32, #tpu.memory_space<vmem>>, vector<16xf32>,
        %mul3A_677 = arith.constant 4 : i32
        %mul3A_678 = arith.muli %scan3A_660, %mul3A_677 : i32
        %add3A_679 = arith.constant 1 : i32
        %add3A_680 = arith.addi %mul3A_678, %add3A_679 : i32
        %mul3A_681 = arith.constant 16 : i32
        %mul3A_682 = arith.muli %add3A_680, %mul3A_681 : i32
        %iota3A_683 = tpu.iota {dimensions = array<i32: 0>} : vector<16xi32>
        %add3A_684 = vector.broadcast %mul3A_682 : i32 to vector<16xi32>
        %add3A_685 = arith.addi %add3A_684, %iota3A_683 : vector<16xi32>
        %gather3A_686 = tpu.vector_load_idx %arg7[%add3A_685, %broadcast_in_dim3A] : memref<1024x32xf32, #tpu.memory_space<vmem>>[vector<16xi32>, vector<16xi32>], vector<16xf32>,
        %mul3A_687 = arith.constant 4 : i32
        %mul3A_688 = arith.muli %scan3A_660, %mul3A_687 : i32
        %add3A_689 = arith.constant 1 : i32
        %add3A_690 = arith.addi %mul3A_688, %add3A_689 : i32
        %mul3A_691 = arith.constant 16 : i32
        %mul3A_692 = arith.muli %add3A_690, %mul3A_691 : i32
        %swap3A_693 = arith.index_cast %scan3A_653 : i32 to index
        %swap3A_694 = arith.index_cast %mul3A_692 : i32 to index
        %swap3A_695 = tpu.vector_load %arg8[%swap3A_693, %swap3A_694] {strides = array<i32>} : memref<32x1024xf32, #tpu.memory_space<vmem>>, vector<16xf32>,
        tpu.vector_store %arg8[%swap3A_693, %swap3A_694], %gather3A_686 {strides = array<i32>} : memref<32x1024xf32, #tpu.memory_space<vmem>>, vector<16xf32>,
        %mul3A_696 = arith.constant 4 : i32
        %mul3A_697 = arith.muli %scan3A_660, %mul3A_696 : i32
        %add3A_698 = arith.constant 2 : i32
        %add3A_699 = arith.addi %mul3A_697, %add3A_698 : i32
        %mul3A_700 = arith.constant 16 : i32
        %mul3A_701 = arith.muli %add3A_699, %mul3A_700 : i32
        %iota3A_702 = tpu.iota {dimensions = array<i32: 0>} : vector<16xi32>
        %add3A_703 = vector.broadcast %mul3A_701 : i32 to vector<16xi32>
        %add3A_704 = arith.addi %add3A_703, %iota3A_702 : vector<16xi32>
        %gather3A_705 = tpu.vector_load_idx %arg7[%add3A_704, %broadcast_in_dim3A] : memref<1024x32xf32, #tpu.memory_space<vmem>>[vector<16xi32>, vector<16xi32>], vector<16xf32>,
        %mul3A_706 = arith.constant 4 : i32
        %mul3A_707 = arith.muli %scan3A_660, %mul3A_706 : i32
        %add3A_708 = arith.constant 2 : i32
        %add3A_709 = arith.addi %mul3A_707, %add3A_708 : i32
        %mul3A_710 = arith.constant 16 : i32
        %mul3A_711 = arith.muli %add3A_709, %mul3A_710 : i32
        %swap3A_712 = arith.index_cast %scan3A_653 : i32 to index
        %swap3A_713 = arith.index_cast %mul3A_711 : i32 to index
        %swap3A_714 = tpu.vector_load %arg8[%swap3A_712, %swap3A_713] {strides = array<i32>} : memref<32x1024xf32, #tpu.memory_space<vmem>>, vector<16xf32>,
        tpu.vector_store %arg8[%swap3A_712, %swap3A_713], %gather3A_705 {strides = array<i32>} : memref<32x1024xf32, #tpu.memory_space<vmem>>, vector<16xf32>,
        %mul3A_715 = arith.constant 4 : i32
        %mul3A_716 = arith.muli %scan3A_660, %mul3A_715 : i32
        %add3A_717 = arith.constant 3 : i32
        %add3A_718 = arith.addi %mul3A_716, %add3A_717 : i32
        %mul3A_719 = arith.constant 16 : i32
        %mul3A_720 = arith.muli %add3A_718, %mul3A_719 : i32
        %iota3A_721 = tpu.iota {dimensions = array<i32: 0>} : vector<16xi32>
        %add3A_722 = vector.broadcast %mul3A_720 : i32 to vector<16xi32>
        %add3A_723 = arith.addi %add3A_722, %iota3A_721 : vector<16xi32>
        %gather3A_724 = tpu.vector_load_idx %arg7[%add3A_723, %broadcast_in_dim3A] : memref<1024x32xf32, #tpu.memory_space<vmem>>[vector<16xi32>, vector<16xi32>], vector<16xf32>,
        %mul3A_725 = arith.constant 4 : i32
        %mul3A_726 = arith.muli %scan3A_660, %mul3A_725 : i32
        %add3A_727 = arith.constant 3 : i32
        %add3A_728 = arith.addi %mul3A_726, %add3A_727 : i32
        %mul3A_729 = arith.constant 16 : i32
        %mul3A_730 = arith.muli %add3A_728, %mul3A_729 : i32
        %swap3A_731 = arith.index_cast %scan3A_653 : i32 to index
        %swap3A_732 = arith.index_cast %mul3A_730 : i32 to index
        %swap3A_733 = tpu.vector_load %arg8[%swap3A_731, %swap3A_732] {strides = array<i32>} : memref<32x1024xf32, #tpu.memory_space<vmem>>, vector<16xf32>,
        tpu.vector_store %arg8[%swap3A_731, %swap3A_732], %gather3A_724 {strides = array<i32>} : memref<32x1024xf32, #tpu.memory_space<vmem>>, vector<16xf32>,
      }
      %scan3A_659 = arith.constant 16 : i32
    }
    %scan3A_211 = arith.constant 32 : i32
    %mul3A_212 = arith.constant 25 : i32
    %mul3A_213 = arith.muli %arg0, %mul3A_212 : i32
    %add3A_214 = arith.constant 7 : i32
    %add3A_215 = arith.addi %mul3A_213, %add3A_214 : i32
    %mul3A_216 = arith.constant 1024 : i32
    %mul3A_217 = arith.muli %arg1, %mul3A_216 : i32
    "tpu.region"() ({
      %run_scoped3A = tpu.sem_alloc : memref<!tpu.dma_semaphore, #tpu.memory_space<semaphore_mem>>
      %dma_start3A_653 = arith.constant 0 : i32
      %dma_start3A_654 = tpu.memref_slice %arg4[%add3A_215, %dma_start3A_653, %mul3A_217] : memref<50x32x16384xf32, #tpu.memory_space<hbm>> -> memref<1x32x1024xf32, #tpu.memory_space<hbm>>
      %dma_start3A_655 = tpu.memref_squeeze %dma_start3A_654 : memref<1x32x1024xf32, #tpu.memory_space<hbm>> -> memref<32x1024xf32, #tpu.memory_space<hbm>>
      %dma_start3A_656 = arith.constant 0 : i32
      %dma_start3A_657 = tpu.memref_slice %arg4[%add3A_215, %dma_start3A_656, %mul3A_217] : memref<50x32x16384xf32, #tpu.memory_space<hbm>> -> memref<1x32x1024xf32, #tpu.memory_space<hbm>>
      %dma_start3A_658 = tpu.memref_squeeze %dma_start3A_657 : memref<1x32x1024xf32, #tpu.memory_space<hbm>> -> memref<32x1024xf32, #tpu.memory_space<hbm>>
      tpu.enqueue_dma source(%arg8 : memref<32x1024xf32, #tpu.memory_space<vmem>>) target(%dma_start3A_658 : memref<32x1024xf32, #tpu.memory_space<hbm>>) target_semaphore(%run_scoped3A : memref<!tpu.dma_semaphore, #tpu.memory_space<semaphore_mem>>)
      %dma_wait3A_659 = arith.constant 0 : i32
      %dma_wait3A_660 = tpu.memref_slice %arg4[%add3A_215, %dma_wait3A_659, %mul3A_217] : memref<50x32x16384xf32, #tpu.memory_space<hbm>> -> memref<1x32x1024xf32, #tpu.memory_space<hbm>>
      %dma_wait3A_661 = tpu.memref_squeeze %dma_wait3A_660 : memref<1x32x1024xf32, #tpu.memory_space<hbm>> -> memref<32x1024xf32, #tpu.memory_space<hbm>>
      %dma_wait3A_662 = arith.constant 0 : i32
      %dma_wait3A_663 = tpu.memref_slice %arg4[%add3A_215, %dma_wait3A_662, %mul3A_217] : memref<50x32x16384xf32, #tpu.memory_space<hbm>> -> memref<1x32x1024xf32, #tpu.memory_space<hbm>>
      %dma_wait3A_664 = tpu.memref_squeeze %dma_wait3A_663 : memref<1x32x1024xf32, #tpu.memory_space<hbm>> -> memref<32x1024xf32, #tpu.memory_space<hbm>>
      tpu.wait_dma2 semaphore(%run_scoped3A : memref<!tpu.dma_semaphore, #tpu.memory_space<semaphore_mem>>) src(%arg8 : memref<32x1024xf32, #tpu.memory_space<vmem>>) dst(%dma_wait3A_664 : memref<32x1024xf32, #tpu.memory_space<hbm>>)
      tpu.yield
    }) : () -> ()
    %dma_start3A_218 = arith.constant 9 : i32
    %dma_start3A_219 = arith.constant 0 : i32
    %dma_start3A_220 = tpu.memref_slice %arg5[%dma_start3A_218, %dma_start3A_219] : memref<25x1024xi32, #tpu.memory_space<vmem>> -> memref<1x1024xi32, #tpu.memory_space<vmem>>
    %dma_start3A_221 = tpu.memref_squeeze %dma_start3A_220 : memref<1x1024xi32, #tpu.memory_space<vmem>> -> memref<1024xi32, #tpu.memory_space<vmem>>
    %dma_start3A_222 = arith.constant 0 : i32
    %dma_start3A_223 = arith.constant 0 : i32
    %dma_start3A_224 = tpu.memref_slice %arg3[%dma_start3A_222, %dma_start3A_223] : memref<1000000x32xf32, #tpu.memory_space<hbm>> -> memref<1000000x32xf32, #tpu.memory_space<hbm>>
    tpu.enqueue_indirect_dma source(%dma_start3A_224 : memref<1000000x32xf32, #tpu.memory_space<hbm>>) target(%arg7 : memref<1024x32xf32, #tpu.memory_space<vmem>>) offsets(%dma_start3A_221 : memref<1024xi32, #tpu.memory_space<vmem>>) semaphore(%arg11 : memref<!tpu.dma_semaphore, #tpu.memory_space<semaphore_mem>>)
    %dma_wait3A_225 = arith.constant 8 : i32
    %dma_wait3A_226 = arith.constant 0 : i32
    %dma_wait3A_227 = tpu.memref_slice %arg5[%dma_wait3A_225, %dma_wait3A_226] : memref<25x1024xi32, #tpu.memory_space<vmem>> -> memref<1x1024xi32, #tpu.memory_space<vmem>>
    %dma_wait3A_228 = tpu.memref_squeeze %dma_wait3A_227 : memref<1x1024xi32, #tpu.memory_space<vmem>> -> memref<1024xi32, #tpu.memory_space<vmem>>
    %dma_wait3A_229 = arith.constant 0 : i32
    %dma_wait3A_230 = arith.constant 0 : i32
    %dma_wait3A_231 = tpu.memref_slice %arg3[%dma_wait3A_229, %dma_wait3A_230] : memref<1000000x32xf32, #tpu.memory_space<hbm>> -> memref<1000000x32xf32, #tpu.memory_space<hbm>>
    tpu.wait_indirect_dma semaphore(%arg10 : memref<!tpu.dma_semaphore, #tpu.memory_space<semaphore_mem>>) src(%dma_wait3A_231 : memref<1000000x32xf32, #tpu.memory_space<hbm>>) dst(%arg6 : memref<1024x32xf32, #tpu.memory_space<vmem>>)
    %scan3A_232 = arith.constant 0 : i32
    %scan3A_233 = arith.constant 0 : i32
    %scan3A_234 = arith.constant 32 : i32
    %scan3A_235 = arith.addi %scan3A_233, %scan3A_234 : i32
    %scan3A_236 = arith.constant 1 : i32
    scf.for %scan3A_653 = %scan3A_233 to %scan3A_235 step %scan3A_236  : i32 {
      %broadcast_in_dim3A = vector.broadcast %scan3A_653 : i32 to vector<16xi32>
      %scan3A_654 = arith.constant 0 : i32
      %scan3A_655 = arith.constant 0 : i32
      %scan3A_656 = arith.constant 16 : i32
      %scan3A_657 = arith.addi %scan3A_655, %scan3A_656 : i32
      %scan3A_658 = arith.constant 1 : i32
      scf.for %scan3A_660 = %scan3A_655 to %scan3A_657 step %scan3A_658  : i32 {
        %mul3A_661 = arith.constant 4 : i32
        %mul3A_662 = arith.muli %scan3A_660, %mul3A_661 : i32
        %add3A_663 = arith.constant 0 : i32
        %add3A_664 = arith.addi %mul3A_662, %add3A_663 : i32
        %mul3A_665 = arith.constant 16 : i32
        %mul3A_666 = arith.muli %add3A_664, %mul3A_665 : i32
        %iota3A = tpu.iota {dimensions = array<i32: 0>} : vector<16xi32>
        %add3A_667 = vector.broadcast %mul3A_666 : i32 to vector<16xi32>
        %add3A_668 = arith.addi %add3A_667, %iota3A : vector<16xi32>
        %gather3A = tpu.vector_load_idx %arg6[%add3A_668, %broadcast_in_dim3A] : memref<1024x32xf32, #tpu.memory_space<vmem>>[vector<16xi32>, vector<16xi32>], vector<16xf32>,
        %mul3A_669 = arith.constant 4 : i32
        %mul3A_670 = arith.muli %scan3A_660, %mul3A_669 : i32
        %add3A_671 = arith.constant 0 : i32
        %add3A_672 = arith.addi %mul3A_670, %add3A_671 : i32
        %mul3A_673 = arith.constant 16 : i32
        %mul3A_674 = arith.muli %add3A_672, %mul3A_673 : i32
        %swap3A = arith.index_cast %scan3A_653 : i32 to index
        %swap3A_675 = arith.index_cast %mul3A_674 : i32 to index
        %swap3A_676 = tpu.vector_load %arg8[%swap3A, %swap3A_675] {strides = array<i32>} : memref<32x1024xf32, #tpu.memory_space<vmem>>, vector<16xf32>,
        tpu.vector_store %arg8[%swap3A, %swap3A_675], %gather3A {strides = array<i32>} : memref<32x1024xf32, #tpu.memory_space<vmem>>, vector<16xf32>,
        %mul3A_677 = arith.constant 4 : i32
        %mul3A_678 = arith.muli %scan3A_660, %mul3A_677 : i32
        %add3A_679 = arith.constant 1 : i32
        %add3A_680 = arith.addi %mul3A_678, %add3A_679 : i32
        %mul3A_681 = arith.constant 16 : i32
        %mul3A_682 = arith.muli %add3A_680, %mul3A_681 : i32
        %iota3A_683 = tpu.iota {dimensions = array<i32: 0>} : vector<16xi32>
        %add3A_684 = vector.broadcast %mul3A_682 : i32 to vector<16xi32>
        %add3A_685 = arith.addi %add3A_684, %iota3A_683 : vector<16xi32>
        %gather3A_686 = tpu.vector_load_idx %arg6[%add3A_685, %broadcast_in_dim3A] : memref<1024x32xf32, #tpu.memory_space<vmem>>[vector<16xi32>, vector<16xi32>], vector<16xf32>,
        %mul3A_687 = arith.constant 4 : i32
        %mul3A_688 = arith.muli %scan3A_660, %mul3A_687 : i32
        %add3A_689 = arith.constant 1 : i32
        %add3A_690 = arith.addi %mul3A_688, %add3A_689 : i32
        %mul3A_691 = arith.constant 16 : i32
        %mul3A_692 = arith.muli %add3A_690, %mul3A_691 : i32
        %swap3A_693 = arith.index_cast %scan3A_653 : i32 to index
        %swap3A_694 = arith.index_cast %mul3A_692 : i32 to index
        %swap3A_695 = tpu.vector_load %arg8[%swap3A_693, %swap3A_694] {strides = array<i32>} : memref<32x1024xf32, #tpu.memory_space<vmem>>, vector<16xf32>,
        tpu.vector_store %arg8[%swap3A_693, %swap3A_694], %gather3A_686 {strides = array<i32>} : memref<32x1024xf32, #tpu.memory_space<vmem>>, vector<16xf32>,
        %mul3A_696 = arith.constant 4 : i32
        %mul3A_697 = arith.muli %scan3A_660, %mul3A_696 : i32
        %add3A_698 = arith.constant 2 : i32
        %add3A_699 = arith.addi %mul3A_697, %add3A_698 : i32
        %mul3A_700 = arith.constant 16 : i32
        %mul3A_701 = arith.muli %add3A_699, %mul3A_700 : i32
        %iota3A_702 = tpu.iota {dimensions = array<i32: 0>} : vector<16xi32>
        %add3A_703 = vector.broadcast %mul3A_701 : i32 to vector<16xi32>
        %add3A_704 = arith.addi %add3A_703, %iota3A_702 : vector<16xi32>
        %gather3A_705 = tpu.vector_load_idx %arg6[%add3A_704, %broadcast_in_dim3A] : memref<1024x32xf32, #tpu.memory_space<vmem>>[vector<16xi32>, vector<16xi32>], vector<16xf32>,
        %mul3A_706 = arith.constant 4 : i32
        %mul3A_707 = arith.muli %scan3A_660, %mul3A_706 : i32
        %add3A_708 = arith.constant 2 : i32
        %add3A_709 = arith.addi %mul3A_707, %add3A_708 : i32
        %mul3A_710 = arith.constant 16 : i32
        %mul3A_711 = arith.muli %add3A_709, %mul3A_710 : i32
        %swap3A_712 = arith.index_cast %scan3A_653 : i32 to index
        %swap3A_713 = arith.index_cast %mul3A_711 : i32 to index
        %swap3A_714 = tpu.vector_load %arg8[%swap3A_712, %swap3A_713] {strides = array<i32>} : memref<32x1024xf32, #tpu.memory_space<vmem>>, vector<16xf32>,
        tpu.vector_store %arg8[%swap3A_712, %swap3A_713], %gather3A_705 {strides = array<i32>} : memref<32x1024xf32, #tpu.memory_space<vmem>>, vector<16xf32>,
        %mul3A_715 = arith.constant 4 : i32
        %mul3A_716 = arith.muli %scan3A_660, %mul3A_715 : i32
        %add3A_717 = arith.constant 3 : i32
        %add3A_718 = arith.addi %mul3A_716, %add3A_717 : i32
        %mul3A_719 = arith.constant 16 : i32
        %mul3A_720 = arith.muli %add3A_718, %mul3A_719 : i32
        %iota3A_721 = tpu.iota {dimensions = array<i32: 0>} : vector<16xi32>
        %add3A_722 = vector.broadcast %mul3A_720 : i32 to vector<16xi32>
        %add3A_723 = arith.addi %add3A_722, %iota3A_721 : vector<16xi32>
        %gather3A_724 = tpu.vector_load_idx %arg6[%add3A_723, %broadcast_in_dim3A] : memref<1024x32xf32, #tpu.memory_space<vmem>>[vector<16xi32>, vector<16xi32>], vector<16xf32>,
        %mul3A_725 = arith.constant 4 : i32
        %mul3A_726 = arith.muli %scan3A_660, %mul3A_725 : i32
        %add3A_727 = arith.constant 3 : i32
        %add3A_728 = arith.addi %mul3A_726, %add3A_727 : i32
        %mul3A_729 = arith.constant 16 : i32
        %mul3A_730 = arith.muli %add3A_728, %mul3A_729 : i32
        %swap3A_731 = arith.index_cast %scan3A_653 : i32 to index
        %swap3A_732 = arith.index_cast %mul3A_730 : i32 to index
        %swap3A_733 = tpu.vector_load %arg8[%swap3A_731, %swap3A_732] {strides = array<i32>} : memref<32x1024xf32, #tpu.memory_space<vmem>>, vector<16xf32>,
        tpu.vector_store %arg8[%swap3A_731, %swap3A_732], %gather3A_724 {strides = array<i32>} : memref<32x1024xf32, #tpu.memory_space<vmem>>, vector<16xf32>,
      }
      %scan3A_659 = arith.constant 16 : i32
    }
    %scan3A_237 = arith.constant 32 : i32
    %mul3A_238 = arith.constant 25 : i32
    %mul3A_239 = arith.muli %arg0, %mul3A_238 : i32
    %add3A_240 = arith.constant 8 : i32
    %add3A_241 = arith.addi %mul3A_239, %add3A_240 : i32
    %mul3A_242 = arith.constant 1024 : i32
    %mul3A_243 = arith.muli %arg1, %mul3A_242 : i32
    "tpu.region"() ({
      %run_scoped3A = tpu.sem_alloc : memref<!tpu.dma_semaphore, #tpu.memory_space<semaphore_mem>>
      %dma_start3A_653 = arith.constant 0 : i32
      %dma_start3A_654 = tpu.memref_slice %arg4[%add3A_241, %dma_start3A_653, %mul3A_243] : memref<50x32x16384xf32, #tpu.memory_space<hbm>> -> memref<1x32x1024xf32, #tpu.memory_space<hbm>>
      %dma_start3A_655 = tpu.memref_squeeze %dma_start3A_654 : memref<1x32x1024xf32, #tpu.memory_space<hbm>> -> memref<32x1024xf32, #tpu.memory_space<hbm>>
      %dma_start3A_656 = arith.constant 0 : i32
      %dma_start3A_657 = tpu.memref_slice %arg4[%add3A_241, %dma_start3A_656, %mul3A_243] : memref<50x32x16384xf32, #tpu.memory_space<hbm>> -> memref<1x32x1024xf32, #tpu.memory_space<hbm>>
      %dma_start3A_658 = tpu.memref_squeeze %dma_start3A_657 : memref<1x32x1024xf32, #tpu.memory_space<hbm>> -> memref<32x1024xf32, #tpu.memory_space<hbm>>
      tpu.enqueue_dma source(%arg8 : memref<32x1024xf32, #tpu.memory_space<vmem>>) target(%dma_start3A_658 : memref<32x1024xf32, #tpu.memory_space<hbm>>) target_semaphore(%run_scoped3A : memref<!tpu.dma_semaphore, #tpu.memory_space<semaphore_mem>>)
      %dma_wait3A_659 = arith.constant 0 : i32
      %dma_wait3A_660 = tpu.memref_slice %arg4[%add3A_241, %dma_wait3A_659, %mul3A_243] : memref<50x32x16384xf32, #tpu.memory_space<hbm>> -> memref<1x32x1024xf32, #tpu.memory_space<hbm>>
      %dma_wait3A_661 = tpu.memref_squeeze %dma_wait3A_660 : memref<1x32x1024xf32, #tpu.memory_space<hbm>> -> memref<32x1024xf32, #tpu.memory_space<hbm>>
      %dma_wait3A_662 = arith.constant 0 : i32
      %dma_wait3A_663 = tpu.memref_slice %arg4[%add3A_241, %dma_wait3A_662, %mul3A_243] : memref<50x32x16384xf32, #tpu.memory_space<hbm>> -> memref<1x32x1024xf32, #tpu.memory_space<hbm>>
      %dma_wait3A_664 = tpu.memref_squeeze %dma_wait3A_663 : memref<1x32x1024xf32, #tpu.memory_space<hbm>> -> memref<32x1024xf32, #tpu.memory_space<hbm>>
      tpu.wait_dma2 semaphore(%run_scoped3A : memref<!tpu.dma_semaphore, #tpu.memory_space<semaphore_mem>>) src(%arg8 : memref<32x1024xf32, #tpu.memory_space<vmem>>) dst(%dma_wait3A_664 : memref<32x1024xf32, #tpu.memory_space<hbm>>)
      tpu.yield
    }) : () -> ()
    %dma_start3A_244 = arith.constant 10 : i32
    %dma_start3A_245 = arith.constant 0 : i32
    %dma_start3A_246 = tpu.memref_slice %arg5[%dma_start3A_244, %dma_start3A_245] : memref<25x1024xi32, #tpu.memory_space<vmem>> -> memref<1x1024xi32, #tpu.memory_space<vmem>>
    %dma_start3A_247 = tpu.memref_squeeze %dma_start3A_246 : memref<1x1024xi32, #tpu.memory_space<vmem>> -> memref<1024xi32, #tpu.memory_space<vmem>>
    %dma_start3A_248 = arith.constant 0 : i32
    %dma_start3A_249 = arith.constant 0 : i32
    %dma_start3A_250 = tpu.memref_slice %arg3[%dma_start3A_248, %dma_start3A_249] : memref<1000000x32xf32, #tpu.memory_space<hbm>> -> memref<1000000x32xf32, #tpu.memory_space<hbm>>
    tpu.enqueue_indirect_dma source(%dma_start3A_250 : memref<1000000x32xf32, #tpu.memory_space<hbm>>) target(%arg6 : memref<1024x32xf32, #tpu.memory_space<vmem>>) offsets(%dma_start3A_247 : memref<1024xi32, #tpu.memory_space<vmem>>) semaphore(%arg10 : memref<!tpu.dma_semaphore, #tpu.memory_space<semaphore_mem>>)
    %dma_wait3A_251 = arith.constant 9 : i32
    %dma_wait3A_252 = arith.constant 0 : i32
    %dma_wait3A_253 = tpu.memref_slice %arg5[%dma_wait3A_251, %dma_wait3A_252] : memref<25x1024xi32, #tpu.memory_space<vmem>> -> memref<1x1024xi32, #tpu.memory_space<vmem>>
    %dma_wait3A_254 = tpu.memref_squeeze %dma_wait3A_253 : memref<1x1024xi32, #tpu.memory_space<vmem>> -> memref<1024xi32, #tpu.memory_space<vmem>>
    %dma_wait3A_255 = arith.constant 0 : i32
    %dma_wait3A_256 = arith.constant 0 : i32
    %dma_wait3A_257 = tpu.memref_slice %arg3[%dma_wait3A_255, %dma_wait3A_256] : memref<1000000x32xf32, #tpu.memory_space<hbm>> -> memref<1000000x32xf32, #tpu.memory_space<hbm>>
    tpu.wait_indirect_dma semaphore(%arg11 : memref<!tpu.dma_semaphore, #tpu.memory_space<semaphore_mem>>) src(%dma_wait3A_257 : memref<1000000x32xf32, #tpu.memory_space<hbm>>) dst(%arg7 : memref<1024x32xf32, #tpu.memory_space<vmem>>)
    %scan3A_258 = arith.constant 0 : i32
    %scan3A_259 = arith.constant 0 : i32
    %scan3A_260 = arith.constant 32 : i32
    %scan3A_261 = arith.addi %scan3A_259, %scan3A_260 : i32
    %scan3A_262 = arith.constant 1 : i32
    scf.for %scan3A_653 = %scan3A_259 to %scan3A_261 step %scan3A_262  : i32 {
      %broadcast_in_dim3A = vector.broadcast %scan3A_653 : i32 to vector<16xi32>
      %scan3A_654 = arith.constant 0 : i32
      %scan3A_655 = arith.constant 0 : i32
      %scan3A_656 = arith.constant 16 : i32
      %scan3A_657 = arith.addi %scan3A_655, %scan3A_656 : i32
      %scan3A_658 = arith.constant 1 : i32
      scf.for %scan3A_660 = %scan3A_655 to %scan3A_657 step %scan3A_658  : i32 {
        %mul3A_661 = arith.constant 4 : i32
        %mul3A_662 = arith.muli %scan3A_660, %mul3A_661 : i32
        %add3A_663 = arith.constant 0 : i32
        %add3A_664 = arith.addi %mul3A_662, %add3A_663 : i32
        %mul3A_665 = arith.constant 16 : i32
        %mul3A_666 = arith.muli %add3A_664, %mul3A_665 : i32
        %iota3A = tpu.iota {dimensions = array<i32: 0>} : vector<16xi32>
        %add3A_667 = vector.broadcast %mul3A_666 : i32 to vector<16xi32>
        %add3A_668 = arith.addi %add3A_667, %iota3A : vector<16xi32>
        %gather3A = tpu.vector_load_idx %arg7[%add3A_668, %broadcast_in_dim3A] : memref<1024x32xf32, #tpu.memory_space<vmem>>[vector<16xi32>, vector<16xi32>], vector<16xf32>,
        %mul3A_669 = arith.constant 4 : i32
        %mul3A_670 = arith.muli %scan3A_660, %mul3A_669 : i32
        %add3A_671 = arith.constant 0 : i32
        %add3A_672 = arith.addi %mul3A_670, %add3A_671 : i32
        %mul3A_673 = arith.constant 16 : i32
        %mul3A_674 = arith.muli %add3A_672, %mul3A_673 : i32
        %swap3A = arith.index_cast %scan3A_653 : i32 to index
        %swap3A_675 = arith.index_cast %mul3A_674 : i32 to index
        %swap3A_676 = tpu.vector_load %arg8[%swap3A, %swap3A_675] {strides = array<i32>} : memref<32x1024xf32, #tpu.memory_space<vmem>>, vector<16xf32>,
        tpu.vector_store %arg8[%swap3A, %swap3A_675], %gather3A {strides = array<i32>} : memref<32x1024xf32, #tpu.memory_space<vmem>>, vector<16xf32>,
        %mul3A_677 = arith.constant 4 : i32
        %mul3A_678 = arith.muli %scan3A_660, %mul3A_677 : i32
        %add3A_679 = arith.constant 1 : i32
        %add3A_680 = arith.addi %mul3A_678, %add3A_679 : i32
        %mul3A_681 = arith.constant 16 : i32
        %mul3A_682 = arith.muli %add3A_680, %mul3A_681 : i32
        %iota3A_683 = tpu.iota {dimensions = array<i32: 0>} : vector<16xi32>
        %add3A_684 = vector.broadcast %mul3A_682 : i32 to vector<16xi32>
        %add3A_685 = arith.addi %add3A_684, %iota3A_683 : vector<16xi32>
        %gather3A_686 = tpu.vector_load_idx %arg7[%add3A_685, %broadcast_in_dim3A] : memref<1024x32xf32, #tpu.memory_space<vmem>>[vector<16xi32>, vector<16xi32>], vector<16xf32>,
        %mul3A_687 = arith.constant 4 : i32
        %mul3A_688 = arith.muli %scan3A_660, %mul3A_687 : i32
        %add3A_689 = arith.constant 1 : i32
        %add3A_690 = arith.addi %mul3A_688, %add3A_689 : i32
        %mul3A_691 = arith.constant 16 : i32
        %mul3A_692 = arith.muli %add3A_690, %mul3A_691 : i32
        %swap3A_693 = arith.index_cast %scan3A_653 : i32 to index
        %swap3A_694 = arith.index_cast %mul3A_692 : i32 to index
        %swap3A_695 = tpu.vector_load %arg8[%swap3A_693, %swap3A_694] {strides = array<i32>} : memref<32x1024xf32, #tpu.memory_space<vmem>>, vector<16xf32>,
        tpu.vector_store %arg8[%swap3A_693, %swap3A_694], %gather3A_686 {strides = array<i32>} : memref<32x1024xf32, #tpu.memory_space<vmem>>, vector<16xf32>,
        %mul3A_696 = arith.constant 4 : i32
        %mul3A_697 = arith.muli %scan3A_660, %mul3A_696 : i32
        %add3A_698 = arith.constant 2 : i32
        %add3A_699 = arith.addi %mul3A_697, %add3A_698 : i32
        %mul3A_700 = arith.constant 16 : i32
        %mul3A_701 = arith.muli %add3A_699, %mul3A_700 : i32
        %iota3A_702 = tpu.iota {dimensions = array<i32: 0>} : vector<16xi32>
        %add3A_703 = vector.broadcast %mul3A_701 : i32 to vector<16xi32>
        %add3A_704 = arith.addi %add3A_703, %iota3A_702 : vector<16xi32>
        %gather3A_705 = tpu.vector_load_idx %arg7[%add3A_704, %broadcast_in_dim3A] : memref<1024x32xf32, #tpu.memory_space<vmem>>[vector<16xi32>, vector<16xi32>], vector<16xf32>,
        %mul3A_706 = arith.constant 4 : i32
        %mul3A_707 = arith.muli %scan3A_660, %mul3A_706 : i32
        %add3A_708 = arith.constant 2 : i32
        %add3A_709 = arith.addi %mul3A_707, %add3A_708 : i32
        %mul3A_710 = arith.constant 16 : i32
        %mul3A_711 = arith.muli %add3A_709, %mul3A_710 : i32
        %swap3A_712 = arith.index_cast %scan3A_653 : i32 to index
        %swap3A_713 = arith.index_cast %mul3A_711 : i32 to index
        %swap3A_714 = tpu.vector_load %arg8[%swap3A_712, %swap3A_713] {strides = array<i32>} : memref<32x1024xf32, #tpu.memory_space<vmem>>, vector<16xf32>,
        tpu.vector_store %arg8[%swap3A_712, %swap3A_713], %gather3A_705 {strides = array<i32>} : memref<32x1024xf32, #tpu.memory_space<vmem>>, vector<16xf32>,
        %mul3A_715 = arith.constant 4 : i32
        %mul3A_716 = arith.muli %scan3A_660, %mul3A_715 : i32
        %add3A_717 = arith.constant 3 : i32
        %add3A_718 = arith.addi %mul3A_716, %add3A_717 : i32
        %mul3A_719 = arith.constant 16 : i32
        %mul3A_720 = arith.muli %add3A_718, %mul3A_719 : i32
        %iota3A_721 = tpu.iota {dimensions = array<i32: 0>} : vector<16xi32>
        %add3A_722 = vector.broadcast %mul3A_720 : i32 to vector<16xi32>
        %add3A_723 = arith.addi %add3A_722, %iota3A_721 : vector<16xi32>
        %gather3A_724 = tpu.vector_load_idx %arg7[%add3A_723, %broadcast_in_dim3A] : memref<1024x32xf32, #tpu.memory_space<vmem>>[vector<16xi32>, vector<16xi32>], vector<16xf32>,
        %mul3A_725 = arith.constant 4 : i32
        %mul3A_726 = arith.muli %scan3A_660, %mul3A_725 : i32
        %add3A_727 = arith.constant 3 : i32
        %add3A_728 = arith.addi %mul3A_726, %add3A_727 : i32
        %mul3A_729 = arith.constant 16 : i32
        %mul3A_730 = arith.muli %add3A_728, %mul3A_729 : i32
        %swap3A_731 = arith.index_cast %scan3A_653 : i32 to index
        %swap3A_732 = arith.index_cast %mul3A_730 : i32 to index
        %swap3A_733 = tpu.vector_load %arg8[%swap3A_731, %swap3A_732] {strides = array<i32>} : memref<32x1024xf32, #tpu.memory_space<vmem>>, vector<16xf32>,
        tpu.vector_store %arg8[%swap3A_731, %swap3A_732], %gather3A_724 {strides = array<i32>} : memref<32x1024xf32, #tpu.memory_space<vmem>>, vector<16xf32>,
      }
      %scan3A_659 = arith.constant 16 : i32
    }
    %scan3A_263 = arith.constant 32 : i32
    %mul3A_264 = arith.constant 25 : i32
    %mul3A_265 = arith.muli %arg0, %mul3A_264 : i32
    %add3A_266 = arith.constant 9 : i32
    %add3A_267 = arith.addi %mul3A_265, %add3A_266 : i32
    %mul3A_268 = arith.constant 1024 : i32
    %mul3A_269 = arith.muli %arg1, %mul3A_268 : i32
    "tpu.region"() ({
      %run_scoped3A = tpu.sem_alloc : memref<!tpu.dma_semaphore, #tpu.memory_space<semaphore_mem>>
      %dma_start3A_653 = arith.constant 0 : i32
      %dma_start3A_654 = tpu.memref_slice %arg4[%add3A_267, %dma_start3A_653, %mul3A_269] : memref<50x32x16384xf32, #tpu.memory_space<hbm>> -> memref<1x32x1024xf32, #tpu.memory_space<hbm>>
      %dma_start3A_655 = tpu.memref_squeeze %dma_start3A_654 : memref<1x32x1024xf32, #tpu.memory_space<hbm>> -> memref<32x1024xf32, #tpu.memory_space<hbm>>
      %dma_start3A_656 = arith.constant 0 : i32
      %dma_start3A_657 = tpu.memref_slice %arg4[%add3A_267, %dma_start3A_656, %mul3A_269] : memref<50x32x16384xf32, #tpu.memory_space<hbm>> -> memref<1x32x1024xf32, #tpu.memory_space<hbm>>
      %dma_start3A_658 = tpu.memref_squeeze %dma_start3A_657 : memref<1x32x1024xf32, #tpu.memory_space<hbm>> -> memref<32x1024xf32, #tpu.memory_space<hbm>>
      tpu.enqueue_dma source(%arg8 : memref<32x1024xf32, #tpu.memory_space<vmem>>) target(%dma_start3A_658 : memref<32x1024xf32, #tpu.memory_space<hbm>>) target_semaphore(%run_scoped3A : memref<!tpu.dma_semaphore, #tpu.memory_space<semaphore_mem>>)
      %dma_wait3A_659 = arith.constant 0 : i32
      %dma_wait3A_660 = tpu.memref_slice %arg4[%add3A_267, %dma_wait3A_659, %mul3A_269] : memref<50x32x16384xf32, #tpu.memory_space<hbm>> -> memref<1x32x1024xf32, #tpu.memory_space<hbm>>
      %dma_wait3A_661 = tpu.memref_squeeze %dma_wait3A_660 : memref<1x32x1024xf32, #tpu.memory_space<hbm>> -> memref<32x1024xf32, #tpu.memory_space<hbm>>
      %dma_wait3A_662 = arith.constant 0 : i32
      %dma_wait3A_663 = tpu.memref_slice %arg4[%add3A_267, %dma_wait3A_662, %mul3A_269] : memref<50x32x16384xf32, #tpu.memory_space<hbm>> -> memref<1x32x1024xf32, #tpu.memory_space<hbm>>
      %dma_wait3A_664 = tpu.memref_squeeze %dma_wait3A_663 : memref<1x32x1024xf32, #tpu.memory_space<hbm>> -> memref<32x1024xf32, #tpu.memory_space<hbm>>
      tpu.wait_dma2 semaphore(%run_scoped3A : memref<!tpu.dma_semaphore, #tpu.memory_space<semaphore_mem>>) src(%arg8 : memref<32x1024xf32, #tpu.memory_space<vmem>>) dst(%dma_wait3A_664 : memref<32x1024xf32, #tpu.memory_space<hbm>>)
      tpu.yield
    }) : () -> ()
    %dma_start3A_270 = arith.constant 11 : i32
    %dma_start3A_271 = arith.constant 0 : i32
    %dma_start3A_272 = tpu.memref_slice %arg5[%dma_start3A_270, %dma_start3A_271] : memref<25x1024xi32, #tpu.memory_space<vmem>> -> memref<1x1024xi32, #tpu.memory_space<vmem>>
    %dma_start3A_273 = tpu.memref_squeeze %dma_start3A_272 : memref<1x1024xi32, #tpu.memory_space<vmem>> -> memref<1024xi32, #tpu.memory_space<vmem>>
    %dma_start3A_274 = arith.constant 0 : i32
    %dma_start3A_275 = arith.constant 0 : i32
    %dma_start3A_276 = tpu.memref_slice %arg3[%dma_start3A_274, %dma_start3A_275] : memref<1000000x32xf32, #tpu.memory_space<hbm>> -> memref<1000000x32xf32, #tpu.memory_space<hbm>>
    tpu.enqueue_indirect_dma source(%dma_start3A_276 : memref<1000000x32xf32, #tpu.memory_space<hbm>>) target(%arg7 : memref<1024x32xf32, #tpu.memory_space<vmem>>) offsets(%dma_start3A_273 : memref<1024xi32, #tpu.memory_space<vmem>>) semaphore(%arg11 : memref<!tpu.dma_semaphore, #tpu.memory_space<semaphore_mem>>)
    %dma_wait3A_277 = arith.constant 10 : i32
    %dma_wait3A_278 = arith.constant 0 : i32
    %dma_wait3A_279 = tpu.memref_slice %arg5[%dma_wait3A_277, %dma_wait3A_278] : memref<25x1024xi32, #tpu.memory_space<vmem>> -> memref<1x1024xi32, #tpu.memory_space<vmem>>
    %dma_wait3A_280 = tpu.memref_squeeze %dma_wait3A_279 : memref<1x1024xi32, #tpu.memory_space<vmem>> -> memref<1024xi32, #tpu.memory_space<vmem>>
    %dma_wait3A_281 = arith.constant 0 : i32
    %dma_wait3A_282 = arith.constant 0 : i32
    %dma_wait3A_283 = tpu.memref_slice %arg3[%dma_wait3A_281, %dma_wait3A_282] : memref<1000000x32xf32, #tpu.memory_space<hbm>> -> memref<1000000x32xf32, #tpu.memory_space<hbm>>
    tpu.wait_indirect_dma semaphore(%arg10 : memref<!tpu.dma_semaphore, #tpu.memory_space<semaphore_mem>>) src(%dma_wait3A_283 : memref<1000000x32xf32, #tpu.memory_space<hbm>>) dst(%arg6 : memref<1024x32xf32, #tpu.memory_space<vmem>>)
    %scan3A_284 = arith.constant 0 : i32
    %scan3A_285 = arith.constant 0 : i32
    %scan3A_286 = arith.constant 32 : i32
    %scan3A_287 = arith.addi %scan3A_285, %scan3A_286 : i32
    %scan3A_288 = arith.constant 1 : i32
    scf.for %scan3A_653 = %scan3A_285 to %scan3A_287 step %scan3A_288  : i32 {
      %broadcast_in_dim3A = vector.broadcast %scan3A_653 : i32 to vector<16xi32>
      %scan3A_654 = arith.constant 0 : i32
      %scan3A_655 = arith.constant 0 : i32
      %scan3A_656 = arith.constant 16 : i32
      %scan3A_657 = arith.addi %scan3A_655, %scan3A_656 : i32
      %scan3A_658 = arith.constant 1 : i32
      scf.for %scan3A_660 = %scan3A_655 to %scan3A_657 step %scan3A_658  : i32 {
        %mul3A_661 = arith.constant 4 : i32
        %mul3A_662 = arith.muli %scan3A_660, %mul3A_661 : i32
        %add3A_663 = arith.constant 0 : i32
        %add3A_664 = arith.addi %mul3A_662, %add3A_663 : i32
        %mul3A_665 = arith.constant 16 : i32
        %mul3A_666 = arith.muli %add3A_664, %mul3A_665 : i32
        %iota3A = tpu.iota {dimensions = array<i32: 0>} : vector<16xi32>
        %add3A_667 = vector.broadcast %mul3A_666 : i32 to vector<16xi32>
        %add3A_668 = arith.addi %add3A_667, %iota3A : vector<16xi32>
        %gather3A = tpu.vector_load_idx %arg6[%add3A_668, %broadcast_in_dim3A] : memref<1024x32xf32, #tpu.memory_space<vmem>>[vector<16xi32>, vector<16xi32>], vector<16xf32>,
        %mul3A_669 = arith.constant 4 : i32
        %mul3A_670 = arith.muli %scan3A_660, %mul3A_669 : i32
        %add3A_671 = arith.constant 0 : i32
        %add3A_672 = arith.addi %mul3A_670, %add3A_671 : i32
        %mul3A_673 = arith.constant 16 : i32
        %mul3A_674 = arith.muli %add3A_672, %mul3A_673 : i32
        %swap3A = arith.index_cast %scan3A_653 : i32 to index
        %swap3A_675 = arith.index_cast %mul3A_674 : i32 to index
        %swap3A_676 = tpu.vector_load %arg8[%swap3A, %swap3A_675] {strides = array<i32>} : memref<32x1024xf32, #tpu.memory_space<vmem>>, vector<16xf32>,
        tpu.vector_store %arg8[%swap3A, %swap3A_675], %gather3A {strides = array<i32>} : memref<32x1024xf32, #tpu.memory_space<vmem>>, vector<16xf32>,
        %mul3A_677 = arith.constant 4 : i32
        %mul3A_678 = arith.muli %scan3A_660, %mul3A_677 : i32
        %add3A_679 = arith.constant 1 : i32
        %add3A_680 = arith.addi %mul3A_678, %add3A_679 : i32
        %mul3A_681 = arith.constant 16 : i32
        %mul3A_682 = arith.muli %add3A_680, %mul3A_681 : i32
        %iota3A_683 = tpu.iota {dimensions = array<i32: 0>} : vector<16xi32>
        %add3A_684 = vector.broadcast %mul3A_682 : i32 to vector<16xi32>
        %add3A_685 = arith.addi %add3A_684, %iota3A_683 : vector<16xi32>
        %gather3A_686 = tpu.vector_load_idx %arg6[%add3A_685, %broadcast_in_dim3A] : memref<1024x32xf32, #tpu.memory_space<vmem>>[vector<16xi32>, vector<16xi32>], vector<16xf32>,
        %mul3A_687 = arith.constant 4 : i32
        %mul3A_688 = arith.muli %scan3A_660, %mul3A_687 : i32
        %add3A_689 = arith.constant 1 : i32
        %add3A_690 = arith.addi %mul3A_688, %add3A_689 : i32
        %mul3A_691 = arith.constant 16 : i32
        %mul3A_692 = arith.muli %add3A_690, %mul3A_691 : i32
        %swap3A_693 = arith.index_cast %scan3A_653 : i32 to index
        %swap3A_694 = arith.index_cast %mul3A_692 : i32 to index
        %swap3A_695 = tpu.vector_load %arg8[%swap3A_693, %swap3A_694] {strides = array<i32>} : memref<32x1024xf32, #tpu.memory_space<vmem>>, vector<16xf32>,
        tpu.vector_store %arg8[%swap3A_693, %swap3A_694], %gather3A_686 {strides = array<i32>} : memref<32x1024xf32, #tpu.memory_space<vmem>>, vector<16xf32>,
        %mul3A_696 = arith.constant 4 : i32
        %mul3A_697 = arith.muli %scan3A_660, %mul3A_696 : i32
        %add3A_698 = arith.constant 2 : i32
        %add3A_699 = arith.addi %mul3A_697, %add3A_698 : i32
        %mul3A_700 = arith.constant 16 : i32
        %mul3A_701 = arith.muli %add3A_699, %mul3A_700 : i32
        %iota3A_702 = tpu.iota {dimensions = array<i32: 0>} : vector<16xi32>
        %add3A_703 = vector.broadcast %mul3A_701 : i32 to vector<16xi32>
        %add3A_704 = arith.addi %add3A_703, %iota3A_702 : vector<16xi32>
        %gather3A_705 = tpu.vector_load_idx %arg6[%add3A_704, %broadcast_in_dim3A] : memref<1024x32xf32, #tpu.memory_space<vmem>>[vector<16xi32>, vector<16xi32>], vector<16xf32>,
        %mul3A_706 = arith.constant 4 : i32
        %mul3A_707 = arith.muli %scan3A_660, %mul3A_706 : i32
        %add3A_708 = arith.constant 2 : i32
        %add3A_709 = arith.addi %mul3A_707, %add3A_708 : i32
        %mul3A_710 = arith.constant 16 : i32
        %mul3A_711 = arith.muli %add3A_709, %mul3A_710 : i32
        %swap3A_712 = arith.index_cast %scan3A_653 : i32 to index
        %swap3A_713 = arith.index_cast %mul3A_711 : i32 to index
        %swap3A_714 = tpu.vector_load %arg8[%swap3A_712, %swap3A_713] {strides = array<i32>} : memref<32x1024xf32, #tpu.memory_space<vmem>>, vector<16xf32>,
        tpu.vector_store %arg8[%swap3A_712, %swap3A_713], %gather3A_705 {strides = array<i32>} : memref<32x1024xf32, #tpu.memory_space<vmem>>, vector<16xf32>,
        %mul3A_715 = arith.constant 4 : i32
        %mul3A_716 = arith.muli %scan3A_660, %mul3A_715 : i32
        %add3A_717 = arith.constant 3 : i32
        %add3A_718 = arith.addi %mul3A_716, %add3A_717 : i32
        %mul3A_719 = arith.constant 16 : i32
        %mul3A_720 = arith.muli %add3A_718, %mul3A_719 : i32
        %iota3A_721 = tpu.iota {dimensions = array<i32: 0>} : vector<16xi32>
        %add3A_722 = vector.broadcast %mul3A_720 : i32 to vector<16xi32>
        %add3A_723 = arith.addi %add3A_722, %iota3A_721 : vector<16xi32>
        %gather3A_724 = tpu.vector_load_idx %arg6[%add3A_723, %broadcast_in_dim3A] : memref<1024x32xf32, #tpu.memory_space<vmem>>[vector<16xi32>, vector<16xi32>], vector<16xf32>,
        %mul3A_725 = arith.constant 4 : i32
        %mul3A_726 = arith.muli %scan3A_660, %mul3A_725 : i32
        %add3A_727 = arith.constant 3 : i32
        %add3A_728 = arith.addi %mul3A_726, %add3A_727 : i32
        %mul3A_729 = arith.constant 16 : i32
        %mul3A_730 = arith.muli %add3A_728, %mul3A_729 : i32
        %swap3A_731 = arith.index_cast %scan3A_653 : i32 to index
        %swap3A_732 = arith.index_cast %mul3A_730 : i32 to index
        %swap3A_733 = tpu.vector_load %arg8[%swap3A_731, %swap3A_732] {strides = array<i32>} : memref<32x1024xf32, #tpu.memory_space<vmem>>, vector<16xf32>,
        tpu.vector_store %arg8[%swap3A_731, %swap3A_732], %gather3A_724 {strides = array<i32>} : memref<32x1024xf32, #tpu.memory_space<vmem>>, vector<16xf32>,
      }
      %scan3A_659 = arith.constant 16 : i32
    }
    %scan3A_289 = arith.constant 32 : i32
    %mul3A_290 = arith.constant 25 : i32
    %mul3A_291 = arith.muli %arg0, %mul3A_290 : i32
    %add3A_292 = arith.constant 10 : i32
    %add3A_293 = arith.addi %mul3A_291, %add3A_292 : i32
    %mul3A_294 = arith.constant 1024 : i32
    %mul3A_295 = arith.muli %arg1, %mul3A_294 : i32
    "tpu.region"() ({
      %run_scoped3A = tpu.sem_alloc : memref<!tpu.dma_semaphore, #tpu.memory_space<semaphore_mem>>
      %dma_start3A_653 = arith.constant 0 : i32
      %dma_start3A_654 = tpu.memref_slice %arg4[%add3A_293, %dma_start3A_653, %mul3A_295] : memref<50x32x16384xf32, #tpu.memory_space<hbm>> -> memref<1x32x1024xf32, #tpu.memory_space<hbm>>
      %dma_start3A_655 = tpu.memref_squeeze %dma_start3A_654 : memref<1x32x1024xf32, #tpu.memory_space<hbm>> -> memref<32x1024xf32, #tpu.memory_space<hbm>>
      %dma_start3A_656 = arith.constant 0 : i32
      %dma_start3A_657 = tpu.memref_slice %arg4[%add3A_293, %dma_start3A_656, %mul3A_295] : memref<50x32x16384xf32, #tpu.memory_space<hbm>> -> memref<1x32x1024xf32, #tpu.memory_space<hbm>>
      %dma_start3A_658 = tpu.memref_squeeze %dma_start3A_657 : memref<1x32x1024xf32, #tpu.memory_space<hbm>> -> memref<32x1024xf32, #tpu.memory_space<hbm>>
      tpu.enqueue_dma source(%arg8 : memref<32x1024xf32, #tpu.memory_space<vmem>>) target(%dma_start3A_658 : memref<32x1024xf32, #tpu.memory_space<hbm>>) target_semaphore(%run_scoped3A : memref<!tpu.dma_semaphore, #tpu.memory_space<semaphore_mem>>)
      %dma_wait3A_659 = arith.constant 0 : i32
      %dma_wait3A_660 = tpu.memref_slice %arg4[%add3A_293, %dma_wait3A_659, %mul3A_295] : memref<50x32x16384xf32, #tpu.memory_space<hbm>> -> memref<1x32x1024xf32, #tpu.memory_space<hbm>>
      %dma_wait3A_661 = tpu.memref_squeeze %dma_wait3A_660 : memref<1x32x1024xf32, #tpu.memory_space<hbm>> -> memref<32x1024xf32, #tpu.memory_space<hbm>>
      %dma_wait3A_662 = arith.constant 0 : i32
      %dma_wait3A_663 = tpu.memref_slice %arg4[%add3A_293, %dma_wait3A_662, %mul3A_295] : memref<50x32x16384xf32, #tpu.memory_space<hbm>> -> memref<1x32x1024xf32, #tpu.memory_space<hbm>>
      %dma_wait3A_664 = tpu.memref_squeeze %dma_wait3A_663 : memref<1x32x1024xf32, #tpu.memory_space<hbm>> -> memref<32x1024xf32, #tpu.memory_space<hbm>>
      tpu.wait_dma2 semaphore(%run_scoped3A : memref<!tpu.dma_semaphore, #tpu.memory_space<semaphore_mem>>) src(%arg8 : memref<32x1024xf32, #tpu.memory_space<vmem>>) dst(%dma_wait3A_664 : memref<32x1024xf32, #tpu.memory_space<hbm>>)
      tpu.yield
    }) : () -> ()
    %dma_start3A_296 = arith.constant 12 : i32
    %dma_start3A_297 = arith.constant 0 : i32
    %dma_start3A_298 = tpu.memref_slice %arg5[%dma_start3A_296, %dma_start3A_297] : memref<25x1024xi32, #tpu.memory_space<vmem>> -> memref<1x1024xi32, #tpu.memory_space<vmem>>
    %dma_start3A_299 = tpu.memref_squeeze %dma_start3A_298 : memref<1x1024xi32, #tpu.memory_space<vmem>> -> memref<1024xi32, #tpu.memory_space<vmem>>
    %dma_start3A_300 = arith.constant 0 : i32
    %dma_start3A_301 = arith.constant 0 : i32
    %dma_start3A_302 = tpu.memref_slice %arg3[%dma_start3A_300, %dma_start3A_301] : memref<1000000x32xf32, #tpu.memory_space<hbm>> -> memref<1000000x32xf32, #tpu.memory_space<hbm>>
    tpu.enqueue_indirect_dma source(%dma_start3A_302 : memref<1000000x32xf32, #tpu.memory_space<hbm>>) target(%arg6 : memref<1024x32xf32, #tpu.memory_space<vmem>>) offsets(%dma_start3A_299 : memref<1024xi32, #tpu.memory_space<vmem>>) semaphore(%arg10 : memref<!tpu.dma_semaphore, #tpu.memory_space<semaphore_mem>>)
    %dma_wait3A_303 = arith.constant 11 : i32
    %dma_wait3A_304 = arith.constant 0 : i32
    %dma_wait3A_305 = tpu.memref_slice %arg5[%dma_wait3A_303, %dma_wait3A_304] : memref<25x1024xi32, #tpu.memory_space<vmem>> -> memref<1x1024xi32, #tpu.memory_space<vmem>>
    %dma_wait3A_306 = tpu.memref_squeeze %dma_wait3A_305 : memref<1x1024xi32, #tpu.memory_space<vmem>> -> memref<1024xi32, #tpu.memory_space<vmem>>
    %dma_wait3A_307 = arith.constant 0 : i32
    %dma_wait3A_308 = arith.constant 0 : i32
    %dma_wait3A_309 = tpu.memref_slice %arg3[%dma_wait3A_307, %dma_wait3A_308] : memref<1000000x32xf32, #tpu.memory_space<hbm>> -> memref<1000000x32xf32, #tpu.memory_space<hbm>>
    tpu.wait_indirect_dma semaphore(%arg11 : memref<!tpu.dma_semaphore, #tpu.memory_space<semaphore_mem>>) src(%dma_wait3A_309 : memref<1000000x32xf32, #tpu.memory_space<hbm>>) dst(%arg7 : memref<1024x32xf32, #tpu.memory_space<vmem>>)
    %scan3A_310 = arith.constant 0 : i32
    %scan3A_311 = arith.constant 0 : i32
    %scan3A_312 = arith.constant 32 : i32
    %scan3A_313 = arith.addi %scan3A_311, %scan3A_312 : i32
    %scan3A_314 = arith.constant 1 : i32
    scf.for %scan3A_653 = %scan3A_311 to %scan3A_313 step %scan3A_314  : i32 {
      %broadcast_in_dim3A = vector.broadcast %scan3A_653 : i32 to vector<16xi32>
      %scan3A_654 = arith.constant 0 : i32
      %scan3A_655 = arith.constant 0 : i32
      %scan3A_656 = arith.constant 16 : i32
      %scan3A_657 = arith.addi %scan3A_655, %scan3A_656 : i32
      %scan3A_658 = arith.constant 1 : i32
      scf.for %scan3A_660 = %scan3A_655 to %scan3A_657 step %scan3A_658  : i32 {
        %mul3A_661 = arith.constant 4 : i32
        %mul3A_662 = arith.muli %scan3A_660, %mul3A_661 : i32
        %add3A_663 = arith.constant 0 : i32
        %add3A_664 = arith.addi %mul3A_662, %add3A_663 : i32
        %mul3A_665 = arith.constant 16 : i32
        %mul3A_666 = arith.muli %add3A_664, %mul3A_665 : i32
        %iota3A = tpu.iota {dimensions = array<i32: 0>} : vector<16xi32>
        %add3A_667 = vector.broadcast %mul3A_666 : i32 to vector<16xi32>
        %add3A_668 = arith.addi %add3A_667, %iota3A : vector<16xi32>
        %gather3A = tpu.vector_load_idx %arg7[%add3A_668, %broadcast_in_dim3A] : memref<1024x32xf32, #tpu.memory_space<vmem>>[vector<16xi32>, vector<16xi32>], vector<16xf32>,
        %mul3A_669 = arith.constant 4 : i32
        %mul3A_670 = arith.muli %scan3A_660, %mul3A_669 : i32
        %add3A_671 = arith.constant 0 : i32
        %add3A_672 = arith.addi %mul3A_670, %add3A_671 : i32
        %mul3A_673 = arith.constant 16 : i32
        %mul3A_674 = arith.muli %add3A_672, %mul3A_673 : i32
        %swap3A = arith.index_cast %scan3A_653 : i32 to index
        %swap3A_675 = arith.index_cast %mul3A_674 : i32 to index
        %swap3A_676 = tpu.vector_load %arg8[%swap3A, %swap3A_675] {strides = array<i32>} : memref<32x1024xf32, #tpu.memory_space<vmem>>, vector<16xf32>,
        tpu.vector_store %arg8[%swap3A, %swap3A_675], %gather3A {strides = array<i32>} : memref<32x1024xf32, #tpu.memory_space<vmem>>, vector<16xf32>,
        %mul3A_677 = arith.constant 4 : i32
        %mul3A_678 = arith.muli %scan3A_660, %mul3A_677 : i32
        %add3A_679 = arith.constant 1 : i32
        %add3A_680 = arith.addi %mul3A_678, %add3A_679 : i32
        %mul3A_681 = arith.constant 16 : i32
        %mul3A_682 = arith.muli %add3A_680, %mul3A_681 : i32
        %iota3A_683 = tpu.iota {dimensions = array<i32: 0>} : vector<16xi32>
        %add3A_684 = vector.broadcast %mul3A_682 : i32 to vector<16xi32>
        %add3A_685 = arith.addi %add3A_684, %iota3A_683 : vector<16xi32>
        %gather3A_686 = tpu.vector_load_idx %arg7[%add3A_685, %broadcast_in_dim3A] : memref<1024x32xf32, #tpu.memory_space<vmem>>[vector<16xi32>, vector<16xi32>], vector<16xf32>,
        %mul3A_687 = arith.constant 4 : i32
        %mul3A_688 = arith.muli %scan3A_660, %mul3A_687 : i32
        %add3A_689 = arith.constant 1 : i32
        %add3A_690 = arith.addi %mul3A_688, %add3A_689 : i32
        %mul3A_691 = arith.constant 16 : i32
        %mul3A_692 = arith.muli %add3A_690, %mul3A_691 : i32
        %swap3A_693 = arith.index_cast %scan3A_653 : i32 to index
        %swap3A_694 = arith.index_cast %mul3A_692 : i32 to index
        %swap3A_695 = tpu.vector_load %arg8[%swap3A_693, %swap3A_694] {strides = array<i32>} : memref<32x1024xf32, #tpu.memory_space<vmem>>, vector<16xf32>,
        tpu.vector_store %arg8[%swap3A_693, %swap3A_694], %gather3A_686 {strides = array<i32>} : memref<32x1024xf32, #tpu.memory_space<vmem>>, vector<16xf32>,
        %mul3A_696 = arith.constant 4 : i32
        %mul3A_697 = arith.muli %scan3A_660, %mul3A_696 : i32
        %add3A_698 = arith.constant 2 : i32
        %add3A_699 = arith.addi %mul3A_697, %add3A_698 : i32
        %mul3A_700 = arith.constant 16 : i32
        %mul3A_701 = arith.muli %add3A_699, %mul3A_700 : i32
        %iota3A_702 = tpu.iota {dimensions = array<i32: 0>} : vector<16xi32>
        %add3A_703 = vector.broadcast %mul3A_701 : i32 to vector<16xi32>
        %add3A_704 = arith.addi %add3A_703, %iota3A_702 : vector<16xi32>
        %gather3A_705 = tpu.vector_load_idx %arg7[%add3A_704, %broadcast_in_dim3A] : memref<1024x32xf32, #tpu.memory_space<vmem>>[vector<16xi32>, vector<16xi32>], vector<16xf32>,
        %mul3A_706 = arith.constant 4 : i32
        %mul3A_707 = arith.muli %scan3A_660, %mul3A_706 : i32
        %add3A_708 = arith.constant 2 : i32
        %add3A_709 = arith.addi %mul3A_707, %add3A_708 : i32
        %mul3A_710 = arith.constant 16 : i32
        %mul3A_711 = arith.muli %add3A_709, %mul3A_710 : i32
        %swap3A_712 = arith.index_cast %scan3A_653 : i32 to index
        %swap3A_713 = arith.index_cast %mul3A_711 : i32 to index
        %swap3A_714 = tpu.vector_load %arg8[%swap3A_712, %swap3A_713] {strides = array<i32>} : memref<32x1024xf32, #tpu.memory_space<vmem>>, vector<16xf32>,
        tpu.vector_store %arg8[%swap3A_712, %swap3A_713], %gather3A_705 {strides = array<i32>} : memref<32x1024xf32, #tpu.memory_space<vmem>>, vector<16xf32>,
        %mul3A_715 = arith.constant 4 : i32
        %mul3A_716 = arith.muli %scan3A_660, %mul3A_715 : i32
        %add3A_717 = arith.constant 3 : i32
        %add3A_718 = arith.addi %mul3A_716, %add3A_717 : i32
        %mul3A_719 = arith.constant 16 : i32
        %mul3A_720 = arith.muli %add3A_718, %mul3A_719 : i32
        %iota3A_721 = tpu.iota {dimensions = array<i32: 0>} : vector<16xi32>
        %add3A_722 = vector.broadcast %mul3A_720 : i32 to vector<16xi32>
        %add3A_723 = arith.addi %add3A_722, %iota3A_721 : vector<16xi32>
        %gather3A_724 = tpu.vector_load_idx %arg7[%add3A_723, %broadcast_in_dim3A] : memref<1024x32xf32, #tpu.memory_space<vmem>>[vector<16xi32>, vector<16xi32>], vector<16xf32>,
        %mul3A_725 = arith.constant 4 : i32
        %mul3A_726 = arith.muli %scan3A_660, %mul3A_725 : i32
        %add3A_727 = arith.constant 3 : i32
        %add3A_728 = arith.addi %mul3A_726, %add3A_727 : i32
        %mul3A_729 = arith.constant 16 : i32
        %mul3A_730 = arith.muli %add3A_728, %mul3A_729 : i32
        %swap3A_731 = arith.index_cast %scan3A_653 : i32 to index
        %swap3A_732 = arith.index_cast %mul3A_730 : i32 to index
        %swap3A_733 = tpu.vector_load %arg8[%swap3A_731, %swap3A_732] {strides = array<i32>} : memref<32x1024xf32, #tpu.memory_space<vmem>>, vector<16xf32>,
        tpu.vector_store %arg8[%swap3A_731, %swap3A_732], %gather3A_724 {strides = array<i32>} : memref<32x1024xf32, #tpu.memory_space<vmem>>, vector<16xf32>,
      }
      %scan3A_659 = arith.constant 16 : i32
    }
    %scan3A_315 = arith.constant 32 : i32
    %mul3A_316 = arith.constant 25 : i32
    %mul3A_317 = arith.muli %arg0, %mul3A_316 : i32
    %add3A_318 = arith.constant 11 : i32
    %add3A_319 = arith.addi %mul3A_317, %add3A_318 : i32
    %mul3A_320 = arith.constant 1024 : i32
    %mul3A_321 = arith.muli %arg1, %mul3A_320 : i32
    "tpu.region"() ({
      %run_scoped3A = tpu.sem_alloc : memref<!tpu.dma_semaphore, #tpu.memory_space<semaphore_mem>>
      %dma_start3A_653 = arith.constant 0 : i32
      %dma_start3A_654 = tpu.memref_slice %arg4[%add3A_319, %dma_start3A_653, %mul3A_321] : memref<50x32x16384xf32, #tpu.memory_space<hbm>> -> memref<1x32x1024xf32, #tpu.memory_space<hbm>>
      %dma_start3A_655 = tpu.memref_squeeze %dma_start3A_654 : memref<1x32x1024xf32, #tpu.memory_space<hbm>> -> memref<32x1024xf32, #tpu.memory_space<hbm>>
      %dma_start3A_656 = arith.constant 0 : i32
      %dma_start3A_657 = tpu.memref_slice %arg4[%add3A_319, %dma_start3A_656, %mul3A_321] : memref<50x32x16384xf32, #tpu.memory_space<hbm>> -> memref<1x32x1024xf32, #tpu.memory_space<hbm>>
      %dma_start3A_658 = tpu.memref_squeeze %dma_start3A_657 : memref<1x32x1024xf32, #tpu.memory_space<hbm>> -> memref<32x1024xf32, #tpu.memory_space<hbm>>
      tpu.enqueue_dma source(%arg8 : memref<32x1024xf32, #tpu.memory_space<vmem>>) target(%dma_start3A_658 : memref<32x1024xf32, #tpu.memory_space<hbm>>) target_semaphore(%run_scoped3A : memref<!tpu.dma_semaphore, #tpu.memory_space<semaphore_mem>>)
      %dma_wait3A_659 = arith.constant 0 : i32
      %dma_wait3A_660 = tpu.memref_slice %arg4[%add3A_319, %dma_wait3A_659, %mul3A_321] : memref<50x32x16384xf32, #tpu.memory_space<hbm>> -> memref<1x32x1024xf32, #tpu.memory_space<hbm>>
      %dma_wait3A_661 = tpu.memref_squeeze %dma_wait3A_660 : memref<1x32x1024xf32, #tpu.memory_space<hbm>> -> memref<32x1024xf32, #tpu.memory_space<hbm>>
      %dma_wait3A_662 = arith.constant 0 : i32
      %dma_wait3A_663 = tpu.memref_slice %arg4[%add3A_319, %dma_wait3A_662, %mul3A_321] : memref<50x32x16384xf32, #tpu.memory_space<hbm>> -> memref<1x32x1024xf32, #tpu.memory_space<hbm>>
      %dma_wait3A_664 = tpu.memref_squeeze %dma_wait3A_663 : memref<1x32x1024xf32, #tpu.memory_space<hbm>> -> memref<32x1024xf32, #tpu.memory_space<hbm>>
      tpu.wait_dma2 semaphore(%run_scoped3A : memref<!tpu.dma_semaphore, #tpu.memory_space<semaphore_mem>>) src(%arg8 : memref<32x1024xf32, #tpu.memory_space<vmem>>) dst(%dma_wait3A_664 : memref<32x1024xf32, #tpu.memory_space<hbm>>)
      tpu.yield
    }) : () -> ()
    %dma_start3A_322 = arith.constant 13 : i32
    %dma_start3A_323 = arith.constant 0 : i32
    %dma_start3A_324 = tpu.memref_slice %arg5[%dma_start3A_322, %dma_start3A_323] : memref<25x1024xi32, #tpu.memory_space<vmem>> -> memref<1x1024xi32, #tpu.memory_space<vmem>>
    %dma_start3A_325 = tpu.memref_squeeze %dma_start3A_324 : memref<1x1024xi32, #tpu.memory_space<vmem>> -> memref<1024xi32, #tpu.memory_space<vmem>>
    %dma_start3A_326 = arith.constant 0 : i32
    %dma_start3A_327 = arith.constant 0 : i32
    %dma_start3A_328 = tpu.memref_slice %arg3[%dma_start3A_326, %dma_start3A_327] : memref<1000000x32xf32, #tpu.memory_space<hbm>> -> memref<1000000x32xf32, #tpu.memory_space<hbm>>
    tpu.enqueue_indirect_dma source(%dma_start3A_328 : memref<1000000x32xf32, #tpu.memory_space<hbm>>) target(%arg7 : memref<1024x32xf32, #tpu.memory_space<vmem>>) offsets(%dma_start3A_325 : memref<1024xi32, #tpu.memory_space<vmem>>) semaphore(%arg11 : memref<!tpu.dma_semaphore, #tpu.memory_space<semaphore_mem>>)
    %dma_wait3A_329 = arith.constant 12 : i32
    %dma_wait3A_330 = arith.constant 0 : i32
    %dma_wait3A_331 = tpu.memref_slice %arg5[%dma_wait3A_329, %dma_wait3A_330] : memref<25x1024xi32, #tpu.memory_space<vmem>> -> memref<1x1024xi32, #tpu.memory_space<vmem>>
    %dma_wait3A_332 = tpu.memref_squeeze %dma_wait3A_331 : memref<1x1024xi32, #tpu.memory_space<vmem>> -> memref<1024xi32, #tpu.memory_space<vmem>>
    %dma_wait3A_333 = arith.constant 0 : i32
    %dma_wait3A_334 = arith.constant 0 : i32
    %dma_wait3A_335 = tpu.memref_slice %arg3[%dma_wait3A_333, %dma_wait3A_334] : memref<1000000x32xf32, #tpu.memory_space<hbm>> -> memref<1000000x32xf32, #tpu.memory_space<hbm>>
    tpu.wait_indirect_dma semaphore(%arg10 : memref<!tpu.dma_semaphore, #tpu.memory_space<semaphore_mem>>) src(%dma_wait3A_335 : memref<1000000x32xf32, #tpu.memory_space<hbm>>) dst(%arg6 : memref<1024x32xf32, #tpu.memory_space<vmem>>)
    %scan3A_336 = arith.constant 0 : i32
    %scan3A_337 = arith.constant 0 : i32
    %scan3A_338 = arith.constant 32 : i32
    %scan3A_339 = arith.addi %scan3A_337, %scan3A_338 : i32
    %scan3A_340 = arith.constant 1 : i32
    scf.for %scan3A_653 = %scan3A_337 to %scan3A_339 step %scan3A_340  : i32 {
      %broadcast_in_dim3A = vector.broadcast %scan3A_653 : i32 to vector<16xi32>
      %scan3A_654 = arith.constant 0 : i32
      %scan3A_655 = arith.constant 0 : i32
      %scan3A_656 = arith.constant 16 : i32
      %scan3A_657 = arith.addi %scan3A_655, %scan3A_656 : i32
      %scan3A_658 = arith.constant 1 : i32
      scf.for %scan3A_660 = %scan3A_655 to %scan3A_657 step %scan3A_658  : i32 {
        %mul3A_661 = arith.constant 4 : i32
        %mul3A_662 = arith.muli %scan3A_660, %mul3A_661 : i32
        %add3A_663 = arith.constant 0 : i32
        %add3A_664 = arith.addi %mul3A_662, %add3A_663 : i32
        %mul3A_665 = arith.constant 16 : i32
        %mul3A_666 = arith.muli %add3A_664, %mul3A_665 : i32
        %iota3A = tpu.iota {dimensions = array<i32: 0>} : vector<16xi32>
        %add3A_667 = vector.broadcast %mul3A_666 : i32 to vector<16xi32>
        %add3A_668 = arith.addi %add3A_667, %iota3A : vector<16xi32>
        %gather3A = tpu.vector_load_idx %arg6[%add3A_668, %broadcast_in_dim3A] : memref<1024x32xf32, #tpu.memory_space<vmem>>[vector<16xi32>, vector<16xi32>], vector<16xf32>,
        %mul3A_669 = arith.constant 4 : i32
        %mul3A_670 = arith.muli %scan3A_660, %mul3A_669 : i32
        %add3A_671 = arith.constant 0 : i32
        %add3A_672 = arith.addi %mul3A_670, %add3A_671 : i32
        %mul3A_673 = arith.constant 16 : i32
        %mul3A_674 = arith.muli %add3A_672, %mul3A_673 : i32
        %swap3A = arith.index_cast %scan3A_653 : i32 to index
        %swap3A_675 = arith.index_cast %mul3A_674 : i32 to index
        %swap3A_676 = tpu.vector_load %arg8[%swap3A, %swap3A_675] {strides = array<i32>} : memref<32x1024xf32, #tpu.memory_space<vmem>>, vector<16xf32>,
        tpu.vector_store %arg8[%swap3A, %swap3A_675], %gather3A {strides = array<i32>} : memref<32x1024xf32, #tpu.memory_space<vmem>>, vector<16xf32>,
        %mul3A_677 = arith.constant 4 : i32
        %mul3A_678 = arith.muli %scan3A_660, %mul3A_677 : i32
        %add3A_679 = arith.constant 1 : i32
        %add3A_680 = arith.addi %mul3A_678, %add3A_679 : i32
        %mul3A_681 = arith.constant 16 : i32
        %mul3A_682 = arith.muli %add3A_680, %mul3A_681 : i32
        %iota3A_683 = tpu.iota {dimensions = array<i32: 0>} : vector<16xi32>
        %add3A_684 = vector.broadcast %mul3A_682 : i32 to vector<16xi32>
        %add3A_685 = arith.addi %add3A_684, %iota3A_683 : vector<16xi32>
        %gather3A_686 = tpu.vector_load_idx %arg6[%add3A_685, %broadcast_in_dim3A] : memref<1024x32xf32, #tpu.memory_space<vmem>>[vector<16xi32>, vector<16xi32>], vector<16xf32>,
        %mul3A_687 = arith.constant 4 : i32
        %mul3A_688 = arith.muli %scan3A_660, %mul3A_687 : i32
        %add3A_689 = arith.constant 1 : i32
        %add3A_690 = arith.addi %mul3A_688, %add3A_689 : i32
        %mul3A_691 = arith.constant 16 : i32
        %mul3A_692 = arith.muli %add3A_690, %mul3A_691 : i32
        %swap3A_693 = arith.index_cast %scan3A_653 : i32 to index
        %swap3A_694 = arith.index_cast %mul3A_692 : i32 to index
        %swap3A_695 = tpu.vector_load %arg8[%swap3A_693, %swap3A_694] {strides = array<i32>} : memref<32x1024xf32, #tpu.memory_space<vmem>>, vector<16xf32>,
        tpu.vector_store %arg8[%swap3A_693, %swap3A_694], %gather3A_686 {strides = array<i32>} : memref<32x1024xf32, #tpu.memory_space<vmem>>, vector<16xf32>,
        %mul3A_696 = arith.constant 4 : i32
        %mul3A_697 = arith.muli %scan3A_660, %mul3A_696 : i32
        %add3A_698 = arith.constant 2 : i32
        %add3A_699 = arith.addi %mul3A_697, %add3A_698 : i32
        %mul3A_700 = arith.constant 16 : i32
        %mul3A_701 = arith.muli %add3A_699, %mul3A_700 : i32
        %iota3A_702 = tpu.iota {dimensions = array<i32: 0>} : vector<16xi32>
        %add3A_703 = vector.broadcast %mul3A_701 : i32 to vector<16xi32>
        %add3A_704 = arith.addi %add3A_703, %iota3A_702 : vector<16xi32>
        %gather3A_705 = tpu.vector_load_idx %arg6[%add3A_704, %broadcast_in_dim3A] : memref<1024x32xf32, #tpu.memory_space<vmem>>[vector<16xi32>, vector<16xi32>], vector<16xf32>,
        %mul3A_706 = arith.constant 4 : i32
        %mul3A_707 = arith.muli %scan3A_660, %mul3A_706 : i32
        %add3A_708 = arith.constant 2 : i32
        %add3A_709 = arith.addi %mul3A_707, %add3A_708 : i32
        %mul3A_710 = arith.constant 16 : i32
        %mul3A_711 = arith.muli %add3A_709, %mul3A_710 : i32
        %swap3A_712 = arith.index_cast %scan3A_653 : i32 to index
        %swap3A_713 = arith.index_cast %mul3A_711 : i32 to index
        %swap3A_714 = tpu.vector_load %arg8[%swap3A_712, %swap3A_713] {strides = array<i32>} : memref<32x1024xf32, #tpu.memory_space<vmem>>, vector<16xf32>,
        tpu.vector_store %arg8[%swap3A_712, %swap3A_713], %gather3A_705 {strides = array<i32>} : memref<32x1024xf32, #tpu.memory_space<vmem>>, vector<16xf32>,
        %mul3A_715 = arith.constant 4 : i32
        %mul3A_716 = arith.muli %scan3A_660, %mul3A_715 : i32
        %add3A_717 = arith.constant 3 : i32
        %add3A_718 = arith.addi %mul3A_716, %add3A_717 : i32
        %mul3A_719 = arith.constant 16 : i32
        %mul3A_720 = arith.muli %add3A_718, %mul3A_719 : i32
        %iota3A_721 = tpu.iota {dimensions = array<i32: 0>} : vector<16xi32>
        %add3A_722 = vector.broadcast %mul3A_720 : i32 to vector<16xi32>
        %add3A_723 = arith.addi %add3A_722, %iota3A_721 : vector<16xi32>
        %gather3A_724 = tpu.vector_load_idx %arg6[%add3A_723, %broadcast_in_dim3A] : memref<1024x32xf32, #tpu.memory_space<vmem>>[vector<16xi32>, vector<16xi32>], vector<16xf32>,
        %mul3A_725 = arith.constant 4 : i32
        %mul3A_726 = arith.muli %scan3A_660, %mul3A_725 : i32
        %add3A_727 = arith.constant 3 : i32
        %add3A_728 = arith.addi %mul3A_726, %add3A_727 : i32
        %mul3A_729 = arith.constant 16 : i32
        %mul3A_730 = arith.muli %add3A_728, %mul3A_729 : i32
        %swap3A_731 = arith.index_cast %scan3A_653 : i32 to index
        %swap3A_732 = arith.index_cast %mul3A_730 : i32 to index
        %swap3A_733 = tpu.vector_load %arg8[%swap3A_731, %swap3A_732] {strides = array<i32>} : memref<32x1024xf32, #tpu.memory_space<vmem>>, vector<16xf32>,
        tpu.vector_store %arg8[%swap3A_731, %swap3A_732], %gather3A_724 {strides = array<i32>} : memref<32x1024xf32, #tpu.memory_space<vmem>>, vector<16xf32>,
      }
      %scan3A_659 = arith.constant 16 : i32
    }
    %scan3A_341 = arith.constant 32 : i32
    %mul3A_342 = arith.constant 25 : i32
    %mul3A_343 = arith.muli %arg0, %mul3A_342 : i32
    %add3A_344 = arith.constant 12 : i32
    %add3A_345 = arith.addi %mul3A_343, %add3A_344 : i32
    %mul3A_346 = arith.constant 1024 : i32
    %mul3A_347 = arith.muli %arg1, %mul3A_346 : i32
    "tpu.region"() ({
      %run_scoped3A = tpu.sem_alloc : memref<!tpu.dma_semaphore, #tpu.memory_space<semaphore_mem>>
      %dma_start3A_653 = arith.constant 0 : i32
      %dma_start3A_654 = tpu.memref_slice %arg4[%add3A_345, %dma_start3A_653, %mul3A_347] : memref<50x32x16384xf32, #tpu.memory_space<hbm>> -> memref<1x32x1024xf32, #tpu.memory_space<hbm>>
      %dma_start3A_655 = tpu.memref_squeeze %dma_start3A_654 : memref<1x32x1024xf32, #tpu.memory_space<hbm>> -> memref<32x1024xf32, #tpu.memory_space<hbm>>
      %dma_start3A_656 = arith.constant 0 : i32
      %dma_start3A_657 = tpu.memref_slice %arg4[%add3A_345, %dma_start3A_656, %mul3A_347] : memref<50x32x16384xf32, #tpu.memory_space<hbm>> -> memref<1x32x1024xf32, #tpu.memory_space<hbm>>
      %dma_start3A_658 = tpu.memref_squeeze %dma_start3A_657 : memref<1x32x1024xf32, #tpu.memory_space<hbm>> -> memref<32x1024xf32, #tpu.memory_space<hbm>>
      tpu.enqueue_dma source(%arg8 : memref<32x1024xf32, #tpu.memory_space<vmem>>) target(%dma_start3A_658 : memref<32x1024xf32, #tpu.memory_space<hbm>>) target_semaphore(%run_scoped3A : memref<!tpu.dma_semaphore, #tpu.memory_space<semaphore_mem>>)
      %dma_wait3A_659 = arith.constant 0 : i32
      %dma_wait3A_660 = tpu.memref_slice %arg4[%add3A_345, %dma_wait3A_659, %mul3A_347] : memref<50x32x16384xf32, #tpu.memory_space<hbm>> -> memref<1x32x1024xf32, #tpu.memory_space<hbm>>
      %dma_wait3A_661 = tpu.memref_squeeze %dma_wait3A_660 : memref<1x32x1024xf32, #tpu.memory_space<hbm>> -> memref<32x1024xf32, #tpu.memory_space<hbm>>
      %dma_wait3A_662 = arith.constant 0 : i32
      %dma_wait3A_663 = tpu.memref_slice %arg4[%add3A_345, %dma_wait3A_662, %mul3A_347] : memref<50x32x16384xf32, #tpu.memory_space<hbm>> -> memref<1x32x1024xf32, #tpu.memory_space<hbm>>
      %dma_wait3A_664 = tpu.memref_squeeze %dma_wait3A_663 : memref<1x32x1024xf32, #tpu.memory_space<hbm>> -> memref<32x1024xf32, #tpu.memory_space<hbm>>
      tpu.wait_dma2 semaphore(%run_scoped3A : memref<!tpu.dma_semaphore, #tpu.memory_space<semaphore_mem>>) src(%arg8 : memref<32x1024xf32, #tpu.memory_space<vmem>>) dst(%dma_wait3A_664 : memref<32x1024xf32, #tpu.memory_space<hbm>>)
      tpu.yield
    }) : () -> ()
    %dma_start3A_348 = arith.constant 14 : i32
    %dma_start3A_349 = arith.constant 0 : i32
    %dma_start3A_350 = tpu.memref_slice %arg5[%dma_start3A_348, %dma_start3A_349] : memref<25x1024xi32, #tpu.memory_space<vmem>> -> memref<1x1024xi32, #tpu.memory_space<vmem>>
    %dma_start3A_351 = tpu.memref_squeeze %dma_start3A_350 : memref<1x1024xi32, #tpu.memory_space<vmem>> -> memref<1024xi32, #tpu.memory_space<vmem>>
    %dma_start3A_352 = arith.constant 0 : i32
    %dma_start3A_353 = arith.constant 0 : i32
    %dma_start3A_354 = tpu.memref_slice %arg3[%dma_start3A_352, %dma_start3A_353] : memref<1000000x32xf32, #tpu.memory_space<hbm>> -> memref<1000000x32xf32, #tpu.memory_space<hbm>>
    tpu.enqueue_indirect_dma source(%dma_start3A_354 : memref<1000000x32xf32, #tpu.memory_space<hbm>>) target(%arg6 : memref<1024x32xf32, #tpu.memory_space<vmem>>) offsets(%dma_start3A_351 : memref<1024xi32, #tpu.memory_space<vmem>>) semaphore(%arg10 : memref<!tpu.dma_semaphore, #tpu.memory_space<semaphore_mem>>)
    %dma_wait3A_355 = arith.constant 13 : i32
    %dma_wait3A_356 = arith.constant 0 : i32
    %dma_wait3A_357 = tpu.memref_slice %arg5[%dma_wait3A_355, %dma_wait3A_356] : memref<25x1024xi32, #tpu.memory_space<vmem>> -> memref<1x1024xi32, #tpu.memory_space<vmem>>
    %dma_wait3A_358 = tpu.memref_squeeze %dma_wait3A_357 : memref<1x1024xi32, #tpu.memory_space<vmem>> -> memref<1024xi32, #tpu.memory_space<vmem>>
    %dma_wait3A_359 = arith.constant 0 : i32
    %dma_wait3A_360 = arith.constant 0 : i32
    %dma_wait3A_361 = tpu.memref_slice %arg3[%dma_wait3A_359, %dma_wait3A_360] : memref<1000000x32xf32, #tpu.memory_space<hbm>> -> memref<1000000x32xf32, #tpu.memory_space<hbm>>
    tpu.wait_indirect_dma semaphore(%arg11 : memref<!tpu.dma_semaphore, #tpu.memory_space<semaphore_mem>>) src(%dma_wait3A_361 : memref<1000000x32xf32, #tpu.memory_space<hbm>>) dst(%arg7 : memref<1024x32xf32, #tpu.memory_space<vmem>>)
    %scan3A_362 = arith.constant 0 : i32
    %scan3A_363 = arith.constant 0 : i32
    %scan3A_364 = arith.constant 32 : i32
    %scan3A_365 = arith.addi %scan3A_363, %scan3A_364 : i32
    %scan3A_366 = arith.constant 1 : i32
    scf.for %scan3A_653 = %scan3A_363 to %scan3A_365 step %scan3A_366  : i32 {
      %broadcast_in_dim3A = vector.broadcast %scan3A_653 : i32 to vector<16xi32>
      %scan3A_654 = arith.constant 0 : i32
      %scan3A_655 = arith.constant 0 : i32
      %scan3A_656 = arith.constant 16 : i32
      %scan3A_657 = arith.addi %scan3A_655, %scan3A_656 : i32
      %scan3A_658 = arith.constant 1 : i32
      scf.for %scan3A_660 = %scan3A_655 to %scan3A_657 step %scan3A_658  : i32 {
        %mul3A_661 = arith.constant 4 : i32
        %mul3A_662 = arith.muli %scan3A_660, %mul3A_661 : i32
        %add3A_663 = arith.constant 0 : i32
        %add3A_664 = arith.addi %mul3A_662, %add3A_663 : i32
        %mul3A_665 = arith.constant 16 : i32
        %mul3A_666 = arith.muli %add3A_664, %mul3A_665 : i32
        %iota3A = tpu.iota {dimensions = array<i32: 0>} : vector<16xi32>
        %add3A_667 = vector.broadcast %mul3A_666 : i32 to vector<16xi32>
        %add3A_668 = arith.addi %add3A_667, %iota3A : vector<16xi32>
        %gather3A = tpu.vector_load_idx %arg7[%add3A_668, %broadcast_in_dim3A] : memref<1024x32xf32, #tpu.memory_space<vmem>>[vector<16xi32>, vector<16xi32>], vector<16xf32>,
        %mul3A_669 = arith.constant 4 : i32
        %mul3A_670 = arith.muli %scan3A_660, %mul3A_669 : i32
        %add3A_671 = arith.constant 0 : i32
        %add3A_672 = arith.addi %mul3A_670, %add3A_671 : i32
        %mul3A_673 = arith.constant 16 : i32
        %mul3A_674 = arith.muli %add3A_672, %mul3A_673 : i32
        %swap3A = arith.index_cast %scan3A_653 : i32 to index
        %swap3A_675 = arith.index_cast %mul3A_674 : i32 to index
        %swap3A_676 = tpu.vector_load %arg8[%swap3A, %swap3A_675] {strides = array<i32>} : memref<32x1024xf32, #tpu.memory_space<vmem>>, vector<16xf32>,
        tpu.vector_store %arg8[%swap3A, %swap3A_675], %gather3A {strides = array<i32>} : memref<32x1024xf32, #tpu.memory_space<vmem>>, vector<16xf32>,
        %mul3A_677 = arith.constant 4 : i32
        %mul3A_678 = arith.muli %scan3A_660, %mul3A_677 : i32
        %add3A_679 = arith.constant 1 : i32
        %add3A_680 = arith.addi %mul3A_678, %add3A_679 : i32
        %mul3A_681 = arith.constant 16 : i32
        %mul3A_682 = arith.muli %add3A_680, %mul3A_681 : i32
        %iota3A_683 = tpu.iota {dimensions = array<i32: 0>} : vector<16xi32>
        %add3A_684 = vector.broadcast %mul3A_682 : i32 to vector<16xi32>
        %add3A_685 = arith.addi %add3A_684, %iota3A_683 : vector<16xi32>
        %gather3A_686 = tpu.vector_load_idx %arg7[%add3A_685, %broadcast_in_dim3A] : memref<1024x32xf32, #tpu.memory_space<vmem>>[vector<16xi32>, vector<16xi32>], vector<16xf32>,
        %mul3A_687 = arith.constant 4 : i32
        %mul3A_688 = arith.muli %scan3A_660, %mul3A_687 : i32
        %add3A_689 = arith.constant 1 : i32
        %add3A_690 = arith.addi %mul3A_688, %add3A_689 : i32
        %mul3A_691 = arith.constant 16 : i32
        %mul3A_692 = arith.muli %add3A_690, %mul3A_691 : i32
        %swap3A_693 = arith.index_cast %scan3A_653 : i32 to index
        %swap3A_694 = arith.index_cast %mul3A_692 : i32 to index
        %swap3A_695 = tpu.vector_load %arg8[%swap3A_693, %swap3A_694] {strides = array<i32>} : memref<32x1024xf32, #tpu.memory_space<vmem>>, vector<16xf32>,
        tpu.vector_store %arg8[%swap3A_693, %swap3A_694], %gather3A_686 {strides = array<i32>} : memref<32x1024xf32, #tpu.memory_space<vmem>>, vector<16xf32>,
        %mul3A_696 = arith.constant 4 : i32
        %mul3A_697 = arith.muli %scan3A_660, %mul3A_696 : i32
        %add3A_698 = arith.constant 2 : i32
        %add3A_699 = arith.addi %mul3A_697, %add3A_698 : i32
        %mul3A_700 = arith.constant 16 : i32
        %mul3A_701 = arith.muli %add3A_699, %mul3A_700 : i32
        %iota3A_702 = tpu.iota {dimensions = array<i32: 0>} : vector<16xi32>
        %add3A_703 = vector.broadcast %mul3A_701 : i32 to vector<16xi32>
        %add3A_704 = arith.addi %add3A_703, %iota3A_702 : vector<16xi32>
        %gather3A_705 = tpu.vector_load_idx %arg7[%add3A_704, %broadcast_in_dim3A] : memref<1024x32xf32, #tpu.memory_space<vmem>>[vector<16xi32>, vector<16xi32>], vector<16xf32>,
        %mul3A_706 = arith.constant 4 : i32
        %mul3A_707 = arith.muli %scan3A_660, %mul3A_706 : i32
        %add3A_708 = arith.constant 2 : i32
        %add3A_709 = arith.addi %mul3A_707, %add3A_708 : i32
        %mul3A_710 = arith.constant 16 : i32
        %mul3A_711 = arith.muli %add3A_709, %mul3A_710 : i32
        %swap3A_712 = arith.index_cast %scan3A_653 : i32 to index
        %swap3A_713 = arith.index_cast %mul3A_711 : i32 to index
        %swap3A_714 = tpu.vector_load %arg8[%swap3A_712, %swap3A_713] {strides = array<i32>} : memref<32x1024xf32, #tpu.memory_space<vmem>>, vector<16xf32>,
        tpu.vector_store %arg8[%swap3A_712, %swap3A_713], %gather3A_705 {strides = array<i32>} : memref<32x1024xf32, #tpu.memory_space<vmem>>, vector<16xf32>,
        %mul3A_715 = arith.constant 4 : i32
        %mul3A_716 = arith.muli %scan3A_660, %mul3A_715 : i32
        %add3A_717 = arith.constant 3 : i32
        %add3A_718 = arith.addi %mul3A_716, %add3A_717 : i32
        %mul3A_719 = arith.constant 16 : i32
        %mul3A_720 = arith.muli %add3A_718, %mul3A_719 : i32
        %iota3A_721 = tpu.iota {dimensions = array<i32: 0>} : vector<16xi32>
        %add3A_722 = vector.broadcast %mul3A_720 : i32 to vector<16xi32>
        %add3A_723 = arith.addi %add3A_722, %iota3A_721 : vector<16xi32>
        %gather3A_724 = tpu.vector_load_idx %arg7[%add3A_723, %broadcast_in_dim3A] : memref<1024x32xf32, #tpu.memory_space<vmem>>[vector<16xi32>, vector<16xi32>], vector<16xf32>,
        %mul3A_725 = arith.constant 4 : i32
        %mul3A_726 = arith.muli %scan3A_660, %mul3A_725 : i32
        %add3A_727 = arith.constant 3 : i32
        %add3A_728 = arith.addi %mul3A_726, %add3A_727 : i32
        %mul3A_729 = arith.constant 16 : i32
        %mul3A_730 = arith.muli %add3A_728, %mul3A_729 : i32
        %swap3A_731 = arith.index_cast %scan3A_653 : i32 to index
        %swap3A_732 = arith.index_cast %mul3A_730 : i32 to index
        %swap3A_733 = tpu.vector_load %arg8[%swap3A_731, %swap3A_732] {strides = array<i32>} : memref<32x1024xf32, #tpu.memory_space<vmem>>, vector<16xf32>,
        tpu.vector_store %arg8[%swap3A_731, %swap3A_732], %gather3A_724 {strides = array<i32>} : memref<32x1024xf32, #tpu.memory_space<vmem>>, vector<16xf32>,
      }
      %scan3A_659 = arith.constant 16 : i32
    }
    %scan3A_367 = arith.constant 32 : i32
    %mul3A_368 = arith.constant 25 : i32
    %mul3A_369 = arith.muli %arg0, %mul3A_368 : i32
    %add3A_370 = arith.constant 13 : i32
    %add3A_371 = arith.addi %mul3A_369, %add3A_370 : i32
    %mul3A_372 = arith.constant 1024 : i32
    %mul3A_373 = arith.muli %arg1, %mul3A_372 : i32
    "tpu.region"() ({
      %run_scoped3A = tpu.sem_alloc : memref<!tpu.dma_semaphore, #tpu.memory_space<semaphore_mem>>
      %dma_start3A_653 = arith.constant 0 : i32
      %dma_start3A_654 = tpu.memref_slice %arg4[%add3A_371, %dma_start3A_653, %mul3A_373] : memref<50x32x16384xf32, #tpu.memory_space<hbm>> -> memref<1x32x1024xf32, #tpu.memory_space<hbm>>
      %dma_start3A_655 = tpu.memref_squeeze %dma_start3A_654 : memref<1x32x1024xf32, #tpu.memory_space<hbm>> -> memref<32x1024xf32, #tpu.memory_space<hbm>>
      %dma_start3A_656 = arith.constant 0 : i32
      %dma_start3A_657 = tpu.memref_slice %arg4[%add3A_371, %dma_start3A_656, %mul3A_373] : memref<50x32x16384xf32, #tpu.memory_space<hbm>> -> memref<1x32x1024xf32, #tpu.memory_space<hbm>>
      %dma_start3A_658 = tpu.memref_squeeze %dma_start3A_657 : memref<1x32x1024xf32, #tpu.memory_space<hbm>> -> memref<32x1024xf32, #tpu.memory_space<hbm>>
      tpu.enqueue_dma source(%arg8 : memref<32x1024xf32, #tpu.memory_space<vmem>>) target(%dma_start3A_658 : memref<32x1024xf32, #tpu.memory_space<hbm>>) target_semaphore(%run_scoped3A : memref<!tpu.dma_semaphore, #tpu.memory_space<semaphore_mem>>)
      %dma_wait3A_659 = arith.constant 0 : i32
      %dma_wait3A_660 = tpu.memref_slice %arg4[%add3A_371, %dma_wait3A_659, %mul3A_373] : memref<50x32x16384xf32, #tpu.memory_space<hbm>> -> memref<1x32x1024xf32, #tpu.memory_space<hbm>>
      %dma_wait3A_661 = tpu.memref_squeeze %dma_wait3A_660 : memref<1x32x1024xf32, #tpu.memory_space<hbm>> -> memref<32x1024xf32, #tpu.memory_space<hbm>>
      %dma_wait3A_662 = arith.constant 0 : i32
      %dma_wait3A_663 = tpu.memref_slice %arg4[%add3A_371, %dma_wait3A_662, %mul3A_373] : memref<50x32x16384xf32, #tpu.memory_space<hbm>> -> memref<1x32x1024xf32, #tpu.memory_space<hbm>>
      %dma_wait3A_664 = tpu.memref_squeeze %dma_wait3A_663 : memref<1x32x1024xf32, #tpu.memory_space<hbm>> -> memref<32x1024xf32, #tpu.memory_space<hbm>>
      tpu.wait_dma2 semaphore(%run_scoped3A : memref<!tpu.dma_semaphore, #tpu.memory_space<semaphore_mem>>) src(%arg8 : memref<32x1024xf32, #tpu.memory_space<vmem>>) dst(%dma_wait3A_664 : memref<32x1024xf32, #tpu.memory_space<hbm>>)
      tpu.yield
    }) : () -> ()
    %dma_start3A_374 = arith.constant 15 : i32
    %dma_start3A_375 = arith.constant 0 : i32
    %dma_start3A_376 = tpu.memref_slice %arg5[%dma_start3A_374, %dma_start3A_375] : memref<25x1024xi32, #tpu.memory_space<vmem>> -> memref<1x1024xi32, #tpu.memory_space<vmem>>
    %dma_start3A_377 = tpu.memref_squeeze %dma_start3A_376 : memref<1x1024xi32, #tpu.memory_space<vmem>> -> memref<1024xi32, #tpu.memory_space<vmem>>
    %dma_start3A_378 = arith.constant 0 : i32
    %dma_start3A_379 = arith.constant 0 : i32
    %dma_start3A_380 = tpu.memref_slice %arg3[%dma_start3A_378, %dma_start3A_379] : memref<1000000x32xf32, #tpu.memory_space<hbm>> -> memref<1000000x32xf32, #tpu.memory_space<hbm>>
    tpu.enqueue_indirect_dma source(%dma_start3A_380 : memref<1000000x32xf32, #tpu.memory_space<hbm>>) target(%arg7 : memref<1024x32xf32, #tpu.memory_space<vmem>>) offsets(%dma_start3A_377 : memref<1024xi32, #tpu.memory_space<vmem>>) semaphore(%arg11 : memref<!tpu.dma_semaphore, #tpu.memory_space<semaphore_mem>>)
    %dma_wait3A_381 = arith.constant 14 : i32
    %dma_wait3A_382 = arith.constant 0 : i32
    %dma_wait3A_383 = tpu.memref_slice %arg5[%dma_wait3A_381, %dma_wait3A_382] : memref<25x1024xi32, #tpu.memory_space<vmem>> -> memref<1x1024xi32, #tpu.memory_space<vmem>>
    %dma_wait3A_384 = tpu.memref_squeeze %dma_wait3A_383 : memref<1x1024xi32, #tpu.memory_space<vmem>> -> memref<1024xi32, #tpu.memory_space<vmem>>
    %dma_wait3A_385 = arith.constant 0 : i32
    %dma_wait3A_386 = arith.constant 0 : i32
    %dma_wait3A_387 = tpu.memref_slice %arg3[%dma_wait3A_385, %dma_wait3A_386] : memref<1000000x32xf32, #tpu.memory_space<hbm>> -> memref<1000000x32xf32, #tpu.memory_space<hbm>>
    tpu.wait_indirect_dma semaphore(%arg10 : memref<!tpu.dma_semaphore, #tpu.memory_space<semaphore_mem>>) src(%dma_wait3A_387 : memref<1000000x32xf32, #tpu.memory_space<hbm>>) dst(%arg6 : memref<1024x32xf32, #tpu.memory_space<vmem>>)
    %scan3A_388 = arith.constant 0 : i32
    %scan3A_389 = arith.constant 0 : i32
    %scan3A_390 = arith.constant 32 : i32
    %scan3A_391 = arith.addi %scan3A_389, %scan3A_390 : i32
    %scan3A_392 = arith.constant 1 : i32
    scf.for %scan3A_653 = %scan3A_389 to %scan3A_391 step %scan3A_392  : i32 {
      %broadcast_in_dim3A = vector.broadcast %scan3A_653 : i32 to vector<16xi32>
      %scan3A_654 = arith.constant 0 : i32
      %scan3A_655 = arith.constant 0 : i32
      %scan3A_656 = arith.constant 16 : i32
      %scan3A_657 = arith.addi %scan3A_655, %scan3A_656 : i32
      %scan3A_658 = arith.constant 1 : i32
      scf.for %scan3A_660 = %scan3A_655 to %scan3A_657 step %scan3A_658  : i32 {
        %mul3A_661 = arith.constant 4 : i32
        %mul3A_662 = arith.muli %scan3A_660, %mul3A_661 : i32
        %add3A_663 = arith.constant 0 : i32
        %add3A_664 = arith.addi %mul3A_662, %add3A_663 : i32
        %mul3A_665 = arith.constant 16 : i32
        %mul3A_666 = arith.muli %add3A_664, %mul3A_665 : i32
        %iota3A = tpu.iota {dimensions = array<i32: 0>} : vector<16xi32>
        %add3A_667 = vector.broadcast %mul3A_666 : i32 to vector<16xi32>
        %add3A_668 = arith.addi %add3A_667, %iota3A : vector<16xi32>
        %gather3A = tpu.vector_load_idx %arg6[%add3A_668, %broadcast_in_dim3A] : memref<1024x32xf32, #tpu.memory_space<vmem>>[vector<16xi32>, vector<16xi32>], vector<16xf32>,
        %mul3A_669 = arith.constant 4 : i32
        %mul3A_670 = arith.muli %scan3A_660, %mul3A_669 : i32
        %add3A_671 = arith.constant 0 : i32
        %add3A_672 = arith.addi %mul3A_670, %add3A_671 : i32
        %mul3A_673 = arith.constant 16 : i32
        %mul3A_674 = arith.muli %add3A_672, %mul3A_673 : i32
        %swap3A = arith.index_cast %scan3A_653 : i32 to index
        %swap3A_675 = arith.index_cast %mul3A_674 : i32 to index
        %swap3A_676 = tpu.vector_load %arg8[%swap3A, %swap3A_675] {strides = array<i32>} : memref<32x1024xf32, #tpu.memory_space<vmem>>, vector<16xf32>,
        tpu.vector_store %arg8[%swap3A, %swap3A_675], %gather3A {strides = array<i32>} : memref<32x1024xf32, #tpu.memory_space<vmem>>, vector<16xf32>,
        %mul3A_677 = arith.constant 4 : i32
        %mul3A_678 = arith.muli %scan3A_660, %mul3A_677 : i32
        %add3A_679 = arith.constant 1 : i32
        %add3A_680 = arith.addi %mul3A_678, %add3A_679 : i32
        %mul3A_681 = arith.constant 16 : i32
        %mul3A_682 = arith.muli %add3A_680, %mul3A_681 : i32
        %iota3A_683 = tpu.iota {dimensions = array<i32: 0>} : vector<16xi32>
        %add3A_684 = vector.broadcast %mul3A_682 : i32 to vector<16xi32>
        %add3A_685 = arith.addi %add3A_684, %iota3A_683 : vector<16xi32>
        %gather3A_686 = tpu.vector_load_idx %arg6[%add3A_685, %broadcast_in_dim3A] : memref<1024x32xf32, #tpu.memory_space<vmem>>[vector<16xi32>, vector<16xi32>], vector<16xf32>,
        %mul3A_687 = arith.constant 4 : i32
        %mul3A_688 = arith.muli %scan3A_660, %mul3A_687 : i32
        %add3A_689 = arith.constant 1 : i32
        %add3A_690 = arith.addi %mul3A_688, %add3A_689 : i32
        %mul3A_691 = arith.constant 16 : i32
        %mul3A_692 = arith.muli %add3A_690, %mul3A_691 : i32
        %swap3A_693 = arith.index_cast %scan3A_653 : i32 to index
        %swap3A_694 = arith.index_cast %mul3A_692 : i32 to index
        %swap3A_695 = tpu.vector_load %arg8[%swap3A_693, %swap3A_694] {strides = array<i32>} : memref<32x1024xf32, #tpu.memory_space<vmem>>, vector<16xf32>,
        tpu.vector_store %arg8[%swap3A_693, %swap3A_694], %gather3A_686 {strides = array<i32>} : memref<32x1024xf32, #tpu.memory_space<vmem>>, vector<16xf32>,
        %mul3A_696 = arith.constant 4 : i32
        %mul3A_697 = arith.muli %scan3A_660, %mul3A_696 : i32
        %add3A_698 = arith.constant 2 : i32
        %add3A_699 = arith.addi %mul3A_697, %add3A_698 : i32
        %mul3A_700 = arith.constant 16 : i32
        %mul3A_701 = arith.muli %add3A_699, %mul3A_700 : i32
        %iota3A_702 = tpu.iota {dimensions = array<i32: 0>} : vector<16xi32>
        %add3A_703 = vector.broadcast %mul3A_701 : i32 to vector<16xi32>
        %add3A_704 = arith.addi %add3A_703, %iota3A_702 : vector<16xi32>
        %gather3A_705 = tpu.vector_load_idx %arg6[%add3A_704, %broadcast_in_dim3A] : memref<1024x32xf32, #tpu.memory_space<vmem>>[vector<16xi32>, vector<16xi32>], vector<16xf32>,
        %mul3A_706 = arith.constant 4 : i32
        %mul3A_707 = arith.muli %scan3A_660, %mul3A_706 : i32
        %add3A_708 = arith.constant 2 : i32
        %add3A_709 = arith.addi %mul3A_707, %add3A_708 : i32
        %mul3A_710 = arith.constant 16 : i32
        %mul3A_711 = arith.muli %add3A_709, %mul3A_710 : i32
        %swap3A_712 = arith.index_cast %scan3A_653 : i32 to index
        %swap3A_713 = arith.index_cast %mul3A_711 : i32 to index
        %swap3A_714 = tpu.vector_load %arg8[%swap3A_712, %swap3A_713] {strides = array<i32>} : memref<32x1024xf32, #tpu.memory_space<vmem>>, vector<16xf32>,
        tpu.vector_store %arg8[%swap3A_712, %swap3A_713], %gather3A_705 {strides = array<i32>} : memref<32x1024xf32, #tpu.memory_space<vmem>>, vector<16xf32>,
        %mul3A_715 = arith.constant 4 : i32
        %mul3A_716 = arith.muli %scan3A_660, %mul3A_715 : i32
        %add3A_717 = arith.constant 3 : i32
        %add3A_718 = arith.addi %mul3A_716, %add3A_717 : i32
        %mul3A_719 = arith.constant 16 : i32
        %mul3A_720 = arith.muli %add3A_718, %mul3A_719 : i32
        %iota3A_721 = tpu.iota {dimensions = array<i32: 0>} : vector<16xi32>
        %add3A_722 = vector.broadcast %mul3A_720 : i32 to vector<16xi32>
        %add3A_723 = arith.addi %add3A_722, %iota3A_721 : vector<16xi32>
        %gather3A_724 = tpu.vector_load_idx %arg6[%add3A_723, %broadcast_in_dim3A] : memref<1024x32xf32, #tpu.memory_space<vmem>>[vector<16xi32>, vector<16xi32>], vector<16xf32>,
        %mul3A_725 = arith.constant 4 : i32
        %mul3A_726 = arith.muli %scan3A_660, %mul3A_725 : i32
        %add3A_727 = arith.constant 3 : i32
        %add3A_728 = arith.addi %mul3A_726, %add3A_727 : i32
        %mul3A_729 = arith.constant 16 : i32
        %mul3A_730 = arith.muli %add3A_728, %mul3A_729 : i32
        %swap3A_731 = arith.index_cast %scan3A_653 : i32 to index
        %swap3A_732 = arith.index_cast %mul3A_730 : i32 to index
        %swap3A_733 = tpu.vector_load %arg8[%swap3A_731, %swap3A_732] {strides = array<i32>} : memref<32x1024xf32, #tpu.memory_space<vmem>>, vector<16xf32>,
        tpu.vector_store %arg8[%swap3A_731, %swap3A_732], %gather3A_724 {strides = array<i32>} : memref<32x1024xf32, #tpu.memory_space<vmem>>, vector<16xf32>,
      }
      %scan3A_659 = arith.constant 16 : i32
    }
    %scan3A_393 = arith.constant 32 : i32
    %mul3A_394 = arith.constant 25 : i32
    %mul3A_395 = arith.muli %arg0, %mul3A_394 : i32
    %add3A_396 = arith.constant 14 : i32
    %add3A_397 = arith.addi %mul3A_395, %add3A_396 : i32
    %mul3A_398 = arith.constant 1024 : i32
    %mul3A_399 = arith.muli %arg1, %mul3A_398 : i32
    "tpu.region"() ({
      %run_scoped3A = tpu.sem_alloc : memref<!tpu.dma_semaphore, #tpu.memory_space<semaphore_mem>>
      %dma_start3A_653 = arith.constant 0 : i32
      %dma_start3A_654 = tpu.memref_slice %arg4[%add3A_397, %dma_start3A_653, %mul3A_399] : memref<50x32x16384xf32, #tpu.memory_space<hbm>> -> memref<1x32x1024xf32, #tpu.memory_space<hbm>>
      %dma_start3A_655 = tpu.memref_squeeze %dma_start3A_654 : memref<1x32x1024xf32, #tpu.memory_space<hbm>> -> memref<32x1024xf32, #tpu.memory_space<hbm>>
      %dma_start3A_656 = arith.constant 0 : i32
      %dma_start3A_657 = tpu.memref_slice %arg4[%add3A_397, %dma_start3A_656, %mul3A_399] : memref<50x32x16384xf32, #tpu.memory_space<hbm>> -> memref<1x32x1024xf32, #tpu.memory_space<hbm>>
      %dma_start3A_658 = tpu.memref_squeeze %dma_start3A_657 : memref<1x32x1024xf32, #tpu.memory_space<hbm>> -> memref<32x1024xf32, #tpu.memory_space<hbm>>
      tpu.enqueue_dma source(%arg8 : memref<32x1024xf32, #tpu.memory_space<vmem>>) target(%dma_start3A_658 : memref<32x1024xf32, #tpu.memory_space<hbm>>) target_semaphore(%run_scoped3A : memref<!tpu.dma_semaphore, #tpu.memory_space<semaphore_mem>>)
      %dma_wait3A_659 = arith.constant 0 : i32
      %dma_wait3A_660 = tpu.memref_slice %arg4[%add3A_397, %dma_wait3A_659, %mul3A_399] : memref<50x32x16384xf32, #tpu.memory_space<hbm>> -> memref<1x32x1024xf32, #tpu.memory_space<hbm>>
      %dma_wait3A_661 = tpu.memref_squeeze %dma_wait3A_660 : memref<1x32x1024xf32, #tpu.memory_space<hbm>> -> memref<32x1024xf32, #tpu.memory_space<hbm>>
      %dma_wait3A_662 = arith.constant 0 : i32
      %dma_wait3A_663 = tpu.memref_slice %arg4[%add3A_397, %dma_wait3A_662, %mul3A_399] : memref<50x32x16384xf32, #tpu.memory_space<hbm>> -> memref<1x32x1024xf32, #tpu.memory_space<hbm>>
      %dma_wait3A_664 = tpu.memref_squeeze %dma_wait3A_663 : memref<1x32x1024xf32, #tpu.memory_space<hbm>> -> memref<32x1024xf32, #tpu.memory_space<hbm>>
      tpu.wait_dma2 semaphore(%run_scoped3A : memref<!tpu.dma_semaphore, #tpu.memory_space<semaphore_mem>>) src(%arg8 : memref<32x1024xf32, #tpu.memory_space<vmem>>) dst(%dma_wait3A_664 : memref<32x1024xf32, #tpu.memory_space<hbm>>)
      tpu.yield
    }) : () -> ()
    %dma_start3A_400 = arith.constant 16 : i32
    %dma_start3A_401 = arith.constant 0 : i32
    %dma_start3A_402 = tpu.memref_slice %arg5[%dma_start3A_400, %dma_start3A_401] : memref<25x1024xi32, #tpu.memory_space<vmem>> -> memref<1x1024xi32, #tpu.memory_space<vmem>>
    %dma_start3A_403 = tpu.memref_squeeze %dma_start3A_402 : memref<1x1024xi32, #tpu.memory_space<vmem>> -> memref<1024xi32, #tpu.memory_space<vmem>>
    %dma_start3A_404 = arith.constant 0 : i32
    %dma_start3A_405 = arith.constant 0 : i32
    %dma_start3A_406 = tpu.memref_slice %arg3[%dma_start3A_404, %dma_start3A_405] : memref<1000000x32xf32, #tpu.memory_space<hbm>> -> memref<1000000x32xf32, #tpu.memory_space<hbm>>
    tpu.enqueue_indirect_dma source(%dma_start3A_406 : memref<1000000x32xf32, #tpu.memory_space<hbm>>) target(%arg6 : memref<1024x32xf32, #tpu.memory_space<vmem>>) offsets(%dma_start3A_403 : memref<1024xi32, #tpu.memory_space<vmem>>) semaphore(%arg10 : memref<!tpu.dma_semaphore, #tpu.memory_space<semaphore_mem>>)
    %dma_wait3A_407 = arith.constant 15 : i32
    %dma_wait3A_408 = arith.constant 0 : i32
    %dma_wait3A_409 = tpu.memref_slice %arg5[%dma_wait3A_407, %dma_wait3A_408] : memref<25x1024xi32, #tpu.memory_space<vmem>> -> memref<1x1024xi32, #tpu.memory_space<vmem>>
    %dma_wait3A_410 = tpu.memref_squeeze %dma_wait3A_409 : memref<1x1024xi32, #tpu.memory_space<vmem>> -> memref<1024xi32, #tpu.memory_space<vmem>>
    %dma_wait3A_411 = arith.constant 0 : i32
    %dma_wait3A_412 = arith.constant 0 : i32
    %dma_wait3A_413 = tpu.memref_slice %arg3[%dma_wait3A_411, %dma_wait3A_412] : memref<1000000x32xf32, #tpu.memory_space<hbm>> -> memref<1000000x32xf32, #tpu.memory_space<hbm>>
    tpu.wait_indirect_dma semaphore(%arg11 : memref<!tpu.dma_semaphore, #tpu.memory_space<semaphore_mem>>) src(%dma_wait3A_413 : memref<1000000x32xf32, #tpu.memory_space<hbm>>) dst(%arg7 : memref<1024x32xf32, #tpu.memory_space<vmem>>)
    %scan3A_414 = arith.constant 0 : i32
    %scan3A_415 = arith.constant 0 : i32
    %scan3A_416 = arith.constant 32 : i32
    %scan3A_417 = arith.addi %scan3A_415, %scan3A_416 : i32
    %scan3A_418 = arith.constant 1 : i32
    scf.for %scan3A_653 = %scan3A_415 to %scan3A_417 step %scan3A_418  : i32 {
      %broadcast_in_dim3A = vector.broadcast %scan3A_653 : i32 to vector<16xi32>
      %scan3A_654 = arith.constant 0 : i32
      %scan3A_655 = arith.constant 0 : i32
      %scan3A_656 = arith.constant 16 : i32
      %scan3A_657 = arith.addi %scan3A_655, %scan3A_656 : i32
      %scan3A_658 = arith.constant 1 : i32
      scf.for %scan3A_660 = %scan3A_655 to %scan3A_657 step %scan3A_658  : i32 {
        %mul3A_661 = arith.constant 4 : i32
        %mul3A_662 = arith.muli %scan3A_660, %mul3A_661 : i32
        %add3A_663 = arith.constant 0 : i32
        %add3A_664 = arith.addi %mul3A_662, %add3A_663 : i32
        %mul3A_665 = arith.constant 16 : i32
        %mul3A_666 = arith.muli %add3A_664, %mul3A_665 : i32
        %iota3A = tpu.iota {dimensions = array<i32: 0>} : vector<16xi32>
        %add3A_667 = vector.broadcast %mul3A_666 : i32 to vector<16xi32>
        %add3A_668 = arith.addi %add3A_667, %iota3A : vector<16xi32>
        %gather3A = tpu.vector_load_idx %arg7[%add3A_668, %broadcast_in_dim3A] : memref<1024x32xf32, #tpu.memory_space<vmem>>[vector<16xi32>, vector<16xi32>], vector<16xf32>,
        %mul3A_669 = arith.constant 4 : i32
        %mul3A_670 = arith.muli %scan3A_660, %mul3A_669 : i32
        %add3A_671 = arith.constant 0 : i32
        %add3A_672 = arith.addi %mul3A_670, %add3A_671 : i32
        %mul3A_673 = arith.constant 16 : i32
        %mul3A_674 = arith.muli %add3A_672, %mul3A_673 : i32
        %swap3A = arith.index_cast %scan3A_653 : i32 to index
        %swap3A_675 = arith.index_cast %mul3A_674 : i32 to index
        %swap3A_676 = tpu.vector_load %arg8[%swap3A, %swap3A_675] {strides = array<i32>} : memref<32x1024xf32, #tpu.memory_space<vmem>>, vector<16xf32>,
        tpu.vector_store %arg8[%swap3A, %swap3A_675], %gather3A {strides = array<i32>} : memref<32x1024xf32, #tpu.memory_space<vmem>>, vector<16xf32>,
        %mul3A_677 = arith.constant 4 : i32
        %mul3A_678 = arith.muli %scan3A_660, %mul3A_677 : i32
        %add3A_679 = arith.constant 1 : i32
        %add3A_680 = arith.addi %mul3A_678, %add3A_679 : i32
        %mul3A_681 = arith.constant 16 : i32
        %mul3A_682 = arith.muli %add3A_680, %mul3A_681 : i32
        %iota3A_683 = tpu.iota {dimensions = array<i32: 0>} : vector<16xi32>
        %add3A_684 = vector.broadcast %mul3A_682 : i32 to vector<16xi32>
        %add3A_685 = arith.addi %add3A_684, %iota3A_683 : vector<16xi32>
        %gather3A_686 = tpu.vector_load_idx %arg7[%add3A_685, %broadcast_in_dim3A] : memref<1024x32xf32, #tpu.memory_space<vmem>>[vector<16xi32>, vector<16xi32>], vector<16xf32>,
        %mul3A_687 = arith.constant 4 : i32
        %mul3A_688 = arith.muli %scan3A_660, %mul3A_687 : i32
        %add3A_689 = arith.constant 1 : i32
        %add3A_690 = arith.addi %mul3A_688, %add3A_689 : i32
        %mul3A_691 = arith.constant 16 : i32
        %mul3A_692 = arith.muli %add3A_690, %mul3A_691 : i32
        %swap3A_693 = arith.index_cast %scan3A_653 : i32 to index
        %swap3A_694 = arith.index_cast %mul3A_692 : i32 to index
        %swap3A_695 = tpu.vector_load %arg8[%swap3A_693, %swap3A_694] {strides = array<i32>} : memref<32x1024xf32, #tpu.memory_space<vmem>>, vector<16xf32>,
        tpu.vector_store %arg8[%swap3A_693, %swap3A_694], %gather3A_686 {strides = array<i32>} : memref<32x1024xf32, #tpu.memory_space<vmem>>, vector<16xf32>,
        %mul3A_696 = arith.constant 4 : i32
        %mul3A_697 = arith.muli %scan3A_660, %mul3A_696 : i32
        %add3A_698 = arith.constant 2 : i32
        %add3A_699 = arith.addi %mul3A_697, %add3A_698 : i32
        %mul3A_700 = arith.constant 16 : i32
        %mul3A_701 = arith.muli %add3A_699, %mul3A_700 : i32
        %iota3A_702 = tpu.iota {dimensions = array<i32: 0>} : vector<16xi32>
        %add3A_703 = vector.broadcast %mul3A_701 : i32 to vector<16xi32>
        %add3A_704 = arith.addi %add3A_703, %iota3A_702 : vector<16xi32>
        %gather3A_705 = tpu.vector_load_idx %arg7[%add3A_704, %broadcast_in_dim3A] : memref<1024x32xf32, #tpu.memory_space<vmem>>[vector<16xi32>, vector<16xi32>], vector<16xf32>,
        %mul3A_706 = arith.constant 4 : i32
        %mul3A_707 = arith.muli %scan3A_660, %mul3A_706 : i32
        %add3A_708 = arith.constant 2 : i32
        %add3A_709 = arith.addi %mul3A_707, %add3A_708 : i32
        %mul3A_710 = arith.constant 16 : i32
        %mul3A_711 = arith.muli %add3A_709, %mul3A_710 : i32
        %swap3A_712 = arith.index_cast %scan3A_653 : i32 to index
        %swap3A_713 = arith.index_cast %mul3A_711 : i32 to index
        %swap3A_714 = tpu.vector_load %arg8[%swap3A_712, %swap3A_713] {strides = array<i32>} : memref<32x1024xf32, #tpu.memory_space<vmem>>, vector<16xf32>,
        tpu.vector_store %arg8[%swap3A_712, %swap3A_713], %gather3A_705 {strides = array<i32>} : memref<32x1024xf32, #tpu.memory_space<vmem>>, vector<16xf32>,
        %mul3A_715 = arith.constant 4 : i32
        %mul3A_716 = arith.muli %scan3A_660, %mul3A_715 : i32
        %add3A_717 = arith.constant 3 : i32
        %add3A_718 = arith.addi %mul3A_716, %add3A_717 : i32
        %mul3A_719 = arith.constant 16 : i32
        %mul3A_720 = arith.muli %add3A_718, %mul3A_719 : i32
        %iota3A_721 = tpu.iota {dimensions = array<i32: 0>} : vector<16xi32>
        %add3A_722 = vector.broadcast %mul3A_720 : i32 to vector<16xi32>
        %add3A_723 = arith.addi %add3A_722, %iota3A_721 : vector<16xi32>
        %gather3A_724 = tpu.vector_load_idx %arg7[%add3A_723, %broadcast_in_dim3A] : memref<1024x32xf32, #tpu.memory_space<vmem>>[vector<16xi32>, vector<16xi32>], vector<16xf32>,
        %mul3A_725 = arith.constant 4 : i32
        %mul3A_726 = arith.muli %scan3A_660, %mul3A_725 : i32
        %add3A_727 = arith.constant 3 : i32
        %add3A_728 = arith.addi %mul3A_726, %add3A_727 : i32
        %mul3A_729 = arith.constant 16 : i32
        %mul3A_730 = arith.muli %add3A_728, %mul3A_729 : i32
        %swap3A_731 = arith.index_cast %scan3A_653 : i32 to index
        %swap3A_732 = arith.index_cast %mul3A_730 : i32 to index
        %swap3A_733 = tpu.vector_load %arg8[%swap3A_731, %swap3A_732] {strides = array<i32>} : memref<32x1024xf32, #tpu.memory_space<vmem>>, vector<16xf32>,
        tpu.vector_store %arg8[%swap3A_731, %swap3A_732], %gather3A_724 {strides = array<i32>} : memref<32x1024xf32, #tpu.memory_space<vmem>>, vector<16xf32>,
      }
      %scan3A_659 = arith.constant 16 : i32
    }
    %scan3A_419 = arith.constant 32 : i32
    %mul3A_420 = arith.constant 25 : i32
    %mul3A_421 = arith.muli %arg0, %mul3A_420 : i32
    %add3A_422 = arith.constant 15 : i32
    %add3A_423 = arith.addi %mul3A_421, %add3A_422 : i32
    %mul3A_424 = arith.constant 1024 : i32
    %mul3A_425 = arith.muli %arg1, %mul3A_424 : i32
    "tpu.region"() ({
      %run_scoped3A = tpu.sem_alloc : memref<!tpu.dma_semaphore, #tpu.memory_space<semaphore_mem>>
      %dma_start3A_653 = arith.constant 0 : i32
      %dma_start3A_654 = tpu.memref_slice %arg4[%add3A_423, %dma_start3A_653, %mul3A_425] : memref<50x32x16384xf32, #tpu.memory_space<hbm>> -> memref<1x32x1024xf32, #tpu.memory_space<hbm>>
      %dma_start3A_655 = tpu.memref_squeeze %dma_start3A_654 : memref<1x32x1024xf32, #tpu.memory_space<hbm>> -> memref<32x1024xf32, #tpu.memory_space<hbm>>
      %dma_start3A_656 = arith.constant 0 : i32
      %dma_start3A_657 = tpu.memref_slice %arg4[%add3A_423, %dma_start3A_656, %mul3A_425] : memref<50x32x16384xf32, #tpu.memory_space<hbm>> -> memref<1x32x1024xf32, #tpu.memory_space<hbm>>
      %dma_start3A_658 = tpu.memref_squeeze %dma_start3A_657 : memref<1x32x1024xf32, #tpu.memory_space<hbm>> -> memref<32x1024xf32, #tpu.memory_space<hbm>>
      tpu.enqueue_dma source(%arg8 : memref<32x1024xf32, #tpu.memory_space<vmem>>) target(%dma_start3A_658 : memref<32x1024xf32, #tpu.memory_space<hbm>>) target_semaphore(%run_scoped3A : memref<!tpu.dma_semaphore, #tpu.memory_space<semaphore_mem>>)
      %dma_wait3A_659 = arith.constant 0 : i32
      %dma_wait3A_660 = tpu.memref_slice %arg4[%add3A_423, %dma_wait3A_659, %mul3A_425] : memref<50x32x16384xf32, #tpu.memory_space<hbm>> -> memref<1x32x1024xf32, #tpu.memory_space<hbm>>
      %dma_wait3A_661 = tpu.memref_squeeze %dma_wait3A_660 : memref<1x32x1024xf32, #tpu.memory_space<hbm>> -> memref<32x1024xf32, #tpu.memory_space<hbm>>
      %dma_wait3A_662 = arith.constant 0 : i32
      %dma_wait3A_663 = tpu.memref_slice %arg4[%add3A_423, %dma_wait3A_662, %mul3A_425] : memref<50x32x16384xf32, #tpu.memory_space<hbm>> -> memref<1x32x1024xf32, #tpu.memory_space<hbm>>
      %dma_wait3A_664 = tpu.memref_squeeze %dma_wait3A_663 : memref<1x32x1024xf32, #tpu.memory_space<hbm>> -> memref<32x1024xf32, #tpu.memory_space<hbm>>
      tpu.wait_dma2 semaphore(%run_scoped3A : memref<!tpu.dma_semaphore, #tpu.memory_space<semaphore_mem>>) src(%arg8 : memref<32x1024xf32, #tpu.memory_space<vmem>>) dst(%dma_wait3A_664 : memref<32x1024xf32, #tpu.memory_space<hbm>>)
      tpu.yield
    }) : () -> ()
    %dma_start3A_426 = arith.constant 17 : i32
    %dma_start3A_427 = arith.constant 0 : i32
    %dma_start3A_428 = tpu.memref_slice %arg5[%dma_start3A_426, %dma_start3A_427] : memref<25x1024xi32, #tpu.memory_space<vmem>> -> memref<1x1024xi32, #tpu.memory_space<vmem>>
    %dma_start3A_429 = tpu.memref_squeeze %dma_start3A_428 : memref<1x1024xi32, #tpu.memory_space<vmem>> -> memref<1024xi32, #tpu.memory_space<vmem>>
    %dma_start3A_430 = arith.constant 0 : i32
    %dma_start3A_431 = arith.constant 0 : i32
    %dma_start3A_432 = tpu.memref_slice %arg3[%dma_start3A_430, %dma_start3A_431] : memref<1000000x32xf32, #tpu.memory_space<hbm>> -> memref<1000000x32xf32, #tpu.memory_space<hbm>>
    tpu.enqueue_indirect_dma source(%dma_start3A_432 : memref<1000000x32xf32, #tpu.memory_space<hbm>>) target(%arg7 : memref<1024x32xf32, #tpu.memory_space<vmem>>) offsets(%dma_start3A_429 : memref<1024xi32, #tpu.memory_space<vmem>>) semaphore(%arg11 : memref<!tpu.dma_semaphore, #tpu.memory_space<semaphore_mem>>)
    %dma_wait3A_433 = arith.constant 16 : i32
    %dma_wait3A_434 = arith.constant 0 : i32
    %dma_wait3A_435 = tpu.memref_slice %arg5[%dma_wait3A_433, %dma_wait3A_434] : memref<25x1024xi32, #tpu.memory_space<vmem>> -> memref<1x1024xi32, #tpu.memory_space<vmem>>
    %dma_wait3A_436 = tpu.memref_squeeze %dma_wait3A_435 : memref<1x1024xi32, #tpu.memory_space<vmem>> -> memref<1024xi32, #tpu.memory_space<vmem>>
    %dma_wait3A_437 = arith.constant 0 : i32
    %dma_wait3A_438 = arith.constant 0 : i32
    %dma_wait3A_439 = tpu.memref_slice %arg3[%dma_wait3A_437, %dma_wait3A_438] : memref<1000000x32xf32, #tpu.memory_space<hbm>> -> memref<1000000x32xf32, #tpu.memory_space<hbm>>
    tpu.wait_indirect_dma semaphore(%arg10 : memref<!tpu.dma_semaphore, #tpu.memory_space<semaphore_mem>>) src(%dma_wait3A_439 : memref<1000000x32xf32, #tpu.memory_space<hbm>>) dst(%arg6 : memref<1024x32xf32, #tpu.memory_space<vmem>>)
    %scan3A_440 = arith.constant 0 : i32
    %scan3A_441 = arith.constant 0 : i32
    %scan3A_442 = arith.constant 32 : i32
    %scan3A_443 = arith.addi %scan3A_441, %scan3A_442 : i32
    %scan3A_444 = arith.constant 1 : i32
    scf.for %scan3A_653 = %scan3A_441 to %scan3A_443 step %scan3A_444  : i32 {
      %broadcast_in_dim3A = vector.broadcast %scan3A_653 : i32 to vector<16xi32>
      %scan3A_654 = arith.constant 0 : i32
      %scan3A_655 = arith.constant 0 : i32
      %scan3A_656 = arith.constant 16 : i32
      %scan3A_657 = arith.addi %scan3A_655, %scan3A_656 : i32
      %scan3A_658 = arith.constant 1 : i32
      scf.for %scan3A_660 = %scan3A_655 to %scan3A_657 step %scan3A_658  : i32 {
        %mul3A_661 = arith.constant 4 : i32
        %mul3A_662 = arith.muli %scan3A_660, %mul3A_661 : i32
        %add3A_663 = arith.constant 0 : i32
        %add3A_664 = arith.addi %mul3A_662, %add3A_663 : i32
        %mul3A_665 = arith.constant 16 : i32
        %mul3A_666 = arith.muli %add3A_664, %mul3A_665 : i32
        %iota3A = tpu.iota {dimensions = array<i32: 0>} : vector<16xi32>
        %add3A_667 = vector.broadcast %mul3A_666 : i32 to vector<16xi32>
        %add3A_668 = arith.addi %add3A_667, %iota3A : vector<16xi32>
        %gather3A = tpu.vector_load_idx %arg6[%add3A_668, %broadcast_in_dim3A] : memref<1024x32xf32, #tpu.memory_space<vmem>>[vector<16xi32>, vector<16xi32>], vector<16xf32>,
        %mul3A_669 = arith.constant 4 : i32
        %mul3A_670 = arith.muli %scan3A_660, %mul3A_669 : i32
        %add3A_671 = arith.constant 0 : i32
        %add3A_672 = arith.addi %mul3A_670, %add3A_671 : i32
        %mul3A_673 = arith.constant 16 : i32
        %mul3A_674 = arith.muli %add3A_672, %mul3A_673 : i32
        %swap3A = arith.index_cast %scan3A_653 : i32 to index
        %swap3A_675 = arith.index_cast %mul3A_674 : i32 to index
        %swap3A_676 = tpu.vector_load %arg8[%swap3A, %swap3A_675] {strides = array<i32>} : memref<32x1024xf32, #tpu.memory_space<vmem>>, vector<16xf32>,
        tpu.vector_store %arg8[%swap3A, %swap3A_675], %gather3A {strides = array<i32>} : memref<32x1024xf32, #tpu.memory_space<vmem>>, vector<16xf32>,
        %mul3A_677 = arith.constant 4 : i32
        %mul3A_678 = arith.muli %scan3A_660, %mul3A_677 : i32
        %add3A_679 = arith.constant 1 : i32
        %add3A_680 = arith.addi %mul3A_678, %add3A_679 : i32
        %mul3A_681 = arith.constant 16 : i32
        %mul3A_682 = arith.muli %add3A_680, %mul3A_681 : i32
        %iota3A_683 = tpu.iota {dimensions = array<i32: 0>} : vector<16xi32>
        %add3A_684 = vector.broadcast %mul3A_682 : i32 to vector<16xi32>
        %add3A_685 = arith.addi %add3A_684, %iota3A_683 : vector<16xi32>
        %gather3A_686 = tpu.vector_load_idx %arg6[%add3A_685, %broadcast_in_dim3A] : memref<1024x32xf32, #tpu.memory_space<vmem>>[vector<16xi32>, vector<16xi32>], vector<16xf32>,
        %mul3A_687 = arith.constant 4 : i32
        %mul3A_688 = arith.muli %scan3A_660, %mul3A_687 : i32
        %add3A_689 = arith.constant 1 : i32
        %add3A_690 = arith.addi %mul3A_688, %add3A_689 : i32
        %mul3A_691 = arith.constant 16 : i32
        %mul3A_692 = arith.muli %add3A_690, %mul3A_691 : i32
        %swap3A_693 = arith.index_cast %scan3A_653 : i32 to index
        %swap3A_694 = arith.index_cast %mul3A_692 : i32 to index
        %swap3A_695 = tpu.vector_load %arg8[%swap3A_693, %swap3A_694] {strides = array<i32>} : memref<32x1024xf32, #tpu.memory_space<vmem>>, vector<16xf32>,
        tpu.vector_store %arg8[%swap3A_693, %swap3A_694], %gather3A_686 {strides = array<i32>} : memref<32x1024xf32, #tpu.memory_space<vmem>>, vector<16xf32>,
        %mul3A_696 = arith.constant 4 : i32
        %mul3A_697 = arith.muli %scan3A_660, %mul3A_696 : i32
        %add3A_698 = arith.constant 2 : i32
        %add3A_699 = arith.addi %mul3A_697, %add3A_698 : i32
        %mul3A_700 = arith.constant 16 : i32
        %mul3A_701 = arith.muli %add3A_699, %mul3A_700 : i32
        %iota3A_702 = tpu.iota {dimensions = array<i32: 0>} : vector<16xi32>
        %add3A_703 = vector.broadcast %mul3A_701 : i32 to vector<16xi32>
        %add3A_704 = arith.addi %add3A_703, %iota3A_702 : vector<16xi32>
        %gather3A_705 = tpu.vector_load_idx %arg6[%add3A_704, %broadcast_in_dim3A] : memref<1024x32xf32, #tpu.memory_space<vmem>>[vector<16xi32>, vector<16xi32>], vector<16xf32>,
        %mul3A_706 = arith.constant 4 : i32
        %mul3A_707 = arith.muli %scan3A_660, %mul3A_706 : i32
        %add3A_708 = arith.constant 2 : i32
        %add3A_709 = arith.addi %mul3A_707, %add3A_708 : i32
        %mul3A_710 = arith.constant 16 : i32
        %mul3A_711 = arith.muli %add3A_709, %mul3A_710 : i32
        %swap3A_712 = arith.index_cast %scan3A_653 : i32 to index
        %swap3A_713 = arith.index_cast %mul3A_711 : i32 to index
        %swap3A_714 = tpu.vector_load %arg8[%swap3A_712, %swap3A_713] {strides = array<i32>} : memref<32x1024xf32, #tpu.memory_space<vmem>>, vector<16xf32>,
        tpu.vector_store %arg8[%swap3A_712, %swap3A_713], %gather3A_705 {strides = array<i32>} : memref<32x1024xf32, #tpu.memory_space<vmem>>, vector<16xf32>,
        %mul3A_715 = arith.constant 4 : i32
        %mul3A_716 = arith.muli %scan3A_660, %mul3A_715 : i32
        %add3A_717 = arith.constant 3 : i32
        %add3A_718 = arith.addi %mul3A_716, %add3A_717 : i32
        %mul3A_719 = arith.constant 16 : i32
        %mul3A_720 = arith.muli %add3A_718, %mul3A_719 : i32
        %iota3A_721 = tpu.iota {dimensions = array<i32: 0>} : vector<16xi32>
        %add3A_722 = vector.broadcast %mul3A_720 : i32 to vector<16xi32>
        %add3A_723 = arith.addi %add3A_722, %iota3A_721 : vector<16xi32>
        %gather3A_724 = tpu.vector_load_idx %arg6[%add3A_723, %broadcast_in_dim3A] : memref<1024x32xf32, #tpu.memory_space<vmem>>[vector<16xi32>, vector<16xi32>], vector<16xf32>,
        %mul3A_725 = arith.constant 4 : i32
        %mul3A_726 = arith.muli %scan3A_660, %mul3A_725 : i32
        %add3A_727 = arith.constant 3 : i32
        %add3A_728 = arith.addi %mul3A_726, %add3A_727 : i32
        %mul3A_729 = arith.constant 16 : i32
        %mul3A_730 = arith.muli %add3A_728, %mul3A_729 : i32
        %swap3A_731 = arith.index_cast %scan3A_653 : i32 to index
        %swap3A_732 = arith.index_cast %mul3A_730 : i32 to index
        %swap3A_733 = tpu.vector_load %arg8[%swap3A_731, %swap3A_732] {strides = array<i32>} : memref<32x1024xf32, #tpu.memory_space<vmem>>, vector<16xf32>,
        tpu.vector_store %arg8[%swap3A_731, %swap3A_732], %gather3A_724 {strides = array<i32>} : memref<32x1024xf32, #tpu.memory_space<vmem>>, vector<16xf32>,
      }
      %scan3A_659 = arith.constant 16 : i32
    }
    %scan3A_445 = arith.constant 32 : i32
    %mul3A_446 = arith.constant 25 : i32
    %mul3A_447 = arith.muli %arg0, %mul3A_446 : i32
    %add3A_448 = arith.constant 16 : i32
    %add3A_449 = arith.addi %mul3A_447, %add3A_448 : i32
    %mul3A_450 = arith.constant 1024 : i32
    %mul3A_451 = arith.muli %arg1, %mul3A_450 : i32
    "tpu.region"() ({
      %run_scoped3A = tpu.sem_alloc : memref<!tpu.dma_semaphore, #tpu.memory_space<semaphore_mem>>
      %dma_start3A_653 = arith.constant 0 : i32
      %dma_start3A_654 = tpu.memref_slice %arg4[%add3A_449, %dma_start3A_653, %mul3A_451] : memref<50x32x16384xf32, #tpu.memory_space<hbm>> -> memref<1x32x1024xf32, #tpu.memory_space<hbm>>
      %dma_start3A_655 = tpu.memref_squeeze %dma_start3A_654 : memref<1x32x1024xf32, #tpu.memory_space<hbm>> -> memref<32x1024xf32, #tpu.memory_space<hbm>>
      %dma_start3A_656 = arith.constant 0 : i32
      %dma_start3A_657 = tpu.memref_slice %arg4[%add3A_449, %dma_start3A_656, %mul3A_451] : memref<50x32x16384xf32, #tpu.memory_space<hbm>> -> memref<1x32x1024xf32, #tpu.memory_space<hbm>>
      %dma_start3A_658 = tpu.memref_squeeze %dma_start3A_657 : memref<1x32x1024xf32, #tpu.memory_space<hbm>> -> memref<32x1024xf32, #tpu.memory_space<hbm>>
      tpu.enqueue_dma source(%arg8 : memref<32x1024xf32, #tpu.memory_space<vmem>>) target(%dma_start3A_658 : memref<32x1024xf32, #tpu.memory_space<hbm>>) target_semaphore(%run_scoped3A : memref<!tpu.dma_semaphore, #tpu.memory_space<semaphore_mem>>)
      %dma_wait3A_659 = arith.constant 0 : i32
      %dma_wait3A_660 = tpu.memref_slice %arg4[%add3A_449, %dma_wait3A_659, %mul3A_451] : memref<50x32x16384xf32, #tpu.memory_space<hbm>> -> memref<1x32x1024xf32, #tpu.memory_space<hbm>>
      %dma_wait3A_661 = tpu.memref_squeeze %dma_wait3A_660 : memref<1x32x1024xf32, #tpu.memory_space<hbm>> -> memref<32x1024xf32, #tpu.memory_space<hbm>>
      %dma_wait3A_662 = arith.constant 0 : i32
      %dma_wait3A_663 = tpu.memref_slice %arg4[%add3A_449, %dma_wait3A_662, %mul3A_451] : memref<50x32x16384xf32, #tpu.memory_space<hbm>> -> memref<1x32x1024xf32, #tpu.memory_space<hbm>>
      %dma_wait3A_664 = tpu.memref_squeeze %dma_wait3A_663 : memref<1x32x1024xf32, #tpu.memory_space<hbm>> -> memref<32x1024xf32, #tpu.memory_space<hbm>>
      tpu.wait_dma2 semaphore(%run_scoped3A : memref<!tpu.dma_semaphore, #tpu.memory_space<semaphore_mem>>) src(%arg8 : memref<32x1024xf32, #tpu.memory_space<vmem>>) dst(%dma_wait3A_664 : memref<32x1024xf32, #tpu.memory_space<hbm>>)
      tpu.yield
    }) : () -> ()
    %dma_start3A_452 = arith.constant 18 : i32
    %dma_start3A_453 = arith.constant 0 : i32
    %dma_start3A_454 = tpu.memref_slice %arg5[%dma_start3A_452, %dma_start3A_453] : memref<25x1024xi32, #tpu.memory_space<vmem>> -> memref<1x1024xi32, #tpu.memory_space<vmem>>
    %dma_start3A_455 = tpu.memref_squeeze %dma_start3A_454 : memref<1x1024xi32, #tpu.memory_space<vmem>> -> memref<1024xi32, #tpu.memory_space<vmem>>
    %dma_start3A_456 = arith.constant 0 : i32
    %dma_start3A_457 = arith.constant 0 : i32
    %dma_start3A_458 = tpu.memref_slice %arg3[%dma_start3A_456, %dma_start3A_457] : memref<1000000x32xf32, #tpu.memory_space<hbm>> -> memref<1000000x32xf32, #tpu.memory_space<hbm>>
    tpu.enqueue_indirect_dma source(%dma_start3A_458 : memref<1000000x32xf32, #tpu.memory_space<hbm>>) target(%arg6 : memref<1024x32xf32, #tpu.memory_space<vmem>>) offsets(%dma_start3A_455 : memref<1024xi32, #tpu.memory_space<vmem>>) semaphore(%arg10 : memref<!tpu.dma_semaphore, #tpu.memory_space<semaphore_mem>>)
    %dma_wait3A_459 = arith.constant 17 : i32
    %dma_wait3A_460 = arith.constant 0 : i32
    %dma_wait3A_461 = tpu.memref_slice %arg5[%dma_wait3A_459, %dma_wait3A_460] : memref<25x1024xi32, #tpu.memory_space<vmem>> -> memref<1x1024xi32, #tpu.memory_space<vmem>>
    %dma_wait3A_462 = tpu.memref_squeeze %dma_wait3A_461 : memref<1x1024xi32, #tpu.memory_space<vmem>> -> memref<1024xi32, #tpu.memory_space<vmem>>
    %dma_wait3A_463 = arith.constant 0 : i32
    %dma_wait3A_464 = arith.constant 0 : i32
    %dma_wait3A_465 = tpu.memref_slice %arg3[%dma_wait3A_463, %dma_wait3A_464] : memref<1000000x32xf32, #tpu.memory_space<hbm>> -> memref<1000000x32xf32, #tpu.memory_space<hbm>>
    tpu.wait_indirect_dma semaphore(%arg11 : memref<!tpu.dma_semaphore, #tpu.memory_space<semaphore_mem>>) src(%dma_wait3A_465 : memref<1000000x32xf32, #tpu.memory_space<hbm>>) dst(%arg7 : memref<1024x32xf32, #tpu.memory_space<vmem>>)
    %scan3A_466 = arith.constant 0 : i32
    %scan3A_467 = arith.constant 0 : i32
    %scan3A_468 = arith.constant 32 : i32
    %scan3A_469 = arith.addi %scan3A_467, %scan3A_468 : i32
    %scan3A_470 = arith.constant 1 : i32
    scf.for %scan3A_653 = %scan3A_467 to %scan3A_469 step %scan3A_470  : i32 {
      %broadcast_in_dim3A = vector.broadcast %scan3A_653 : i32 to vector<16xi32>
      %scan3A_654 = arith.constant 0 : i32
      %scan3A_655 = arith.constant 0 : i32
      %scan3A_656 = arith.constant 16 : i32
      %scan3A_657 = arith.addi %scan3A_655, %scan3A_656 : i32
      %scan3A_658 = arith.constant 1 : i32
      scf.for %scan3A_660 = %scan3A_655 to %scan3A_657 step %scan3A_658  : i32 {
        %mul3A_661 = arith.constant 4 : i32
        %mul3A_662 = arith.muli %scan3A_660, %mul3A_661 : i32
        %add3A_663 = arith.constant 0 : i32
        %add3A_664 = arith.addi %mul3A_662, %add3A_663 : i32
        %mul3A_665 = arith.constant 16 : i32
        %mul3A_666 = arith.muli %add3A_664, %mul3A_665 : i32
        %iota3A = tpu.iota {dimensions = array<i32: 0>} : vector<16xi32>
        %add3A_667 = vector.broadcast %mul3A_666 : i32 to vector<16xi32>
        %add3A_668 = arith.addi %add3A_667, %iota3A : vector<16xi32>
        %gather3A = tpu.vector_load_idx %arg7[%add3A_668, %broadcast_in_dim3A] : memref<1024x32xf32, #tpu.memory_space<vmem>>[vector<16xi32>, vector<16xi32>], vector<16xf32>,
        %mul3A_669 = arith.constant 4 : i32
        %mul3A_670 = arith.muli %scan3A_660, %mul3A_669 : i32
        %add3A_671 = arith.constant 0 : i32
        %add3A_672 = arith.addi %mul3A_670, %add3A_671 : i32
        %mul3A_673 = arith.constant 16 : i32
        %mul3A_674 = arith.muli %add3A_672, %mul3A_673 : i32
        %swap3A = arith.index_cast %scan3A_653 : i32 to index
        %swap3A_675 = arith.index_cast %mul3A_674 : i32 to index
        %swap3A_676 = tpu.vector_load %arg8[%swap3A, %swap3A_675] {strides = array<i32>} : memref<32x1024xf32, #tpu.memory_space<vmem>>, vector<16xf32>,
        tpu.vector_store %arg8[%swap3A, %swap3A_675], %gather3A {strides = array<i32>} : memref<32x1024xf32, #tpu.memory_space<vmem>>, vector<16xf32>,
        %mul3A_677 = arith.constant 4 : i32
        %mul3A_678 = arith.muli %scan3A_660, %mul3A_677 : i32
        %add3A_679 = arith.constant 1 : i32
        %add3A_680 = arith.addi %mul3A_678, %add3A_679 : i32
        %mul3A_681 = arith.constant 16 : i32
        %mul3A_682 = arith.muli %add3A_680, %mul3A_681 : i32
        %iota3A_683 = tpu.iota {dimensions = array<i32: 0>} : vector<16xi32>
        %add3A_684 = vector.broadcast %mul3A_682 : i32 to vector<16xi32>
        %add3A_685 = arith.addi %add3A_684, %iota3A_683 : vector<16xi32>
        %gather3A_686 = tpu.vector_load_idx %arg7[%add3A_685, %broadcast_in_dim3A] : memref<1024x32xf32, #tpu.memory_space<vmem>>[vector<16xi32>, vector<16xi32>], vector<16xf32>,
        %mul3A_687 = arith.constant 4 : i32
        %mul3A_688 = arith.muli %scan3A_660, %mul3A_687 : i32
        %add3A_689 = arith.constant 1 : i32
        %add3A_690 = arith.addi %mul3A_688, %add3A_689 : i32
        %mul3A_691 = arith.constant 16 : i32
        %mul3A_692 = arith.muli %add3A_690, %mul3A_691 : i32
        %swap3A_693 = arith.index_cast %scan3A_653 : i32 to index
        %swap3A_694 = arith.index_cast %mul3A_692 : i32 to index
        %swap3A_695 = tpu.vector_load %arg8[%swap3A_693, %swap3A_694] {strides = array<i32>} : memref<32x1024xf32, #tpu.memory_space<vmem>>, vector<16xf32>,
        tpu.vector_store %arg8[%swap3A_693, %swap3A_694], %gather3A_686 {strides = array<i32>} : memref<32x1024xf32, #tpu.memory_space<vmem>>, vector<16xf32>,
        %mul3A_696 = arith.constant 4 : i32
        %mul3A_697 = arith.muli %scan3A_660, %mul3A_696 : i32
        %add3A_698 = arith.constant 2 : i32
        %add3A_699 = arith.addi %mul3A_697, %add3A_698 : i32
        %mul3A_700 = arith.constant 16 : i32
        %mul3A_701 = arith.muli %add3A_699, %mul3A_700 : i32
        %iota3A_702 = tpu.iota {dimensions = array<i32: 0>} : vector<16xi32>
        %add3A_703 = vector.broadcast %mul3A_701 : i32 to vector<16xi32>
        %add3A_704 = arith.addi %add3A_703, %iota3A_702 : vector<16xi32>
        %gather3A_705 = tpu.vector_load_idx %arg7[%add3A_704, %broadcast_in_dim3A] : memref<1024x32xf32, #tpu.memory_space<vmem>>[vector<16xi32>, vector<16xi32>], vector<16xf32>,
        %mul3A_706 = arith.constant 4 : i32
        %mul3A_707 = arith.muli %scan3A_660, %mul3A_706 : i32
        %add3A_708 = arith.constant 2 : i32
        %add3A_709 = arith.addi %mul3A_707, %add3A_708 : i32
        %mul3A_710 = arith.constant 16 : i32
        %mul3A_711 = arith.muli %add3A_709, %mul3A_710 : i32
        %swap3A_712 = arith.index_cast %scan3A_653 : i32 to index
        %swap3A_713 = arith.index_cast %mul3A_711 : i32 to index
        %swap3A_714 = tpu.vector_load %arg8[%swap3A_712, %swap3A_713] {strides = array<i32>} : memref<32x1024xf32, #tpu.memory_space<vmem>>, vector<16xf32>,
        tpu.vector_store %arg8[%swap3A_712, %swap3A_713], %gather3A_705 {strides = array<i32>} : memref<32x1024xf32, #tpu.memory_space<vmem>>, vector<16xf32>,
        %mul3A_715 = arith.constant 4 : i32
        %mul3A_716 = arith.muli %scan3A_660, %mul3A_715 : i32
        %add3A_717 = arith.constant 3 : i32
        %add3A_718 = arith.addi %mul3A_716, %add3A_717 : i32
        %mul3A_719 = arith.constant 16 : i32
        %mul3A_720 = arith.muli %add3A_718, %mul3A_719 : i32
        %iota3A_721 = tpu.iota {dimensions = array<i32: 0>} : vector<16xi32>
        %add3A_722 = vector.broadcast %mul3A_720 : i32 to vector<16xi32>
        %add3A_723 = arith.addi %add3A_722, %iota3A_721 : vector<16xi32>
        %gather3A_724 = tpu.vector_load_idx %arg7[%add3A_723, %broadcast_in_dim3A] : memref<1024x32xf32, #tpu.memory_space<vmem>>[vector<16xi32>, vector<16xi32>], vector<16xf32>,
        %mul3A_725 = arith.constant 4 : i32
        %mul3A_726 = arith.muli %scan3A_660, %mul3A_725 : i32
        %add3A_727 = arith.constant 3 : i32
        %add3A_728 = arith.addi %mul3A_726, %add3A_727 : i32
        %mul3A_729 = arith.constant 16 : i32
        %mul3A_730 = arith.muli %add3A_728, %mul3A_729 : i32
        %swap3A_731 = arith.index_cast %scan3A_653 : i32 to index
        %swap3A_732 = arith.index_cast %mul3A_730 : i32 to index
        %swap3A_733 = tpu.vector_load %arg8[%swap3A_731, %swap3A_732] {strides = array<i32>} : memref<32x1024xf32, #tpu.memory_space<vmem>>, vector<16xf32>,
        tpu.vector_store %arg8[%swap3A_731, %swap3A_732], %gather3A_724 {strides = array<i32>} : memref<32x1024xf32, #tpu.memory_space<vmem>>, vector<16xf32>,
      }
      %scan3A_659 = arith.constant 16 : i32
    }
    %scan3A_471 = arith.constant 32 : i32
    %mul3A_472 = arith.constant 25 : i32
    %mul3A_473 = arith.muli %arg0, %mul3A_472 : i32
    %add3A_474 = arith.constant 17 : i32
    %add3A_475 = arith.addi %mul3A_473, %add3A_474 : i32
    %mul3A_476 = arith.constant 1024 : i32
    %mul3A_477 = arith.muli %arg1, %mul3A_476 : i32
    "tpu.region"() ({
      %run_scoped3A = tpu.sem_alloc : memref<!tpu.dma_semaphore, #tpu.memory_space<semaphore_mem>>
      %dma_start3A_653 = arith.constant 0 : i32
      %dma_start3A_654 = tpu.memref_slice %arg4[%add3A_475, %dma_start3A_653, %mul3A_477] : memref<50x32x16384xf32, #tpu.memory_space<hbm>> -> memref<1x32x1024xf32, #tpu.memory_space<hbm>>
      %dma_start3A_655 = tpu.memref_squeeze %dma_start3A_654 : memref<1x32x1024xf32, #tpu.memory_space<hbm>> -> memref<32x1024xf32, #tpu.memory_space<hbm>>
      %dma_start3A_656 = arith.constant 0 : i32
      %dma_start3A_657 = tpu.memref_slice %arg4[%add3A_475, %dma_start3A_656, %mul3A_477] : memref<50x32x16384xf32, #tpu.memory_space<hbm>> -> memref<1x32x1024xf32, #tpu.memory_space<hbm>>
      %dma_start3A_658 = tpu.memref_squeeze %dma_start3A_657 : memref<1x32x1024xf32, #tpu.memory_space<hbm>> -> memref<32x1024xf32, #tpu.memory_space<hbm>>
      tpu.enqueue_dma source(%arg8 : memref<32x1024xf32, #tpu.memory_space<vmem>>) target(%dma_start3A_658 : memref<32x1024xf32, #tpu.memory_space<hbm>>) target_semaphore(%run_scoped3A : memref<!tpu.dma_semaphore, #tpu.memory_space<semaphore_mem>>)
      %dma_wait3A_659 = arith.constant 0 : i32
      %dma_wait3A_660 = tpu.memref_slice %arg4[%add3A_475, %dma_wait3A_659, %mul3A_477] : memref<50x32x16384xf32, #tpu.memory_space<hbm>> -> memref<1x32x1024xf32, #tpu.memory_space<hbm>>
      %dma_wait3A_661 = tpu.memref_squeeze %dma_wait3A_660 : memref<1x32x1024xf32, #tpu.memory_space<hbm>> -> memref<32x1024xf32, #tpu.memory_space<hbm>>
      %dma_wait3A_662 = arith.constant 0 : i32
      %dma_wait3A_663 = tpu.memref_slice %arg4[%add3A_475, %dma_wait3A_662, %mul3A_477] : memref<50x32x16384xf32, #tpu.memory_space<hbm>> -> memref<1x32x1024xf32, #tpu.memory_space<hbm>>
      %dma_wait3A_664 = tpu.memref_squeeze %dma_wait3A_663 : memref<1x32x1024xf32, #tpu.memory_space<hbm>> -> memref<32x1024xf32, #tpu.memory_space<hbm>>
      tpu.wait_dma2 semaphore(%run_scoped3A : memref<!tpu.dma_semaphore, #tpu.memory_space<semaphore_mem>>) src(%arg8 : memref<32x1024xf32, #tpu.memory_space<vmem>>) dst(%dma_wait3A_664 : memref<32x1024xf32, #tpu.memory_space<hbm>>)
      tpu.yield
    }) : () -> ()
    %dma_start3A_478 = arith.constant 19 : i32
    %dma_start3A_479 = arith.constant 0 : i32
    %dma_start3A_480 = tpu.memref_slice %arg5[%dma_start3A_478, %dma_start3A_479] : memref<25x1024xi32, #tpu.memory_space<vmem>> -> memref<1x1024xi32, #tpu.memory_space<vmem>>
    %dma_start3A_481 = tpu.memref_squeeze %dma_start3A_480 : memref<1x1024xi32, #tpu.memory_space<vmem>> -> memref<1024xi32, #tpu.memory_space<vmem>>
    %dma_start3A_482 = arith.constant 0 : i32
    %dma_start3A_483 = arith.constant 0 : i32
    %dma_start3A_484 = tpu.memref_slice %arg3[%dma_start3A_482, %dma_start3A_483] : memref<1000000x32xf32, #tpu.memory_space<hbm>> -> memref<1000000x32xf32, #tpu.memory_space<hbm>>
    tpu.enqueue_indirect_dma source(%dma_start3A_484 : memref<1000000x32xf32, #tpu.memory_space<hbm>>) target(%arg7 : memref<1024x32xf32, #tpu.memory_space<vmem>>) offsets(%dma_start3A_481 : memref<1024xi32, #tpu.memory_space<vmem>>) semaphore(%arg11 : memref<!tpu.dma_semaphore, #tpu.memory_space<semaphore_mem>>)
    %dma_wait3A_485 = arith.constant 18 : i32
    %dma_wait3A_486 = arith.constant 0 : i32
    %dma_wait3A_487 = tpu.memref_slice %arg5[%dma_wait3A_485, %dma_wait3A_486] : memref<25x1024xi32, #tpu.memory_space<vmem>> -> memref<1x1024xi32, #tpu.memory_space<vmem>>
    %dma_wait3A_488 = tpu.memref_squeeze %dma_wait3A_487 : memref<1x1024xi32, #tpu.memory_space<vmem>> -> memref<1024xi32, #tpu.memory_space<vmem>>
    %dma_wait3A_489 = arith.constant 0 : i32
    %dma_wait3A_490 = arith.constant 0 : i32
    %dma_wait3A_491 = tpu.memref_slice %arg3[%dma_wait3A_489, %dma_wait3A_490] : memref<1000000x32xf32, #tpu.memory_space<hbm>> -> memref<1000000x32xf32, #tpu.memory_space<hbm>>
    tpu.wait_indirect_dma semaphore(%arg10 : memref<!tpu.dma_semaphore, #tpu.memory_space<semaphore_mem>>) src(%dma_wait3A_491 : memref<1000000x32xf32, #tpu.memory_space<hbm>>) dst(%arg6 : memref<1024x32xf32, #tpu.memory_space<vmem>>)
    %scan3A_492 = arith.constant 0 : i32
    %scan3A_493 = arith.constant 0 : i32
    %scan3A_494 = arith.constant 32 : i32
    %scan3A_495 = arith.addi %scan3A_493, %scan3A_494 : i32
    %scan3A_496 = arith.constant 1 : i32
    scf.for %scan3A_653 = %scan3A_493 to %scan3A_495 step %scan3A_496  : i32 {
      %broadcast_in_dim3A = vector.broadcast %scan3A_653 : i32 to vector<16xi32>
      %scan3A_654 = arith.constant 0 : i32
      %scan3A_655 = arith.constant 0 : i32
      %scan3A_656 = arith.constant 16 : i32
      %scan3A_657 = arith.addi %scan3A_655, %scan3A_656 : i32
      %scan3A_658 = arith.constant 1 : i32
      scf.for %scan3A_660 = %scan3A_655 to %scan3A_657 step %scan3A_658  : i32 {
        %mul3A_661 = arith.constant 4 : i32
        %mul3A_662 = arith.muli %scan3A_660, %mul3A_661 : i32
        %add3A_663 = arith.constant 0 : i32
        %add3A_664 = arith.addi %mul3A_662, %add3A_663 : i32
        %mul3A_665 = arith.constant 16 : i32
        %mul3A_666 = arith.muli %add3A_664, %mul3A_665 : i32
        %iota3A = tpu.iota {dimensions = array<i32: 0>} : vector<16xi32>
        %add3A_667 = vector.broadcast %mul3A_666 : i32 to vector<16xi32>
        %add3A_668 = arith.addi %add3A_667, %iota3A : vector<16xi32>
        %gather3A = tpu.vector_load_idx %arg6[%add3A_668, %broadcast_in_dim3A] : memref<1024x32xf32, #tpu.memory_space<vmem>>[vector<16xi32>, vector<16xi32>], vector<16xf32>,
        %mul3A_669 = arith.constant 4 : i32
        %mul3A_670 = arith.muli %scan3A_660, %mul3A_669 : i32
        %add3A_671 = arith.constant 0 : i32
        %add3A_672 = arith.addi %mul3A_670, %add3A_671 : i32
        %mul3A_673 = arith.constant 16 : i32
        %mul3A_674 = arith.muli %add3A_672, %mul3A_673 : i32
        %swap3A = arith.index_cast %scan3A_653 : i32 to index
        %swap3A_675 = arith.index_cast %mul3A_674 : i32 to index
        %swap3A_676 = tpu.vector_load %arg8[%swap3A, %swap3A_675] {strides = array<i32>} : memref<32x1024xf32, #tpu.memory_space<vmem>>, vector<16xf32>,
        tpu.vector_store %arg8[%swap3A, %swap3A_675], %gather3A {strides = array<i32>} : memref<32x1024xf32, #tpu.memory_space<vmem>>, vector<16xf32>,
        %mul3A_677 = arith.constant 4 : i32
        %mul3A_678 = arith.muli %scan3A_660, %mul3A_677 : i32
        %add3A_679 = arith.constant 1 : i32
        %add3A_680 = arith.addi %mul3A_678, %add3A_679 : i32
        %mul3A_681 = arith.constant 16 : i32
        %mul3A_682 = arith.muli %add3A_680, %mul3A_681 : i32
        %iota3A_683 = tpu.iota {dimensions = array<i32: 0>} : vector<16xi32>
        %add3A_684 = vector.broadcast %mul3A_682 : i32 to vector<16xi32>
        %add3A_685 = arith.addi %add3A_684, %iota3A_683 : vector<16xi32>
        %gather3A_686 = tpu.vector_load_idx %arg6[%add3A_685, %broadcast_in_dim3A] : memref<1024x32xf32, #tpu.memory_space<vmem>>[vector<16xi32>, vector<16xi32>], vector<16xf32>,
        %mul3A_687 = arith.constant 4 : i32
        %mul3A_688 = arith.muli %scan3A_660, %mul3A_687 : i32
        %add3A_689 = arith.constant 1 : i32
        %add3A_690 = arith.addi %mul3A_688, %add3A_689 : i32
        %mul3A_691 = arith.constant 16 : i32
        %mul3A_692 = arith.muli %add3A_690, %mul3A_691 : i32
        %swap3A_693 = arith.index_cast %scan3A_653 : i32 to index
        %swap3A_694 = arith.index_cast %mul3A_692 : i32 to index
        %swap3A_695 = tpu.vector_load %arg8[%swap3A_693, %swap3A_694] {strides = array<i32>} : memref<32x1024xf32, #tpu.memory_space<vmem>>, vector<16xf32>,
        tpu.vector_store %arg8[%swap3A_693, %swap3A_694], %gather3A_686 {strides = array<i32>} : memref<32x1024xf32, #tpu.memory_space<vmem>>, vector<16xf32>,
        %mul3A_696 = arith.constant 4 : i32
        %mul3A_697 = arith.muli %scan3A_660, %mul3A_696 : i32
        %add3A_698 = arith.constant 2 : i32
        %add3A_699 = arith.addi %mul3A_697, %add3A_698 : i32
        %mul3A_700 = arith.constant 16 : i32
        %mul3A_701 = arith.muli %add3A_699, %mul3A_700 : i32
        %iota3A_702 = tpu.iota {dimensions = array<i32: 0>} : vector<16xi32>
        %add3A_703 = vector.broadcast %mul3A_701 : i32 to vector<16xi32>
        %add3A_704 = arith.addi %add3A_703, %iota3A_702 : vector<16xi32>
        %gather3A_705 = tpu.vector_load_idx %arg6[%add3A_704, %broadcast_in_dim3A] : memref<1024x32xf32, #tpu.memory_space<vmem>>[vector<16xi32>, vector<16xi32>], vector<16xf32>,
        %mul3A_706 = arith.constant 4 : i32
        %mul3A_707 = arith.muli %scan3A_660, %mul3A_706 : i32
        %add3A_708 = arith.constant 2 : i32
        %add3A_709 = arith.addi %mul3A_707, %add3A_708 : i32
        %mul3A_710 = arith.constant 16 : i32
        %mul3A_711 = arith.muli %add3A_709, %mul3A_710 : i32
        %swap3A_712 = arith.index_cast %scan3A_653 : i32 to index
        %swap3A_713 = arith.index_cast %mul3A_711 : i32 to index
        %swap3A_714 = tpu.vector_load %arg8[%swap3A_712, %swap3A_713] {strides = array<i32>} : memref<32x1024xf32, #tpu.memory_space<vmem>>, vector<16xf32>,
        tpu.vector_store %arg8[%swap3A_712, %swap3A_713], %gather3A_705 {strides = array<i32>} : memref<32x1024xf32, #tpu.memory_space<vmem>>, vector<16xf32>,
        %mul3A_715 = arith.constant 4 : i32
        %mul3A_716 = arith.muli %scan3A_660, %mul3A_715 : i32
        %add3A_717 = arith.constant 3 : i32
        %add3A_718 = arith.addi %mul3A_716, %add3A_717 : i32
        %mul3A_719 = arith.constant 16 : i32
        %mul3A_720 = arith.muli %add3A_718, %mul3A_719 : i32
        %iota3A_721 = tpu.iota {dimensions = array<i32: 0>} : vector<16xi32>
        %add3A_722 = vector.broadcast %mul3A_720 : i32 to vector<16xi32>
        %add3A_723 = arith.addi %add3A_722, %iota3A_721 : vector<16xi32>
        %gather3A_724 = tpu.vector_load_idx %arg6[%add3A_723, %broadcast_in_dim3A] : memref<1024x32xf32, #tpu.memory_space<vmem>>[vector<16xi32>, vector<16xi32>], vector<16xf32>,
        %mul3A_725 = arith.constant 4 : i32
        %mul3A_726 = arith.muli %scan3A_660, %mul3A_725 : i32
        %add3A_727 = arith.constant 3 : i32
        %add3A_728 = arith.addi %mul3A_726, %add3A_727 : i32
        %mul3A_729 = arith.constant 16 : i32
        %mul3A_730 = arith.muli %add3A_728, %mul3A_729 : i32
        %swap3A_731 = arith.index_cast %scan3A_653 : i32 to index
        %swap3A_732 = arith.index_cast %mul3A_730 : i32 to index
        %swap3A_733 = tpu.vector_load %arg8[%swap3A_731, %swap3A_732] {strides = array<i32>} : memref<32x1024xf32, #tpu.memory_space<vmem>>, vector<16xf32>,
        tpu.vector_store %arg8[%swap3A_731, %swap3A_732], %gather3A_724 {strides = array<i32>} : memref<32x1024xf32, #tpu.memory_space<vmem>>, vector<16xf32>,
      }
      %scan3A_659 = arith.constant 16 : i32
    }
    %scan3A_497 = arith.constant 32 : i32
    %mul3A_498 = arith.constant 25 : i32
    %mul3A_499 = arith.muli %arg0, %mul3A_498 : i32
    %add3A_500 = arith.constant 18 : i32
    %add3A_501 = arith.addi %mul3A_499, %add3A_500 : i32
    %mul3A_502 = arith.constant 1024 : i32
    %mul3A_503 = arith.muli %arg1, %mul3A_502 : i32
    "tpu.region"() ({
      %run_scoped3A = tpu.sem_alloc : memref<!tpu.dma_semaphore, #tpu.memory_space<semaphore_mem>>
      %dma_start3A_653 = arith.constant 0 : i32
      %dma_start3A_654 = tpu.memref_slice %arg4[%add3A_501, %dma_start3A_653, %mul3A_503] : memref<50x32x16384xf32, #tpu.memory_space<hbm>> -> memref<1x32x1024xf32, #tpu.memory_space<hbm>>
      %dma_start3A_655 = tpu.memref_squeeze %dma_start3A_654 : memref<1x32x1024xf32, #tpu.memory_space<hbm>> -> memref<32x1024xf32, #tpu.memory_space<hbm>>
      %dma_start3A_656 = arith.constant 0 : i32
      %dma_start3A_657 = tpu.memref_slice %arg4[%add3A_501, %dma_start3A_656, %mul3A_503] : memref<50x32x16384xf32, #tpu.memory_space<hbm>> -> memref<1x32x1024xf32, #tpu.memory_space<hbm>>
      %dma_start3A_658 = tpu.memref_squeeze %dma_start3A_657 : memref<1x32x1024xf32, #tpu.memory_space<hbm>> -> memref<32x1024xf32, #tpu.memory_space<hbm>>
      tpu.enqueue_dma source(%arg8 : memref<32x1024xf32, #tpu.memory_space<vmem>>) target(%dma_start3A_658 : memref<32x1024xf32, #tpu.memory_space<hbm>>) target_semaphore(%run_scoped3A : memref<!tpu.dma_semaphore, #tpu.memory_space<semaphore_mem>>)
      %dma_wait3A_659 = arith.constant 0 : i32
      %dma_wait3A_660 = tpu.memref_slice %arg4[%add3A_501, %dma_wait3A_659, %mul3A_503] : memref<50x32x16384xf32, #tpu.memory_space<hbm>> -> memref<1x32x1024xf32, #tpu.memory_space<hbm>>
      %dma_wait3A_661 = tpu.memref_squeeze %dma_wait3A_660 : memref<1x32x1024xf32, #tpu.memory_space<hbm>> -> memref<32x1024xf32, #tpu.memory_space<hbm>>
      %dma_wait3A_662 = arith.constant 0 : i32
      %dma_wait3A_663 = tpu.memref_slice %arg4[%add3A_501, %dma_wait3A_662, %mul3A_503] : memref<50x32x16384xf32, #tpu.memory_space<hbm>> -> memref<1x32x1024xf32, #tpu.memory_space<hbm>>
      %dma_wait3A_664 = tpu.memref_squeeze %dma_wait3A_663 : memref<1x32x1024xf32, #tpu.memory_space<hbm>> -> memref<32x1024xf32, #tpu.memory_space<hbm>>
      tpu.wait_dma2 semaphore(%run_scoped3A : memref<!tpu.dma_semaphore, #tpu.memory_space<semaphore_mem>>) src(%arg8 : memref<32x1024xf32, #tpu.memory_space<vmem>>) dst(%dma_wait3A_664 : memref<32x1024xf32, #tpu.memory_space<hbm>>)
      tpu.yield
    }) : () -> ()
    %dma_start3A_504 = arith.constant 20 : i32
    %dma_start3A_505 = arith.constant 0 : i32
    %dma_start3A_506 = tpu.memref_slice %arg5[%dma_start3A_504, %dma_start3A_505] : memref<25x1024xi32, #tpu.memory_space<vmem>> -> memref<1x1024xi32, #tpu.memory_space<vmem>>
    %dma_start3A_507 = tpu.memref_squeeze %dma_start3A_506 : memref<1x1024xi32, #tpu.memory_space<vmem>> -> memref<1024xi32, #tpu.memory_space<vmem>>
    %dma_start3A_508 = arith.constant 0 : i32
    %dma_start3A_509 = arith.constant 0 : i32
    %dma_start3A_510 = tpu.memref_slice %arg3[%dma_start3A_508, %dma_start3A_509] : memref<1000000x32xf32, #tpu.memory_space<hbm>> -> memref<1000000x32xf32, #tpu.memory_space<hbm>>
    tpu.enqueue_indirect_dma source(%dma_start3A_510 : memref<1000000x32xf32, #tpu.memory_space<hbm>>) target(%arg6 : memref<1024x32xf32, #tpu.memory_space<vmem>>) offsets(%dma_start3A_507 : memref<1024xi32, #tpu.memory_space<vmem>>) semaphore(%arg10 : memref<!tpu.dma_semaphore, #tpu.memory_space<semaphore_mem>>)
    %dma_wait3A_511 = arith.constant 19 : i32
    %dma_wait3A_512 = arith.constant 0 : i32
    %dma_wait3A_513 = tpu.memref_slice %arg5[%dma_wait3A_511, %dma_wait3A_512] : memref<25x1024xi32, #tpu.memory_space<vmem>> -> memref<1x1024xi32, #tpu.memory_space<vmem>>
    %dma_wait3A_514 = tpu.memref_squeeze %dma_wait3A_513 : memref<1x1024xi32, #tpu.memory_space<vmem>> -> memref<1024xi32, #tpu.memory_space<vmem>>
    %dma_wait3A_515 = arith.constant 0 : i32
    %dma_wait3A_516 = arith.constant 0 : i32
    %dma_wait3A_517 = tpu.memref_slice %arg3[%dma_wait3A_515, %dma_wait3A_516] : memref<1000000x32xf32, #tpu.memory_space<hbm>> -> memref<1000000x32xf32, #tpu.memory_space<hbm>>
    tpu.wait_indirect_dma semaphore(%arg11 : memref<!tpu.dma_semaphore, #tpu.memory_space<semaphore_mem>>) src(%dma_wait3A_517 : memref<1000000x32xf32, #tpu.memory_space<hbm>>) dst(%arg7 : memref<1024x32xf32, #tpu.memory_space<vmem>>)
    %scan3A_518 = arith.constant 0 : i32
    %scan3A_519 = arith.constant 0 : i32
    %scan3A_520 = arith.constant 32 : i32
    %scan3A_521 = arith.addi %scan3A_519, %scan3A_520 : i32
    %scan3A_522 = arith.constant 1 : i32
    scf.for %scan3A_653 = %scan3A_519 to %scan3A_521 step %scan3A_522  : i32 {
      %broadcast_in_dim3A = vector.broadcast %scan3A_653 : i32 to vector<16xi32>
      %scan3A_654 = arith.constant 0 : i32
      %scan3A_655 = arith.constant 0 : i32
      %scan3A_656 = arith.constant 16 : i32
      %scan3A_657 = arith.addi %scan3A_655, %scan3A_656 : i32
      %scan3A_658 = arith.constant 1 : i32
      scf.for %scan3A_660 = %scan3A_655 to %scan3A_657 step %scan3A_658  : i32 {
        %mul3A_661 = arith.constant 4 : i32
        %mul3A_662 = arith.muli %scan3A_660, %mul3A_661 : i32
        %add3A_663 = arith.constant 0 : i32
        %add3A_664 = arith.addi %mul3A_662, %add3A_663 : i32
        %mul3A_665 = arith.constant 16 : i32
        %mul3A_666 = arith.muli %add3A_664, %mul3A_665 : i32
        %iota3A = tpu.iota {dimensions = array<i32: 0>} : vector<16xi32>
        %add3A_667 = vector.broadcast %mul3A_666 : i32 to vector<16xi32>
        %add3A_668 = arith.addi %add3A_667, %iota3A : vector<16xi32>
        %gather3A = tpu.vector_load_idx %arg7[%add3A_668, %broadcast_in_dim3A] : memref<1024x32xf32, #tpu.memory_space<vmem>>[vector<16xi32>, vector<16xi32>], vector<16xf32>,
        %mul3A_669 = arith.constant 4 : i32
        %mul3A_670 = arith.muli %scan3A_660, %mul3A_669 : i32
        %add3A_671 = arith.constant 0 : i32
        %add3A_672 = arith.addi %mul3A_670, %add3A_671 : i32
        %mul3A_673 = arith.constant 16 : i32
        %mul3A_674 = arith.muli %add3A_672, %mul3A_673 : i32
        %swap3A = arith.index_cast %scan3A_653 : i32 to index
        %swap3A_675 = arith.index_cast %mul3A_674 : i32 to index
        %swap3A_676 = tpu.vector_load %arg8[%swap3A, %swap3A_675] {strides = array<i32>} : memref<32x1024xf32, #tpu.memory_space<vmem>>, vector<16xf32>,
        tpu.vector_store %arg8[%swap3A, %swap3A_675], %gather3A {strides = array<i32>} : memref<32x1024xf32, #tpu.memory_space<vmem>>, vector<16xf32>,
        %mul3A_677 = arith.constant 4 : i32
        %mul3A_678 = arith.muli %scan3A_660, %mul3A_677 : i32
        %add3A_679 = arith.constant 1 : i32
        %add3A_680 = arith.addi %mul3A_678, %add3A_679 : i32
        %mul3A_681 = arith.constant 16 : i32
        %mul3A_682 = arith.muli %add3A_680, %mul3A_681 : i32
        %iota3A_683 = tpu.iota {dimensions = array<i32: 0>} : vector<16xi32>
        %add3A_684 = vector.broadcast %mul3A_682 : i32 to vector<16xi32>
        %add3A_685 = arith.addi %add3A_684, %iota3A_683 : vector<16xi32>
        %gather3A_686 = tpu.vector_load_idx %arg7[%add3A_685, %broadcast_in_dim3A] : memref<1024x32xf32, #tpu.memory_space<vmem>>[vector<16xi32>, vector<16xi32>], vector<16xf32>,
        %mul3A_687 = arith.constant 4 : i32
        %mul3A_688 = arith.muli %scan3A_660, %mul3A_687 : i32
        %add3A_689 = arith.constant 1 : i32
        %add3A_690 = arith.addi %mul3A_688, %add3A_689 : i32
        %mul3A_691 = arith.constant 16 : i32
        %mul3A_692 = arith.muli %add3A_690, %mul3A_691 : i32
        %swap3A_693 = arith.index_cast %scan3A_653 : i32 to index
        %swap3A_694 = arith.index_cast %mul3A_692 : i32 to index
        %swap3A_695 = tpu.vector_load %arg8[%swap3A_693, %swap3A_694] {strides = array<i32>} : memref<32x1024xf32, #tpu.memory_space<vmem>>, vector<16xf32>,
        tpu.vector_store %arg8[%swap3A_693, %swap3A_694], %gather3A_686 {strides = array<i32>} : memref<32x1024xf32, #tpu.memory_space<vmem>>, vector<16xf32>,
        %mul3A_696 = arith.constant 4 : i32
        %mul3A_697 = arith.muli %scan3A_660, %mul3A_696 : i32
        %add3A_698 = arith.constant 2 : i32
        %add3A_699 = arith.addi %mul3A_697, %add3A_698 : i32
        %mul3A_700 = arith.constant 16 : i32
        %mul3A_701 = arith.muli %add3A_699, %mul3A_700 : i32
        %iota3A_702 = tpu.iota {dimensions = array<i32: 0>} : vector<16xi32>
        %add3A_703 = vector.broadcast %mul3A_701 : i32 to vector<16xi32>
        %add3A_704 = arith.addi %add3A_703, %iota3A_702 : vector<16xi32>
        %gather3A_705 = tpu.vector_load_idx %arg7[%add3A_704, %broadcast_in_dim3A] : memref<1024x32xf32, #tpu.memory_space<vmem>>[vector<16xi32>, vector<16xi32>], vector<16xf32>,
        %mul3A_706 = arith.constant 4 : i32
        %mul3A_707 = arith.muli %scan3A_660, %mul3A_706 : i32
        %add3A_708 = arith.constant 2 : i32
        %add3A_709 = arith.addi %mul3A_707, %add3A_708 : i32
        %mul3A_710 = arith.constant 16 : i32
        %mul3A_711 = arith.muli %add3A_709, %mul3A_710 : i32
        %swap3A_712 = arith.index_cast %scan3A_653 : i32 to index
        %swap3A_713 = arith.index_cast %mul3A_711 : i32 to index
        %swap3A_714 = tpu.vector_load %arg8[%swap3A_712, %swap3A_713] {strides = array<i32>} : memref<32x1024xf32, #tpu.memory_space<vmem>>, vector<16xf32>,
        tpu.vector_store %arg8[%swap3A_712, %swap3A_713], %gather3A_705 {strides = array<i32>} : memref<32x1024xf32, #tpu.memory_space<vmem>>, vector<16xf32>,
        %mul3A_715 = arith.constant 4 : i32
        %mul3A_716 = arith.muli %scan3A_660, %mul3A_715 : i32
        %add3A_717 = arith.constant 3 : i32
        %add3A_718 = arith.addi %mul3A_716, %add3A_717 : i32
        %mul3A_719 = arith.constant 16 : i32
        %mul3A_720 = arith.muli %add3A_718, %mul3A_719 : i32
        %iota3A_721 = tpu.iota {dimensions = array<i32: 0>} : vector<16xi32>
        %add3A_722 = vector.broadcast %mul3A_720 : i32 to vector<16xi32>
        %add3A_723 = arith.addi %add3A_722, %iota3A_721 : vector<16xi32>
        %gather3A_724 = tpu.vector_load_idx %arg7[%add3A_723, %broadcast_in_dim3A] : memref<1024x32xf32, #tpu.memory_space<vmem>>[vector<16xi32>, vector<16xi32>], vector<16xf32>,
        %mul3A_725 = arith.constant 4 : i32
        %mul3A_726 = arith.muli %scan3A_660, %mul3A_725 : i32
        %add3A_727 = arith.constant 3 : i32
        %add3A_728 = arith.addi %mul3A_726, %add3A_727 : i32
        %mul3A_729 = arith.constant 16 : i32
        %mul3A_730 = arith.muli %add3A_728, %mul3A_729 : i32
        %swap3A_731 = arith.index_cast %scan3A_653 : i32 to index
        %swap3A_732 = arith.index_cast %mul3A_730 : i32 to index
        %swap3A_733 = tpu.vector_load %arg8[%swap3A_731, %swap3A_732] {strides = array<i32>} : memref<32x1024xf32, #tpu.memory_space<vmem>>, vector<16xf32>,
        tpu.vector_store %arg8[%swap3A_731, %swap3A_732], %gather3A_724 {strides = array<i32>} : memref<32x1024xf32, #tpu.memory_space<vmem>>, vector<16xf32>,
      }
      %scan3A_659 = arith.constant 16 : i32
    }
    %scan3A_523 = arith.constant 32 : i32
    %mul3A_524 = arith.constant 25 : i32
    %mul3A_525 = arith.muli %arg0, %mul3A_524 : i32
    %add3A_526 = arith.constant 19 : i32
    %add3A_527 = arith.addi %mul3A_525, %add3A_526 : i32
    %mul3A_528 = arith.constant 1024 : i32
    %mul3A_529 = arith.muli %arg1, %mul3A_528 : i32
    "tpu.region"() ({
      %run_scoped3A = tpu.sem_alloc : memref<!tpu.dma_semaphore, #tpu.memory_space<semaphore_mem>>
      %dma_start3A_653 = arith.constant 0 : i32
      %dma_start3A_654 = tpu.memref_slice %arg4[%add3A_527, %dma_start3A_653, %mul3A_529] : memref<50x32x16384xf32, #tpu.memory_space<hbm>> -> memref<1x32x1024xf32, #tpu.memory_space<hbm>>
      %dma_start3A_655 = tpu.memref_squeeze %dma_start3A_654 : memref<1x32x1024xf32, #tpu.memory_space<hbm>> -> memref<32x1024xf32, #tpu.memory_space<hbm>>
      %dma_start3A_656 = arith.constant 0 : i32
      %dma_start3A_657 = tpu.memref_slice %arg4[%add3A_527, %dma_start3A_656, %mul3A_529] : memref<50x32x16384xf32, #tpu.memory_space<hbm>> -> memref<1x32x1024xf32, #tpu.memory_space<hbm>>
      %dma_start3A_658 = tpu.memref_squeeze %dma_start3A_657 : memref<1x32x1024xf32, #tpu.memory_space<hbm>> -> memref<32x1024xf32, #tpu.memory_space<hbm>>
      tpu.enqueue_dma source(%arg8 : memref<32x1024xf32, #tpu.memory_space<vmem>>) target(%dma_start3A_658 : memref<32x1024xf32, #tpu.memory_space<hbm>>) target_semaphore(%run_scoped3A : memref<!tpu.dma_semaphore, #tpu.memory_space<semaphore_mem>>)
      %dma_wait3A_659 = arith.constant 0 : i32
      %dma_wait3A_660 = tpu.memref_slice %arg4[%add3A_527, %dma_wait3A_659, %mul3A_529] : memref<50x32x16384xf32, #tpu.memory_space<hbm>> -> memref<1x32x1024xf32, #tpu.memory_space<hbm>>
      %dma_wait3A_661 = tpu.memref_squeeze %dma_wait3A_660 : memref<1x32x1024xf32, #tpu.memory_space<hbm>> -> memref<32x1024xf32, #tpu.memory_space<hbm>>
      %dma_wait3A_662 = arith.constant 0 : i32
      %dma_wait3A_663 = tpu.memref_slice %arg4[%add3A_527, %dma_wait3A_662, %mul3A_529] : memref<50x32x16384xf32, #tpu.memory_space<hbm>> -> memref<1x32x1024xf32, #tpu.memory_space<hbm>>
      %dma_wait3A_664 = tpu.memref_squeeze %dma_wait3A_663 : memref<1x32x1024xf32, #tpu.memory_space<hbm>> -> memref<32x1024xf32, #tpu.memory_space<hbm>>
      tpu.wait_dma2 semaphore(%run_scoped3A : memref<!tpu.dma_semaphore, #tpu.memory_space<semaphore_mem>>) src(%arg8 : memref<32x1024xf32, #tpu.memory_space<vmem>>) dst(%dma_wait3A_664 : memref<32x1024xf32, #tpu.memory_space<hbm>>)
      tpu.yield
    }) : () -> ()
    %dma_start3A_530 = arith.constant 21 : i32
    %dma_start3A_531 = arith.constant 0 : i32
    %dma_start3A_532 = tpu.memref_slice %arg5[%dma_start3A_530, %dma_start3A_531] : memref<25x1024xi32, #tpu.memory_space<vmem>> -> memref<1x1024xi32, #tpu.memory_space<vmem>>
    %dma_start3A_533 = tpu.memref_squeeze %dma_start3A_532 : memref<1x1024xi32, #tpu.memory_space<vmem>> -> memref<1024xi32, #tpu.memory_space<vmem>>
    %dma_start3A_534 = arith.constant 0 : i32
    %dma_start3A_535 = arith.constant 0 : i32
    %dma_start3A_536 = tpu.memref_slice %arg3[%dma_start3A_534, %dma_start3A_535] : memref<1000000x32xf32, #tpu.memory_space<hbm>> -> memref<1000000x32xf32, #tpu.memory_space<hbm>>
    tpu.enqueue_indirect_dma source(%dma_start3A_536 : memref<1000000x32xf32, #tpu.memory_space<hbm>>) target(%arg7 : memref<1024x32xf32, #tpu.memory_space<vmem>>) offsets(%dma_start3A_533 : memref<1024xi32, #tpu.memory_space<vmem>>) semaphore(%arg11 : memref<!tpu.dma_semaphore, #tpu.memory_space<semaphore_mem>>)
    %dma_wait3A_537 = arith.constant 20 : i32
    %dma_wait3A_538 = arith.constant 0 : i32
    %dma_wait3A_539 = tpu.memref_slice %arg5[%dma_wait3A_537, %dma_wait3A_538] : memref<25x1024xi32, #tpu.memory_space<vmem>> -> memref<1x1024xi32, #tpu.memory_space<vmem>>
    %dma_wait3A_540 = tpu.memref_squeeze %dma_wait3A_539 : memref<1x1024xi32, #tpu.memory_space<vmem>> -> memref<1024xi32, #tpu.memory_space<vmem>>
    %dma_wait3A_541 = arith.constant 0 : i32
    %dma_wait3A_542 = arith.constant 0 : i32
    %dma_wait3A_543 = tpu.memref_slice %arg3[%dma_wait3A_541, %dma_wait3A_542] : memref<1000000x32xf32, #tpu.memory_space<hbm>> -> memref<1000000x32xf32, #tpu.memory_space<hbm>>
    tpu.wait_indirect_dma semaphore(%arg10 : memref<!tpu.dma_semaphore, #tpu.memory_space<semaphore_mem>>) src(%dma_wait3A_543 : memref<1000000x32xf32, #tpu.memory_space<hbm>>) dst(%arg6 : memref<1024x32xf32, #tpu.memory_space<vmem>>)
    %scan3A_544 = arith.constant 0 : i32
    %scan3A_545 = arith.constant 0 : i32
    %scan3A_546 = arith.constant 32 : i32
    %scan3A_547 = arith.addi %scan3A_545, %scan3A_546 : i32
    %scan3A_548 = arith.constant 1 : i32
    scf.for %scan3A_653 = %scan3A_545 to %scan3A_547 step %scan3A_548  : i32 {
      %broadcast_in_dim3A = vector.broadcast %scan3A_653 : i32 to vector<16xi32>
      %scan3A_654 = arith.constant 0 : i32
      %scan3A_655 = arith.constant 0 : i32
      %scan3A_656 = arith.constant 16 : i32
      %scan3A_657 = arith.addi %scan3A_655, %scan3A_656 : i32
      %scan3A_658 = arith.constant 1 : i32
      scf.for %scan3A_660 = %scan3A_655 to %scan3A_657 step %scan3A_658  : i32 {
        %mul3A_661 = arith.constant 4 : i32
        %mul3A_662 = arith.muli %scan3A_660, %mul3A_661 : i32
        %add3A_663 = arith.constant 0 : i32
        %add3A_664 = arith.addi %mul3A_662, %add3A_663 : i32
        %mul3A_665 = arith.constant 16 : i32
        %mul3A_666 = arith.muli %add3A_664, %mul3A_665 : i32
        %iota3A = tpu.iota {dimensions = array<i32: 0>} : vector<16xi32>
        %add3A_667 = vector.broadcast %mul3A_666 : i32 to vector<16xi32>
        %add3A_668 = arith.addi %add3A_667, %iota3A : vector<16xi32>
        %gather3A = tpu.vector_load_idx %arg6[%add3A_668, %broadcast_in_dim3A] : memref<1024x32xf32, #tpu.memory_space<vmem>>[vector<16xi32>, vector<16xi32>], vector<16xf32>,
        %mul3A_669 = arith.constant 4 : i32
        %mul3A_670 = arith.muli %scan3A_660, %mul3A_669 : i32
        %add3A_671 = arith.constant 0 : i32
        %add3A_672 = arith.addi %mul3A_670, %add3A_671 : i32
        %mul3A_673 = arith.constant 16 : i32
        %mul3A_674 = arith.muli %add3A_672, %mul3A_673 : i32
        %swap3A = arith.index_cast %scan3A_653 : i32 to index
        %swap3A_675 = arith.index_cast %mul3A_674 : i32 to index
        %swap3A_676 = tpu.vector_load %arg8[%swap3A, %swap3A_675] {strides = array<i32>} : memref<32x1024xf32, #tpu.memory_space<vmem>>, vector<16xf32>,
        tpu.vector_store %arg8[%swap3A, %swap3A_675], %gather3A {strides = array<i32>} : memref<32x1024xf32, #tpu.memory_space<vmem>>, vector<16xf32>,
        %mul3A_677 = arith.constant 4 : i32
        %mul3A_678 = arith.muli %scan3A_660, %mul3A_677 : i32
        %add3A_679 = arith.constant 1 : i32
        %add3A_680 = arith.addi %mul3A_678, %add3A_679 : i32
        %mul3A_681 = arith.constant 16 : i32
        %mul3A_682 = arith.muli %add3A_680, %mul3A_681 : i32
        %iota3A_683 = tpu.iota {dimensions = array<i32: 0>} : vector<16xi32>
        %add3A_684 = vector.broadcast %mul3A_682 : i32 to vector<16xi32>
        %add3A_685 = arith.addi %add3A_684, %iota3A_683 : vector<16xi32>
        %gather3A_686 = tpu.vector_load_idx %arg6[%add3A_685, %broadcast_in_dim3A] : memref<1024x32xf32, #tpu.memory_space<vmem>>[vector<16xi32>, vector<16xi32>], vector<16xf32>,
        %mul3A_687 = arith.constant 4 : i32
        %mul3A_688 = arith.muli %scan3A_660, %mul3A_687 : i32
        %add3A_689 = arith.constant 1 : i32
        %add3A_690 = arith.addi %mul3A_688, %add3A_689 : i32
        %mul3A_691 = arith.constant 16 : i32
        %mul3A_692 = arith.muli %add3A_690, %mul3A_691 : i32
        %swap3A_693 = arith.index_cast %scan3A_653 : i32 to index
        %swap3A_694 = arith.index_cast %mul3A_692 : i32 to index
        %swap3A_695 = tpu.vector_load %arg8[%swap3A_693, %swap3A_694] {strides = array<i32>} : memref<32x1024xf32, #tpu.memory_space<vmem>>, vector<16xf32>,
        tpu.vector_store %arg8[%swap3A_693, %swap3A_694], %gather3A_686 {strides = array<i32>} : memref<32x1024xf32, #tpu.memory_space<vmem>>, vector<16xf32>,
        %mul3A_696 = arith.constant 4 : i32
        %mul3A_697 = arith.muli %scan3A_660, %mul3A_696 : i32
        %add3A_698 = arith.constant 2 : i32
        %add3A_699 = arith.addi %mul3A_697, %add3A_698 : i32
        %mul3A_700 = arith.constant 16 : i32
        %mul3A_701 = arith.muli %add3A_699, %mul3A_700 : i32
        %iota3A_702 = tpu.iota {dimensions = array<i32: 0>} : vector<16xi32>
        %add3A_703 = vector.broadcast %mul3A_701 : i32 to vector<16xi32>
        %add3A_704 = arith.addi %add3A_703, %iota3A_702 : vector<16xi32>
        %gather3A_705 = tpu.vector_load_idx %arg6[%add3A_704, %broadcast_in_dim3A] : memref<1024x32xf32, #tpu.memory_space<vmem>>[vector<16xi32>, vector<16xi32>], vector<16xf32>,
        %mul3A_706 = arith.constant 4 : i32
        %mul3A_707 = arith.muli %scan3A_660, %mul3A_706 : i32
        %add3A_708 = arith.constant 2 : i32
        %add3A_709 = arith.addi %mul3A_707, %add3A_708 : i32
        %mul3A_710 = arith.constant 16 : i32
        %mul3A_711 = arith.muli %add3A_709, %mul3A_710 : i32
        %swap3A_712 = arith.index_cast %scan3A_653 : i32 to index
        %swap3A_713 = arith.index_cast %mul3A_711 : i32 to index
        %swap3A_714 = tpu.vector_load %arg8[%swap3A_712, %swap3A_713] {strides = array<i32>} : memref<32x1024xf32, #tpu.memory_space<vmem>>, vector<16xf32>,
        tpu.vector_store %arg8[%swap3A_712, %swap3A_713], %gather3A_705 {strides = array<i32>} : memref<32x1024xf32, #tpu.memory_space<vmem>>, vector<16xf32>,
        %mul3A_715 = arith.constant 4 : i32
        %mul3A_716 = arith.muli %scan3A_660, %mul3A_715 : i32
        %add3A_717 = arith.constant 3 : i32
        %add3A_718 = arith.addi %mul3A_716, %add3A_717 : i32
        %mul3A_719 = arith.constant 16 : i32
        %mul3A_720 = arith.muli %add3A_718, %mul3A_719 : i32
        %iota3A_721 = tpu.iota {dimensions = array<i32: 0>} : vector<16xi32>
        %add3A_722 = vector.broadcast %mul3A_720 : i32 to vector<16xi32>
        %add3A_723 = arith.addi %add3A_722, %iota3A_721 : vector<16xi32>
        %gather3A_724 = tpu.vector_load_idx %arg6[%add3A_723, %broadcast_in_dim3A] : memref<1024x32xf32, #tpu.memory_space<vmem>>[vector<16xi32>, vector<16xi32>], vector<16xf32>,
        %mul3A_725 = arith.constant 4 : i32
        %mul3A_726 = arith.muli %scan3A_660, %mul3A_725 : i32
        %add3A_727 = arith.constant 3 : i32
        %add3A_728 = arith.addi %mul3A_726, %add3A_727 : i32
        %mul3A_729 = arith.constant 16 : i32
        %mul3A_730 = arith.muli %add3A_728, %mul3A_729 : i32
        %swap3A_731 = arith.index_cast %scan3A_653 : i32 to index
        %swap3A_732 = arith.index_cast %mul3A_730 : i32 to index
        %swap3A_733 = tpu.vector_load %arg8[%swap3A_731, %swap3A_732] {strides = array<i32>} : memref<32x1024xf32, #tpu.memory_space<vmem>>, vector<16xf32>,
        tpu.vector_store %arg8[%swap3A_731, %swap3A_732], %gather3A_724 {strides = array<i32>} : memref<32x1024xf32, #tpu.memory_space<vmem>>, vector<16xf32>,
      }
      %scan3A_659 = arith.constant 16 : i32
    }
    %scan3A_549 = arith.constant 32 : i32
    %mul3A_550 = arith.constant 25 : i32
    %mul3A_551 = arith.muli %arg0, %mul3A_550 : i32
    %add3A_552 = arith.constant 20 : i32
    %add3A_553 = arith.addi %mul3A_551, %add3A_552 : i32
    %mul3A_554 = arith.constant 1024 : i32
    %mul3A_555 = arith.muli %arg1, %mul3A_554 : i32
    "tpu.region"() ({
      %run_scoped3A = tpu.sem_alloc : memref<!tpu.dma_semaphore, #tpu.memory_space<semaphore_mem>>
      %dma_start3A_653 = arith.constant 0 : i32
      %dma_start3A_654 = tpu.memref_slice %arg4[%add3A_553, %dma_start3A_653, %mul3A_555] : memref<50x32x16384xf32, #tpu.memory_space<hbm>> -> memref<1x32x1024xf32, #tpu.memory_space<hbm>>
      %dma_start3A_655 = tpu.memref_squeeze %dma_start3A_654 : memref<1x32x1024xf32, #tpu.memory_space<hbm>> -> memref<32x1024xf32, #tpu.memory_space<hbm>>
      %dma_start3A_656 = arith.constant 0 : i32
      %dma_start3A_657 = tpu.memref_slice %arg4[%add3A_553, %dma_start3A_656, %mul3A_555] : memref<50x32x16384xf32, #tpu.memory_space<hbm>> -> memref<1x32x1024xf32, #tpu.memory_space<hbm>>
      %dma_start3A_658 = tpu.memref_squeeze %dma_start3A_657 : memref<1x32x1024xf32, #tpu.memory_space<hbm>> -> memref<32x1024xf32, #tpu.memory_space<hbm>>
      tpu.enqueue_dma source(%arg8 : memref<32x1024xf32, #tpu.memory_space<vmem>>) target(%dma_start3A_658 : memref<32x1024xf32, #tpu.memory_space<hbm>>) target_semaphore(%run_scoped3A : memref<!tpu.dma_semaphore, #tpu.memory_space<semaphore_mem>>)
      %dma_wait3A_659 = arith.constant 0 : i32
      %dma_wait3A_660 = tpu.memref_slice %arg4[%add3A_553, %dma_wait3A_659, %mul3A_555] : memref<50x32x16384xf32, #tpu.memory_space<hbm>> -> memref<1x32x1024xf32, #tpu.memory_space<hbm>>
      %dma_wait3A_661 = tpu.memref_squeeze %dma_wait3A_660 : memref<1x32x1024xf32, #tpu.memory_space<hbm>> -> memref<32x1024xf32, #tpu.memory_space<hbm>>
      %dma_wait3A_662 = arith.constant 0 : i32
      %dma_wait3A_663 = tpu.memref_slice %arg4[%add3A_553, %dma_wait3A_662, %mul3A_555] : memref<50x32x16384xf32, #tpu.memory_space<hbm>> -> memref<1x32x1024xf32, #tpu.memory_space<hbm>>
      %dma_wait3A_664 = tpu.memref_squeeze %dma_wait3A_663 : memref<1x32x1024xf32, #tpu.memory_space<hbm>> -> memref<32x1024xf32, #tpu.memory_space<hbm>>
      tpu.wait_dma2 semaphore(%run_scoped3A : memref<!tpu.dma_semaphore, #tpu.memory_space<semaphore_mem>>) src(%arg8 : memref<32x1024xf32, #tpu.memory_space<vmem>>) dst(%dma_wait3A_664 : memref<32x1024xf32, #tpu.memory_space<hbm>>)
      tpu.yield
    }) : () -> ()
    %dma_start3A_556 = arith.constant 22 : i32
    %dma_start3A_557 = arith.constant 0 : i32
    %dma_start3A_558 = tpu.memref_slice %arg5[%dma_start3A_556, %dma_start3A_557] : memref<25x1024xi32, #tpu.memory_space<vmem>> -> memref<1x1024xi32, #tpu.memory_space<vmem>>
    %dma_start3A_559 = tpu.memref_squeeze %dma_start3A_558 : memref<1x1024xi32, #tpu.memory_space<vmem>> -> memref<1024xi32, #tpu.memory_space<vmem>>
    %dma_start3A_560 = arith.constant 0 : i32
    %dma_start3A_561 = arith.constant 0 : i32
    %dma_start3A_562 = tpu.memref_slice %arg3[%dma_start3A_560, %dma_start3A_561] : memref<1000000x32xf32, #tpu.memory_space<hbm>> -> memref<1000000x32xf32, #tpu.memory_space<hbm>>
    tpu.enqueue_indirect_dma source(%dma_start3A_562 : memref<1000000x32xf32, #tpu.memory_space<hbm>>) target(%arg6 : memref<1024x32xf32, #tpu.memory_space<vmem>>) offsets(%dma_start3A_559 : memref<1024xi32, #tpu.memory_space<vmem>>) semaphore(%arg10 : memref<!tpu.dma_semaphore, #tpu.memory_space<semaphore_mem>>)
    %dma_wait3A_563 = arith.constant 21 : i32
    %dma_wait3A_564 = arith.constant 0 : i32
    %dma_wait3A_565 = tpu.memref_slice %arg5[%dma_wait3A_563, %dma_wait3A_564] : memref<25x1024xi32, #tpu.memory_space<vmem>> -> memref<1x1024xi32, #tpu.memory_space<vmem>>
    %dma_wait3A_566 = tpu.memref_squeeze %dma_wait3A_565 : memref<1x1024xi32, #tpu.memory_space<vmem>> -> memref<1024xi32, #tpu.memory_space<vmem>>
    %dma_wait3A_567 = arith.constant 0 : i32
    %dma_wait3A_568 = arith.constant 0 : i32
    %dma_wait3A_569 = tpu.memref_slice %arg3[%dma_wait3A_567, %dma_wait3A_568] : memref<1000000x32xf32, #tpu.memory_space<hbm>> -> memref<1000000x32xf32, #tpu.memory_space<hbm>>
    tpu.wait_indirect_dma semaphore(%arg11 : memref<!tpu.dma_semaphore, #tpu.memory_space<semaphore_mem>>) src(%dma_wait3A_569 : memref<1000000x32xf32, #tpu.memory_space<hbm>>) dst(%arg7 : memref<1024x32xf32, #tpu.memory_space<vmem>>)
    %scan3A_570 = arith.constant 0 : i32
    %scan3A_571 = arith.constant 0 : i32
    %scan3A_572 = arith.constant 32 : i32
    %scan3A_573 = arith.addi %scan3A_571, %scan3A_572 : i32
    %scan3A_574 = arith.constant 1 : i32
    scf.for %scan3A_653 = %scan3A_571 to %scan3A_573 step %scan3A_574  : i32 {
      %broadcast_in_dim3A = vector.broadcast %scan3A_653 : i32 to vector<16xi32>
      %scan3A_654 = arith.constant 0 : i32
      %scan3A_655 = arith.constant 0 : i32
      %scan3A_656 = arith.constant 16 : i32
      %scan3A_657 = arith.addi %scan3A_655, %scan3A_656 : i32
      %scan3A_658 = arith.constant 1 : i32
      scf.for %scan3A_660 = %scan3A_655 to %scan3A_657 step %scan3A_658  : i32 {
        %mul3A_661 = arith.constant 4 : i32
        %mul3A_662 = arith.muli %scan3A_660, %mul3A_661 : i32
        %add3A_663 = arith.constant 0 : i32
        %add3A_664 = arith.addi %mul3A_662, %add3A_663 : i32
        %mul3A_665 = arith.constant 16 : i32
        %mul3A_666 = arith.muli %add3A_664, %mul3A_665 : i32
        %iota3A = tpu.iota {dimensions = array<i32: 0>} : vector<16xi32>
        %add3A_667 = vector.broadcast %mul3A_666 : i32 to vector<16xi32>
        %add3A_668 = arith.addi %add3A_667, %iota3A : vector<16xi32>
        %gather3A = tpu.vector_load_idx %arg7[%add3A_668, %broadcast_in_dim3A] : memref<1024x32xf32, #tpu.memory_space<vmem>>[vector<16xi32>, vector<16xi32>], vector<16xf32>,
        %mul3A_669 = arith.constant 4 : i32
        %mul3A_670 = arith.muli %scan3A_660, %mul3A_669 : i32
        %add3A_671 = arith.constant 0 : i32
        %add3A_672 = arith.addi %mul3A_670, %add3A_671 : i32
        %mul3A_673 = arith.constant 16 : i32
        %mul3A_674 = arith.muli %add3A_672, %mul3A_673 : i32
        %swap3A = arith.index_cast %scan3A_653 : i32 to index
        %swap3A_675 = arith.index_cast %mul3A_674 : i32 to index
        %swap3A_676 = tpu.vector_load %arg8[%swap3A, %swap3A_675] {strides = array<i32>} : memref<32x1024xf32, #tpu.memory_space<vmem>>, vector<16xf32>,
        tpu.vector_store %arg8[%swap3A, %swap3A_675], %gather3A {strides = array<i32>} : memref<32x1024xf32, #tpu.memory_space<vmem>>, vector<16xf32>,
        %mul3A_677 = arith.constant 4 : i32
        %mul3A_678 = arith.muli %scan3A_660, %mul3A_677 : i32
        %add3A_679 = arith.constant 1 : i32
        %add3A_680 = arith.addi %mul3A_678, %add3A_679 : i32
        %mul3A_681 = arith.constant 16 : i32
        %mul3A_682 = arith.muli %add3A_680, %mul3A_681 : i32
        %iota3A_683 = tpu.iota {dimensions = array<i32: 0>} : vector<16xi32>
        %add3A_684 = vector.broadcast %mul3A_682 : i32 to vector<16xi32>
        %add3A_685 = arith.addi %add3A_684, %iota3A_683 : vector<16xi32>
        %gather3A_686 = tpu.vector_load_idx %arg7[%add3A_685, %broadcast_in_dim3A] : memref<1024x32xf32, #tpu.memory_space<vmem>>[vector<16xi32>, vector<16xi32>], vector<16xf32>,
        %mul3A_687 = arith.constant 4 : i32
        %mul3A_688 = arith.muli %scan3A_660, %mul3A_687 : i32
        %add3A_689 = arith.constant 1 : i32
        %add3A_690 = arith.addi %mul3A_688, %add3A_689 : i32
        %mul3A_691 = arith.constant 16 : i32
        %mul3A_692 = arith.muli %add3A_690, %mul3A_691 : i32
        %swap3A_693 = arith.index_cast %scan3A_653 : i32 to index
        %swap3A_694 = arith.index_cast %mul3A_692 : i32 to index
        %swap3A_695 = tpu.vector_load %arg8[%swap3A_693, %swap3A_694] {strides = array<i32>} : memref<32x1024xf32, #tpu.memory_space<vmem>>, vector<16xf32>,
        tpu.vector_store %arg8[%swap3A_693, %swap3A_694], %gather3A_686 {strides = array<i32>} : memref<32x1024xf32, #tpu.memory_space<vmem>>, vector<16xf32>,
        %mul3A_696 = arith.constant 4 : i32
        %mul3A_697 = arith.muli %scan3A_660, %mul3A_696 : i32
        %add3A_698 = arith.constant 2 : i32
        %add3A_699 = arith.addi %mul3A_697, %add3A_698 : i32
        %mul3A_700 = arith.constant 16 : i32
        %mul3A_701 = arith.muli %add3A_699, %mul3A_700 : i32
        %iota3A_702 = tpu.iota {dimensions = array<i32: 0>} : vector<16xi32>
        %add3A_703 = vector.broadcast %mul3A_701 : i32 to vector<16xi32>
        %add3A_704 = arith.addi %add3A_703, %iota3A_702 : vector<16xi32>
        %gather3A_705 = tpu.vector_load_idx %arg7[%add3A_704, %broadcast_in_dim3A] : memref<1024x32xf32, #tpu.memory_space<vmem>>[vector<16xi32>, vector<16xi32>], vector<16xf32>,
        %mul3A_706 = arith.constant 4 : i32
        %mul3A_707 = arith.muli %scan3A_660, %mul3A_706 : i32
        %add3A_708 = arith.constant 2 : i32
        %add3A_709 = arith.addi %mul3A_707, %add3A_708 : i32
        %mul3A_710 = arith.constant 16 : i32
        %mul3A_711 = arith.muli %add3A_709, %mul3A_710 : i32
        %swap3A_712 = arith.index_cast %scan3A_653 : i32 to index
        %swap3A_713 = arith.index_cast %mul3A_711 : i32 to index
        %swap3A_714 = tpu.vector_load %arg8[%swap3A_712, %swap3A_713] {strides = array<i32>} : memref<32x1024xf32, #tpu.memory_space<vmem>>, vector<16xf32>,
        tpu.vector_store %arg8[%swap3A_712, %swap3A_713], %gather3A_705 {strides = array<i32>} : memref<32x1024xf32, #tpu.memory_space<vmem>>, vector<16xf32>,
        %mul3A_715 = arith.constant 4 : i32
        %mul3A_716 = arith.muli %scan3A_660, %mul3A_715 : i32
        %add3A_717 = arith.constant 3 : i32
        %add3A_718 = arith.addi %mul3A_716, %add3A_717 : i32
        %mul3A_719 = arith.constant 16 : i32
        %mul3A_720 = arith.muli %add3A_718, %mul3A_719 : i32
        %iota3A_721 = tpu.iota {dimensions = array<i32: 0>} : vector<16xi32>
        %add3A_722 = vector.broadcast %mul3A_720 : i32 to vector<16xi32>
        %add3A_723 = arith.addi %add3A_722, %iota3A_721 : vector<16xi32>
        %gather3A_724 = tpu.vector_load_idx %arg7[%add3A_723, %broadcast_in_dim3A] : memref<1024x32xf32, #tpu.memory_space<vmem>>[vector<16xi32>, vector<16xi32>], vector<16xf32>,
        %mul3A_725 = arith.constant 4 : i32
        %mul3A_726 = arith.muli %scan3A_660, %mul3A_725 : i32
        %add3A_727 = arith.constant 3 : i32
        %add3A_728 = arith.addi %mul3A_726, %add3A_727 : i32
        %mul3A_729 = arith.constant 16 : i32
        %mul3A_730 = arith.muli %add3A_728, %mul3A_729 : i32
        %swap3A_731 = arith.index_cast %scan3A_653 : i32 to index
        %swap3A_732 = arith.index_cast %mul3A_730 : i32 to index
        %swap3A_733 = tpu.vector_load %arg8[%swap3A_731, %swap3A_732] {strides = array<i32>} : memref<32x1024xf32, #tpu.memory_space<vmem>>, vector<16xf32>,
        tpu.vector_store %arg8[%swap3A_731, %swap3A_732], %gather3A_724 {strides = array<i32>} : memref<32x1024xf32, #tpu.memory_space<vmem>>, vector<16xf32>,
      }
      %scan3A_659 = arith.constant 16 : i32
    }
    %scan3A_575 = arith.constant 32 : i32
    %mul3A_576 = arith.constant 25 : i32
    %mul3A_577 = arith.muli %arg0, %mul3A_576 : i32
    %add3A_578 = arith.constant 21 : i32
    %add3A_579 = arith.addi %mul3A_577, %add3A_578 : i32
    %mul3A_580 = arith.constant 1024 : i32
    %mul3A_581 = arith.muli %arg1, %mul3A_580 : i32
    "tpu.region"() ({
      %run_scoped3A = tpu.sem_alloc : memref<!tpu.dma_semaphore, #tpu.memory_space<semaphore_mem>>
      %dma_start3A_653 = arith.constant 0 : i32
      %dma_start3A_654 = tpu.memref_slice %arg4[%add3A_579, %dma_start3A_653, %mul3A_581] : memref<50x32x16384xf32, #tpu.memory_space<hbm>> -> memref<1x32x1024xf32, #tpu.memory_space<hbm>>
      %dma_start3A_655 = tpu.memref_squeeze %dma_start3A_654 : memref<1x32x1024xf32, #tpu.memory_space<hbm>> -> memref<32x1024xf32, #tpu.memory_space<hbm>>
      %dma_start3A_656 = arith.constant 0 : i32
      %dma_start3A_657 = tpu.memref_slice %arg4[%add3A_579, %dma_start3A_656, %mul3A_581] : memref<50x32x16384xf32, #tpu.memory_space<hbm>> -> memref<1x32x1024xf32, #tpu.memory_space<hbm>>
      %dma_start3A_658 = tpu.memref_squeeze %dma_start3A_657 : memref<1x32x1024xf32, #tpu.memory_space<hbm>> -> memref<32x1024xf32, #tpu.memory_space<hbm>>
      tpu.enqueue_dma source(%arg8 : memref<32x1024xf32, #tpu.memory_space<vmem>>) target(%dma_start3A_658 : memref<32x1024xf32, #tpu.memory_space<hbm>>) target_semaphore(%run_scoped3A : memref<!tpu.dma_semaphore, #tpu.memory_space<semaphore_mem>>)
      %dma_wait3A_659 = arith.constant 0 : i32
      %dma_wait3A_660 = tpu.memref_slice %arg4[%add3A_579, %dma_wait3A_659, %mul3A_581] : memref<50x32x16384xf32, #tpu.memory_space<hbm>> -> memref<1x32x1024xf32, #tpu.memory_space<hbm>>
      %dma_wait3A_661 = tpu.memref_squeeze %dma_wait3A_660 : memref<1x32x1024xf32, #tpu.memory_space<hbm>> -> memref<32x1024xf32, #tpu.memory_space<hbm>>
      %dma_wait3A_662 = arith.constant 0 : i32
      %dma_wait3A_663 = tpu.memref_slice %arg4[%add3A_579, %dma_wait3A_662, %mul3A_581] : memref<50x32x16384xf32, #tpu.memory_space<hbm>> -> memref<1x32x1024xf32, #tpu.memory_space<hbm>>
      %dma_wait3A_664 = tpu.memref_squeeze %dma_wait3A_663 : memref<1x32x1024xf32, #tpu.memory_space<hbm>> -> memref<32x1024xf32, #tpu.memory_space<hbm>>
      tpu.wait_dma2 semaphore(%run_scoped3A : memref<!tpu.dma_semaphore, #tpu.memory_space<semaphore_mem>>) src(%arg8 : memref<32x1024xf32, #tpu.memory_space<vmem>>) dst(%dma_wait3A_664 : memref<32x1024xf32, #tpu.memory_space<hbm>>)
      tpu.yield
    }) : () -> ()
    %dma_start3A_582 = arith.constant 23 : i32
    %dma_start3A_583 = arith.constant 0 : i32
    %dma_start3A_584 = tpu.memref_slice %arg5[%dma_start3A_582, %dma_start3A_583] : memref<25x1024xi32, #tpu.memory_space<vmem>> -> memref<1x1024xi32, #tpu.memory_space<vmem>>
    %dma_start3A_585 = tpu.memref_squeeze %dma_start3A_584 : memref<1x1024xi32, #tpu.memory_space<vmem>> -> memref<1024xi32, #tpu.memory_space<vmem>>
    %dma_start3A_586 = arith.constant 0 : i32
    %dma_start3A_587 = arith.constant 0 : i32
    %dma_start3A_588 = tpu.memref_slice %arg3[%dma_start3A_586, %dma_start3A_587] : memref<1000000x32xf32, #tpu.memory_space<hbm>> -> memref<1000000x32xf32, #tpu.memory_space<hbm>>
    tpu.enqueue_indirect_dma source(%dma_start3A_588 : memref<1000000x32xf32, #tpu.memory_space<hbm>>) target(%arg7 : memref<1024x32xf32, #tpu.memory_space<vmem>>) offsets(%dma_start3A_585 : memref<1024xi32, #tpu.memory_space<vmem>>) semaphore(%arg11 : memref<!tpu.dma_semaphore, #tpu.memory_space<semaphore_mem>>)
    %dma_wait3A_589 = arith.constant 22 : i32
    %dma_wait3A_590 = arith.constant 0 : i32
    %dma_wait3A_591 = tpu.memref_slice %arg5[%dma_wait3A_589, %dma_wait3A_590] : memref<25x1024xi32, #tpu.memory_space<vmem>> -> memref<1x1024xi32, #tpu.memory_space<vmem>>
    %dma_wait3A_592 = tpu.memref_squeeze %dma_wait3A_591 : memref<1x1024xi32, #tpu.memory_space<vmem>> -> memref<1024xi32, #tpu.memory_space<vmem>>
    %dma_wait3A_593 = arith.constant 0 : i32
    %dma_wait3A_594 = arith.constant 0 : i32
    %dma_wait3A_595 = tpu.memref_slice %arg3[%dma_wait3A_593, %dma_wait3A_594] : memref<1000000x32xf32, #tpu.memory_space<hbm>> -> memref<1000000x32xf32, #tpu.memory_space<hbm>>
    tpu.wait_indirect_dma semaphore(%arg10 : memref<!tpu.dma_semaphore, #tpu.memory_space<semaphore_mem>>) src(%dma_wait3A_595 : memref<1000000x32xf32, #tpu.memory_space<hbm>>) dst(%arg6 : memref<1024x32xf32, #tpu.memory_space<vmem>>)
    %scan3A_596 = arith.constant 0 : i32
    %scan3A_597 = arith.constant 0 : i32
    %scan3A_598 = arith.constant 32 : i32
    %scan3A_599 = arith.addi %scan3A_597, %scan3A_598 : i32
    %scan3A_600 = arith.constant 1 : i32
    scf.for %scan3A_653 = %scan3A_597 to %scan3A_599 step %scan3A_600  : i32 {
      %broadcast_in_dim3A = vector.broadcast %scan3A_653 : i32 to vector<16xi32>
      %scan3A_654 = arith.constant 0 : i32
      %scan3A_655 = arith.constant 0 : i32
      %scan3A_656 = arith.constant 16 : i32
      %scan3A_657 = arith.addi %scan3A_655, %scan3A_656 : i32
      %scan3A_658 = arith.constant 1 : i32
      scf.for %scan3A_660 = %scan3A_655 to %scan3A_657 step %scan3A_658  : i32 {
        %mul3A_661 = arith.constant 4 : i32
        %mul3A_662 = arith.muli %scan3A_660, %mul3A_661 : i32
        %add3A_663 = arith.constant 0 : i32
        %add3A_664 = arith.addi %mul3A_662, %add3A_663 : i32
        %mul3A_665 = arith.constant 16 : i32
        %mul3A_666 = arith.muli %add3A_664, %mul3A_665 : i32
        %iota3A = tpu.iota {dimensions = array<i32: 0>} : vector<16xi32>
        %add3A_667 = vector.broadcast %mul3A_666 : i32 to vector<16xi32>
        %add3A_668 = arith.addi %add3A_667, %iota3A : vector<16xi32>
        %gather3A = tpu.vector_load_idx %arg6[%add3A_668, %broadcast_in_dim3A] : memref<1024x32xf32, #tpu.memory_space<vmem>>[vector<16xi32>, vector<16xi32>], vector<16xf32>,
        %mul3A_669 = arith.constant 4 : i32
        %mul3A_670 = arith.muli %scan3A_660, %mul3A_669 : i32
        %add3A_671 = arith.constant 0 : i32
        %add3A_672 = arith.addi %mul3A_670, %add3A_671 : i32
        %mul3A_673 = arith.constant 16 : i32
        %mul3A_674 = arith.muli %add3A_672, %mul3A_673 : i32
        %swap3A = arith.index_cast %scan3A_653 : i32 to index
        %swap3A_675 = arith.index_cast %mul3A_674 : i32 to index
        %swap3A_676 = tpu.vector_load %arg8[%swap3A, %swap3A_675] {strides = array<i32>} : memref<32x1024xf32, #tpu.memory_space<vmem>>, vector<16xf32>,
        tpu.vector_store %arg8[%swap3A, %swap3A_675], %gather3A {strides = array<i32>} : memref<32x1024xf32, #tpu.memory_space<vmem>>, vector<16xf32>,
        %mul3A_677 = arith.constant 4 : i32
        %mul3A_678 = arith.muli %scan3A_660, %mul3A_677 : i32
        %add3A_679 = arith.constant 1 : i32
        %add3A_680 = arith.addi %mul3A_678, %add3A_679 : i32
        %mul3A_681 = arith.constant 16 : i32
        %mul3A_682 = arith.muli %add3A_680, %mul3A_681 : i32
        %iota3A_683 = tpu.iota {dimensions = array<i32: 0>} : vector<16xi32>
        %add3A_684 = vector.broadcast %mul3A_682 : i32 to vector<16xi32>
        %add3A_685 = arith.addi %add3A_684, %iota3A_683 : vector<16xi32>
        %gather3A_686 = tpu.vector_load_idx %arg6[%add3A_685, %broadcast_in_dim3A] : memref<1024x32xf32, #tpu.memory_space<vmem>>[vector<16xi32>, vector<16xi32>], vector<16xf32>,
        %mul3A_687 = arith.constant 4 : i32
        %mul3A_688 = arith.muli %scan3A_660, %mul3A_687 : i32
        %add3A_689 = arith.constant 1 : i32
        %add3A_690 = arith.addi %mul3A_688, %add3A_689 : i32
        %mul3A_691 = arith.constant 16 : i32
        %mul3A_692 = arith.muli %add3A_690, %mul3A_691 : i32
        %swap3A_693 = arith.index_cast %scan3A_653 : i32 to index
        %swap3A_694 = arith.index_cast %mul3A_692 : i32 to index
        %swap3A_695 = tpu.vector_load %arg8[%swap3A_693, %swap3A_694] {strides = array<i32>} : memref<32x1024xf32, #tpu.memory_space<vmem>>, vector<16xf32>,
        tpu.vector_store %arg8[%swap3A_693, %swap3A_694], %gather3A_686 {strides = array<i32>} : memref<32x1024xf32, #tpu.memory_space<vmem>>, vector<16xf32>,
        %mul3A_696 = arith.constant 4 : i32
        %mul3A_697 = arith.muli %scan3A_660, %mul3A_696 : i32
        %add3A_698 = arith.constant 2 : i32
        %add3A_699 = arith.addi %mul3A_697, %add3A_698 : i32
        %mul3A_700 = arith.constant 16 : i32
        %mul3A_701 = arith.muli %add3A_699, %mul3A_700 : i32
        %iota3A_702 = tpu.iota {dimensions = array<i32: 0>} : vector<16xi32>
        %add3A_703 = vector.broadcast %mul3A_701 : i32 to vector<16xi32>
        %add3A_704 = arith.addi %add3A_703, %iota3A_702 : vector<16xi32>
        %gather3A_705 = tpu.vector_load_idx %arg6[%add3A_704, %broadcast_in_dim3A] : memref<1024x32xf32, #tpu.memory_space<vmem>>[vector<16xi32>, vector<16xi32>], vector<16xf32>,
        %mul3A_706 = arith.constant 4 : i32
        %mul3A_707 = arith.muli %scan3A_660, %mul3A_706 : i32
        %add3A_708 = arith.constant 2 : i32
        %add3A_709 = arith.addi %mul3A_707, %add3A_708 : i32
        %mul3A_710 = arith.constant 16 : i32
        %mul3A_711 = arith.muli %add3A_709, %mul3A_710 : i32
        %swap3A_712 = arith.index_cast %scan3A_653 : i32 to index
        %swap3A_713 = arith.index_cast %mul3A_711 : i32 to index
        %swap3A_714 = tpu.vector_load %arg8[%swap3A_712, %swap3A_713] {strides = array<i32>} : memref<32x1024xf32, #tpu.memory_space<vmem>>, vector<16xf32>,
        tpu.vector_store %arg8[%swap3A_712, %swap3A_713], %gather3A_705 {strides = array<i32>} : memref<32x1024xf32, #tpu.memory_space<vmem>>, vector<16xf32>,
        %mul3A_715 = arith.constant 4 : i32
        %mul3A_716 = arith.muli %scan3A_660, %mul3A_715 : i32
        %add3A_717 = arith.constant 3 : i32
        %add3A_718 = arith.addi %mul3A_716, %add3A_717 : i32
        %mul3A_719 = arith.constant 16 : i32
        %mul3A_720 = arith.muli %add3A_718, %mul3A_719 : i32
        %iota3A_721 = tpu.iota {dimensions = array<i32: 0>} : vector<16xi32>
        %add3A_722 = vector.broadcast %mul3A_720 : i32 to vector<16xi32>
        %add3A_723 = arith.addi %add3A_722, %iota3A_721 : vector<16xi32>
        %gather3A_724 = tpu.vector_load_idx %arg6[%add3A_723, %broadcast_in_dim3A] : memref<1024x32xf32, #tpu.memory_space<vmem>>[vector<16xi32>, vector<16xi32>], vector<16xf32>,
        %mul3A_725 = arith.constant 4 : i32
        %mul3A_726 = arith.muli %scan3A_660, %mul3A_725 : i32
        %add3A_727 = arith.constant 3 : i32
        %add3A_728 = arith.addi %mul3A_726, %add3A_727 : i32
        %mul3A_729 = arith.constant 16 : i32
        %mul3A_730 = arith.muli %add3A_728, %mul3A_729 : i32
        %swap3A_731 = arith.index_cast %scan3A_653 : i32 to index
        %swap3A_732 = arith.index_cast %mul3A_730 : i32 to index
        %swap3A_733 = tpu.vector_load %arg8[%swap3A_731, %swap3A_732] {strides = array<i32>} : memref<32x1024xf32, #tpu.memory_space<vmem>>, vector<16xf32>,
        tpu.vector_store %arg8[%swap3A_731, %swap3A_732], %gather3A_724 {strides = array<i32>} : memref<32x1024xf32, #tpu.memory_space<vmem>>, vector<16xf32>,
      }
      %scan3A_659 = arith.constant 16 : i32
    }
    %scan3A_601 = arith.constant 32 : i32
    %mul3A_602 = arith.constant 25 : i32
    %mul3A_603 = arith.muli %arg0, %mul3A_602 : i32
    %add3A_604 = arith.constant 22 : i32
    %add3A_605 = arith.addi %mul3A_603, %add3A_604 : i32
    %mul3A_606 = arith.constant 1024 : i32
    %mul3A_607 = arith.muli %arg1, %mul3A_606 : i32
    "tpu.region"() ({
      %run_scoped3A = tpu.sem_alloc : memref<!tpu.dma_semaphore, #tpu.memory_space<semaphore_mem>>
      %dma_start3A_653 = arith.constant 0 : i32
      %dma_start3A_654 = tpu.memref_slice %arg4[%add3A_605, %dma_start3A_653, %mul3A_607] : memref<50x32x16384xf32, #tpu.memory_space<hbm>> -> memref<1x32x1024xf32, #tpu.memory_space<hbm>>
      %dma_start3A_655 = tpu.memref_squeeze %dma_start3A_654 : memref<1x32x1024xf32, #tpu.memory_space<hbm>> -> memref<32x1024xf32, #tpu.memory_space<hbm>>
      %dma_start3A_656 = arith.constant 0 : i32
      %dma_start3A_657 = tpu.memref_slice %arg4[%add3A_605, %dma_start3A_656, %mul3A_607] : memref<50x32x16384xf32, #tpu.memory_space<hbm>> -> memref<1x32x1024xf32, #tpu.memory_space<hbm>>
      %dma_start3A_658 = tpu.memref_squeeze %dma_start3A_657 : memref<1x32x1024xf32, #tpu.memory_space<hbm>> -> memref<32x1024xf32, #tpu.memory_space<hbm>>
      tpu.enqueue_dma source(%arg8 : memref<32x1024xf32, #tpu.memory_space<vmem>>) target(%dma_start3A_658 : memref<32x1024xf32, #tpu.memory_space<hbm>>) target_semaphore(%run_scoped3A : memref<!tpu.dma_semaphore, #tpu.memory_space<semaphore_mem>>)
      %dma_wait3A_659 = arith.constant 0 : i32
      %dma_wait3A_660 = tpu.memref_slice %arg4[%add3A_605, %dma_wait3A_659, %mul3A_607] : memref<50x32x16384xf32, #tpu.memory_space<hbm>> -> memref<1x32x1024xf32, #tpu.memory_space<hbm>>
      %dma_wait3A_661 = tpu.memref_squeeze %dma_wait3A_660 : memref<1x32x1024xf32, #tpu.memory_space<hbm>> -> memref<32x1024xf32, #tpu.memory_space<hbm>>
      %dma_wait3A_662 = arith.constant 0 : i32
      %dma_wait3A_663 = tpu.memref_slice %arg4[%add3A_605, %dma_wait3A_662, %mul3A_607] : memref<50x32x16384xf32, #tpu.memory_space<hbm>> -> memref<1x32x1024xf32, #tpu.memory_space<hbm>>
      %dma_wait3A_664 = tpu.memref_squeeze %dma_wait3A_663 : memref<1x32x1024xf32, #tpu.memory_space<hbm>> -> memref<32x1024xf32, #tpu.memory_space<hbm>>
      tpu.wait_dma2 semaphore(%run_scoped3A : memref<!tpu.dma_semaphore, #tpu.memory_space<semaphore_mem>>) src(%arg8 : memref<32x1024xf32, #tpu.memory_space<vmem>>) dst(%dma_wait3A_664 : memref<32x1024xf32, #tpu.memory_space<hbm>>)
      tpu.yield
    }) : () -> ()
    %dma_start3A_608 = arith.constant 24 : i32
    %dma_start3A_609 = arith.constant 0 : i32
    %dma_start3A_610 = tpu.memref_slice %arg5[%dma_start3A_608, %dma_start3A_609] : memref<25x1024xi32, #tpu.memory_space<vmem>> -> memref<1x1024xi32, #tpu.memory_space<vmem>>
    %dma_start3A_611 = tpu.memref_squeeze %dma_start3A_610 : memref<1x1024xi32, #tpu.memory_space<vmem>> -> memref<1024xi32, #tpu.memory_space<vmem>>
    %dma_start3A_612 = arith.constant 0 : i32
    %dma_start3A_613 = arith.constant 0 : i32
    %dma_start3A_614 = tpu.memref_slice %arg3[%dma_start3A_612, %dma_start3A_613] : memref<1000000x32xf32, #tpu.memory_space<hbm>> -> memref<1000000x32xf32, #tpu.memory_space<hbm>>
    tpu.enqueue_indirect_dma source(%dma_start3A_614 : memref<1000000x32xf32, #tpu.memory_space<hbm>>) target(%arg6 : memref<1024x32xf32, #tpu.memory_space<vmem>>) offsets(%dma_start3A_611 : memref<1024xi32, #tpu.memory_space<vmem>>) semaphore(%arg10 : memref<!tpu.dma_semaphore, #tpu.memory_space<semaphore_mem>>)
    %dma_wait3A_615 = arith.constant 23 : i32
    %dma_wait3A_616 = arith.constant 0 : i32
    %dma_wait3A_617 = tpu.memref_slice %arg5[%dma_wait3A_615, %dma_wait3A_616] : memref<25x1024xi32, #tpu.memory_space<vmem>> -> memref<1x1024xi32, #tpu.memory_space<vmem>>
    %dma_wait3A_618 = tpu.memref_squeeze %dma_wait3A_617 : memref<1x1024xi32, #tpu.memory_space<vmem>> -> memref<1024xi32, #tpu.memory_space<vmem>>
    %dma_wait3A_619 = arith.constant 0 : i32
    %dma_wait3A_620 = arith.constant 0 : i32
    %dma_wait3A_621 = tpu.memref_slice %arg3[%dma_wait3A_619, %dma_wait3A_620] : memref<1000000x32xf32, #tpu.memory_space<hbm>> -> memref<1000000x32xf32, #tpu.memory_space<hbm>>
    tpu.wait_indirect_dma semaphore(%arg11 : memref<!tpu.dma_semaphore, #tpu.memory_space<semaphore_mem>>) src(%dma_wait3A_621 : memref<1000000x32xf32, #tpu.memory_space<hbm>>) dst(%arg7 : memref<1024x32xf32, #tpu.memory_space<vmem>>)
    %scan3A_622 = arith.constant 0 : i32
    %scan3A_623 = arith.constant 0 : i32
    %scan3A_624 = arith.constant 32 : i32
    %scan3A_625 = arith.addi %scan3A_623, %scan3A_624 : i32
    %scan3A_626 = arith.constant 1 : i32
    scf.for %scan3A_653 = %scan3A_623 to %scan3A_625 step %scan3A_626  : i32 {
      %broadcast_in_dim3A = vector.broadcast %scan3A_653 : i32 to vector<16xi32>
      %scan3A_654 = arith.constant 0 : i32
      %scan3A_655 = arith.constant 0 : i32
      %scan3A_656 = arith.constant 16 : i32
      %scan3A_657 = arith.addi %scan3A_655, %scan3A_656 : i32
      %scan3A_658 = arith.constant 1 : i32
      scf.for %scan3A_660 = %scan3A_655 to %scan3A_657 step %scan3A_658  : i32 {
        %mul3A_661 = arith.constant 4 : i32
        %mul3A_662 = arith.muli %scan3A_660, %mul3A_661 : i32
        %add3A_663 = arith.constant 0 : i32
        %add3A_664 = arith.addi %mul3A_662, %add3A_663 : i32
        %mul3A_665 = arith.constant 16 : i32
        %mul3A_666 = arith.muli %add3A_664, %mul3A_665 : i32
        %iota3A = tpu.iota {dimensions = array<i32: 0>} : vector<16xi32>
        %add3A_667 = vector.broadcast %mul3A_666 : i32 to vector<16xi32>
        %add3A_668 = arith.addi %add3A_667, %iota3A : vector<16xi32>
        %gather3A = tpu.vector_load_idx %arg7[%add3A_668, %broadcast_in_dim3A] : memref<1024x32xf32, #tpu.memory_space<vmem>>[vector<16xi32>, vector<16xi32>], vector<16xf32>,
        %mul3A_669 = arith.constant 4 : i32
        %mul3A_670 = arith.muli %scan3A_660, %mul3A_669 : i32
        %add3A_671 = arith.constant 0 : i32
        %add3A_672 = arith.addi %mul3A_670, %add3A_671 : i32
        %mul3A_673 = arith.constant 16 : i32
        %mul3A_674 = arith.muli %add3A_672, %mul3A_673 : i32
        %swap3A = arith.index_cast %scan3A_653 : i32 to index
        %swap3A_675 = arith.index_cast %mul3A_674 : i32 to index
        %swap3A_676 = tpu.vector_load %arg8[%swap3A, %swap3A_675] {strides = array<i32>} : memref<32x1024xf32, #tpu.memory_space<vmem>>, vector<16xf32>,
        tpu.vector_store %arg8[%swap3A, %swap3A_675], %gather3A {strides = array<i32>} : memref<32x1024xf32, #tpu.memory_space<vmem>>, vector<16xf32>,
        %mul3A_677 = arith.constant 4 : i32
        %mul3A_678 = arith.muli %scan3A_660, %mul3A_677 : i32
        %add3A_679 = arith.constant 1 : i32
        %add3A_680 = arith.addi %mul3A_678, %add3A_679 : i32
        %mul3A_681 = arith.constant 16 : i32
        %mul3A_682 = arith.muli %add3A_680, %mul3A_681 : i32
        %iota3A_683 = tpu.iota {dimensions = array<i32: 0>} : vector<16xi32>
        %add3A_684 = vector.broadcast %mul3A_682 : i32 to vector<16xi32>
        %add3A_685 = arith.addi %add3A_684, %iota3A_683 : vector<16xi32>
        %gather3A_686 = tpu.vector_load_idx %arg7[%add3A_685, %broadcast_in_dim3A] : memref<1024x32xf32, #tpu.memory_space<vmem>>[vector<16xi32>, vector<16xi32>], vector<16xf32>,
        %mul3A_687 = arith.constant 4 : i32
        %mul3A_688 = arith.muli %scan3A_660, %mul3A_687 : i32
        %add3A_689 = arith.constant 1 : i32
        %add3A_690 = arith.addi %mul3A_688, %add3A_689 : i32
        %mul3A_691 = arith.constant 16 : i32
        %mul3A_692 = arith.muli %add3A_690, %mul3A_691 : i32
        %swap3A_693 = arith.index_cast %scan3A_653 : i32 to index
        %swap3A_694 = arith.index_cast %mul3A_692 : i32 to index
        %swap3A_695 = tpu.vector_load %arg8[%swap3A_693, %swap3A_694] {strides = array<i32>} : memref<32x1024xf32, #tpu.memory_space<vmem>>, vector<16xf32>,
        tpu.vector_store %arg8[%swap3A_693, %swap3A_694], %gather3A_686 {strides = array<i32>} : memref<32x1024xf32, #tpu.memory_space<vmem>>, vector<16xf32>,
        %mul3A_696 = arith.constant 4 : i32
        %mul3A_697 = arith.muli %scan3A_660, %mul3A_696 : i32
        %add3A_698 = arith.constant 2 : i32
        %add3A_699 = arith.addi %mul3A_697, %add3A_698 : i32
        %mul3A_700 = arith.constant 16 : i32
        %mul3A_701 = arith.muli %add3A_699, %mul3A_700 : i32
        %iota3A_702 = tpu.iota {dimensions = array<i32: 0>} : vector<16xi32>
        %add3A_703 = vector.broadcast %mul3A_701 : i32 to vector<16xi32>
        %add3A_704 = arith.addi %add3A_703, %iota3A_702 : vector<16xi32>
        %gather3A_705 = tpu.vector_load_idx %arg7[%add3A_704, %broadcast_in_dim3A] : memref<1024x32xf32, #tpu.memory_space<vmem>>[vector<16xi32>, vector<16xi32>], vector<16xf32>,
        %mul3A_706 = arith.constant 4 : i32
        %mul3A_707 = arith.muli %scan3A_660, %mul3A_706 : i32
        %add3A_708 = arith.constant 2 : i32
        %add3A_709 = arith.addi %mul3A_707, %add3A_708 : i32
        %mul3A_710 = arith.constant 16 : i32
        %mul3A_711 = arith.muli %add3A_709, %mul3A_710 : i32
        %swap3A_712 = arith.index_cast %scan3A_653 : i32 to index
        %swap3A_713 = arith.index_cast %mul3A_711 : i32 to index
        %swap3A_714 = tpu.vector_load %arg8[%swap3A_712, %swap3A_713] {strides = array<i32>} : memref<32x1024xf32, #tpu.memory_space<vmem>>, vector<16xf32>,
        tpu.vector_store %arg8[%swap3A_712, %swap3A_713], %gather3A_705 {strides = array<i32>} : memref<32x1024xf32, #tpu.memory_space<vmem>>, vector<16xf32>,
        %mul3A_715 = arith.constant 4 : i32
        %mul3A_716 = arith.muli %scan3A_660, %mul3A_715 : i32
        %add3A_717 = arith.constant 3 : i32
        %add3A_718 = arith.addi %mul3A_716, %add3A_717 : i32
        %mul3A_719 = arith.constant 16 : i32
        %mul3A_720 = arith.muli %add3A_718, %mul3A_719 : i32
        %iota3A_721 = tpu.iota {dimensions = array<i32: 0>} : vector<16xi32>
        %add3A_722 = vector.broadcast %mul3A_720 : i32 to vector<16xi32>
        %add3A_723 = arith.addi %add3A_722, %iota3A_721 : vector<16xi32>
        %gather3A_724 = tpu.vector_load_idx %arg7[%add3A_723, %broadcast_in_dim3A] : memref<1024x32xf32, #tpu.memory_space<vmem>>[vector<16xi32>, vector<16xi32>], vector<16xf32>,
        %mul3A_725 = arith.constant 4 : i32
        %mul3A_726 = arith.muli %scan3A_660, %mul3A_725 : i32
        %add3A_727 = arith.constant 3 : i32
        %add3A_728 = arith.addi %mul3A_726, %add3A_727 : i32
        %mul3A_729 = arith.constant 16 : i32
        %mul3A_730 = arith.muli %add3A_728, %mul3A_729 : i32
        %swap3A_731 = arith.index_cast %scan3A_653 : i32 to index
        %swap3A_732 = arith.index_cast %mul3A_730 : i32 to index
        %swap3A_733 = tpu.vector_load %arg8[%swap3A_731, %swap3A_732] {strides = array<i32>} : memref<32x1024xf32, #tpu.memory_space<vmem>>, vector<16xf32>,
        tpu.vector_store %arg8[%swap3A_731, %swap3A_732], %gather3A_724 {strides = array<i32>} : memref<32x1024xf32, #tpu.memory_space<vmem>>, vector<16xf32>,
      }
      %scan3A_659 = arith.constant 16 : i32
    }
    %scan3A_627 = arith.constant 32 : i32
    %mul3A_628 = arith.constant 25 : i32
    %mul3A_629 = arith.muli %arg0, %mul3A_628 : i32
    %add3A_630 = arith.constant 23 : i32
    %add3A_631 = arith.addi %mul3A_629, %add3A_630 : i32
    %mul3A_632 = arith.constant 1024 : i32
    %mul3A_633 = arith.muli %arg1, %mul3A_632 : i32
    "tpu.region"() ({
      %run_scoped3A = tpu.sem_alloc : memref<!tpu.dma_semaphore, #tpu.memory_space<semaphore_mem>>
      %dma_start3A_653 = arith.constant 0 : i32
      %dma_start3A_654 = tpu.memref_slice %arg4[%add3A_631, %dma_start3A_653, %mul3A_633] : memref<50x32x16384xf32, #tpu.memory_space<hbm>> -> memref<1x32x1024xf32, #tpu.memory_space<hbm>>
      %dma_start3A_655 = tpu.memref_squeeze %dma_start3A_654 : memref<1x32x1024xf32, #tpu.memory_space<hbm>> -> memref<32x1024xf32, #tpu.memory_space<hbm>>
      %dma_start3A_656 = arith.constant 0 : i32
      %dma_start3A_657 = tpu.memref_slice %arg4[%add3A_631, %dma_start3A_656, %mul3A_633] : memref<50x32x16384xf32, #tpu.memory_space<hbm>> -> memref<1x32x1024xf32, #tpu.memory_space<hbm>>
      %dma_start3A_658 = tpu.memref_squeeze %dma_start3A_657 : memref<1x32x1024xf32, #tpu.memory_space<hbm>> -> memref<32x1024xf32, #tpu.memory_space<hbm>>
      tpu.enqueue_dma source(%arg8 : memref<32x1024xf32, #tpu.memory_space<vmem>>) target(%dma_start3A_658 : memref<32x1024xf32, #tpu.memory_space<hbm>>) target_semaphore(%run_scoped3A : memref<!tpu.dma_semaphore, #tpu.memory_space<semaphore_mem>>)
      %dma_wait3A_659 = arith.constant 0 : i32
      %dma_wait3A_660 = tpu.memref_slice %arg4[%add3A_631, %dma_wait3A_659, %mul3A_633] : memref<50x32x16384xf32, #tpu.memory_space<hbm>> -> memref<1x32x1024xf32, #tpu.memory_space<hbm>>
      %dma_wait3A_661 = tpu.memref_squeeze %dma_wait3A_660 : memref<1x32x1024xf32, #tpu.memory_space<hbm>> -> memref<32x1024xf32, #tpu.memory_space<hbm>>
      %dma_wait3A_662 = arith.constant 0 : i32
      %dma_wait3A_663 = tpu.memref_slice %arg4[%add3A_631, %dma_wait3A_662, %mul3A_633] : memref<50x32x16384xf32, #tpu.memory_space<hbm>> -> memref<1x32x1024xf32, #tpu.memory_space<hbm>>
      %dma_wait3A_664 = tpu.memref_squeeze %dma_wait3A_663 : memref<1x32x1024xf32, #tpu.memory_space<hbm>> -> memref<32x1024xf32, #tpu.memory_space<hbm>>
      tpu.wait_dma2 semaphore(%run_scoped3A : memref<!tpu.dma_semaphore, #tpu.memory_space<semaphore_mem>>) src(%arg8 : memref<32x1024xf32, #tpu.memory_space<vmem>>) dst(%dma_wait3A_664 : memref<32x1024xf32, #tpu.memory_space<hbm>>)
      tpu.yield
    }) : () -> ()
    %dma_wait3A_634 = arith.constant 24 : i32
    %dma_wait3A_635 = arith.constant 0 : i32
    %dma_wait3A_636 = tpu.memref_slice %arg5[%dma_wait3A_634, %dma_wait3A_635] : memref<25x1024xi32, #tpu.memory_space<vmem>> -> memref<1x1024xi32, #tpu.memory_space<vmem>>
    %dma_wait3A_637 = tpu.memref_squeeze %dma_wait3A_636 : memref<1x1024xi32, #tpu.memory_space<vmem>> -> memref<1024xi32, #tpu.memory_space<vmem>>
    %dma_wait3A_638 = arith.constant 0 : i32
    %dma_wait3A_639 = arith.constant 0 : i32
    %dma_wait3A_640 = tpu.memref_slice %arg3[%dma_wait3A_638, %dma_wait3A_639] : memref<1000000x32xf32, #tpu.memory_space<hbm>> -> memref<1000000x32xf32, #tpu.memory_space<hbm>>
    tpu.wait_indirect_dma semaphore(%arg10 : memref<!tpu.dma_semaphore, #tpu.memory_space<semaphore_mem>>) src(%dma_wait3A_640 : memref<1000000x32xf32, #tpu.memory_space<hbm>>) dst(%arg6 : memref<1024x32xf32, #tpu.memory_space<vmem>>)
    %scan3A_641 = arith.constant 0 : i32
    %scan3A_642 = arith.constant 0 : i32
    %scan3A_643 = arith.constant 32 : i32
    %scan3A_644 = arith.addi %scan3A_642, %scan3A_643 : i32
    %scan3A_645 = arith.constant 1 : i32
    scf.for %scan3A_653 = %scan3A_642 to %scan3A_644 step %scan3A_645  : i32 {
      %broadcast_in_dim3A = vector.broadcast %scan3A_653 : i32 to vector<16xi32>
      %scan3A_654 = arith.constant 0 : i32
      %scan3A_655 = arith.constant 0 : i32
      %scan3A_656 = arith.constant 16 : i32
      %scan3A_657 = arith.addi %scan3A_655, %scan3A_656 : i32
      %scan3A_658 = arith.constant 1 : i32
      scf.for %scan3A_660 = %scan3A_655 to %scan3A_657 step %scan3A_658  : i32 {
        %mul3A_661 = arith.constant 4 : i32
        %mul3A_662 = arith.muli %scan3A_660, %mul3A_661 : i32
        %add3A_663 = arith.constant 0 : i32
        %add3A_664 = arith.addi %mul3A_662, %add3A_663 : i32
        %mul3A_665 = arith.constant 16 : i32
        %mul3A_666 = arith.muli %add3A_664, %mul3A_665 : i32
        %iota3A = tpu.iota {dimensions = array<i32: 0>} : vector<16xi32>
        %add3A_667 = vector.broadcast %mul3A_666 : i32 to vector<16xi32>
        %add3A_668 = arith.addi %add3A_667, %iota3A : vector<16xi32>
        %gather3A = tpu.vector_load_idx %arg6[%add3A_668, %broadcast_in_dim3A] : memref<1024x32xf32, #tpu.memory_space<vmem>>[vector<16xi32>, vector<16xi32>], vector<16xf32>,
        %mul3A_669 = arith.constant 4 : i32
        %mul3A_670 = arith.muli %scan3A_660, %mul3A_669 : i32
        %add3A_671 = arith.constant 0 : i32
        %add3A_672 = arith.addi %mul3A_670, %add3A_671 : i32
        %mul3A_673 = arith.constant 16 : i32
        %mul3A_674 = arith.muli %add3A_672, %mul3A_673 : i32
        %swap3A = arith.index_cast %scan3A_653 : i32 to index
        %swap3A_675 = arith.index_cast %mul3A_674 : i32 to index
        %swap3A_676 = tpu.vector_load %arg8[%swap3A, %swap3A_675] {strides = array<i32>} : memref<32x1024xf32, #tpu.memory_space<vmem>>, vector<16xf32>,
        tpu.vector_store %arg8[%swap3A, %swap3A_675], %gather3A {strides = array<i32>} : memref<32x1024xf32, #tpu.memory_space<vmem>>, vector<16xf32>,
        %mul3A_677 = arith.constant 4 : i32
        %mul3A_678 = arith.muli %scan3A_660, %mul3A_677 : i32
        %add3A_679 = arith.constant 1 : i32
        %add3A_680 = arith.addi %mul3A_678, %add3A_679 : i32
        %mul3A_681 = arith.constant 16 : i32
        %mul3A_682 = arith.muli %add3A_680, %mul3A_681 : i32
        %iota3A_683 = tpu.iota {dimensions = array<i32: 0>} : vector<16xi32>
        %add3A_684 = vector.broadcast %mul3A_682 : i32 to vector<16xi32>
        %add3A_685 = arith.addi %add3A_684, %iota3A_683 : vector<16xi32>
        %gather3A_686 = tpu.vector_load_idx %arg6[%add3A_685, %broadcast_in_dim3A] : memref<1024x32xf32, #tpu.memory_space<vmem>>[vector<16xi32>, vector<16xi32>], vector<16xf32>,
        %mul3A_687 = arith.constant 4 : i32
        %mul3A_688 = arith.muli %scan3A_660, %mul3A_687 : i32
        %add3A_689 = arith.constant 1 : i32
        %add3A_690 = arith.addi %mul3A_688, %add3A_689 : i32
        %mul3A_691 = arith.constant 16 : i32
        %mul3A_692 = arith.muli %add3A_690, %mul3A_691 : i32
        %swap3A_693 = arith.index_cast %scan3A_653 : i32 to index
        %swap3A_694 = arith.index_cast %mul3A_692 : i32 to index
        %swap3A_695 = tpu.vector_load %arg8[%swap3A_693, %swap3A_694] {strides = array<i32>} : memref<32x1024xf32, #tpu.memory_space<vmem>>, vector<16xf32>,
        tpu.vector_store %arg8[%swap3A_693, %swap3A_694], %gather3A_686 {strides = array<i32>} : memref<32x1024xf32, #tpu.memory_space<vmem>>, vector<16xf32>,
        %mul3A_696 = arith.constant 4 : i32
        %mul3A_697 = arith.muli %scan3A_660, %mul3A_696 : i32
        %add3A_698 = arith.constant 2 : i32
        %add3A_699 = arith.addi %mul3A_697, %add3A_698 : i32
        %mul3A_700 = arith.constant 16 : i32
        %mul3A_701 = arith.muli %add3A_699, %mul3A_700 : i32
        %iota3A_702 = tpu.iota {dimensions = array<i32: 0>} : vector<16xi32>
        %add3A_703 = vector.broadcast %mul3A_701 : i32 to vector<16xi32>
        %add3A_704 = arith.addi %add3A_703, %iota3A_702 : vector<16xi32>
        %gather3A_705 = tpu.vector_load_idx %arg6[%add3A_704, %broadcast_in_dim3A] : memref<1024x32xf32, #tpu.memory_space<vmem>>[vector<16xi32>, vector<16xi32>], vector<16xf32>,
        %mul3A_706 = arith.constant 4 : i32
        %mul3A_707 = arith.muli %scan3A_660, %mul3A_706 : i32
        %add3A_708 = arith.constant 2 : i32
        %add3A_709 = arith.addi %mul3A_707, %add3A_708 : i32
        %mul3A_710 = arith.constant 16 : i32
        %mul3A_711 = arith.muli %add3A_709, %mul3A_710 : i32
        %swap3A_712 = arith.index_cast %scan3A_653 : i32 to index
        %swap3A_713 = arith.index_cast %mul3A_711 : i32 to index
        %swap3A_714 = tpu.vector_load %arg8[%swap3A_712, %swap3A_713] {strides = array<i32>} : memref<32x1024xf32, #tpu.memory_space<vmem>>, vector<16xf32>,
        tpu.vector_store %arg8[%swap3A_712, %swap3A_713], %gather3A_705 {strides = array<i32>} : memref<32x1024xf32, #tpu.memory_space<vmem>>, vector<16xf32>,
        %mul3A_715 = arith.constant 4 : i32
        %mul3A_716 = arith.muli %scan3A_660, %mul3A_715 : i32
        %add3A_717 = arith.constant 3 : i32
        %add3A_718 = arith.addi %mul3A_716, %add3A_717 : i32
        %mul3A_719 = arith.constant 16 : i32
        %mul3A_720 = arith.muli %add3A_718, %mul3A_719 : i32
        %iota3A_721 = tpu.iota {dimensions = array<i32: 0>} : vector<16xi32>
        %add3A_722 = vector.broadcast %mul3A_720 : i32 to vector<16xi32>
        %add3A_723 = arith.addi %add3A_722, %iota3A_721 : vector<16xi32>
        %gather3A_724 = tpu.vector_load_idx %arg6[%add3A_723, %broadcast_in_dim3A] : memref<1024x32xf32, #tpu.memory_space<vmem>>[vector<16xi32>, vector<16xi32>], vector<16xf32>,
        %mul3A_725 = arith.constant 4 : i32
        %mul3A_726 = arith.muli %scan3A_660, %mul3A_725 : i32
        %add3A_727 = arith.constant 3 : i32
        %add3A_728 = arith.addi %mul3A_726, %add3A_727 : i32
        %mul3A_729 = arith.constant 16 : i32
        %mul3A_730 = arith.muli %add3A_728, %mul3A_729 : i32
        %swap3A_731 = arith.index_cast %scan3A_653 : i32 to index
        %swap3A_732 = arith.index_cast %mul3A_730 : i32 to index
        %swap3A_733 = tpu.vector_load %arg8[%swap3A_731, %swap3A_732] {strides = array<i32>} : memref<32x1024xf32, #tpu.memory_space<vmem>>, vector<16xf32>,
        tpu.vector_store %arg8[%swap3A_731, %swap3A_732], %gather3A_724 {strides = array<i32>} : memref<32x1024xf32, #tpu.memory_space<vmem>>, vector<16xf32>,
      }
      %scan3A_659 = arith.constant 16 : i32
    }
    %scan3A_646 = arith.constant 32 : i32
    %mul3A_647 = arith.constant 25 : i32
    %mul3A_648 = arith.muli %arg0, %mul3A_647 : i32
    %add3A_649 = arith.constant 24 : i32
    %add3A_650 = arith.addi %mul3A_648, %add3A_649 : i32
    %mul3A_651 = arith.constant 1024 : i32
    %mul3A_652 = arith.muli %arg1, %mul3A_651 : i32
    "tpu.region"() ({
      %run_scoped3A = tpu.sem_alloc : memref<!tpu.dma_semaphore, #tpu.memory_space<semaphore_mem>>
      %dma_start3A_653 = arith.constant 0 : i32
      %dma_start3A_654 = tpu.memref_slice %arg4[%add3A_650, %dma_start3A_653, %mul3A_652] : memref<50x32x16384xf32, #tpu.memory_space<hbm>> -> memref<1x32x1024xf32, #tpu.memory_space<hbm>>
      %dma_start3A_655 = tpu.memref_squeeze %dma_start3A_654 : memref<1x32x1024xf32, #tpu.memory_space<hbm>> -> memref<32x1024xf32, #tpu.memory_space<hbm>>
      %dma_start3A_656 = arith.constant 0 : i32
      %dma_start3A_657 = tpu.memref_slice %arg4[%add3A_650, %dma_start3A_656, %mul3A_652] : memref<50x32x16384xf32, #tpu.memory_space<hbm>> -> memref<1x32x1024xf32, #tpu.memory_space<hbm>>
      %dma_start3A_658 = tpu.memref_squeeze %dma_start3A_657 : memref<1x32x1024xf32, #tpu.memory_space<hbm>> -> memref<32x1024xf32, #tpu.memory_space<hbm>>
      tpu.enqueue_dma source(%arg8 : memref<32x1024xf32, #tpu.memory_space<vmem>>) target(%dma_start3A_658 : memref<32x1024xf32, #tpu.memory_space<hbm>>) target_semaphore(%run_scoped3A : memref<!tpu.dma_semaphore, #tpu.memory_space<semaphore_mem>>)
      %dma_wait3A_659 = arith.constant 0 : i32
      %dma_wait3A_660 = tpu.memref_slice %arg4[%add3A_650, %dma_wait3A_659, %mul3A_652] : memref<50x32x16384xf32, #tpu.memory_space<hbm>> -> memref<1x32x1024xf32, #tpu.memory_space<hbm>>
      %dma_wait3A_661 = tpu.memref_squeeze %dma_wait3A_660 : memref<1x32x1024xf32, #tpu.memory_space<hbm>> -> memref<32x1024xf32, #tpu.memory_space<hbm>>
      %dma_wait3A_662 = arith.constant 0 : i32
      %dma_wait3A_663 = tpu.memref_slice %arg4[%add3A_650, %dma_wait3A_662, %mul3A_652] : memref<50x32x16384xf32, #tpu.memory_space<hbm>> -> memref<1x32x1024xf32, #tpu.memory_space<hbm>>
      %dma_wait3A_664 = tpu.memref_squeeze %dma_wait3A_663 : memref<1x32x1024xf32, #tpu.memory_space<hbm>> -> memref<32x1024xf32, #tpu.memory_space<hbm>>
      tpu.wait_dma2 semaphore(%run_scoped3A : memref<!tpu.dma_semaphore, #tpu.memory_space<semaphore_mem>>) src(%arg8 : memref<32x1024xf32, #tpu.memory_space<vmem>>) dst(%dma_wait3A_664 : memref<32x1024xf32, #tpu.memory_space<hbm>>)
      tpu.yield
    }) : () -> ()
    return
  }
}

</mosaic_0001>

<sc_bundles>
// kernel: _embedding_lookup.3.cloned.1.call-start
scs
__scs_entry_jumppad:
0x0: {  	(pc) =	sbr.rel $0x88, $3  }
0x1: {  	(tag) =	ssettag $0x0;
	lr =	simm.s32 $0x1  }
0x2: {  	[smem:$0x3F9F] =	sst lr;
	_ =	strace $0xD0000000  }
0x3: {  	_ = 	snop  }
0x4: {  	_ = 	snop  }
0x5: {  	_ = 	snop  }
0x6: {  	_ = 	snop  }
0x7: {  	_ = 	snop  }
__scs_overlays_trampoline_lowered:
0x8: {  	[smem:$0x3FAE] =	sst s0  }
0x9: {  	[smem:$0x3FAF] =	sst s1  }
0xa: {  	[smem:$0x3FB0] =	sst s2  }
0xb: {  	[smem:$0x3FB1] =	sst s3  }
0xc: {  	[smem:$0x3FB2] =	sst s4  }
0xd: {  	[smem:$0x3FB3] =	sst s5  }
0xe: {  	[smem:$0x3FB4] =	sst s6  }
0xf: {  	[smem:$0x3FB5] =	sst s7  }
0x10: {  	[smem:$0x3FB6] =	sst s8  }
0x11: {  	[smem:$0x3FB7] =	sst s9;
	s0 =	simm.s32 @!p0 $0x0  }
0x12: {  	s1 =	sld [smem:$0x3F9D];
	s0 =	simm.s32 @p0 $0x1  }
0x13: {  	[smem:$0x3FB8] =	sst s0;
	s0 =	simm.s32 @!p1 $0x0  }
0x14: {  	s2 =	sld [smem:$0x3F9C];
	s0 =	simm.s32 @p1 $0x1  }
0x15: {  	[smem:$0x3FB9] =	sst s0;
	s0 =	simm.s32 @!p2 $0x0  }
0x16: {  	s3 =	sld [smem:$0x3FDB];
	s0 =	simm.s32 @p2 $0x1  }
0x17: {  	s4 =	simm.s32 $0x1BF5;
	[smem:$0x3FBB] =	sst s0  }
0x18: {  	s0 =	sld [smem:$0x3F9E];
	_ =	swait.ge [sflag:s4], $0x0  }
0x19: {  	s7 =	sld [smem:$0x3F9F]  }
0x1a: {  	s8 =	sadd.s32 $0xFFFFE003, lr  }
0x1b: {  	s9 =	sadd.s32 $0xFFFFFEF7, lr;
	s5 =	simm.s32 $0xFFFFFFFF;
	p2 =	slt.u32 s8, $0xFFFFF086  }
0x1c: {  	p1 =	slt.u32 s9, $0xF7A;
	s5 =	simm.s32 @!p2 $0x0  }
0x1d: {  	s5 =	simm.s32 @p1 $0x1;
	p0 =	seq.s32 s7, s2  }
0x1e: {  	s7 =	smul.u32 @!p0 $0xF7A, s2;
	p2 =	seq.s32 @!p0 s5, $0x0  }
0x1f: {  	s9 =	smul.u32 $0xF7A, s1;
	s8 =	simm.s32 @!p0 $0x1BF5;
	p2 =	por !p2, p0  }
0x20: {  	[sflag:s8] =	ssyncset.s32 @!p0 $0xFFFFF086;
	s6 =	sadd.s32 @!p0 s3, s7;
	s7 =	simm.s32 @!p0 $0x108  }
0x21: {  	s3 =	sadd.s32 s3, s9;
	s6 =	sadd.s32 @!p0 $0x88, s6;
	s7 =	simm.s32 @p2 $0x1082  }
0x22: {  	[simem:s7], [sflag:s8] =	dma.local @!p0 [hbm:s6], $0xF7A  }
0x23: {  	s9 =	sor.u32 $0xD0000000, s2;
	s6 =	simm.s32 $0x108;
	_ =	swait.ge @!p0 [sflag:s8], $0x0  }
0x24: {  	s3 =	sadd.s32 $0x88, s3;
	s6 =	simm.s32 @!p1 $0x1082;
	[sflag:s4] =	ssyncset.s32 $0xFFFFF086  }
0x25: {  	[simem:s6], [sflag:s4] =	dma.local [hbm:s3], $0xF7A  }
0x26: {  	[smem:$0x3F9F] =	sst s1;
	(tag) =	ssettag s2;
	_ =	strace s9  }
0x27: {  	s1 =	sld [smem:$0x3FAF]  }
0x28: {  	s2 =	sld [smem:$0x3FB0]  }
0x29: {  	s4 =	sld [smem:$0x3FB2]  }
0x2a: {  	p0 =	seq.s32 s5, $0x0;
	s5 =	sld [smem:$0x3FB3]  }
0x2b: {  	s6 =	sld [smem:$0x3FB4]  }
0x2c: {  	s7 =	sld [smem:$0x3FB5]  }
0x2d: {  	s3 =	simm.s32 $0x108;
	s8 =	sld [smem:$0x3FB6]  }
0x2e: {  	s3 =	simm.s32 @!p0 $0x1082;
	s9 =	sld [smem:$0x3FB7]  }
0x2f: {  	lr =	sadd.s32 s0, s3;
	s0 =	sld [smem:$0x3FAE]  }
0x30: {  	s3 =	sld [smem:$0x3FB1]  }
0x31: {  	[smem:$0x3FBA] =	sst s10  }
0x32: {  	s10 =	sld [smem:$0x3FB8];
	_ =	sdelay $0x3  }
0x33: {  	p0 =	seq.s32 s10, $0x1;
	s10 =	sld [smem:$0x3FBA];
	_ =	sdelay $0x3  }
0x34: {  	[smem:$0x3FBA] =	sst s10  }
0x35: {  	s10 =	sld [smem:$0x3FB9];
	_ =	sdelay $0x3  }
0x36: {  	p1 =	seq.s32 s10, $0x1;
	s10 =	sld [smem:$0x3FBA];
	_ =	sdelay $0x3  }
0x37: {  	[smem:$0x3FBA] =	sst s10  }
0x38: {  	s10 =	sld [smem:$0x3FBB]  }
0x39: {  	_ = 	snop;
	(pc) =	sbr.ind lr, $3  }
0x3a: {  	_ = 	snop  }
0x3b: {  	_ = 	snop  }
0x3c: {  	p2 =	seq.s32 s10, $0x1;
	s10 =	sld [smem:$0x3FBA]  }
0x3d: {  	_ =	shalt  }
0x3e: {  	_ =	shalt  }
0x3f: {  	_ =	shalt  }
0x40: {  	_ =	shalt  }
0x41: {  	_ =	shalt  }
0x42: {  	_ =	shalt  }
0x43: {  	_ =	shalt  }
0x44: {  	_ =	shalt  }
0x45: {  	_ =	shalt  }
0x46: {  	_ =	shalt  }
0x47: {  	_ =	shalt  }
0x48: {  	_ =	shalt  }
0x49: {  	_ =	shalt  }
0x4a: {  	_ =	shalt  }
0x4b: {  	_ =	shalt  }
0x4c: {  	_ =	shalt  }
0x4d: {  	_ =	shalt  }
0x4e: {  	_ =	shalt  }
0x4f: {  	_ =	shalt  }
0x50: {  	_ =	shalt  }
0x51: {  	_ =	shalt  }
0x52: {  	_ =	shalt  }
0x53: {  	_ =	shalt  }
0x54: {  	_ =	shalt  }
0x55: {  	_ =	shalt  }
0x56: {  	_ =	shalt  }
0x57: {  	_ =	shalt  }
0x58: {  	_ =	shalt  }
0x59: {  	_ =	shalt  }
0x5a: {  	_ =	shalt  }
0x5b: {  	_ =	shalt  }
0x5c: {  	_ =	shalt  }
0x5d: {  	_ =	shalt  }
0x5e: {  	_ =	shalt  }
0x5f: {  	_ =	shalt  }
0x60: {  	_ =	shalt  }
0x61: {  	_ =	shalt  }
0x62: {  	_ =	shalt  }
0x63: {  	_ =	shalt  }
0x64: {  	_ =	shalt  }
0x65: {  	_ =	shalt  }
0x66: {  	_ =	shalt  }
0x67: {  	_ =	shalt  }
0x68: {  	_ =	shalt  }
0x69: {  	_ =	shalt  }
0x6a: {  	_ =	shalt  }
0x6b: {  	_ =	shalt  }
0x6c: {  	_ =	shalt  }
0x6d: {  	_ =	shalt  }
0x6e: {  	_ =	shalt  }
0x6f: {  	_ =	shalt  }
0x70: {  	_ =	shalt  }
0x71: {  	_ =	shalt  }
0x72: {  	_ =	shalt  }
0x73: {  	_ =	shalt  }
0x74: {  	_ =	shalt  }
0x75: {  	_ =	shalt  }
0x76: {  	_ =	shalt  }
0x77: {  	_ =	shalt  }
0x78: {  	_ =	shalt  }
0x79: {  	_ =	shalt  }
0x7a: {  	_ =	shalt  }
0x7b: {  	_ =	shalt  }
0x7c: {  	_ =	shalt  }
0x7d: {  	_ =	shalt  }
0x7e: {  	_ =	shalt  }
0x7f: {  	_ =	shalt  }
0x80: {  	_ =	shalt  }
0x81: {  	_ =	shalt  }
0x82: {  	_ =	shalt  }
0x83: {  	_ =	shalt  }
0x84: {  	_ =	shalt  }
0x85: {  	_ =	shalt  }
0x86: {  	_ =	shalt  }
0x87: {  	_ =	shalt  }
.Lfunc_end0:
.L_simem_size_0:
called_computation_lowered:
.L_overlay_start_0:
0x88: {  	s2 =	sld [smem:$0x3FD9]  }
0x89: {  	s3 =	sld [smem:$0x3FFE];
	_ =	sdelay $0x1  }
0x8a: {  	s1 =	srdreg.scid  }
0x8b: {  	s0 =	sand.u32 $0x1, s1  }
0x8c: {  	s17 =	sshll.u32 s0, $0xA;
	s2 =	sadd.s32 s3, s2  }
0x8d: {  	s2 =	sadd.s32 s2, s17  }
0x8e: {  	[smem:$0x3FC6] =	sst s2  }
0x8f: {  	_ = 	snop  }
0x90: {  	s2 =	sld [smem:$0x3FD0];
	(tm) =	ssettm $0x1  }
0x91: {  	s18 =	sld [smem:$0x3FFB];
	_ =	sdelay $0x3  }
0x92: {  	_ =	strace s18  }
0x93: {  	s3 =	sld [smem:$0x3FFC];
	_ =	sdelay $0x3  }
0x94: {  	_ =	strace s3  }
0x95: {  	s3 =	sld [smem:$0x3FFD];
	_ =	sdelay $0x3  }
0x96: {  	_ =	strace s3  }
0x97: {  	_ =	strace $0x8FFFFFFF  }
0x98: {  	s19 =	sld [smem:$0x3FDB];
	_ =	sdelay $0x1  }
0x99: {  	s4 =	simm.s32 $_scs_section_size  }
0x9a: {  	s5 =	simm.s32 $_size__tile_overlayer_lowered;
	s6 =	simm.s32 $_tile_overlayer_lowered  }
0x9b: {  	s22 =	simm.s32 $0x1BFF;
	s21 =	sshll.u32 s6, $0x1;
	s3 =	sadd.s32 s4, s19  }
0x9c: {  	s7 =	simm.s32 $0x0;
	s20 =	sshll.u32 s5, $0x1;
	s5 =	sadd.s32 s21, s3  }
0x9d: {  	[timem:s7], [sflag:s22] =	dma.local [hbm:s5], s20  }
0x9e: {  	_ =	swait.ge [sflag:s22], s20  }
0x9f: {  	s4 =	ssub.s32 $0x0, s20;
	[sflag:s22] =	ssyncset.done $0x0  }
0xa0: {  	[sflag:s22] =	ssyncadd.s32 s4;
	_ =	sdelay $0x1  }
0xa1: {  	s23 =	simm.s32 $0x1B8B  }
0xa2: {  	_ =	swait.ge [sflag:s23], $0x1  }
0xa3: {  	[sflag:s23] =	ssyncset.done $0x0  }
0xa4: {  	s25 =	simm.s32 $0x1B8E;
	s24 =	sld [smem:$0x3FFE];
	[sflag:s23] =	ssyncadd.s32 $0xFFFFFFFF  }
0xa5: {  	s26 =	simm.s32 $execute0_lowered;
	[smem:$0x3FD2] =	sst s25  }
0xa6: {  	s5 =	sshll.u32 s26, $0x1;
	_ =	strace $0x80000046;
	[dreg:$0x1] =	wrdreg $0xFFFFFFFF  }
0xa7: {  	s28 =	simm.s32 $_size_execute0_lowered;
	s3 =	sadd.s32 s3, s5;
	[dreg:$0x0] =	wrdreg $0x0  }
0xa8: {  	s5 =	sshll.u32 s28, $0x1;
	[dreg:$0x2] =	wrdreg s3  }
0xa9: {  	[dreg:$0x3] =	wrdreg s5  }
0xaa: {  	[dreg:$0x4] =	wrdreg $0xC0  }
0xab: {  	_ =	task [dreg:s7], $0x5FFFF  }
0xac: {  	[dreg:$0x1] =	wrdreg $0xFFFFFFFF  }
0xad: {  	[dreg:$0x0] =	wrdreg $0x60  }
0xae: {  	[dreg:$0x2] =	wrdreg s2  }
0xaf: {  	[dreg:$0x3] =	wrdreg s24  }
0xb0: {  	[dreg:$0x4] =	wrdreg $0x9  }
0xb1: {  	_ =	task.clear_ibuf [dreg:s7], $0x5FFFF;
	_ =	strace $0x90000046  }
0xb2: {  	s29 =	simm.s32 $0x9;
	_ =	strace $0x80000048  }
0xb3: {  	_ =	swait.ge [sflag:s29], $0x1  }
0xb4: {  	[sflag:s29] =	ssyncadd.s32 $0xFFFFFFFF  }
0xb5: {  	_ =	strace $0x90000048  }
0xb6: {  	_ =	sfence  }
0xb7: {  	s30 =	sld [smem:$0x0];
	_ =	sdelay $0x2  }
0xb8: {  	s31 =	sshll.u32 s1, $0xD;
	s1 =	sshrl.u32 s1, $0x2  }
0xb9: {  	s3 =	sand.u32 $0x4000, s31;
	s1 =	sadd.s32 s1, s30  }
0xba: {  	s0 =	sor.u32 s3, s0;
	s1 =	sshll.u32 s1, $0x11  }
0xbb: {  	s0 =	sor.u32 s1, s0  }
0xbc: {  	s0 =	sadd.s32 $0x8F2B, s0  }
0xbd: {  	[sflag:s0] =	ssyncadd.remote.s32 $0x1  }
0xbe: {  	_ =	sfence.sel $0xFFFF  }
0xbf: {  	[dreg:$0x0] =	wrdreg $0xFFFFFFFF;
	(pc) =	sbr.abs _section_cstart, $3  }
0xc0: {  	[dreg:$0x1] =	wrdreg $0xFFFFFFFF  }
0xc1: {  	_ =	task.clear_ibuf [dreg:s7], $0x2FFFF;
	_ =	strace $0x9FFFFFFF  }
0xc2: {  	(tm) =	ssettm $0x7FFFFFFF  }
0xc3: {  	_ =	shalt  }
tec
execute0_lowered:
.L_overlay_start_1:
0x0: {  	(tag) =	ssettag $0x1  }
0x1: {  	s4 =	rddreg [dreg:$0x0]  }
0x2: {  	s0 =	rddreg [dreg:$0x1];
	s1 =	srdreg.scid  }
0x3: {  	s2 =	simm.s32 $0x0;
	s5 =	stileid.u32;
	s1 =	sand.u32 $0x1, s1  }
0x4: {  	[smem:$0x7FF] =	sst s2;
	s12 =	smul.u32 $0x64000, s1  }
0x5: {  	s5 =	sshll.u32 s5, $0xA;
	s3 =	ssub.s32 $0x2, s1;
	s6 =	smul.u32 $0xC80000, s1  }
0x6: {  	s30 =	sadd.s32 $0xF42A00, s0;
	s1 =	sadd.s32 $0x600, s0;
	s7 =	sshrl.u32 s3, $0x1  }
0x7: {  	s8 =	sor.u32 s5, s12;
	s2 =	ssub.s32 s3, s7;
	s3 =	sor.u32 s5, s6  }
0x8: {  	s0 =	simm.s32 $0x4000;
	s13 =	sshrl.u32 s8, $0x3;
	s14 =	sshrl.u32 s3, $0x3  }
0x9: {  	s5 =	sadd.s32 $0x80000, s3;
	s16 =	sadd.s32 $0x100000, s3;
	s18 =	sadd.s32 $0x180000, s3  }
0xa: {  	s20 =	sadd.s32 $0x200000, s3;
	s22 =	sadd.s32 $0x280000, s3;
	s24 =	sadd.s32 $0x300000, s3  }
0xb: {  	s26 =	sadd.s32 $0x380000, s3;
	s6 =	sadd.s32 $0x400000, s3;
	s8 =	sadd.s32 $0x480000, s3  }
0xc: {  	s10 =	sadd.s32 $0x500000, s3;
	s12 =	sadd.s32 $0x580000, s3;
	s31 =	smax.u32 s2, $0x1  }
0xd: {  	s2 =	simm.s32 $0x6400;
	s4 =	sadd.s32 s4, s13;
	s15 =	sshrl.u32 s5, $0x3  }
0xe: {  	s17 =	sshrl.u32 s16, $0x3;
	s19 =	sshrl.u32 s18, $0x3;
	s21 =	sshrl.u32 s20, $0x3  }
0xf: {  	s23 =	sshrl.u32 s22, $0x3;
	s25 =	sshrl.u32 s24, $0x3;
	s5 =	sshrl.u32 s26, $0x3  }
0x10: {  	s7 =	sshrl.u32 s6, $0x3;
	s9 =	sshrl.u32 s8, $0x3;
	s11 =	sshrl.u32 s10, $0x3  }
0x11: {  	s13 =	sshrl.u32 s12, $0x3;
	s16 =	sadd.s32 $0x680000, s3;
	s18 =	sadd.s32 $0x700000, s3  }
0x12: {  	s20 =	sadd.s32 $0x780000, s3;
	s22 =	sadd.s32 $0x800000, s3;
	s24 =	sadd.s32 $0x880000, s3  }
0x13: {  	s26 =	sadd.s32 $0x900000, s3;
	[dreg:$0x3] =	wrdreg s4;
	s4 =	sadd.s32 s1, s14  }
0x14: {  	s14 =	sadd.s32 $0x600000, s3;
	[dreg:$0x4] =	wrdreg s4;
	s4 =	sadd.s32 s1, s15  }
0x15: {  	s6 =	sshrl.u32 s26, $0x3;
	[dreg:$0x5] =	wrdreg s4;
	s4 =	sadd.s32 s1, s17  }
0x16: {  	s15 =	sshrl.u32 s14, $0x3;
	s17 =	sshrl.u32 s16, $0x3;
	[dreg:$0x6] =	wrdreg s4  }
0x17: {  	s4 =	sadd.s32 s1, s19;
	s16 =	sadd.s32 s1, s17;
	s19 =	sshrl.u32 s18, $0x3  }
0x18: {  	[dreg:$0x7] =	wrdreg s4;
	s4 =	sadd.s32 s1, s21;
	s17 =	sadd.s32 s1, s19  }
0x19: {  	s21 =	sshrl.u32 s20, $0x3;
	[dreg:$0x8] =	wrdreg s4;
	s4 =	sadd.s32 s1, s23  }
0x1a: {  	s18 =	sadd.s32 s1, s21;
	s23 =	sshrl.u32 s22, $0x3;
	s21 =	sadd.s32 s1, s6  }
0x1b: {  	s6 =	simm.s32 $0x4;
	[dreg:$0x9] =	wrdreg s4;
	s4 =	sadd.s32 s1, s25  }
0x1c: {  	s19 =	sadd.s32 s1, s23;
	s25 =	sshrl.u32 s24, $0x3;
	[dreg:$0xa] =	wrdreg s4  }
0x1d: {  	s4 =	sadd.s32 s1, s5;
	s20 =	sadd.s32 s1, s25;
	s5 =	simm.s32 $0x16400  }
0x1e: {  	[dreg:$0xb] =	wrdreg s4;
	s4 =	sadd.s32 s1, s7;
	s7 =	sadd.s32 $0x980000, s3  }
0x1f: {  	[dreg:$0xc] =	wrdreg s4;
	s4 =	sadd.s32 s1, s9;
	s8 =	sshrl.u32 s7, $0x3  }
0x20: {  	s9 =	sadd.s32 $0xA00000, s3;
	s7 =	simm.s32 $0x3;
	[dreg:$0xd] =	wrdreg s4  }
0x21: {  	s4 =	sadd.s32 s1, s11;
	s22 =	sadd.s32 s1, s8;
	s10 =	sshrl.u32 s9, $0x3  }
0x22: {  	s11 =	sadd.s32 $0xA80000, s3;
	s8 =	simm.s32 $0x0;
	[dreg:$0xe] =	wrdreg s4  }
0x23: {  	s4 =	sadd.s32 s1, s13;
	s23 =	sadd.s32 s1, s10;
	s12 =	sshrl.u32 s11, $0x3  }
0x24: {  	s13 =	sadd.s32 $0xB00000, s3;
	[dreg:$0xf] =	wrdreg s4;
	s4 =	sadd.s32 s1, s15  }
0x25: {  	s24 =	sadd.s32 s1, s12;
	s14 =	sshrl.u32 s13, $0x3;
	s15 =	sadd.s32 $0xB80000, s3  }
0x26: {  	s3 =	sadd.s32 $0xC00000, s3;
	[dreg:$0x10] =	wrdreg s4;
	s26 =	sadd.s32 s1, s14  }
0x27: {  	s25 =	sshrl.u32 s15, $0x3;
	s3 =	sshrl.u32 s3, $0x3;
	s4 =	simm.s32 $0x2  }
0x28: {  	v0 =	vlaneseq.u32;
	s28 =	sadd.s32 s1, s25;
	s29 =	sadd.s32 s1, s3;
	_ =	strace $0x80000047  }
0x29: {  	v0 =	vmul.u32 $0x20, v0;
	s25 =	simm.s32 $0x400;
	s1 =	simm.s32 $0x1;
	s3 =	simm.s32 $0xE400  }
.LBB2_1:
0x2a: {  	s9 =	simm.s32 $0x0;
	s10 =	rddreg [dreg:$0x3]  }
0x2b: {  	[tilespmem:s9], [sflag:$0x1] =	stream.strided.gather [hbm4b:s10+s25], $0x6400, s0, s25, $0x38;
	[tilespmem:$0x1E400] =	vst v63  }
0x2c: {  	_ =	swait.ge [sflag:s1], $0x6400  }
0x2d: {  	[sflag:s1] =	ssyncset.done $0x0  }
0x2e: {  	[sflag:s1] =	ssyncadd.s32 $0xFFFF9C00  }
0x2f: {  	[tilespmem:s2], [sflag:$0x2] =	stream.indirect.gather [hbm4b:s30+s25], $0x20, s9, s25, $0xb8;
	[tilespmem:$0x1E400] =	vst v63  }
0x30: {  	_ = 	snop  }
0x31: {  	[tilespmem:s3], [sflag:$0x3] =	stream.indirect.gather [hbm4b:s30+s25], $0x20, s25, s25, $0xb8;
	[tilespmem:$0x1E400] =	vst v63  }
0x32: {  	_ =	swait.ge [sflag:s4], $0x8000  }
0x33: {  	[sflag:s4] =	ssyncset.done $0x0  }
0x34: {  	s10 =	simm.s32 $0x0;
	s9 =	simm.s32 $0x16420;
	[sflag:s4] =	ssyncadd.s32 $0xFFFF8000  }
.LBB2_2:
0x35: {  	v1 =	vmov s10;
	s11 =	simm.s32 $0x0  }
0x36: {  	v1 =	vand.u32 $0x1F, v1;
	v2 =	vmov s11  }
0x37: {  	v1 =	vbroadcast v1, $0x0;
	v2 =	vshll.u32 v2, $0x5  }
0x38: {  	v2 =	vor.u32 v0, v2  }
0x39: {  	v2 =	vor.u32 v1, v2;
	_ =	sdelay $0x1  }
0x3a: {  	s13 =	simm.s32 $0x10  }
0x3b: {  	v3 =	vmov s13  }
0x3c: {  	v3 =	vshll.u32 v3, $0x5  }
0x3d: {  	v3 =	vor.u32 v0, v3;
	v2 =	vld.idx.msk [tilespmem:v2+s2+$0x0], $0xffff  }
0x3e: {  	v3 =	vor.u32 v1, v3;
	_ =	sdelay $0x1  }
0x3f: {  	s14 =	simm.s32 $0x20  }
0x40: {  	v4 =	vmov s14  }
0x41: {  	[tilespmem:s9+$0xFFFFFFE0] =	vst v2;
	v2 =	vshll.u32 v4, $0x5  }
0x42: {  	v3 =	vld.idx.msk [tilespmem:v3+s2+$0x0], $0xffff;
	v2 =	vor.u32 v0, v2  }
0x43: {  	v2 =	vor.u32 v1, v2;
	_ =	sdelay $0x3  }
0x44: {  	s15 =	simm.s32 $0x30;
	[tilespmem:s9+$0xFFFFFFF0] =	vst v3  }
0x45: {  	v4 =	vld.idx.msk [tilespmem:v2+s2+$0x0], $0xffff;
	v2 =	vmov s15  }
0x46: {  	v2 =	vshll.u32 v2, $0x5  }
0x47: {  	v2 =	vor.u32 v0, v2  }
0x48: {  	v2 =	vor.u32 v1, v2;
	_ =	sdelay $0x2  }
0x49: {  	s11 =	simm.s32 $0x40  }
0x4a: {  	s12 =	smov.u32 s9;
	s13 =	simm.s32 $0x80;
	v3 =	vmov s11;
	[tilespmem:s9+$0x0] =	vst v4  }
.LBB2_3:
0x4b: {  	p0 =	sne.s32 s13, $0x3C0;
	v3 =	vshll.u32 v3, $0x5;
	v2 =	vld.idx.msk [tilespmem:v2+s2+$0x0], $0xffff  }
0x4c: {  	v3 =	vor.u32 v0, v3  }
0x4d: {  	v3 =	vor.u32 v1, v3;
	_ =	sdelay $0x2  }
0x4e: {  	s14 =	sadd.s32 $0x10, s11  }
0x4f: {  	v4 =	vmov s14;
	[tilespmem:s12+$0x10] =	vst v2  }
0x50: {  	v2 =	vld.idx.msk [tilespmem:v3+s2+$0x0], $0xffff;
	v3 =	vshll.u32 v4, $0x5  }
0x51: {  	v3 =	vor.u32 v0, v3  }
0x52: {  	v3 =	vor.u32 v1, v3;
	_ =	sdelay $0x2  }
0x53: {  	s14 =	sadd.s32 $0x20, s11;
	s12 =	sadd.s32 $0x40, s12  }
0x54: {  	[tilespmem:s12+$0xFFFFFFE0] =	vst v2;
	v2 =	vmov s14  }
0x55: {  	v3 =	vld.idx.msk [tilespmem:v3+s2+$0x0], $0xffff;
	v2 =	vshll.u32 v2, $0x5  }
0x56: {  	v2 =	vor.u32 v0, v2  }
0x57: {  	v2 =	vor.u32 v1, v2;
	_ =	sdelay $0x2  }
0x58: {  	s14 =	sadd.s32 $0x30, s11;
	s11 =	smov.u32 s13  }
0x59: {  	[tilespmem:s12+$0xFFFFFFF0] =	vst v3;
	v3 =	vmov s14  }
0x5a: {  	v4 =	vld.idx.msk [tilespmem:v2+s2+$0x0], $0xffff;
	v2 =	vshll.u32 v3, $0x5  }
0x5b: {  	v2 =	vor.u32 v0, v2  }
.Ltmp0:
0x5c: {  	v2 =	vor.u32 v1, v2;
	(pc) =	sbr.rel @p0 .LBB2_3-.Ltmp0, $2  }
0x5d: {  	_ =	sdelay $0x2  }
0x5e: {  	s13 =	sadd.s32 $0x40, s13;
	v3 =	vmov s11;
	[tilespmem:s12+$0x0] =	vst v4  }
0x5f: {  	_ =	sdelay $0x2  }
0x60: {  	v3 =	vshll.u32 v3, $0x5  }
0x61: {  	v2 =	vld.idx.msk [tilespmem:v2+s2+$0x0], $0xffff;
	v3 =	vor.u32 v0, v3  }
0x62: {  	v3 =	vor.u32 v1, v3;
	_ =	sdelay $0x1  }
0x63: {  	s13 =	sadd.s32 $0x10, s11  }
0x64: {  	v4 =	vmov s13  }
0x65: {  	[tilespmem:s12+$0x10] =	vst v2;
	v2 =	vshll.u32 v4, $0x5  }
0x66: {  	v2 =	vor.u32 v0, v2;
	v3 =	vld.idx.msk [tilespmem:v3+s2+$0x0], $0xffff  }
0x67: {  	v2 =	vor.u32 v1, v2;
	_ =	sdelay $0x1  }
0x68: {  	s15 =	sadd.s32 $0x20, s11  }
0x69: {  	s14 =	sadd.s32 $0x40, s12;
	v62 =	vmov s15  }
0x6a: {  	[tilespmem:s14+$0xFFFFFFE0] =	vst v3;
	v3 =	vshll.u32 v62, $0x5  }
0x6b: {  	v2 =	vld.idx.msk [tilespmem:v2+s2+$0x0], $0xffff;
	v3 =	vor.u32 v0, v3  }
0x6c: {  	v3 =	vor.u32 v1, v3;
	_ =	sdelay $0x1  }
0x6d: {  	s15 =	sadd.s32 $0x30, s11  }
0x6e: {  	v63 =	vmov s15  }
0x6f: {  	[tilespmem:s14+$0xFFFFFFF0] =	vst v2;
	v2 =	vshll.u32 v63, $0x5  }
0x70: {  	v3 =	vld.idx.msk [tilespmem:v3+s2+$0x0], $0xffff;
	v2 =	vor.u32 v0, v2  }
0x71: {  	v1 =	vor.u32 v1, v2;
	_ =	sdelay $0x3  }
0x72: {  	s10 =	sadd.s32 $0x1, s10;
	[tilespmem:s14+$0x0] =	vst v3  }
0x73: {  	p0 =	sne.s32 s10, $0x20;
	v1 =	vld.idx.msk [tilespmem:v1+s2+$0x0], $0xffff  }
.Ltmp1:
0x74: {  	_ = 	snop;
	(pc) =	sbr.rel @p0 .LBB2_2-.Ltmp1, $2  }
0x75: {  	_ =	sdelay $0x2  }
0x76: {  	s9 =	sadd.s32 $0x400, s9;
	[tilespmem:s14+$0x10] =	vst v1  }
0x77: {  	s9 =	rddreg [dreg:$0x4]  }
0x78: {  	[hbm4b:s9+s25] =	stream.strided.scatter [tilespmem:s5], [sflag:$0x4], $0x8000, s0, s25, $0x38;
	[tilespmem:$0x1E400] =	vst v63  }
0x79: {  	_ =	swait.ge [sflag:s6], $0x8000  }
0x7a: {  	[sflag:s6] =	ssyncset.done $0x0  }
0x7b: {  	s15 =	simm.s32 $0x800;
	[sflag:s6] =	ssyncadd.s32 $0xFFFF8000  }
0x7c: {  	[tilespmem:s2], [sflag:$0x2] =	stream.indirect.gather [hbm4b:s30+s25], $0x20, s15, s25, $0xb8;
	[tilespmem:$0x1E400] =	vst v63  }
0x7d: {  	_ =	swait.ge [sflag:s7], $0x8000  }
0x7e: {  	s13 =	simm.s32 $0x16420;
	[sflag:s7] =	ssyncset.done $0x0  }
0x7f: {  	s11 =	simm.s32 $0x0;
	s9 =	simm.s32 $0x0;
	[sflag:s7] =	ssyncadd.s32 $0xFFFF8000  }
.LBB2_6:
0x80: {  	v1 =	vmov s11  }
0x81: {  	v2 =	vmov s9;
	v1 =	vand.u32 $0x1F, v1  }
0x82: {  	v2 =	vshll.u32 v2, $0x5;
	v1 =	vbroadcast v1, $0x0  }
0x83: {  	v2 =	vor.u32 v0, v2  }
0x84: {  	v2 =	vor.u32 v1, v2;
	_ =	sdelay $0x1  }
0x85: {  	s10 =	simm.s32 $0x10  }
0x86: {  	v3 =	vmov s10  }
0x87: {  	v3 =	vshll.u32 v3, $0x5  }
0x88: {  	v3 =	vor.u32 v0, v3;
	v2 =	vld.idx.msk [tilespmem:v2+s3+$0x0], $0xffff  }
0x89: {  	v3 =	vor.u32 v1, v3;
	_ =	sdelay $0x1  }
0x8a: {  	s14 =	simm.s32 $0x20  }
0x8b: {  	v4 =	vmov s14  }
0x8c: {  	[tilespmem:s13+$0xFFFFFFE0] =	vst v2;
	v2 =	vshll.u32 v4, $0x5  }
0x8d: {  	v3 =	vld.idx.msk [tilespmem:v3+s3+$0x0], $0xffff;
	v2 =	vor.u32 v0, v2  }
0x8e: {  	v2 =	vor.u32 v1, v2;
	_ =	sdelay $0x3  }
0x8f: {  	s15 =	simm.s32 $0x30;
	[tilespmem:s13+$0xFFFFFFF0] =	vst v3  }
0x90: {  	v4 =	vld.idx.msk [tilespmem:v2+s3+$0x0], $0xffff;
	v2 =	vmov s15  }
0x91: {  	v2 =	vshll.u32 v2, $0x5  }
0x92: {  	v2 =	vor.u32 v0, v2  }
0x93: {  	v2 =	vor.u32 v1, v2;
	_ =	sdelay $0x2  }
0x94: {  	s12 =	simm.s32 $0x40  }
0x95: {  	s14 =	simm.s32 $0x80;
	s10 =	smov.u32 s13;
	v3 =	vmov s12;
	[tilespmem:s13+$0x0] =	vst v4  }
.LBB2_7:
0x96: {  	p0 =	sne.s32 s14, $0x3C0;
	v3 =	vshll.u32 v3, $0x5;
	v2 =	vld.idx.msk [tilespmem:v2+s3+$0x0], $0xffff  }
0x97: {  	v3 =	vor.u32 v0, v3  }
0x98: {  	v3 =	vor.u32 v1, v3;
	_ =	sdelay $0x2  }
0x99: {  	s15 =	sadd.s32 $0x10, s12  }
0x9a: {  	v4 =	vmov s15;
	[tilespmem:s10+$0x10] =	vst v2  }
0x9b: {  	v2 =	vld.idx.msk [tilespmem:v3+s3+$0x0], $0xffff;
	v3 =	vshll.u32 v4, $0x5  }
0x9c: {  	v3 =	vor.u32 v0, v3  }
0x9d: {  	v3 =	vor.u32 v1, v3;
	_ =	sdelay $0x2  }
0x9e: {  	s15 =	sadd.s32 $0x20, s12;
	s10 =	sadd.s32 $0x40, s10  }
0x9f: {  	[tilespmem:s10+$0xFFFFFFE0] =	vst v2;
	v2 =	vmov s15  }
0xa0: {  	v3 =	vld.idx.msk [tilespmem:v3+s3+$0x0], $0xffff;
	v2 =	vshll.u32 v2, $0x5  }
0xa1: {  	v2 =	vor.u32 v0, v2  }
0xa2: {  	v2 =	vor.u32 v1, v2;
	_ =	sdelay $0x2  }
0xa3: {  	s15 =	sadd.s32 $0x30, s12;
	s12 =	smov.u32 s14  }
0xa4: {  	[tilespmem:s10+$0xFFFFFFF0] =	vst v3;
	v3 =	vmov s15  }
0xa5: {  	v4 =	vld.idx.msk [tilespmem:v2+s3+$0x0], $0xffff;
	v2 =	vshll.u32 v3, $0x5  }
0xa6: {  	v2 =	vor.u32 v0, v2  }
.Ltmp2:
0xa7: {  	v2 =	vor.u32 v1, v2;
	(pc) =	sbr.rel @p0 .LBB2_7-.Ltmp2, $2  }
0xa8: {  	_ =	sdelay $0x2  }
0xa9: {  	s14 =	sadd.s32 $0x40, s14;
	v3 =	vmov s12;
	[tilespmem:s10+$0x0] =	vst v4  }
0xaa: {  	_ =	sdelay $0x2  }
0xab: {  	v3 =	vshll.u32 v3, $0x5  }
0xac: {  	v2 =	vld.idx.msk [tilespmem:v2+s3+$0x0], $0xffff;
	v3 =	vor.u32 v0, v3  }
0xad: {  	v3 =	vor.u32 v1, v3;
	_ =	sdelay $0x1  }
0xae: {  	s14 =	sadd.s32 $0x10, s12  }
0xaf: {  	v4 =	vmov s14  }
0xb0: {  	[tilespmem:s10+$0x10] =	vst v2;
	v2 =	vshll.u32 v4, $0x5  }
0xb1: {  	v2 =	vor.u32 v0, v2;
	v3 =	vld.idx.msk [tilespmem:v3+s3+$0x0], $0xffff  }
0xb2: {  	v2 =	vor.u32 v1, v2;
	_ =	sdelay $0x1  }
0xb3: {  	s15 =	sadd.s32 $0x20, s12  }
0xb4: {  	v62 =	vmov s15;
	s10 =	sadd.s32 $0x40, s10  }
0xb5: {  	[tilespmem:s10+$0xFFFFFFE0] =	vst v3;
	v3 =	vshll.u32 v62, $0x5  }
0xb6: {  	v2 =	vld.idx.msk [tilespmem:v2+s3+$0x0], $0xffff;
	v3 =	vor.u32 v0, v3  }
0xb7: {  	v3 =	vor.u32 v1, v3;
	_ =	sdelay $0x1  }
0xb8: {  	s15 =	sadd.s32 $0x30, s12  }
0xb9: {  	v63 =	vmov s15  }
0xba: {  	[tilespmem:s10+$0xFFFFFFF0] =	vst v2;
	v2 =	vshll.u32 v63, $0x5  }
0xbb: {  	v3 =	vld.idx.msk [tilespmem:v3+s3+$0x0], $0xffff;
	v2 =	vor.u32 v0, v2  }
0xbc: {  	v1 =	vor.u32 v1, v2;
	_ =	sdelay $0x3  }
0xbd: {  	s11 =	sadd.s32 $0x1, s11;
	[tilespmem:s10+$0x0] =	vst v3  }
0xbe: {  	p0 =	sne.s32 s11, $0x20;
	v1 =	vld.idx.msk [tilespmem:v1+s3+$0x0], $0xffff  }
.Ltmp3:
0xbf: {  	_ = 	snop;
	(pc) =	sbr.rel @p0 .LBB2_6-.Ltmp3, $2  }
0xc0: {  	_ =	sdelay $0x2  }
0xc1: {  	s13 =	sadd.s32 $0x400, s13;
	[tilespmem:s10+$0x10] =	vst v1  }
0xc2: {  	s9 =	rddreg [dreg:$0x5]  }
0xc3: {  	[hbm4b:s9+s25] =	stream.strided.scatter [tilespmem:s5], [sflag:$0x4], $0x8000, s0, s25, $0x38;
	[tilespmem:$0x1E400] =	vst v63  }
0xc4: {  	_ =	swait.ge [sflag:s6], $0x8000  }
0xc5: {  	[sflag:s6] =	ssyncset.done $0x0  }
0xc6: {  	s15 =	simm.s32 $0xC00;
	[sflag:s6] =	ssyncadd.s32 $0xFFFF8000  }
0xc7: {  	[tilespmem:s3], [sflag:$0x3] =	stream.indirect.gather [hbm4b:s30+s25], $0x20, s15, s25, $0xb8;
	[tilespmem:$0x1E400] =	vst v63  }
0xc8: {  	_ =	swait.ge [sflag:s4], $0x8000  }
0xc9: {  	s10 =	simm.s32 $0x16420;
	[sflag:s4] =	ssyncset.done $0x0  }
0xca: {  	s11 =	simm.s32 $0x0;
	s9 =	simm.s32 $0x0;
	[sflag:s4] =	ssyncadd.s32 $0xFFFF8000  }
.LBB2_10:
0xcb: {  	v1 =	vmov s11  }
0xcc: {  	v2 =	vmov s9;
	v1 =	vand.u32 $0x1F, v1  }
0xcd: {  	v2 =	vshll.u32 v2, $0x5;
	v1 =	vbroadcast v1, $0x0  }
0xce: {  	v2 =	vor.u32 v0, v2  }
0xcf: {  	v2 =	vor.u32 v1, v2;
	_ =	sdelay $0x1  }
0xd0: {  	s12 =	simm.s32 $0x10  }
0xd1: {  	v3 =	vmov s12  }
0xd2: {  	v3 =	vshll.u32 v3, $0x5  }
0xd3: {  	v3 =	vor.u32 v0, v3;
	v2 =	vld.idx.msk [tilespmem:v2+s2+$0x0], $0xffff  }
0xd4: {  	v3 =	vor.u32 v1, v3;
	_ =	sdelay $0x1  }
0xd5: {  	s14 =	simm.s32 $0x20  }
0xd6: {  	v4 =	vmov s14  }
0xd7: {  	[tilespmem:s10+$0xFFFFFFE0] =	vst v2;
	v2 =	vshll.u32 v4, $0x5  }
0xd8: {  	v3 =	vld.idx.msk [tilespmem:v3+s2+$0x0], $0xffff;
	v2 =	vor.u32 v0, v2  }
0xd9: {  	v2 =	vor.u32 v1, v2;
	_ =	sdelay $0x3  }
0xda: {  	s15 =	simm.s32 $0x30;
	[tilespmem:s10+$0xFFFFFFF0] =	vst v3  }
0xdb: {  	v4 =	vld.idx.msk [tilespmem:v2+s2+$0x0], $0xffff;
	v2 =	vmov s15  }
0xdc: {  	v2 =	vshll.u32 v2, $0x5  }
0xdd: {  	v2 =	vor.u32 v0, v2  }
0xde: {  	v2 =	vor.u32 v1, v2;
	_ =	sdelay $0x2  }
0xdf: {  	s12 =	simm.s32 $0x40  }
0xe0: {  	s13 =	smov.u32 s10;
	s14 =	simm.s32 $0x80;
	v3 =	vmov s12;
	[tilespmem:s10+$0x0] =	vst v4  }
.LBB2_11:
0xe1: {  	p0 =	sne.s32 s14, $0x3C0;
	v3 =	vshll.u32 v3, $0x5;
	v2 =	vld.idx.msk [tilespmem:v2+s2+$0x0], $0xffff  }
0xe2: {  	v3 =	vor.u32 v0, v3  }
0xe3: {  	v3 =	vor.u32 v1, v3;
	_ =	sdelay $0x2  }
0xe4: {  	s15 =	sadd.s32 $0x10, s12  }
0xe5: {  	v4 =	vmov s15;
	[tilespmem:s13+$0x10] =	vst v2  }
0xe6: {  	v2 =	vld.idx.msk [tilespmem:v3+s2+$0x0], $0xffff;
	v3 =	vshll.u32 v4, $0x5  }
0xe7: {  	v3 =	vor.u32 v0, v3  }
0xe8: {  	v3 =	vor.u32 v1, v3;
	_ =	sdelay $0x2  }
0xe9: {  	s15 =	sadd.s32 $0x20, s12;
	s13 =	sadd.s32 $0x40, s13  }
0xea: {  	[tilespmem:s13+$0xFFFFFFE0] =	vst v2;
	v2 =	vmov s15  }
0xeb: {  	v3 =	vld.idx.msk [tilespmem:v3+s2+$0x0], $0xffff;
	v2 =	vshll.u32 v2, $0x5  }
0xec: {  	v2 =	vor.u32 v0, v2  }
0xed: {  	v2 =	vor.u32 v1, v2;
	_ =	sdelay $0x2  }
0xee: {  	s15 =	sadd.s32 $0x30, s12;
	s12 =	smov.u32 s14  }
0xef: {  	[tilespmem:s13+$0xFFFFFFF0] =	vst v3;
	v3 =	vmov s15  }
0xf0: {  	v4 =	vld.idx.msk [tilespmem:v2+s2+$0x0], $0xffff;
	v2 =	vshll.u32 v3, $0x5  }
0xf1: {  	v2 =	vor.u32 v0, v2  }
.Ltmp4:
0xf2: {  	v2 =	vor.u32 v1, v2;
	(pc) =	sbr.rel @p0 .LBB2_11-.Ltmp4, $2  }
0xf3: {  	_ =	sdelay $0x2  }
0xf4: {  	s14 =	sadd.s32 $0x40, s14;
	v3 =	vmov s12;
	[tilespmem:s13+$0x0] =	vst v4  }
0xf5: {  	_ =	sdelay $0x2  }
0xf6: {  	v3 =	vshll.u32 v3, $0x5  }
0xf7: {  	v2 =	vld.idx.msk [tilespmem:v2+s2+$0x0], $0xffff;
	v3 =	vor.u32 v0, v3  }
0xf8: {  	v3 =	vor.u32 v1, v3;
	_ =	sdelay $0x1  }
0xf9: {  	s14 =	sadd.s32 $0x10, s12  }
0xfa: {  	v4 =	vmov s14  }
0xfb: {  	[tilespmem:s13+$0x10] =	vst v2;
	v2 =	vshll.u32 v4, $0x5  }
0xfc: {  	v2 =	vor.u32 v0, v2;
	v3 =	vld.idx.msk [tilespmem:v3+s2+$0x0], $0xffff  }
0xfd: {  	v2 =	vor.u32 v1, v2;
	_ =	sdelay $0x1  }
0xfe: {  	s15 =	sadd.s32 $0x20, s12  }
0xff: {  	v62 =	vmov s15;
	s13 =	sadd.s32 $0x40, s13  }
0x100: {  	[tilespmem:s13+$0xFFFFFFE0] =	vst v3;
	v3 =	vshll.u32 v62, $0x5  }
0x101: {  	v2 =	vld.idx.msk [tilespmem:v2+s2+$0x0], $0xffff;
	v3 =	vor.u32 v0, v3  }
0x102: {  	v3 =	vor.u32 v1, v3;
	_ =	sdelay $0x1  }
0x103: {  	s15 =	sadd.s32 $0x30, s12  }
0x104: {  	v63 =	vmov s15  }
0x105: {  	[tilespmem:s13+$0xFFFFFFF0] =	vst v2;
	v2 =	vshll.u32 v63, $0x5  }
0x106: {  	v3 =	vld.idx.msk [tilespmem:v3+s2+$0x0], $0xffff;
	v2 =	vor.u32 v0, v2  }
0x107: {  	v1 =	vor.u32 v1, v2;
	_ =	sdelay $0x3  }
0x108: {  	s11 =	sadd.s32 $0x1, s11;
	[tilespmem:s13+$0x0] =	vst v3  }
0x109: {  	p0 =	sne.s32 s11, $0x20;
	v1 =	vld.idx.msk [tilespmem:v1+s2+$0x0], $0xffff  }
.Ltmp5:
0x10a: {  	_ = 	snop;
	(pc) =	sbr.rel @p0 .LBB2_10-.Ltmp5, $2  }
0x10b: {  	_ =	sdelay $0x2  }
0x10c: {  	s10 =	sadd.s32 $0x400, s10;
	[tilespmem:s13+$0x10] =	vst v1  }
0x10d: {  	s9 =	rddreg [dreg:$0x6]  }
0x10e: {  	[hbm4b:s9+s25] =	stream.strided.scatter [tilespmem:s5], [sflag:$0x4], $0x8000, s0, s25, $0x38;
	[tilespmem:$0x1E400] =	vst v63  }
0x10f: {  	_ =	swait.ge [sflag:s6], $0x8000  }
0x110: {  	[sflag:s6] =	ssyncset.done $0x0  }
0x111: {  	s15 =	simm.s32 $0x1000;
	[sflag:s6] =	ssyncadd.s32 $0xFFFF8000  }
0x112: {  	[tilespmem:s2], [sflag:$0x2] =	stream.indirect.gather [hbm4b:s30+s25], $0x20, s15, s25, $0xb8;
	[tilespmem:$0x1E400] =	vst v63  }
0x113: {  	_ =	swait.ge [sflag:s7], $0x8000  }
0x114: {  	s10 =	simm.s32 $0x16420;
	[sflag:s7] =	ssyncset.done $0x0  }
0x115: {  	s11 =	simm.s32 $0x0;
	s9 =	simm.s32 $0x0;
	[sflag:s7] =	ssyncadd.s32 $0xFFFF8000  }
.LBB2_14:
0x116: {  	v1 =	vmov s11  }
0x117: {  	v2 =	vmov s9;
	v1 =	vand.u32 $0x1F, v1  }
0x118: {  	v2 =	vshll.u32 v2, $0x5;
	v1 =	vbroadcast v1, $0x0  }
0x119: {  	v2 =	vor.u32 v0, v2  }
0x11a: {  	v2 =	vor.u32 v1, v2;
	_ =	sdelay $0x1  }
0x11b: {  	s12 =	simm.s32 $0x10  }
0x11c: {  	v3 =	vmov s12  }
0x11d: {  	v3 =	vshll.u32 v3, $0x5  }
0x11e: {  	v3 =	vor.u32 v0, v3;
	v2 =	vld.idx.msk [tilespmem:v2+s3+$0x0], $0xffff  }
0x11f: {  	v3 =	vor.u32 v1, v3;
	_ =	sdelay $0x1  }
0x120: {  	s14 =	simm.s32 $0x20  }
0x121: {  	v4 =	vmov s14  }
0x122: {  	[tilespmem:s10+$0xFFFFFFE0] =	vst v2;
	v2 =	vshll.u32 v4, $0x5  }
0x123: {  	v3 =	vld.idx.msk [tilespmem:v3+s3+$0x0], $0xffff;
	v2 =	vor.u32 v0, v2  }
0x124: {  	v2 =	vor.u32 v1, v2;
	_ =	sdelay $0x3  }
0x125: {  	s15 =	simm.s32 $0x30;
	[tilespmem:s10+$0xFFFFFFF0] =	vst v3  }
0x126: {  	v4 =	vld.idx.msk [tilespmem:v2+s3+$0x0], $0xffff;
	v2 =	vmov s15  }
0x127: {  	v2 =	vshll.u32 v2, $0x5  }
0x128: {  	v2 =	vor.u32 v0, v2  }
0x129: {  	v2 =	vor.u32 v1, v2;
	_ =	sdelay $0x2  }
0x12a: {  	s12 =	simm.s32 $0x40  }
0x12b: {  	s13 =	smov.u32 s10;
	s14 =	simm.s32 $0x80;
	v3 =	vmov s12;
	[tilespmem:s10+$0x0] =	vst v4  }
.LBB2_15:
0x12c: {  	p0 =	sne.s32 s14, $0x3C0;
	v3 =	vshll.u32 v3, $0x5;
	v2 =	vld.idx.msk [tilespmem:v2+s3+$0x0], $0xffff  }
0x12d: {  	v3 =	vor.u32 v0, v3  }
0x12e: {  	v3 =	vor.u32 v1, v3;
	_ =	sdelay $0x2  }
0x12f: {  	s15 =	sadd.s32 $0x10, s12  }
0x130: {  	v4 =	vmov s15;
	[tilespmem:s13+$0x10] =	vst v2  }
0x131: {  	v2 =	vld.idx.msk [tilespmem:v3+s3+$0x0], $0xffff;
	v3 =	vshll.u32 v4, $0x5  }
0x132: {  	v3 =	vor.u32 v0, v3  }
0x133: {  	v3 =	vor.u32 v1, v3;
	_ =	sdelay $0x2  }
0x134: {  	s15 =	sadd.s32 $0x20, s12;
	s13 =	sadd.s32 $0x40, s13  }
0x135: {  	[tilespmem:s13+$0xFFFFFFE0] =	vst v2;
	v2 =	vmov s15  }
0x136: {  	v3 =	vld.idx.msk [tilespmem:v3+s3+$0x0], $0xffff;
	v2 =	vshll.u32 v2, $0x5  }
0x137: {  	v2 =	vor.u32 v0, v2  }
0x138: {  	v2 =	vor.u32 v1, v2;
	_ =	sdelay $0x2  }
0x139: {  	s15 =	sadd.s32 $0x30, s12;
	s12 =	smov.u32 s14  }
0x13a: {  	[tilespmem:s13+$0xFFFFFFF0] =	vst v3;
	v3 =	vmov s15  }
0x13b: {  	v4 =	vld.idx.msk [tilespmem:v2+s3+$0x0], $0xffff;
	v2 =	vshll.u32 v3, $0x5  }
0x13c: {  	v2 =	vor.u32 v0, v2  }
.Ltmp6:
0x13d: {  	v2 =	vor.u32 v1, v2;
	(pc) =	sbr.rel @p0 .LBB2_15-.Ltmp6, $2  }
0x13e: {  	_ =	sdelay $0x2  }
0x13f: {  	s14 =	sadd.s32 $0x40, s14;
	v3 =	vmov s12;
	[tilespmem:s13+$0x0] =	vst v4  }
0x140: {  	_ =	sdelay $0x2  }
0x141: {  	v3 =	vshll.u32 v3, $0x5  }
0x142: {  	v2 =	vld.idx.msk [tilespmem:v2+s3+$0x0], $0xffff;
	v3 =	vor.u32 v0, v3  }
0x143: {  	v3 =	vor.u32 v1, v3;
	_ =	sdelay $0x1  }
0x144: {  	s14 =	sadd.s32 $0x10, s12  }
0x145: {  	v4 =	vmov s14  }
0x146: {  	[tilespmem:s13+$0x10] =	vst v2;
	v2 =	vshll.u32 v4, $0x5  }
0x147: {  	v2 =	vor.u32 v0, v2;
	v3 =	vld.idx.msk [tilespmem:v3+s3+$0x0], $0xffff  }
0x148: {  	v2 =	vor.u32 v1, v2;
	_ =	sdelay $0x1  }
0x149: {  	s15 =	sadd.s32 $0x20, s12  }
0x14a: {  	v62 =	vmov s15;
	s13 =	sadd.s32 $0x40, s13  }
0x14b: {  	[tilespmem:s13+$0xFFFFFFE0] =	vst v3;
	v3 =	vshll.u32 v62, $0x5  }
0x14c: {  	v2 =	vld.idx.msk [tilespmem:v2+s3+$0x0], $0xffff;
	v3 =	vor.u32 v0, v3  }
0x14d: {  	v3 =	vor.u32 v1, v3;
	_ =	sdelay $0x1  }
0x14e: {  	s15 =	sadd.s32 $0x30, s12  }
0x14f: {  	v63 =	vmov s15  }
0x150: {  	[tilespmem:s13+$0xFFFFFFF0] =	vst v2;
	v2 =	vshll.u32 v63, $0x5  }
0x151: {  	v3 =	vld.idx.msk [tilespmem:v3+s3+$0x0], $0xffff;
	v2 =	vor.u32 v0, v2  }
0x152: {  	v1 =	vor.u32 v1, v2;
	_ =	sdelay $0x3  }
0x153: {  	s11 =	sadd.s32 $0x1, s11;
	[tilespmem:s13+$0x0] =	vst v3  }
0x154: {  	p0 =	sne.s32 s11, $0x20;
	v1 =	vld.idx.msk [tilespmem:v1+s3+$0x0], $0xffff  }
.Ltmp7:
0x155: {  	_ = 	snop;
	(pc) =	sbr.rel @p0 .LBB2_14-.Ltmp7, $2  }
0x156: {  	_ =	sdelay $0x2  }
0x157: {  	s10 =	sadd.s32 $0x400, s10;
	[tilespmem:s13+$0x10] =	vst v1  }
0x158: {  	s9 =	rddreg [dreg:$0x7]  }
0x159: {  	[hbm4b:s9+s25] =	stream.strided.scatter [tilespmem:s5], [sflag:$0x4], $0x8000, s0, s25, $0x38;
	[tilespmem:$0x1E400] =	vst v63  }
0x15a: {  	_ =	swait.ge [sflag:s6], $0x8000  }
0x15b: {  	[sflag:s6] =	ssyncset.done $0x0  }
0x15c: {  	s15 =	simm.s32 $0x1400;
	[sflag:s6] =	ssyncadd.s32 $0xFFFF8000  }
0x15d: {  	[tilespmem:s3], [sflag:$0x3] =	stream.indirect.gather [hbm4b:s30+s25], $0x20, s15, s25, $0xb8;
	[tilespmem:$0x1E400] =	vst v63  }
0x15e: {  	_ =	swait.ge [sflag:s4], $0x8000  }
0x15f: {  	s10 =	simm.s32 $0x16420;
	[sflag:s4] =	ssyncset.done $0x0  }
0x160: {  	s11 =	simm.s32 $0x0;
	s9 =	simm.s32 $0x0;
	[sflag:s4] =	ssyncadd.s32 $0xFFFF8000  }
.LBB2_18:
0x161: {  	v1 =	vmov s11  }
0x162: {  	v2 =	vmov s9;
	v1 =	vand.u32 $0x1F, v1  }
0x163: {  	v2 =	vshll.u32 v2, $0x5;
	v1 =	vbroadcast v1, $0x0  }
0x164: {  	v2 =	vor.u32 v0, v2  }
0x165: {  	v2 =	vor.u32 v1, v2;
	_ =	sdelay $0x1  }
0x166: {  	s12 =	simm.s32 $0x10  }
0x167: {  	v3 =	vmov s12  }
0x168: {  	v3 =	vshll.u32 v3, $0x5  }
0x169: {  	v3 =	vor.u32 v0, v3;
	v2 =	vld.idx.msk [tilespmem:v2+s2+$0x0], $0xffff  }
0x16a: {  	v3 =	vor.u32 v1, v3;
	_ =	sdelay $0x1  }
0x16b: {  	s14 =	simm.s32 $0x20  }
0x16c: {  	v4 =	vmov s14  }
0x16d: {  	[tilespmem:s10+$0xFFFFFFE0] =	vst v2;
	v2 =	vshll.u32 v4, $0x5  }
0x16e: {  	v3 =	vld.idx.msk [tilespmem:v3+s2+$0x0], $0xffff;
	v2 =	vor.u32 v0, v2  }
0x16f: {  	v2 =	vor.u32 v1, v2;
	_ =	sdelay $0x3  }
0x170: {  	s15 =	simm.s32 $0x30;
	[tilespmem:s10+$0xFFFFFFF0] =	vst v3  }
0x171: {  	v4 =	vld.idx.msk [tilespmem:v2+s2+$0x0], $0xffff;
	v2 =	vmov s15  }
0x172: {  	v2 =	vshll.u32 v2, $0x5  }
0x173: {  	v2 =	vor.u32 v0, v2  }
0x174: {  	v2 =	vor.u32 v1, v2;
	_ =	sdelay $0x2  }
0x175: {  	s12 =	simm.s32 $0x40  }
0x176: {  	s13 =	smov.u32 s10;
	s14 =	simm.s32 $0x80;
	v3 =	vmov s12;
	[tilespmem:s10+$0x0] =	vst v4  }
.LBB2_19:
0x177: {  	p0 =	sne.s32 s14, $0x3C0;
	v3 =	vshll.u32 v3, $0x5;
	v2 =	vld.idx.msk [tilespmem:v2+s2+$0x0], $0xffff  }
0x178: {  	v3 =	vor.u32 v0, v3  }
0x179: {  	v3 =	vor.u32 v1, v3;
	_ =	sdelay $0x2  }
0x17a: {  	s15 =	sadd.s32 $0x10, s12  }
0x17b: {  	v4 =	vmov s15;
	[tilespmem:s13+$0x10] =	vst v2  }
0x17c: {  	v2 =	vld.idx.msk [tilespmem:v3+s2+$0x0], $0xffff;
	v3 =	vshll.u32 v4, $0x5  }
0x17d: {  	v3 =	vor.u32 v0, v3  }
0x17e: {  	v3 =	vor.u32 v1, v3;
	_ =	sdelay $0x2  }
0x17f: {  	s15 =	sadd.s32 $0x20, s12;
	s13 =	sadd.s32 $0x40, s13  }
0x180: {  	[tilespmem:s13+$0xFFFFFFE0] =	vst v2;
	v2 =	vmov s15  }
0x181: {  	v3 =	vld.idx.msk [tilespmem:v3+s2+$0x0], $0xffff;
	v2 =	vshll.u32 v2, $0x5  }
0x182: {  	v2 =	vor.u32 v0, v2  }
0x183: {  	v2 =	vor.u32 v1, v2;
	_ =	sdelay $0x2  }
0x184: {  	s15 =	sadd.s32 $0x30, s12;
	s12 =	smov.u32 s14  }
0x185: {  	[tilespmem:s13+$0xFFFFFFF0] =	vst v3;
	v3 =	vmov s15  }
0x186: {  	v4 =	vld.idx.msk [tilespmem:v2+s2+$0x0], $0xffff;
	v2 =	vshll.u32 v3, $0x5  }
0x187: {  	v2 =	vor.u32 v0, v2  }
.Ltmp8:
0x188: {  	v2 =	vor.u32 v1, v2;
	(pc) =	sbr.rel @p0 .LBB2_19-.Ltmp8, $2  }
0x189: {  	_ =	sdelay $0x2  }
0x18a: {  	s14 =	sadd.s32 $0x40, s14;
	v3 =	vmov s12;
	[tilespmem:s13+$0x0] =	vst v4  }
0x18b: {  	_ =	sdelay $0x2  }
0x18c: {  	v3 =	vshll.u32 v3, $0x5  }
0x18d: {  	v2 =	vld.idx.msk [tilespmem:v2+s2+$0x0], $0xffff;
	v3 =	vor.u32 v0, v3  }
0x18e: {  	v3 =	vor.u32 v1, v3;
	_ =	sdelay $0x1  }
0x18f: {  	s14 =	sadd.s32 $0x10, s12  }
0x190: {  	v4 =	vmov s14  }
0x191: {  	[tilespmem:s13+$0x10] =	vst v2;
	v2 =	vshll.u32 v4, $0x5  }
0x192: {  	v2 =	vor.u32 v0, v2;
	v3 =	vld.idx.msk [tilespmem:v3+s2+$0x0], $0xffff  }
0x193: {  	v2 =	vor.u32 v1, v2;
	_ =	sdelay $0x1  }
0x194: {  	s15 =	sadd.s32 $0x20, s12  }
0x195: {  	v62 =	vmov s15;
	s13 =	sadd.s32 $0x40, s13  }
0x196: {  	[tilespmem:s13+$0xFFFFFFE0] =	vst v3;
	v3 =	vshll.u32 v62, $0x5  }
0x197: {  	v2 =	vld.idx.msk [tilespmem:v2+s2+$0x0], $0xffff;
	v3 =	vor.u32 v0, v3  }
0x198: {  	v3 =	vor.u32 v1, v3;
	_ =	sdelay $0x1  }
0x199: {  	s15 =	sadd.s32 $0x30, s12  }
0x19a: {  	v63 =	vmov s15  }
0x19b: {  	[tilespmem:s13+$0xFFFFFFF0] =	vst v2;
	v2 =	vshll.u32 v63, $0x5  }
0x19c: {  	v3 =	vld.idx.msk [tilespmem:v3+s2+$0x0], $0xffff;
	v2 =	vor.u32 v0, v2  }
0x19d: {  	v1 =	vor.u32 v1, v2;
	_ =	sdelay $0x3  }
0x19e: {  	s11 =	sadd.s32 $0x1, s11;
	[tilespmem:s13+$0x0] =	vst v3  }
0x19f: {  	p0 =	sne.s32 s11, $0x20;
	v1 =	vld.idx.msk [tilespmem:v1+s2+$0x0], $0xffff  }
.Ltmp9:
0x1a0: {  	_ = 	snop;
	(pc) =	sbr.rel @p0 .LBB2_18-.Ltmp9, $2  }
0x1a1: {  	_ =	sdelay $0x2  }
0x1a2: {  	s10 =	sadd.s32 $0x400, s10;
	[tilespmem:s13+$0x10] =	vst v1  }
0x1a3: {  	s9 =	rddreg [dreg:$0x8]  }
0x1a4: {  	[hbm4b:s9+s25] =	stream.strided.scatter [tilespmem:s5], [sflag:$0x4], $0x8000, s0, s25, $0x38;
	[tilespmem:$0x1E400] =	vst v63  }
0x1a5: {  	_ =	swait.ge [sflag:s6], $0x8000  }
0x1a6: {  	[sflag:s6] =	ssyncset.done $0x0  }
0x1a7: {  	s15 =	simm.s32 $0x1800;
	[sflag:s6] =	ssyncadd.s32 $0xFFFF8000  }
0x1a8: {  	[tilespmem:s2], [sflag:$0x2] =	stream.indirect.gather [hbm4b:s30+s25], $0x20, s15, s25, $0xb8;
	[tilespmem:$0x1E400] =	vst v63  }
0x1a9: {  	_ =	swait.ge [sflag:s7], $0x8000  }
0x1aa: {  	s10 =	simm.s32 $0x16420;
	[sflag:s7] =	ssyncset.done $0x0  }
0x1ab: {  	s11 =	simm.s32 $0x0;
	s9 =	simm.s32 $0x0;
	[sflag:s7] =	ssyncadd.s32 $0xFFFF8000  }
.LBB2_22:
0x1ac: {  	v1 =	vmov s11  }
0x1ad: {  	v2 =	vmov s9;
	v1 =	vand.u32 $0x1F, v1  }
0x1ae: {  	v2 =	vshll.u32 v2, $0x5;
	v1 =	vbroadcast v1, $0x0  }
0x1af: {  	v2 =	vor.u32 v0, v2  }
0x1b0: {  	v2 =	vor.u32 v1, v2;
	_ =	sdelay $0x1  }
0x1b1: {  	s12 =	simm.s32 $0x10  }
0x1b2: {  	v3 =	vmov s12  }
0x1b3: {  	v3 =	vshll.u32 v3, $0x5  }
0x1b4: {  	v3 =	vor.u32 v0, v3;
	v2 =	vld.idx.msk [tilespmem:v2+s3+$0x0], $0xffff  }
0x1b5: {  	v3 =	vor.u32 v1, v3;
	_ =	sdelay $0x1  }
0x1b6: {  	s14 =	simm.s32 $0x20  }
0x1b7: {  	v4 =	vmov s14  }
0x1b8: {  	[tilespmem:s10+$0xFFFFFFE0] =	vst v2;
	v2 =	vshll.u32 v4, $0x5  }
0x1b9: {  	v3 =	vld.idx.msk [tilespmem:v3+s3+$0x0], $0xffff;
	v2 =	vor.u32 v0, v2  }
0x1ba: {  	v2 =	vor.u32 v1, v2;
	_ =	sdelay $0x3  }
0x1bb: {  	s15 =	simm.s32 $0x30;
	[tilespmem:s10+$0xFFFFFFF0] =	vst v3  }
0x1bc: {  	v4 =	vld.idx.msk [tilespmem:v2+s3+$0x0], $0xffff;
	v2 =	vmov s15  }
0x1bd: {  	v2 =	vshll.u32 v2, $0x5  }
0x1be: {  	v2 =	vor.u32 v0, v2  }
0x1bf: {  	v2 =	vor.u32 v1, v2;
	_ =	sdelay $0x2  }
0x1c0: {  	s12 =	simm.s32 $0x40  }
0x1c1: {  	s13 =	smov.u32 s10;
	s14 =	simm.s32 $0x80;
	v3 =	vmov s12;
	[tilespmem:s10+$0x0] =	vst v4  }
.LBB2_23:
0x1c2: {  	p0 =	sne.s32 s14, $0x3C0;
	v3 =	vshll.u32 v3, $0x5;
	v2 =	vld.idx.msk [tilespmem:v2+s3+$0x0], $0xffff  }
0x1c3: {  	v3 =	vor.u32 v0, v3  }
0x1c4: {  	v3 =	vor.u32 v1, v3;
	_ =	sdelay $0x2  }
0x1c5: {  	s15 =	sadd.s32 $0x10, s12  }
0x1c6: {  	v4 =	vmov s15;
	[tilespmem:s13+$0x10] =	vst v2  }
0x1c7: {  	v2 =	vld.idx.msk [tilespmem:v3+s3+$0x0], $0xffff;
	v3 =	vshll.u32 v4, $0x5  }
0x1c8: {  	v3 =	vor.u32 v0, v3  }
0x1c9: {  	v3 =	vor.u32 v1, v3;
	_ =	sdelay $0x2  }
0x1ca: {  	s15 =	sadd.s32 $0x20, s12;
	s13 =	sadd.s32 $0x40, s13  }
0x1cb: {  	[tilespmem:s13+$0xFFFFFFE0] =	vst v2;
	v2 =	vmov s15  }
0x1cc: {  	v3 =	vld.idx.msk [tilespmem:v3+s3+$0x0], $0xffff;
	v2 =	vshll.u32 v2, $0x5  }
0x1cd: {  	v2 =	vor.u32 v0, v2  }
0x1ce: {  	v2 =	vor.u32 v1, v2;
	_ =	sdelay $0x2  }
0x1cf: {  	s15 =	sadd.s32 $0x30, s12;
	s12 =	smov.u32 s14  }
0x1d0: {  	[tilespmem:s13+$0xFFFFFFF0] =	vst v3;
	v3 =	vmov s15  }
0x1d1: {  	v4 =	vld.idx.msk [tilespmem:v2+s3+$0x0], $0xffff;
	v2 =	vshll.u32 v3, $0x5  }
0x1d2: {  	v2 =	vor.u32 v0, v2  }
.Ltmp10:
0x1d3: {  	v2 =	vor.u32 v1, v2;
	(pc) =	sbr.rel @p0 .LBB2_23-.Ltmp10, $2  }
0x1d4: {  	_ =	sdelay $0x2  }
0x1d5: {  	s14 =	sadd.s32 $0x40, s14;
	v3 =	vmov s12;
	[tilespmem:s13+$0x0] =	vst v4  }
0x1d6: {  	_ =	sdelay $0x2  }
0x1d7: {  	v3 =	vshll.u32 v3, $0x5  }
0x1d8: {  	v2 =	vld.idx.msk [tilespmem:v2+s3+$0x0], $0xffff;
	v3 =	vor.u32 v0, v3  }
0x1d9: {  	v3 =	vor.u32 v1, v3;
	_ =	sdelay $0x1  }
0x1da: {  	s14 =	sadd.s32 $0x10, s12  }
0x1db: {  	v4 =	vmov s14  }
0x1dc: {  	[tilespmem:s13+$0x10] =	vst v2;
	v2 =	vshll.u32 v4, $0x5  }
0x1dd: {  	v2 =	vor.u32 v0, v2;
	v3 =	vld.idx.msk [tilespmem:v3+s3+$0x0], $0xffff  }
0x1de: {  	v2 =	vor.u32 v1, v2;
	_ =	sdelay $0x1  }
0x1df: {  	s15 =	sadd.s32 $0x20, s12  }
0x1e0: {  	v62 =	vmov s15;
	s13 =	sadd.s32 $0x40, s13  }
0x1e1: {  	[tilespmem:s13+$0xFFFFFFE0] =	vst v3;
	v3 =	vshll.u32 v62, $0x5  }
0x1e2: {  	v2 =	vld.idx.msk [tilespmem:v2+s3+$0x0], $0xffff;
	v3 =	vor.u32 v0, v3  }
0x1e3: {  	v3 =	vor.u32 v1, v3;
	_ =	sdelay $0x1  }
0x1e4: {  	s15 =	sadd.s32 $0x30, s12  }
0x1e5: {  	v63 =	vmov s15  }
0x1e6: {  	[tilespmem:s13+$0xFFFFFFF0] =	vst v2;
	v2 =	vshll.u32 v63, $0x5  }
0x1e7: {  	v3 =	vld.idx.msk [tilespmem:v3+s3+$0x0], $0xffff;
	v2 =	vor.u32 v0, v2  }
0x1e8: {  	v1 =	vor.u32 v1, v2;
	_ =	sdelay $0x3  }
0x1e9: {  	s11 =	sadd.s32 $0x1, s11;
	[tilespmem:s13+$0x0] =	vst v3  }
0x1ea: {  	p0 =	sne.s32 s11, $0x20;
	v1 =	vld.idx.msk [tilespmem:v1+s3+$0x0], $0xffff  }
.Ltmp11:
0x1eb: {  	_ = 	snop;
	(pc) =	sbr.rel @p0 .LBB2_22-.Ltmp11, $2  }
0x1ec: {  	_ =	sdelay $0x2  }
0x1ed: {  	s10 =	sadd.s32 $0x400, s10;
	[tilespmem:s13+$0x10] =	vst v1  }
0x1ee: {  	s9 =	rddreg [dreg:$0x9]  }
0x1ef: {  	[hbm4b:s9+s25] =	stream.strided.scatter [tilespmem:s5], [sflag:$0x4], $0x8000, s0, s25, $0x38;
	[tilespmem:$0x1E400] =	vst v63  }
0x1f0: {  	_ =	swait.ge [sflag:s6], $0x8000  }
0x1f1: {  	[sflag:s6] =	ssyncset.done $0x0  }
0x1f2: {  	s15 =	simm.s32 $0x1C00;
	[sflag:s6] =	ssyncadd.s32 $0xFFFF8000  }
0x1f3: {  	[tilespmem:s3], [sflag:$0x3] =	stream.indirect.gather [hbm4b:s30+s25], $0x20, s15, s25, $0xb8;
	[tilespmem:$0x1E400] =	vst v63  }
0x1f4: {  	_ =	swait.ge [sflag:s4], $0x8000  }
0x1f5: {  	s10 =	simm.s32 $0x16420;
	[sflag:s4] =	ssyncset.done $0x0  }
0x1f6: {  	s11 =	simm.s32 $0x0;
	s9 =	simm.s32 $0x0;
	[sflag:s4] =	ssyncadd.s32 $0xFFFF8000  }
.LBB2_26:
0x1f7: {  	v1 =	vmov s11  }
0x1f8: {  	v2 =	vmov s9;
	v1 =	vand.u32 $0x1F, v1  }
0x1f9: {  	v2 =	vshll.u32 v2, $0x5;
	v1 =	vbroadcast v1, $0x0  }
0x1fa: {  	v2 =	vor.u32 v0, v2  }
0x1fb: {  	v2 =	vor.u32 v1, v2;
	_ =	sdelay $0x1  }
0x1fc: {  	s12 =	simm.s32 $0x10  }
0x1fd: {  	v3 =	vmov s12  }
0x1fe: {  	v3 =	vshll.u32 v3, $0x5  }
0x1ff: {  	v3 =	vor.u32 v0, v3;
	v2 =	vld.idx.msk [tilespmem:v2+s2+$0x0], $0xffff  }
0x200: {  	v3 =	vor.u32 v1, v3;
	_ =	sdelay $0x1  }
0x201: {  	s14 =	simm.s32 $0x20  }
0x202: {  	v4 =	vmov s14  }
0x203: {  	[tilespmem:s10+$0xFFFFFFE0] =	vst v2;
	v2 =	vshll.u32 v4, $0x5  }
0x204: {  	v3 =	vld.idx.msk [tilespmem:v3+s2+$0x0], $0xffff;
	v2 =	vor.u32 v0, v2  }
0x205: {  	v2 =	vor.u32 v1, v2;
	_ =	sdelay $0x3  }
0x206: {  	s15 =	simm.s32 $0x30;
	[tilespmem:s10+$0xFFFFFFF0] =	vst v3  }
0x207: {  	v4 =	vld.idx.msk [tilespmem:v2+s2+$0x0], $0xffff;
	v2 =	vmov s15  }
0x208: {  	v2 =	vshll.u32 v2, $0x5  }
0x209: {  	v2 =	vor.u32 v0, v2  }
0x20a: {  	v2 =	vor.u32 v1, v2;
	_ =	sdelay $0x2  }
0x20b: {  	s12 =	simm.s32 $0x40  }
0x20c: {  	s13 =	smov.u32 s10;
	s14 =	simm.s32 $0x80;
	v3 =	vmov s12;
	[tilespmem:s10+$0x0] =	vst v4  }
.LBB2_27:
0x20d: {  	p0 =	sne.s32 s14, $0x3C0;
	v3 =	vshll.u32 v3, $0x5;
	v2 =	vld.idx.msk [tilespmem:v2+s2+$0x0], $0xffff  }
0x20e: {  	v3 =	vor.u32 v0, v3  }
0x20f: {  	v3 =	vor.u32 v1, v3;
	_ =	sdelay $0x2  }
0x210: {  	s15 =	sadd.s32 $0x10, s12  }
0x211: {  	v4 =	vmov s15;
	[tilespmem:s13+$0x10] =	vst v2  }
0x212: {  	v2 =	vld.idx.msk [tilespmem:v3+s2+$0x0], $0xffff;
	v3 =	vshll.u32 v4, $0x5  }
0x213: {  	v3 =	vor.u32 v0, v3  }
0x214: {  	v3 =	vor.u32 v1, v3;
	_ =	sdelay $0x2  }
0x215: {  	s15 =	sadd.s32 $0x20, s12;
	s13 =	sadd.s32 $0x40, s13  }
0x216: {  	[tilespmem:s13+$0xFFFFFFE0] =	vst v2;
	v2 =	vmov s15  }
0x217: {  	v3 =	vld.idx.msk [tilespmem:v3+s2+$0x0], $0xffff;
	v2 =	vshll.u32 v2, $0x5  }
0x218: {  	v2 =	vor.u32 v0, v2  }
0x219: {  	v2 =	vor.u32 v1, v2;
	_ =	sdelay $0x2  }
0x21a: {  	s15 =	sadd.s32 $0x30, s12;
	s12 =	smov.u32 s14  }
0x21b: {  	[tilespmem:s13+$0xFFFFFFF0] =	vst v3;
	v3 =	vmov s15  }
0x21c: {  	v4 =	vld.idx.msk [tilespmem:v2+s2+$0x0], $0xffff;
	v2 =	vshll.u32 v3, $0x5  }
0x21d: {  	v2 =	vor.u32 v0, v2  }
.Ltmp12:
0x21e: {  	v2 =	vor.u32 v1, v2;
	(pc) =	sbr.rel @p0 .LBB2_27-.Ltmp12, $2  }
0x21f: {  	_ =	sdelay $0x2  }
0x220: {  	s14 =	sadd.s32 $0x40, s14;
	v3 =	vmov s12;
	[tilespmem:s13+$0x0] =	vst v4  }
0x221: {  	_ =	sdelay $0x2  }
0x222: {  	v3 =	vshll.u32 v3, $0x5  }
0x223: {  	v2 =	vld.idx.msk [tilespmem:v2+s2+$0x0], $0xffff;
	v3 =	vor.u32 v0, v3  }
0x224: {  	v3 =	vor.u32 v1, v3;
	_ =	sdelay $0x1  }
0x225: {  	s14 =	sadd.s32 $0x10, s12  }
0x226: {  	v4 =	vmov s14  }
0x227: {  	[tilespmem:s13+$0x10] =	vst v2;
	v2 =	vshll.u32 v4, $0x5  }
0x228: {  	v2 =	vor.u32 v0, v2;
	v3 =	vld.idx.msk [tilespmem:v3+s2+$0x0], $0xffff  }
0x229: {  	v2 =	vor.u32 v1, v2;
	_ =	sdelay $0x1  }
0x22a: {  	s15 =	sadd.s32 $0x20, s12  }
0x22b: {  	v62 =	vmov s15;
	s13 =	sadd.s32 $0x40, s13  }
0x22c: {  	[tilespmem:s13+$0xFFFFFFE0] =	vst v3;
	v3 =	vshll.u32 v62, $0x5  }
0x22d: {  	v2 =	vld.idx.msk [tilespmem:v2+s2+$0x0], $0xffff;
	v3 =	vor.u32 v0, v3  }
0x22e: {  	v3 =	vor.u32 v1, v3;
	_ =	sdelay $0x1  }
0x22f: {  	s15 =	sadd.s32 $0x30, s12  }
0x230: {  	v63 =	vmov s15  }
0x231: {  	[tilespmem:s13+$0xFFFFFFF0] =	vst v2;
	v2 =	vshll.u32 v63, $0x5  }
0x232: {  	v3 =	vld.idx.msk [tilespmem:v3+s2+$0x0], $0xffff;
	v2 =	vor.u32 v0, v2  }
0x233: {  	v1 =	vor.u32 v1, v2;
	_ =	sdelay $0x3  }
0x234: {  	s11 =	sadd.s32 $0x1, s11;
	[tilespmem:s13+$0x0] =	vst v3  }
0x235: {  	p0 =	sne.s32 s11, $0x20;
	v1 =	vld.idx.msk [tilespmem:v1+s2+$0x0], $0xffff  }
.Ltmp13:
0x236: {  	_ = 	snop;
	(pc) =	sbr.rel @p0 .LBB2_26-.Ltmp13, $2  }
0x237: {  	_ =	sdelay $0x2  }
0x238: {  	s10 =	sadd.s32 $0x400, s10;
	[tilespmem:s13+$0x10] =	vst v1  }
0x239: {  	s9 =	rddreg [dreg:$0xa]  }
0x23a: {  	[hbm4b:s9+s25] =	stream.strided.scatter [tilespmem:s5], [sflag:$0x4], $0x8000, s0, s25, $0x38;
	[tilespmem:$0x1E400] =	vst v63  }
0x23b: {  	_ =	swait.ge [sflag:s6], $0x8000  }
0x23c: {  	[sflag:s6] =	ssyncset.done $0x0  }
0x23d: {  	s15 =	simm.s32 $0x2000;
	[sflag:s6] =	ssyncadd.s32 $0xFFFF8000  }
0x23e: {  	[tilespmem:s2], [sflag:$0x2] =	stream.indirect.gather [hbm4b:s30+s25], $0x20, s15, s25, $0xb8;
	[tilespmem:$0x1E400] =	vst v63  }
0x23f: {  	_ =	swait.ge [sflag:s7], $0x8000  }
0x240: {  	s10 =	simm.s32 $0x16420;
	[sflag:s7] =	ssyncset.done $0x0  }
0x241: {  	s11 =	simm.s32 $0x0;
	s9 =	simm.s32 $0x0;
	[sflag:s7] =	ssyncadd.s32 $0xFFFF8000  }
.LBB2_30:
0x242: {  	v1 =	vmov s11  }
0x243: {  	v2 =	vmov s9;
	v1 =	vand.u32 $0x1F, v1  }
0x244: {  	v2 =	vshll.u32 v2, $0x5;
	v1 =	vbroadcast v1, $0x0  }
0x245: {  	v2 =	vor.u32 v0, v2  }
0x246: {  	v2 =	vor.u32 v1, v2;
	_ =	sdelay $0x1  }
0x247: {  	s12 =	simm.s32 $0x10  }
0x248: {  	v3 =	vmov s12  }
0x249: {  	v3 =	vshll.u32 v3, $0x5  }
0x24a: {  	v3 =	vor.u32 v0, v3;
	v2 =	vld.idx.msk [tilespmem:v2+s3+$0x0], $0xffff  }
0x24b: {  	v3 =	vor.u32 v1, v3;
	_ =	sdelay $0x1  }
0x24c: {  	s14 =	simm.s32 $0x20  }
0x24d: {  	v4 =	vmov s14  }
0x24e: {  	[tilespmem:s10+$0xFFFFFFE0] =	vst v2;
	v2 =	vshll.u32 v4, $0x5  }
0x24f: {  	v3 =	vld.idx.msk [tilespmem:v3+s3+$0x0], $0xffff;
	v2 =	vor.u32 v0, v2  }
0x250: {  	v2 =	vor.u32 v1, v2;
	_ =	sdelay $0x3  }
0x251: {  	s15 =	simm.s32 $0x30;
	[tilespmem:s10+$0xFFFFFFF0] =	vst v3  }
0x252: {  	v4 =	vld.idx.msk [tilespmem:v2+s3+$0x0], $0xffff;
	v2 =	vmov s15  }
0x253: {  	v2 =	vshll.u32 v2, $0x5  }
0x254: {  	v2 =	vor.u32 v0, v2  }
0x255: {  	v2 =	vor.u32 v1, v2;
	_ =	sdelay $0x2  }
0x256: {  	s12 =	simm.s32 $0x40  }
0x257: {  	s13 =	smov.u32 s10;
	s14 =	simm.s32 $0x80;
	v3 =	vmov s12;
	[tilespmem:s10+$0x0] =	vst v4  }
.LBB2_31:
0x258: {  	p0 =	sne.s32 s14, $0x3C0;
	v3 =	vshll.u32 v3, $0x5;
	v2 =	vld.idx.msk [tilespmem:v2+s3+$0x0], $0xffff  }
0x259: {  	v3 =	vor.u32 v0, v3  }
0x25a: {  	v3 =	vor.u32 v1, v3;
	_ =	sdelay $0x2  }
0x25b: {  	s15 =	sadd.s32 $0x10, s12  }
0x25c: {  	v4 =	vmov s15;
	[tilespmem:s13+$0x10] =	vst v2  }
0x25d: {  	v2 =	vld.idx.msk [tilespmem:v3+s3+$0x0], $0xffff;
	v3 =	vshll.u32 v4, $0x5  }
0x25e: {  	v3 =	vor.u32 v0, v3  }
0x25f: {  	v3 =	vor.u32 v1, v3;
	_ =	sdelay $0x2  }
0x260: {  	s15 =	sadd.s32 $0x20, s12;
	s13 =	sadd.s32 $0x40, s13  }
0x261: {  	[tilespmem:s13+$0xFFFFFFE0] =	vst v2;
	v2 =	vmov s15  }
0x262: {  	v3 =	vld.idx.msk [tilespmem:v3+s3+$0x0], $0xffff;
	v2 =	vshll.u32 v2, $0x5  }
0x263: {  	v2 =	vor.u32 v0, v2  }
0x264: {  	v2 =	vor.u32 v1, v2;
	_ =	sdelay $0x2  }
0x265: {  	s15 =	sadd.s32 $0x30, s12;
	s12 =	smov.u32 s14  }
0x266: {  	[tilespmem:s13+$0xFFFFFFF0] =	vst v3;
	v3 =	vmov s15  }
0x267: {  	v4 =	vld.idx.msk [tilespmem:v2+s3+$0x0], $0xffff;
	v2 =	vshll.u32 v3, $0x5  }
0x268: {  	v2 =	vor.u32 v0, v2  }
.Ltmp14:
0x269: {  	v2 =	vor.u32 v1, v2;
	(pc) =	sbr.rel @p0 .LBB2_31-.Ltmp14, $2  }
0x26a: {  	_ =	sdelay $0x2  }
0x26b: {  	s14 =	sadd.s32 $0x40, s14;
	v3 =	vmov s12;
	[tilespmem:s13+$0x0] =	vst v4  }
0x26c: {  	_ =	sdelay $0x2  }
0x26d: {  	v3 =	vshll.u32 v3, $0x5  }
0x26e: {  	v2 =	vld.idx.msk [tilespmem:v2+s3+$0x0], $0xffff;
	v3 =	vor.u32 v0, v3  }
0x26f: {  	v3 =	vor.u32 v1, v3;
	_ =	sdelay $0x1  }
0x270: {  	s14 =	sadd.s32 $0x10, s12  }
0x271: {  	v4 =	vmov s14  }
0x272: {  	[tilespmem:s13+$0x10] =	vst v2;
	v2 =	vshll.u32 v4, $0x5  }
0x273: {  	v2 =	vor.u32 v0, v2;
	v3 =	vld.idx.msk [tilespmem:v3+s3+$0x0], $0xffff  }
0x274: {  	v2 =	vor.u32 v1, v2;
	_ =	sdelay $0x1  }
0x275: {  	s15 =	sadd.s32 $0x20, s12  }
0x276: {  	v62 =	vmov s15;
	s13 =	sadd.s32 $0x40, s13  }
0x277: {  	[tilespmem:s13+$0xFFFFFFE0] =	vst v3;
	v3 =	vshll.u32 v62, $0x5  }
0x278: {  	v2 =	vld.idx.msk [tilespmem:v2+s3+$0x0], $0xffff;
	v3 =	vor.u32 v0, v3  }
0x279: {  	v3 =	vor.u32 v1, v3;
	_ =	sdelay $0x1  }
0x27a: {  	s15 =	sadd.s32 $0x30, s12  }
0x27b: {  	v63 =	vmov s15  }
0x27c: {  	[tilespmem:s13+$0xFFFFFFF0] =	vst v2;
	v2 =	vshll.u32 v63, $0x5  }
0x27d: {  	v3 =	vld.idx.msk [tilespmem:v3+s3+$0x0], $0xffff;
	v2 =	vor.u32 v0, v2  }
0x27e: {  	v1 =	vor.u32 v1, v2;
	_ =	sdelay $0x3  }
0x27f: {  	s11 =	sadd.s32 $0x1, s11;
	[tilespmem:s13+$0x0] =	vst v3  }
0x280: {  	p0 =	sne.s32 s11, $0x20;
	v1 =	vld.idx.msk [tilespmem:v1+s3+$0x0], $0xffff  }
.Ltmp15:
0x281: {  	_ = 	snop;
	(pc) =	sbr.rel @p0 .LBB2_30-.Ltmp15, $2  }
0x282: {  	_ =	sdelay $0x2  }
0x283: {  	s10 =	sadd.s32 $0x400, s10;
	[tilespmem:s13+$0x10] =	vst v1  }
0x284: {  	s9 =	rddreg [dreg:$0xb]  }
0x285: {  	[hbm4b:s9+s25] =	stream.strided.scatter [tilespmem:s5], [sflag:$0x4], $0x8000, s0, s25, $0x38;
	[tilespmem:$0x1E400] =	vst v63  }
0x286: {  	_ =	swait.ge [sflag:s6], $0x8000  }
0x287: {  	[sflag:s6] =	ssyncset.done $0x0  }
0x288: {  	s15 =	simm.s32 $0x2400;
	[sflag:s6] =	ssyncadd.s32 $0xFFFF8000  }
0x289: {  	[tilespmem:s3], [sflag:$0x3] =	stream.indirect.gather [hbm4b:s30+s25], $0x20, s15, s25, $0xb8;
	[tilespmem:$0x1E400] =	vst v63  }
0x28a: {  	_ =	swait.ge [sflag:s4], $0x8000  }
0x28b: {  	s10 =	simm.s32 $0x16420;
	[sflag:s4] =	ssyncset.done $0x0  }
0x28c: {  	s11 =	simm.s32 $0x0;
	s9 =	simm.s32 $0x0;
	[sflag:s4] =	ssyncadd.s32 $0xFFFF8000  }
.LBB2_34:
0x28d: {  	v1 =	vmov s11  }
0x28e: {  	v2 =	vmov s9;
	v1 =	vand.u32 $0x1F, v1  }
0x28f: {  	v2 =	vshll.u32 v2, $0x5;
	v1 =	vbroadcast v1, $0x0  }
0x290: {  	v2 =	vor.u32 v0, v2  }
0x291: {  	v2 =	vor.u32 v1, v2;
	_ =	sdelay $0x1  }
0x292: {  	s12 =	simm.s32 $0x10  }
0x293: {  	v3 =	vmov s12  }
0x294: {  	v3 =	vshll.u32 v3, $0x5  }
0x295: {  	v3 =	vor.u32 v0, v3;
	v2 =	vld.idx.msk [tilespmem:v2+s2+$0x0], $0xffff  }
0x296: {  	v3 =	vor.u32 v1, v3;
	_ =	sdelay $0x1  }
0x297: {  	s14 =	simm.s32 $0x20  }
0x298: {  	v4 =	vmov s14  }
0x299: {  	[tilespmem:s10+$0xFFFFFFE0] =	vst v2;
	v2 =	vshll.u32 v4, $0x5  }
0x29a: {  	v3 =	vld.idx.msk [tilespmem:v3+s2+$0x0], $0xffff;
	v2 =	vor.u32 v0, v2  }
0x29b: {  	v2 =	vor.u32 v1, v2;
	_ =	sdelay $0x3  }
0x29c: {  	s15 =	simm.s32 $0x30;
	[tilespmem:s10+$0xFFFFFFF0] =	vst v3  }
0x29d: {  	v4 =	vld.idx.msk [tilespmem:v2+s2+$0x0], $0xffff;
	v2 =	vmov s15  }
0x29e: {  	v2 =	vshll.u32 v2, $0x5  }
0x29f: {  	v2 =	vor.u32 v0, v2  }
0x2a0: {  	v2 =	vor.u32 v1, v2;
	_ =	sdelay $0x2  }
0x2a1: {  	s12 =	simm.s32 $0x40  }
0x2a2: {  	s13 =	smov.u32 s10;
	s14 =	simm.s32 $0x80;
	v3 =	vmov s12;
	[tilespmem:s10+$0x0] =	vst v4  }
.LBB2_35:
0x2a3: {  	p0 =	sne.s32 s14, $0x3C0;
	v3 =	vshll.u32 v3, $0x5;
	v2 =	vld.idx.msk [tilespmem:v2+s2+$0x0], $0xffff  }
0x2a4: {  	v3 =	vor.u32 v0, v3  }
0x2a5: {  	v3 =	vor.u32 v1, v3;
	_ =	sdelay $0x2  }
0x2a6: {  	s15 =	sadd.s32 $0x10, s12  }
0x2a7: {  	v4 =	vmov s15;
	[tilespmem:s13+$0x10] =	vst v2  }
0x2a8: {  	v2 =	vld.idx.msk [tilespmem:v3+s2+$0x0], $0xffff;
	v3 =	vshll.u32 v4, $0x5  }
0x2a9: {  	v3 =	vor.u32 v0, v3  }
0x2aa: {  	v3 =	vor.u32 v1, v3;
	_ =	sdelay $0x2  }
0x2ab: {  	s15 =	sadd.s32 $0x20, s12;
	s13 =	sadd.s32 $0x40, s13  }
0x2ac: {  	[tilespmem:s13+$0xFFFFFFE0] =	vst v2;
	v2 =	vmov s15  }
0x2ad: {  	v3 =	vld.idx.msk [tilespmem:v3+s2+$0x0], $0xffff;
	v2 =	vshll.u32 v2, $0x5  }
0x2ae: {  	v2 =	vor.u32 v0, v2  }
0x2af: {  	v2 =	vor.u32 v1, v2;
	_ =	sdelay $0x2  }
0x2b0: {  	s15 =	sadd.s32 $0x30, s12;
	s12 =	smov.u32 s14  }
0x2b1: {  	[tilespmem:s13+$0xFFFFFFF0] =	vst v3;
	v3 =	vmov s15  }
0x2b2: {  	v4 =	vld.idx.msk [tilespmem:v2+s2+$0x0], $0xffff;
	v2 =	vshll.u32 v3, $0x5  }
0x2b3: {  	v2 =	vor.u32 v0, v2  }
.Ltmp16:
0x2b4: {  	v2 =	vor.u32 v1, v2;
	(pc) =	sbr.rel @p0 .LBB2_35-.Ltmp16, $2  }
0x2b5: {  	_ =	sdelay $0x2  }
0x2b6: {  	s14 =	sadd.s32 $0x40, s14;
	v3 =	vmov s12;
	[tilespmem:s13+$0x0] =	vst v4  }
0x2b7: {  	_ =	sdelay $0x2  }
0x2b8: {  	v3 =	vshll.u32 v3, $0x5  }
0x2b9: {  	v2 =	vld.idx.msk [tilespmem:v2+s2+$0x0], $0xffff;
	v3 =	vor.u32 v0, v3  }
0x2ba: {  	v3 =	vor.u32 v1, v3;
	_ =	sdelay $0x1  }
0x2bb: {  	s14 =	sadd.s32 $0x10, s12  }
0x2bc: {  	v4 =	vmov s14  }
0x2bd: {  	[tilespmem:s13+$0x10] =	vst v2;
	v2 =	vshll.u32 v4, $0x5  }
0x2be: {  	v2 =	vor.u32 v0, v2;
	v3 =	vld.idx.msk [tilespmem:v3+s2+$0x0], $0xffff  }
0x2bf: {  	v2 =	vor.u32 v1, v2;
	_ =	sdelay $0x1  }
0x2c0: {  	s15 =	sadd.s32 $0x20, s12  }
0x2c1: {  	v62 =	vmov s15;
	s13 =	sadd.s32 $0x40, s13  }
0x2c2: {  	[tilespmem:s13+$0xFFFFFFE0] =	vst v3;
	v3 =	vshll.u32 v62, $0x5  }
0x2c3: {  	v2 =	vld.idx.msk [tilespmem:v2+s2+$0x0], $0xffff;
	v3 =	vor.u32 v0, v3  }
0x2c4: {  	v3 =	vor.u32 v1, v3;
	_ =	sdelay $0x1  }
0x2c5: {  	s15 =	sadd.s32 $0x30, s12  }
0x2c6: {  	v63 =	vmov s15  }
0x2c7: {  	[tilespmem:s13+$0xFFFFFFF0] =	vst v2;
	v2 =	vshll.u32 v63, $0x5  }
0x2c8: {  	v3 =	vld.idx.msk [tilespmem:v3+s2+$0x0], $0xffff;
	v2 =	vor.u32 v0, v2  }
0x2c9: {  	v1 =	vor.u32 v1, v2;
	_ =	sdelay $0x3  }
0x2ca: {  	s11 =	sadd.s32 $0x1, s11;
	[tilespmem:s13+$0x0] =	vst v3  }
0x2cb: {  	p0 =	sne.s32 s11, $0x20;
	v1 =	vld.idx.msk [tilespmem:v1+s2+$0x0], $0xffff  }
.Ltmp17:
0x2cc: {  	_ = 	snop;
	(pc) =	sbr.rel @p0 .LBB2_34-.Ltmp17, $2  }
0x2cd: {  	_ =	sdelay $0x2  }
0x2ce: {  	s10 =	sadd.s32 $0x400, s10;
	[tilespmem:s13+$0x10] =	vst v1  }
0x2cf: {  	s9 =	rddreg [dreg:$0xc]  }
0x2d0: {  	[hbm4b:s9+s25] =	stream.strided.scatter [tilespmem:s5], [sflag:$0x4], $0x8000, s0, s25, $0x38;
	[tilespmem:$0x1E400] =	vst v63  }
0x2d1: {  	_ =	swait.ge [sflag:s6], $0x8000  }
0x2d2: {  	[sflag:s6] =	ssyncset.done $0x0  }
0x2d3: {  	s15 =	simm.s32 $0x2800;
	[sflag:s6] =	ssyncadd.s32 $0xFFFF8000  }
0x2d4: {  	[tilespmem:s2], [sflag:$0x2] =	stream.indirect.gather [hbm4b:s30+s25], $0x20, s15, s25, $0xb8;
	[tilespmem:$0x1E400] =	vst v63  }
0x2d5: {  	_ =	swait.ge [sflag:s7], $0x8000  }
0x2d6: {  	s10 =	simm.s32 $0x16420;
	[sflag:s7] =	ssyncset.done $0x0  }
0x2d7: {  	s11 =	simm.s32 $0x0;
	s9 =	simm.s32 $0x0;
	[sflag:s7] =	ssyncadd.s32 $0xFFFF8000  }
.LBB2_38:
0x2d8: {  	v1 =	vmov s11  }
0x2d9: {  	v2 =	vmov s9;
	v1 =	vand.u32 $0x1F, v1  }
0x2da: {  	v2 =	vshll.u32 v2, $0x5;
	v1 =	vbroadcast v1, $0x0  }
0x2db: {  	v2 =	vor.u32 v0, v2  }
0x2dc: {  	v2 =	vor.u32 v1, v2;
	_ =	sdelay $0x1  }
0x2dd: {  	s12 =	simm.s32 $0x10  }
0x2de: {  	v3 =	vmov s12  }
0x2df: {  	v3 =	vshll.u32 v3, $0x5  }
0x2e0: {  	v3 =	vor.u32 v0, v3;
	v2 =	vld.idx.msk [tilespmem:v2+s3+$0x0], $0xffff  }
0x2e1: {  	v3 =	vor.u32 v1, v3;
	_ =	sdelay $0x1  }
0x2e2: {  	s14 =	simm.s32 $0x20  }
0x2e3: {  	v4 =	vmov s14  }
0x2e4: {  	[tilespmem:s10+$0xFFFFFFE0] =	vst v2;
	v2 =	vshll.u32 v4, $0x5  }
0x2e5: {  	v3 =	vld.idx.msk [tilespmem:v3+s3+$0x0], $0xffff;
	v2 =	vor.u32 v0, v2  }
0x2e6: {  	v2 =	vor.u32 v1, v2;
	_ =	sdelay $0x3  }
0x2e7: {  	s15 =	simm.s32 $0x30;
	[tilespmem:s10+$0xFFFFFFF0] =	vst v3  }
0x2e8: {  	v4 =	vld.idx.msk [tilespmem:v2+s3+$0x0], $0xffff;
	v2 =	vmov s15  }
0x2e9: {  	v2 =	vshll.u32 v2, $0x5  }
0x2ea: {  	v2 =	vor.u32 v0, v2  }
0x2eb: {  	v2 =	vor.u32 v1, v2;
	_ =	sdelay $0x2  }
0x2ec: {  	s12 =	simm.s32 $0x40  }
0x2ed: {  	s13 =	smov.u32 s10;
	s14 =	simm.s32 $0x80;
	v3 =	vmov s12;
	[tilespmem:s10+$0x0] =	vst v4  }
.LBB2_39:
0x2ee: {  	p0 =	sne.s32 s14, $0x3C0;
	v3 =	vshll.u32 v3, $0x5;
	v2 =	vld.idx.msk [tilespmem:v2+s3+$0x0], $0xffff  }
0x2ef: {  	v3 =	vor.u32 v0, v3  }
0x2f0: {  	v3 =	vor.u32 v1, v3;
	_ =	sdelay $0x2  }
0x2f1: {  	s15 =	sadd.s32 $0x10, s12  }
0x2f2: {  	v4 =	vmov s15;
	[tilespmem:s13+$0x10] =	vst v2  }
0x2f3: {  	v2 =	vld.idx.msk [tilespmem:v3+s3+$0x0], $0xffff;
	v3 =	vshll.u32 v4, $0x5  }
0x2f4: {  	v3 =	vor.u32 v0, v3  }
0x2f5: {  	v3 =	vor.u32 v1, v3;
	_ =	sdelay $0x2  }
0x2f6: {  	s15 =	sadd.s32 $0x20, s12;
	s13 =	sadd.s32 $0x40, s13  }
0x2f7: {  	[tilespmem:s13+$0xFFFFFFE0] =	vst v2;
	v2 =	vmov s15  }
0x2f8: {  	v3 =	vld.idx.msk [tilespmem:v3+s3+$0x0], $0xffff;
	v2 =	vshll.u32 v2, $0x5  }
0x2f9: {  	v2 =	vor.u32 v0, v2  }
0x2fa: {  	v2 =	vor.u32 v1, v2;
	_ =	sdelay $0x2  }
0x2fb: {  	s15 =	sadd.s32 $0x30, s12;
	s12 =	smov.u32 s14  }
0x2fc: {  	[tilespmem:s13+$0xFFFFFFF0] =	vst v3;
	v3 =	vmov s15  }
0x2fd: {  	v4 =	vld.idx.msk [tilespmem:v2+s3+$0x0], $0xffff;
	v2 =	vshll.u32 v3, $0x5  }
0x2fe: {  	v2 =	vor.u32 v0, v2  }
.Ltmp18:
0x2ff: {  	v2 =	vor.u32 v1, v2;
	(pc) =	sbr.rel @p0 .LBB2_39-.Ltmp18, $2  }
0x300: {  	_ =	sdelay $0x2  }
0x301: {  	s14 =	sadd.s32 $0x40, s14;
	v3 =	vmov s12;
	[tilespmem:s13+$0x0] =	vst v4  }
0x302: {  	_ =	sdelay $0x2  }
0x303: {  	v3 =	vshll.u32 v3, $0x5  }
0x304: {  	v2 =	vld.idx.msk [tilespmem:v2+s3+$0x0], $0xffff;
	v3 =	vor.u32 v0, v3  }
0x305: {  	v3 =	vor.u32 v1, v3;
	_ =	sdelay $0x1  }
0x306: {  	s14 =	sadd.s32 $0x10, s12  }
0x307: {  	v4 =	vmov s14  }
0x308: {  	[tilespmem:s13+$0x10] =	vst v2;
	v2 =	vshll.u32 v4, $0x5  }
0x309: {  	v2 =	vor.u32 v0, v2;
	v3 =	vld.idx.msk [tilespmem:v3+s3+$0x0], $0xffff  }
0x30a: {  	v2 =	vor.u32 v1, v2;
	_ =	sdelay $0x1  }
0x30b: {  	s15 =	sadd.s32 $0x20, s12  }
0x30c: {  	v62 =	vmov s15;
	s13 =	sadd.s32 $0x40, s13  }
0x30d: {  	[tilespmem:s13+$0xFFFFFFE0] =	vst v3;
	v3 =	vshll.u32 v62, $0x5  }
0x30e: {  	v2 =	vld.idx.msk [tilespmem:v2+s3+$0x0], $0xffff;
	v3 =	vor.u32 v0, v3  }
0x30f: {  	v3 =	vor.u32 v1, v3;
	_ =	sdelay $0x1  }
0x310: {  	s15 =	sadd.s32 $0x30, s12  }
0x311: {  	v63 =	vmov s15  }
0x312: {  	[tilespmem:s13+$0xFFFFFFF0] =	vst v2;
	v2 =	vshll.u32 v63, $0x5  }
0x313: {  	v3 =	vld.idx.msk [tilespmem:v3+s3+$0x0], $0xffff;
	v2 =	vor.u32 v0, v2  }
0x314: {  	v1 =	vor.u32 v1, v2;
	_ =	sdelay $0x3  }
0x315: {  	s11 =	sadd.s32 $0x1, s11;
	[tilespmem:s13+$0x0] =	vst v3  }
0x316: {  	p0 =	sne.s32 s11, $0x20;
	v1 =	vld.idx.msk [tilespmem:v1+s3+$0x0], $0xffff  }
.Ltmp19:
0x317: {  	_ = 	snop;
	(pc) =	sbr.rel @p0 .LBB2_38-.Ltmp19, $2  }
0x318: {  	_ =	sdelay $0x2  }
0x319: {  	s10 =	sadd.s32 $0x400, s10;
	[tilespmem:s13+$0x10] =	vst v1  }
0x31a: {  	s9 =	rddreg [dreg:$0xd]  }
0x31b: {  	[hbm4b:s9+s25] =	stream.strided.scatter [tilespmem:s5], [sflag:$0x4], $0x8000, s0, s25, $0x38;
	[tilespmem:$0x1E400] =	vst v63  }
0x31c: {  	_ =	swait.ge [sflag:s6], $0x8000  }
0x31d: {  	[sflag:s6] =	ssyncset.done $0x0  }
0x31e: {  	s15 =	simm.s32 $0x2C00;
	[sflag:s6] =	ssyncadd.s32 $0xFFFF8000  }
0x31f: {  	[tilespmem:s3], [sflag:$0x3] =	stream.indirect.gather [hbm4b:s30+s25], $0x20, s15, s25, $0xb8;
	[tilespmem:$0x1E400] =	vst v63  }
0x320: {  	_ =	swait.ge [sflag:s4], $0x8000  }
0x321: {  	s10 =	simm.s32 $0x16420;
	[sflag:s4] =	ssyncset.done $0x0  }
0x322: {  	s11 =	simm.s32 $0x0;
	s9 =	simm.s32 $0x0;
	[sflag:s4] =	ssyncadd.s32 $0xFFFF8000  }
.LBB2_42:
0x323: {  	v1 =	vmov s11  }
0x324: {  	v2 =	vmov s9;
	v1 =	vand.u32 $0x1F, v1  }
0x325: {  	v2 =	vshll.u32 v2, $0x5;
	v1 =	vbroadcast v1, $0x0  }
0x326: {  	v2 =	vor.u32 v0, v2  }
0x327: {  	v2 =	vor.u32 v1, v2;
	_ =	sdelay $0x1  }
0x328: {  	s12 =	simm.s32 $0x10  }
0x329: {  	v3 =	vmov s12  }
0x32a: {  	v3 =	vshll.u32 v3, $0x5  }
0x32b: {  	v3 =	vor.u32 v0, v3;
	v2 =	vld.idx.msk [tilespmem:v2+s2+$0x0], $0xffff  }
0x32c: {  	v3 =	vor.u32 v1, v3;
	_ =	sdelay $0x1  }
0x32d: {  	s14 =	simm.s32 $0x20  }
0x32e: {  	v4 =	vmov s14  }
0x32f: {  	[tilespmem:s10+$0xFFFFFFE0] =	vst v2;
	v2 =	vshll.u32 v4, $0x5  }
0x330: {  	v3 =	vld.idx.msk [tilespmem:v3+s2+$0x0], $0xffff;
	v2 =	vor.u32 v0, v2  }
0x331: {  	v2 =	vor.u32 v1, v2;
	_ =	sdelay $0x3  }
0x332: {  	s15 =	simm.s32 $0x30;
	[tilespmem:s10+$0xFFFFFFF0] =	vst v3  }
0x333: {  	v4 =	vld.idx.msk [tilespmem:v2+s2+$0x0], $0xffff;
	v2 =	vmov s15  }
0x334: {  	v2 =	vshll.u32 v2, $0x5  }
0x335: {  	v2 =	vor.u32 v0, v2  }
0x336: {  	v2 =	vor.u32 v1, v2;
	_ =	sdelay $0x2  }
0x337: {  	s12 =	simm.s32 $0x40  }
0x338: {  	s13 =	smov.u32 s10;
	s14 =	simm.s32 $0x80;
	v3 =	vmov s12;
	[tilespmem:s10+$0x0] =	vst v4  }
.LBB2_43:
0x339: {  	p0 =	sne.s32 s14, $0x3C0;
	v3 =	vshll.u32 v3, $0x5;
	v2 =	vld.idx.msk [tilespmem:v2+s2+$0x0], $0xffff  }
0x33a: {  	v3 =	vor.u32 v0, v3  }
0x33b: {  	v3 =	vor.u32 v1, v3;
	_ =	sdelay $0x2  }
0x33c: {  	s15 =	sadd.s32 $0x10, s12  }
0x33d: {  	v4 =	vmov s15;
	[tilespmem:s13+$0x10] =	vst v2  }
0x33e: {  	v2 =	vld.idx.msk [tilespmem:v3+s2+$0x0], $0xffff;
	v3 =	vshll.u32 v4, $0x5  }
0x33f: {  	v3 =	vor.u32 v0, v3  }
0x340: {  	v3 =	vor.u32 v1, v3;
	_ =	sdelay $0x2  }
0x341: {  	s15 =	sadd.s32 $0x20, s12;
	s13 =	sadd.s32 $0x40, s13  }
0x342: {  	[tilespmem:s13+$0xFFFFFFE0] =	vst v2;
	v2 =	vmov s15  }
0x343: {  	v3 =	vld.idx.msk [tilespmem:v3+s2+$0x0], $0xffff;
	v2 =	vshll.u32 v2, $0x5  }
0x344: {  	v2 =	vor.u32 v0, v2  }
0x345: {  	v2 =	vor.u32 v1, v2;
	_ =	sdelay $0x2  }
0x346: {  	s15 =	sadd.s32 $0x30, s12;
	s12 =	smov.u32 s14  }
0x347: {  	[tilespmem:s13+$0xFFFFFFF0] =	vst v3;
	v3 =	vmov s15  }
0x348: {  	v4 =	vld.idx.msk [tilespmem:v2+s2+$0x0], $0xffff;
	v2 =	vshll.u32 v3, $0x5  }
0x349: {  	v2 =	vor.u32 v0, v2  }
.Ltmp20:
0x34a: {  	v2 =	vor.u32 v1, v2;
	(pc) =	sbr.rel @p0 .LBB2_43-.Ltmp20, $2  }
0x34b: {  	_ =	sdelay $0x2  }
0x34c: {  	s14 =	sadd.s32 $0x40, s14;
	v3 =	vmov s12;
	[tilespmem:s13+$0x0] =	vst v4  }
0x34d: {  	_ =	sdelay $0x2  }
0x34e: {  	v3 =	vshll.u32 v3, $0x5  }
0x34f: {  	v2 =	vld.idx.msk [tilespmem:v2+s2+$0x0], $0xffff;
	v3 =	vor.u32 v0, v3  }
0x350: {  	v3 =	vor.u32 v1, v3;
	_ =	sdelay $0x1  }
0x351: {  	s14 =	sadd.s32 $0x10, s12  }
0x352: {  	v4 =	vmov s14  }
0x353: {  	[tilespmem:s13+$0x10] =	vst v2;
	v2 =	vshll.u32 v4, $0x5  }
0x354: {  	v2 =	vor.u32 v0, v2;
	v3 =	vld.idx.msk [tilespmem:v3+s2+$0x0], $0xffff  }
0x355: {  	v2 =	vor.u32 v1, v2;
	_ =	sdelay $0x1  }
0x356: {  	s15 =	sadd.s32 $0x20, s12  }
0x357: {  	v62 =	vmov s15;
	s13 =	sadd.s32 $0x40, s13  }
0x358: {  	[tilespmem:s13+$0xFFFFFFE0] =	vst v3;
	v3 =	vshll.u32 v62, $0x5  }
0x359: {  	v2 =	vld.idx.msk [tilespmem:v2+s2+$0x0], $0xffff;
	v3 =	vor.u32 v0, v3  }
0x35a: {  	v3 =	vor.u32 v1, v3;
	_ =	sdelay $0x1  }
0x35b: {  	s15 =	sadd.s32 $0x30, s12  }
0x35c: {  	v63 =	vmov s15  }
0x35d: {  	[tilespmem:s13+$0xFFFFFFF0] =	vst v2;
	v2 =	vshll.u32 v63, $0x5  }
0x35e: {  	v3 =	vld.idx.msk [tilespmem:v3+s2+$0x0], $0xffff;
	v2 =	vor.u32 v0, v2  }
0x35f: {  	v1 =	vor.u32 v1, v2;
	_ =	sdelay $0x3  }
0x360: {  	s11 =	sadd.s32 $0x1, s11;
	[tilespmem:s13+$0x0] =	vst v3  }
0x361: {  	p0 =	sne.s32 s11, $0x20;
	v1 =	vld.idx.msk [tilespmem:v1+s2+$0x0], $0xffff  }
.Ltmp21:
0x362: {  	_ = 	snop;
	(pc) =	sbr.rel @p0 .LBB2_42-.Ltmp21, $2  }
0x363: {  	_ =	sdelay $0x2  }
0x364: {  	s10 =	sadd.s32 $0x400, s10;
	[tilespmem:s13+$0x10] =	vst v1  }
0x365: {  	s9 =	rddreg [dreg:$0xe]  }
0x366: {  	[hbm4b:s9+s25] =	stream.strided.scatter [tilespmem:s5], [sflag:$0x4], $0x8000, s0, s25, $0x38;
	[tilespmem:$0x1E400] =	vst v63  }
0x367: {  	_ =	swait.ge [sflag:s6], $0x8000  }
0x368: {  	[sflag:s6] =	ssyncset.done $0x0  }
0x369: {  	s15 =	simm.s32 $0x3000;
	[sflag:s6] =	ssyncadd.s32 $0xFFFF8000  }
0x36a: {  	[tilespmem:s2], [sflag:$0x2] =	stream.indirect.gather [hbm4b:s30+s25], $0x20, s15, s25, $0xb8;
	[tilespmem:$0x1E400] =	vst v63  }
0x36b: {  	_ =	swait.ge [sflag:s7], $0x8000  }
0x36c: {  	s10 =	simm.s32 $0x16420;
	[sflag:s7] =	ssyncset.done $0x0  }
0x36d: {  	s11 =	simm.s32 $0x0;
	s9 =	simm.s32 $0x0;
	[sflag:s7] =	ssyncadd.s32 $0xFFFF8000  }
.LBB2_46:
0x36e: {  	v1 =	vmov s11  }
0x36f: {  	v2 =	vmov s9;
	v1 =	vand.u32 $0x1F, v1  }
0x370: {  	v2 =	vshll.u32 v2, $0x5;
	v1 =	vbroadcast v1, $0x0  }
0x371: {  	v2 =	vor.u32 v0, v2  }
0x372: {  	v2 =	vor.u32 v1, v2;
	_ =	sdelay $0x1  }
0x373: {  	s12 =	simm.s32 $0x10  }
0x374: {  	v3 =	vmov s12  }
0x375: {  	v3 =	vshll.u32 v3, $0x5  }
0x376: {  	v3 =	vor.u32 v0, v3;
	v2 =	vld.idx.msk [tilespmem:v2+s3+$0x0], $0xffff  }
0x377: {  	v3 =	vor.u32 v1, v3;
	_ =	sdelay $0x1  }
0x378: {  	s14 =	simm.s32 $0x20  }
0x379: {  	v4 =	vmov s14  }
0x37a: {  	[tilespmem:s10+$0xFFFFFFE0] =	vst v2;
	v2 =	vshll.u32 v4, $0x5  }
0x37b: {  	v3 =	vld.idx.msk [tilespmem:v3+s3+$0x0], $0xffff;
	v2 =	vor.u32 v0, v2  }
0x37c: {  	v2 =	vor.u32 v1, v2;
	_ =	sdelay $0x3  }
0x37d: {  	s15 =	simm.s32 $0x30;
	[tilespmem:s10+$0xFFFFFFF0] =	vst v3  }
0x37e: {  	v4 =	vld.idx.msk [tilespmem:v2+s3+$0x0], $0xffff;
	v2 =	vmov s15  }
0x37f: {  	v2 =	vshll.u32 v2, $0x5  }
0x380: {  	v2 =	vor.u32 v0, v2  }
0x381: {  	v2 =	vor.u32 v1, v2;
	_ =	sdelay $0x2  }
0x382: {  	s12 =	simm.s32 $0x40  }
0x383: {  	s13 =	smov.u32 s10;
	s14 =	simm.s32 $0x80;
	v3 =	vmov s12;
	[tilespmem:s10+$0x0] =	vst v4  }
.LBB2_47:
0x384: {  	p0 =	sne.s32 s14, $0x3C0;
	v3 =	vshll.u32 v3, $0x5;
	v2 =	vld.idx.msk [tilespmem:v2+s3+$0x0], $0xffff  }
0x385: {  	v3 =	vor.u32 v0, v3  }
0x386: {  	v3 =	vor.u32 v1, v3;
	_ =	sdelay $0x2  }
0x387: {  	s15 =	sadd.s32 $0x10, s12  }
0x388: {  	v4 =	vmov s15;
	[tilespmem:s13+$0x10] =	vst v2  }
0x389: {  	v2 =	vld.idx.msk [tilespmem:v3+s3+$0x0], $0xffff;
	v3 =	vshll.u32 v4, $0x5  }
0x38a: {  	v3 =	vor.u32 v0, v3  }
0x38b: {  	v3 =	vor.u32 v1, v3;
	_ =	sdelay $0x2  }
0x38c: {  	s15 =	sadd.s32 $0x20, s12;
	s13 =	sadd.s32 $0x40, s13  }
0x38d: {  	[tilespmem:s13+$0xFFFFFFE0] =	vst v2;
	v2 =	vmov s15  }
0x38e: {  	v3 =	vld.idx.msk [tilespmem:v3+s3+$0x0], $0xffff;
	v2 =	vshll.u32 v2, $0x5  }
0x38f: {  	v2 =	vor.u32 v0, v2  }
0x390: {  	v2 =	vor.u32 v1, v2;
	_ =	sdelay $0x2  }
0x391: {  	s15 =	sadd.s32 $0x30, s12;
	s12 =	smov.u32 s14  }
0x392: {  	[tilespmem:s13+$0xFFFFFFF0] =	vst v3;
	v3 =	vmov s15  }
0x393: {  	v4 =	vld.idx.msk [tilespmem:v2+s3+$0x0], $0xffff;
	v2 =	vshll.u32 v3, $0x5  }
0x394: {  	v2 =	vor.u32 v0, v2  }
.Ltmp22:
0x395: {  	v2 =	vor.u32 v1, v2;
	(pc) =	sbr.rel @p0 .LBB2_47-.Ltmp22, $2  }
0x396: {  	_ =	sdelay $0x2  }
0x397: {  	s14 =	sadd.s32 $0x40, s14;
	v3 =	vmov s12;
	[tilespmem:s13+$0x0] =	vst v4  }
0x398: {  	_ =	sdelay $0x2  }
0x399: {  	v3 =	vshll.u32 v3, $0x5  }
0x39a: {  	v2 =	vld.idx.msk [tilespmem:v2+s3+$0x0], $0xffff;
	v3 =	vor.u32 v0, v3  }
0x39b: {  	v3 =	vor.u32 v1, v3;
	_ =	sdelay $0x1  }
0x39c: {  	s14 =	sadd.s32 $0x10, s12  }
0x39d: {  	v4 =	vmov s14  }
0x39e: {  	[tilespmem:s13+$0x10] =	vst v2;
	v2 =	vshll.u32 v4, $0x5  }
0x39f: {  	v2 =	vor.u32 v0, v2;
	v3 =	vld.idx.msk [tilespmem:v3+s3+$0x0], $0xffff  }
0x3a0: {  	v2 =	vor.u32 v1, v2;
	_ =	sdelay $0x1  }
0x3a1: {  	s15 =	sadd.s32 $0x20, s12  }
0x3a2: {  	v62 =	vmov s15;
	s13 =	sadd.s32 $0x40, s13  }
0x3a3: {  	[tilespmem:s13+$0xFFFFFFE0] =	vst v3;
	v3 =	vshll.u32 v62, $0x5  }
0x3a4: {  	v2 =	vld.idx.msk [tilespmem:v2+s3+$0x0], $0xffff;
	v3 =	vor.u32 v0, v3  }
0x3a5: {  	v3 =	vor.u32 v1, v3;
	_ =	sdelay $0x1  }
0x3a6: {  	s15 =	sadd.s32 $0x30, s12  }
0x3a7: {  	v63 =	vmov s15  }
0x3a8: {  	[tilespmem:s13+$0xFFFFFFF0] =	vst v2;
	v2 =	vshll.u32 v63, $0x5  }
0x3a9: {  	v3 =	vld.idx.msk [tilespmem:v3+s3+$0x0], $0xffff;
	v2 =	vor.u32 v0, v2  }
0x3aa: {  	v1 =	vor.u32 v1, v2;
	_ =	sdelay $0x3  }
0x3ab: {  	s11 =	sadd.s32 $0x1, s11;
	[tilespmem:s13+$0x0] =	vst v3  }
0x3ac: {  	p0 =	sne.s32 s11, $0x20;
	v1 =	vld.idx.msk [tilespmem:v1+s3+$0x0], $0xffff  }
.Ltmp23:
0x3ad: {  	_ = 	snop;
	(pc) =	sbr.rel @p0 .LBB2_46-.Ltmp23, $2  }
0x3ae: {  	_ =	sdelay $0x2  }
0x3af: {  	s10 =	sadd.s32 $0x400, s10;
	[tilespmem:s13+$0x10] =	vst v1  }
0x3b0: {  	s9 =	rddreg [dreg:$0xf]  }
0x3b1: {  	[hbm4b:s9+s25] =	stream.strided.scatter [tilespmem:s5], [sflag:$0x4], $0x8000, s0, s25, $0x38;
	[tilespmem:$0x1E400] =	vst v63  }
0x3b2: {  	_ =	swait.ge [sflag:s6], $0x8000  }
0x3b3: {  	[sflag:s6] =	ssyncset.done $0x0  }
0x3b4: {  	s15 =	simm.s32 $0x3400;
	[sflag:s6] =	ssyncadd.s32 $0xFFFF8000  }
0x3b5: {  	[tilespmem:s3], [sflag:$0x3] =	stream.indirect.gather [hbm4b:s30+s25], $0x20, s15, s25, $0xb8;
	[tilespmem:$0x1E400] =	vst v63  }
0x3b6: {  	_ =	swait.ge [sflag:s4], $0x8000  }
0x3b7: {  	s10 =	simm.s32 $0x16420;
	[sflag:s4] =	ssyncset.done $0x0  }
0x3b8: {  	s11 =	simm.s32 $0x0;
	s9 =	simm.s32 $0x0;
	[sflag:s4] =	ssyncadd.s32 $0xFFFF8000  }
.LBB2_50:
0x3b9: {  	v1 =	vmov s11  }
0x3ba: {  	v2 =	vmov s9;
	v1 =	vand.u32 $0x1F, v1  }
0x3bb: {  	v2 =	vshll.u32 v2, $0x5;
	v1 =	vbroadcast v1, $0x0  }
0x3bc: {  	v2 =	vor.u32 v0, v2  }
0x3bd: {  	v2 =	vor.u32 v1, v2;
	_ =	sdelay $0x1  }
0x3be: {  	s12 =	simm.s32 $0x10  }
0x3bf: {  	v3 =	vmov s12  }
0x3c0: {  	v3 =	vshll.u32 v3, $0x5  }
0x3c1: {  	v3 =	vor.u32 v0, v3;
	v2 =	vld.idx.msk [tilespmem:v2+s2+$0x0], $0xffff  }
0x3c2: {  	v3 =	vor.u32 v1, v3;
	_ =	sdelay $0x1  }
0x3c3: {  	s14 =	simm.s32 $0x20  }
0x3c4: {  	v4 =	vmov s14  }
0x3c5: {  	[tilespmem:s10+$0xFFFFFFE0] =	vst v2;
	v2 =	vshll.u32 v4, $0x5  }
0x3c6: {  	v3 =	vld.idx.msk [tilespmem:v3+s2+$0x0], $0xffff;
	v2 =	vor.u32 v0, v2  }
0x3c7: {  	v2 =	vor.u32 v1, v2;
	_ =	sdelay $0x3  }
0x3c8: {  	s15 =	simm.s32 $0x30;
	[tilespmem:s10+$0xFFFFFFF0] =	vst v3  }
0x3c9: {  	v4 =	vld.idx.msk [tilespmem:v2+s2+$0x0], $0xffff;
	v2 =	vmov s15  }
0x3ca: {  	v2 =	vshll.u32 v2, $0x5  }
0x3cb: {  	v2 =	vor.u32 v0, v2  }
0x3cc: {  	v2 =	vor.u32 v1, v2;
	_ =	sdelay $0x2  }
0x3cd: {  	s12 =	simm.s32 $0x40  }
0x3ce: {  	s13 =	smov.u32 s10;
	s14 =	simm.s32 $0x80;
	v3 =	vmov s12;
	[tilespmem:s10+$0x0] =	vst v4  }
.LBB2_51:
0x3cf: {  	p0 =	sne.s32 s14, $0x3C0;
	v3 =	vshll.u32 v3, $0x5;
	v2 =	vld.idx.msk [tilespmem:v2+s2+$0x0], $0xffff  }
0x3d0: {  	v3 =	vor.u32 v0, v3  }
0x3d1: {  	v3 =	vor.u32 v1, v3;
	_ =	sdelay $0x2  }
0x3d2: {  	s15 =	sadd.s32 $0x10, s12  }
0x3d3: {  	v4 =	vmov s15;
	[tilespmem:s13+$0x10] =	vst v2  }
0x3d4: {  	v2 =	vld.idx.msk [tilespmem:v3+s2+$0x0], $0xffff;
	v3 =	vshll.u32 v4, $0x5  }
0x3d5: {  	v3 =	vor.u32 v0, v3  }
0x3d6: {  	v3 =	vor.u32 v1, v3;
	_ =	sdelay $0x2  }
0x3d7: {  	s15 =	sadd.s32 $0x20, s12;
	s13 =	sadd.s32 $0x40, s13  }
0x3d8: {  	[tilespmem:s13+$0xFFFFFFE0] =	vst v2;
	v2 =	vmov s15  }
0x3d9: {  	v3 =	vld.idx.msk [tilespmem:v3+s2+$0x0], $0xffff;
	v2 =	vshll.u32 v2, $0x5  }
0x3da: {  	v2 =	vor.u32 v0, v2  }
0x3db: {  	v2 =	vor.u32 v1, v2;
	_ =	sdelay $0x2  }
0x3dc: {  	s15 =	sadd.s32 $0x30, s12;
	s12 =	smov.u32 s14  }
0x3dd: {  	[tilespmem:s13+$0xFFFFFFF0] =	vst v3;
	v3 =	vmov s15  }
0x3de: {  	v4 =	vld.idx.msk [tilespmem:v2+s2+$0x0], $0xffff;
	v2 =	vshll.u32 v3, $0x5  }
0x3df: {  	v2 =	vor.u32 v0, v2  }
.Ltmp24:
0x3e0: {  	v2 =	vor.u32 v1, v2;
	(pc) =	sbr.rel @p0 .LBB2_51-.Ltmp24, $2  }
0x3e1: {  	_ =	sdelay $0x2  }
0x3e2: {  	s14 =	sadd.s32 $0x40, s14;
	v3 =	vmov s12;
	[tilespmem:s13+$0x0] =	vst v4  }
0x3e3: {  	_ =	sdelay $0x2  }
0x3e4: {  	v3 =	vshll.u32 v3, $0x5  }
0x3e5: {  	v2 =	vld.idx.msk [tilespmem:v2+s2+$0x0], $0xffff;
	v3 =	vor.u32 v0, v3  }
0x3e6: {  	v3 =	vor.u32 v1, v3;
	_ =	sdelay $0x1  }
0x3e7: {  	s14 =	sadd.s32 $0x10, s12  }
0x3e8: {  	v4 =	vmov s14  }
0x3e9: {  	[tilespmem:s13+$0x10] =	vst v2;
	v2 =	vshll.u32 v4, $0x5  }
0x3ea: {  	v2 =	vor.u32 v0, v2;
	v3 =	vld.idx.msk [tilespmem:v3+s2+$0x0], $0xffff  }
0x3eb: {  	v2 =	vor.u32 v1, v2;
	_ =	sdelay $0x1  }
0x3ec: {  	s15 =	sadd.s32 $0x20, s12  }
0x3ed: {  	v62 =	vmov s15;
	s13 =	sadd.s32 $0x40, s13  }
0x3ee: {  	[tilespmem:s13+$0xFFFFFFE0] =	vst v3;
	v3 =	vshll.u32 v62, $0x5  }
0x3ef: {  	v2 =	vld.idx.msk [tilespmem:v2+s2+$0x0], $0xffff;
	v3 =	vor.u32 v0, v3  }
0x3f0: {  	v3 =	vor.u32 v1, v3;
	_ =	sdelay $0x1  }
0x3f1: {  	s15 =	sadd.s32 $0x30, s12  }
0x3f2: {  	v63 =	vmov s15  }
0x3f3: {  	[tilespmem:s13+$0xFFFFFFF0] =	vst v2;
	v2 =	vshll.u32 v63, $0x5  }
0x3f4: {  	v3 =	vld.idx.msk [tilespmem:v3+s2+$0x0], $0xffff;
	v2 =	vor.u32 v0, v2  }
0x3f5: {  	v1 =	vor.u32 v1, v2;
	_ =	sdelay $0x3  }
0x3f6: {  	s11 =	sadd.s32 $0x1, s11;
	[tilespmem:s13+$0x0] =	vst v3  }
0x3f7: {  	p0 =	sne.s32 s11, $0x20;
	v1 =	vld.idx.msk [tilespmem:v1+s2+$0x0], $0xffff  }
.Ltmp25:
0x3f8: {  	_ = 	snop;
	(pc) =	sbr.rel @p0 .LBB2_50-.Ltmp25, $2  }
0x3f9: {  	_ =	sdelay $0x2  }
0x3fa: {  	s10 =	sadd.s32 $0x400, s10;
	[tilespmem:s13+$0x10] =	vst v1  }
0x3fb: {  	s9 =	rddreg [dreg:$0x10]  }
0x3fc: {  	[hbm4b:s9+s25] =	stream.strided.scatter [tilespmem:s5], [sflag:$0x4], $0x8000, s0, s25, $0x38;
	[tilespmem:$0x1E400] =	vst v63  }
0x3fd: {  	_ =	swait.ge [sflag:s6], $0x8000  }
0x3fe: {  	[sflag:s6] =	ssyncset.done $0x0  }
0x3ff: {  	s15 =	simm.s32 $0x3800;
	[sflag:s6] =	ssyncadd.s32 $0xFFFF8000  }
0x400: {  	[tilespmem:s2], [sflag:$0x2] =	stream.indirect.gather [hbm4b:s30+s25], $0x20, s15, s25, $0xb8;
	[tilespmem:$0x1E400] =	vst v63  }
0x401: {  	_ =	swait.ge [sflag:s7], $0x8000  }
0x402: {  	s10 =	simm.s32 $0x16420;
	[sflag:s7] =	ssyncset.done $0x0  }
0x403: {  	s11 =	simm.s32 $0x0;
	s9 =	simm.s32 $0x0;
	[sflag:s7] =	ssyncadd.s32 $0xFFFF8000  }
.LBB2_54:
0x404: {  	v1 =	vmov s11  }
0x405: {  	v2 =	vmov s9;
	v1 =	vand.u32 $0x1F, v1  }
0x406: {  	v2 =	vshll.u32 v2, $0x5;
	v1 =	vbroadcast v1, $0x0  }
0x407: {  	v2 =	vor.u32 v0, v2  }
0x408: {  	v2 =	vor.u32 v1, v2;
	_ =	sdelay $0x1  }
0x409: {  	s12 =	simm.s32 $0x10  }
0x40a: {  	v3 =	vmov s12  }
0x40b: {  	v3 =	vshll.u32 v3, $0x5  }
0x40c: {  	v3 =	vor.u32 v0, v3;
	v2 =	vld.idx.msk [tilespmem:v2+s3+$0x0], $0xffff  }
0x40d: {  	v3 =	vor.u32 v1, v3;
	_ =	sdelay $0x1  }
0x40e: {  	s14 =	simm.s32 $0x20  }
0x40f: {  	v4 =	vmov s14  }
0x410: {  	[tilespmem:s10+$0xFFFFFFE0] =	vst v2;
	v2 =	vshll.u32 v4, $0x5  }
0x411: {  	v3 =	vld.idx.msk [tilespmem:v3+s3+$0x0], $0xffff;
	v2 =	vor.u32 v0, v2  }
0x412: {  	v2 =	vor.u32 v1, v2;
	_ =	sdelay $0x3  }
0x413: {  	s15 =	simm.s32 $0x30;
	[tilespmem:s10+$0xFFFFFFF0] =	vst v3  }
0x414: {  	v4 =	vld.idx.msk [tilespmem:v2+s3+$0x0], $0xffff;
	v2 =	vmov s15  }
0x415: {  	v2 =	vshll.u32 v2, $0x5  }
0x416: {  	v2 =	vor.u32 v0, v2  }
0x417: {  	v2 =	vor.u32 v1, v2;
	_ =	sdelay $0x2  }
0x418: {  	s12 =	simm.s32 $0x40  }
0x419: {  	s13 =	smov.u32 s10;
	s14 =	simm.s32 $0x80;
	v3 =	vmov s12;
	[tilespmem:s10+$0x0] =	vst v4  }
.LBB2_55:
0x41a: {  	p0 =	sne.s32 s14, $0x3C0;
	v3 =	vshll.u32 v3, $0x5;
	v2 =	vld.idx.msk [tilespmem:v2+s3+$0x0], $0xffff  }
0x41b: {  	v3 =	vor.u32 v0, v3  }
0x41c: {  	v3 =	vor.u32 v1, v3;
	_ =	sdelay $0x2  }
0x41d: {  	s15 =	sadd.s32 $0x10, s12  }
0x41e: {  	v4 =	vmov s15;
	[tilespmem:s13+$0x10] =	vst v2  }
0x41f: {  	v2 =	vld.idx.msk [tilespmem:v3+s3+$0x0], $0xffff;
	v3 =	vshll.u32 v4, $0x5  }
0x420: {  	v3 =	vor.u32 v0, v3  }
0x421: {  	v3 =	vor.u32 v1, v3;
	_ =	sdelay $0x2  }
0x422: {  	s15 =	sadd.s32 $0x20, s12;
	s13 =	sadd.s32 $0x40, s13  }
0x423: {  	[tilespmem:s13+$0xFFFFFFE0] =	vst v2;
	v2 =	vmov s15  }
0x424: {  	v3 =	vld.idx.msk [tilespmem:v3+s3+$0x0], $0xffff;
	v2 =	vshll.u32 v2, $0x5  }
0x425: {  	v2 =	vor.u32 v0, v2  }
0x426: {  	v2 =	vor.u32 v1, v2;
	_ =	sdelay $0x2  }
0x427: {  	s15 =	sadd.s32 $0x30, s12;
	s12 =	smov.u32 s14  }
0x428: {  	[tilespmem:s13+$0xFFFFFFF0] =	vst v3;
	v3 =	vmov s15  }
0x429: {  	v4 =	vld.idx.msk [tilespmem:v2+s3+$0x0], $0xffff;
	v2 =	vshll.u32 v3, $0x5  }
0x42a: {  	v2 =	vor.u32 v0, v2  }
.Ltmp26:
0x42b: {  	v2 =	vor.u32 v1, v2;
	(pc) =	sbr.rel @p0 .LBB2_55-.Ltmp26, $2  }
0x42c: {  	_ =	sdelay $0x2  }
0x42d: {  	s14 =	sadd.s32 $0x40, s14;
	v3 =	vmov s12;
	[tilespmem:s13+$0x0] =	vst v4  }
0x42e: {  	_ =	sdelay $0x2  }
0x42f: {  	v3 =	vshll.u32 v3, $0x5  }
0x430: {  	v2 =	vld.idx.msk [tilespmem:v2+s3+$0x0], $0xffff;
	v3 =	vor.u32 v0, v3  }
0x431: {  	v3 =	vor.u32 v1, v3;
	_ =	sdelay $0x1  }
0x432: {  	s14 =	sadd.s32 $0x10, s12  }
0x433: {  	v4 =	vmov s14  }
0x434: {  	[tilespmem:s13+$0x10] =	vst v2;
	v2 =	vshll.u32 v4, $0x5  }
0x435: {  	v2 =	vor.u32 v0, v2;
	v3 =	vld.idx.msk [tilespmem:v3+s3+$0x0], $0xffff  }
0x436: {  	v2 =	vor.u32 v1, v2;
	_ =	sdelay $0x1  }
0x437: {  	s15 =	sadd.s32 $0x20, s12  }
0x438: {  	v62 =	vmov s15;
	s13 =	sadd.s32 $0x40, s13  }
0x439: {  	[tilespmem:s13+$0xFFFFFFE0] =	vst v3;
	v3 =	vshll.u32 v62, $0x5  }
0x43a: {  	v2 =	vld.idx.msk [tilespmem:v2+s3+$0x0], $0xffff;
	v3 =	vor.u32 v0, v3  }
0x43b: {  	v3 =	vor.u32 v1, v3;
	_ =	sdelay $0x1  }
0x43c: {  	s15 =	sadd.s32 $0x30, s12  }
0x43d: {  	v63 =	vmov s15  }
0x43e: {  	[tilespmem:s13+$0xFFFFFFF0] =	vst v2;
	v2 =	vshll.u32 v63, $0x5  }
0x43f: {  	v3 =	vld.idx.msk [tilespmem:v3+s3+$0x0], $0xffff;
	v2 =	vor.u32 v0, v2  }
0x440: {  	v1 =	vor.u32 v1, v2;
	_ =	sdelay $0x3  }
0x441: {  	s11 =	sadd.s32 $0x1, s11;
	[tilespmem:s13+$0x0] =	vst v3  }
0x442: {  	p0 =	sne.s32 s11, $0x20;
	v1 =	vld.idx.msk [tilespmem:v1+s3+$0x0], $0xffff  }
.Ltmp27:
0x443: {  	_ = 	snop;
	(pc) =	sbr.rel @p0 .LBB2_54-.Ltmp27, $2  }
0x444: {  	_ =	sdelay $0x2  }
0x445: {  	s10 =	sadd.s32 $0x400, s10;
	[tilespmem:s13+$0x10] =	vst v1  }
0x446: {  	[hbm4b:s16+s25] =	stream.strided.scatter [tilespmem:s5], [sflag:$0x4], $0x8000, s0, s25, $0x38;
	[tilespmem:$0x1E400] =	vst v63  }
0x447: {  	_ =	swait.ge [sflag:s6], $0x8000  }
0x448: {  	[sflag:s6] =	ssyncset.done $0x0  }
0x449: {  	s9 =	simm.s32 $0x3C00;
	[sflag:s6] =	ssyncadd.s32 $0xFFFF8000  }
0x44a: {  	[tilespmem:s3], [sflag:$0x3] =	stream.indirect.gather [hbm4b:s30+s25], $0x20, s9, s25, $0xb8;
	[tilespmem:$0x1E400] =	vst v63  }
0x44b: {  	_ =	swait.ge [sflag:s4], $0x8000  }
0x44c: {  	s10 =	simm.s32 $0x16420;
	[sflag:s4] =	ssyncset.done $0x0  }
0x44d: {  	s11 =	simm.s32 $0x0;
	s9 =	simm.s32 $0x0;
	[sflag:s4] =	ssyncadd.s32 $0xFFFF8000  }
.LBB2_58:
0x44e: {  	v1 =	vmov s11  }
0x44f: {  	v2 =	vmov s9;
	v1 =	vand.u32 $0x1F, v1  }
0x450: {  	v2 =	vshll.u32 v2, $0x5;
	v1 =	vbroadcast v1, $0x0  }
0x451: {  	v2 =	vor.u32 v0, v2  }
0x452: {  	v2 =	vor.u32 v1, v2;
	_ =	sdelay $0x1  }
0x453: {  	s12 =	simm.s32 $0x10  }
0x454: {  	v3 =	vmov s12  }
0x455: {  	v3 =	vshll.u32 v3, $0x5  }
0x456: {  	v3 =	vor.u32 v0, v3;
	v2 =	vld.idx.msk [tilespmem:v2+s2+$0x0], $0xffff  }
0x457: {  	v3 =	vor.u32 v1, v3;
	_ =	sdelay $0x1  }
0x458: {  	s14 =	simm.s32 $0x20  }
0x459: {  	v4 =	vmov s14  }
0x45a: {  	[tilespmem:s10+$0xFFFFFFE0] =	vst v2;
	v2 =	vshll.u32 v4, $0x5  }
0x45b: {  	v3 =	vld.idx.msk [tilespmem:v3+s2+$0x0], $0xffff;
	v2 =	vor.u32 v0, v2  }
0x45c: {  	v2 =	vor.u32 v1, v2;
	_ =	sdelay $0x3  }
0x45d: {  	s15 =	simm.s32 $0x30;
	[tilespmem:s10+$0xFFFFFFF0] =	vst v3  }
0x45e: {  	v4 =	vld.idx.msk [tilespmem:v2+s2+$0x0], $0xffff;
	v2 =	vmov s15  }
0x45f: {  	v2 =	vshll.u32 v2, $0x5  }
0x460: {  	v2 =	vor.u32 v0, v2  }
0x461: {  	v2 =	vor.u32 v1, v2;
	_ =	sdelay $0x2  }
0x462: {  	s12 =	simm.s32 $0x40  }
0x463: {  	s13 =	smov.u32 s10;
	s14 =	simm.s32 $0x80;
	v3 =	vmov s12;
	[tilespmem:s10+$0x0] =	vst v4  }
.LBB2_59:
0x464: {  	p0 =	sne.s32 s14, $0x3C0;
	v3 =	vshll.u32 v3, $0x5;
	v2 =	vld.idx.msk [tilespmem:v2+s2+$0x0], $0xffff  }
0x465: {  	v3 =	vor.u32 v0, v3  }
0x466: {  	v3 =	vor.u32 v1, v3;
	_ =	sdelay $0x2  }
0x467: {  	s15 =	sadd.s32 $0x10, s12  }
0x468: {  	v4 =	vmov s15;
	[tilespmem:s13+$0x10] =	vst v2  }
0x469: {  	v2 =	vld.idx.msk [tilespmem:v3+s2+$0x0], $0xffff;
	v3 =	vshll.u32 v4, $0x5  }
0x46a: {  	v3 =	vor.u32 v0, v3  }
0x46b: {  	v3 =	vor.u32 v1, v3;
	_ =	sdelay $0x2  }
0x46c: {  	s15 =	sadd.s32 $0x20, s12;
	s13 =	sadd.s32 $0x40, s13  }
0x46d: {  	[tilespmem:s13+$0xFFFFFFE0] =	vst v2;
	v2 =	vmov s15  }
0x46e: {  	v3 =	vld.idx.msk [tilespmem:v3+s2+$0x0], $0xffff;
	v2 =	vshll.u32 v2, $0x5  }
0x46f: {  	v2 =	vor.u32 v0, v2  }
0x470: {  	v2 =	vor.u32 v1, v2;
	_ =	sdelay $0x2  }
0x471: {  	s15 =	sadd.s32 $0x30, s12;
	s12 =	smov.u32 s14  }
0x472: {  	[tilespmem:s13+$0xFFFFFFF0] =	vst v3;
	v3 =	vmov s15  }
0x473: {  	v4 =	vld.idx.msk [tilespmem:v2+s2+$0x0], $0xffff;
	v2 =	vshll.u32 v3, $0x5  }
0x474: {  	v2 =	vor.u32 v0, v2  }
.Ltmp28:
0x475: {  	v2 =	vor.u32 v1, v2;
	(pc) =	sbr.rel @p0 .LBB2_59-.Ltmp28, $2  }
0x476: {  	_ =	sdelay $0x2  }
0x477: {  	s14 =	sadd.s32 $0x40, s14;
	v3 =	vmov s12;
	[tilespmem:s13+$0x0] =	vst v4  }
0x478: {  	_ =	sdelay $0x2  }
0x479: {  	v3 =	vshll.u32 v3, $0x5  }
0x47a: {  	v2 =	vld.idx.msk [tilespmem:v2+s2+$0x0], $0xffff;
	v3 =	vor.u32 v0, v3  }
0x47b: {  	v3 =	vor.u32 v1, v3;
	_ =	sdelay $0x1  }
0x47c: {  	s14 =	sadd.s32 $0x10, s12  }
0x47d: {  	v4 =	vmov s14  }
0x47e: {  	[tilespmem:s13+$0x10] =	vst v2;
	v2 =	vshll.u32 v4, $0x5  }
0x47f: {  	v2 =	vor.u32 v0, v2;
	v3 =	vld.idx.msk [tilespmem:v3+s2+$0x0], $0xffff  }
0x480: {  	v2 =	vor.u32 v1, v2;
	_ =	sdelay $0x1  }
0x481: {  	s15 =	sadd.s32 $0x20, s12  }
0x482: {  	v62 =	vmov s15;
	s13 =	sadd.s32 $0x40, s13  }
0x483: {  	[tilespmem:s13+$0xFFFFFFE0] =	vst v3;
	v3 =	vshll.u32 v62, $0x5  }
0x484: {  	v2 =	vld.idx.msk [tilespmem:v2+s2+$0x0], $0xffff;
	v3 =	vor.u32 v0, v3  }
0x485: {  	v3 =	vor.u32 v1, v3;
	_ =	sdelay $0x1  }
0x486: {  	s15 =	sadd.s32 $0x30, s12  }
0x487: {  	v63 =	vmov s15  }
0x488: {  	[tilespmem:s13+$0xFFFFFFF0] =	vst v2;
	v2 =	vshll.u32 v63, $0x5  }
0x489: {  	v3 =	vld.idx.msk [tilespmem:v3+s2+$0x0], $0xffff;
	v2 =	vor.u32 v0, v2  }
0x48a: {  	v1 =	vor.u32 v1, v2;
	_ =	sdelay $0x3  }
0x48b: {  	s11 =	sadd.s32 $0x1, s11;
	[tilespmem:s13+$0x0] =	vst v3  }
0x48c: {  	p0 =	sne.s32 s11, $0x20;
	v1 =	vld.idx.msk [tilespmem:v1+s2+$0x0], $0xffff  }
.Ltmp29:
0x48d: {  	_ = 	snop;
	(pc) =	sbr.rel @p0 .LBB2_58-.Ltmp29, $2  }
0x48e: {  	_ =	sdelay $0x2  }
0x48f: {  	s10 =	sadd.s32 $0x400, s10;
	[tilespmem:s13+$0x10] =	vst v1  }
0x490: {  	[hbm4b:s17+s25] =	stream.strided.scatter [tilespmem:s5], [sflag:$0x4], $0x8000, s0, s25, $0x38;
	[tilespmem:$0x1E400] =	vst v63  }
0x491: {  	_ =	swait.ge [sflag:s6], $0x8000  }
0x492: {  	[sflag:s6] =	ssyncset.done $0x0  }
0x493: {  	[sflag:s6] =	ssyncadd.s32 $0xFFFF8000  }
0x494: {  	[tilespmem:s2], [sflag:$0x2] =	stream.indirect.gather [hbm4b:s30+s25], $0x20, s0, s25, $0xb8;
	[tilespmem:$0x1E400] =	vst v63  }
0x495: {  	_ =	swait.ge [sflag:s7], $0x8000  }
0x496: {  	s9 =	simm.s32 $0x0;
	[sflag:s7] =	ssyncset.done $0x0  }
0x497: {  	s10 =	simm.s32 $0x16420;
	s11 =	simm.s32 $0x0;
	[sflag:s7] =	ssyncadd.s32 $0xFFFF8000  }
.LBB2_62:
0x498: {  	v1 =	vmov s11  }
0x499: {  	v2 =	vmov s9;
	v1 =	vand.u32 $0x1F, v1  }
0x49a: {  	v2 =	vshll.u32 v2, $0x5;
	v1 =	vbroadcast v1, $0x0  }
0x49b: {  	v2 =	vor.u32 v0, v2  }
0x49c: {  	v2 =	vor.u32 v1, v2;
	_ =	sdelay $0x1  }
0x49d: {  	s12 =	simm.s32 $0x10  }
0x49e: {  	v3 =	vmov s12  }
0x49f: {  	v3 =	vshll.u32 v3, $0x5  }
0x4a0: {  	v3 =	vor.u32 v0, v3;
	v2 =	vld.idx.msk [tilespmem:v2+s3+$0x0], $0xffff  }
0x4a1: {  	v3 =	vor.u32 v1, v3;
	_ =	sdelay $0x1  }
0x4a2: {  	s14 =	simm.s32 $0x20  }
0x4a3: {  	v4 =	vmov s14  }
0x4a4: {  	[tilespmem:s10+$0xFFFFFFE0] =	vst v2;
	v2 =	vshll.u32 v4, $0x5  }
0x4a5: {  	v3 =	vld.idx.msk [tilespmem:v3+s3+$0x0], $0xffff;
	v2 =	vor.u32 v0, v2  }
0x4a6: {  	v2 =	vor.u32 v1, v2;
	_ =	sdelay $0x3  }
0x4a7: {  	s15 =	simm.s32 $0x30;
	[tilespmem:s10+$0xFFFFFFF0] =	vst v3  }
0x4a8: {  	v4 =	vld.idx.msk [tilespmem:v2+s3+$0x0], $0xffff;
	v2 =	vmov s15  }
0x4a9: {  	v2 =	vshll.u32 v2, $0x5  }
0x4aa: {  	v2 =	vor.u32 v0, v2  }
0x4ab: {  	v2 =	vor.u32 v1, v2;
	_ =	sdelay $0x2  }
0x4ac: {  	s12 =	simm.s32 $0x40  }
0x4ad: {  	s13 =	smov.u32 s10;
	s14 =	simm.s32 $0x80;
	v3 =	vmov s12;
	[tilespmem:s10+$0x0] =	vst v4  }
.LBB2_63:
0x4ae: {  	p0 =	sne.s32 s14, $0x3C0;
	v3 =	vshll.u32 v3, $0x5;
	v2 =	vld.idx.msk [tilespmem:v2+s3+$0x0], $0xffff  }
0x4af: {  	v3 =	vor.u32 v0, v3  }
0x4b0: {  	v3 =	vor.u32 v1, v3;
	_ =	sdelay $0x2  }
0x4b1: {  	s15 =	sadd.s32 $0x10, s12  }
0x4b2: {  	v4 =	vmov s15;
	[tilespmem:s13+$0x10] =	vst v2  }
0x4b3: {  	v2 =	vld.idx.msk [tilespmem:v3+s3+$0x0], $0xffff;
	v3 =	vshll.u32 v4, $0x5  }
0x4b4: {  	v3 =	vor.u32 v0, v3  }
0x4b5: {  	v3 =	vor.u32 v1, v3;
	_ =	sdelay $0x2  }
0x4b6: {  	s15 =	sadd.s32 $0x20, s12;
	s13 =	sadd.s32 $0x40, s13  }
0x4b7: {  	[tilespmem:s13+$0xFFFFFFE0] =	vst v2;
	v2 =	vmov s15  }
0x4b8: {  	v3 =	vld.idx.msk [tilespmem:v3+s3+$0x0], $0xffff;
	v2 =	vshll.u32 v2, $0x5  }
0x4b9: {  	v2 =	vor.u32 v0, v2  }
0x4ba: {  	v2 =	vor.u32 v1, v2;
	_ =	sdelay $0x2  }
0x4bb: {  	s15 =	sadd.s32 $0x30, s12;
	s12 =	smov.u32 s14  }
0x4bc: {  	[tilespmem:s13+$0xFFFFFFF0] =	vst v3;
	v3 =	vmov s15  }
0x4bd: {  	v4 =	vld.idx.msk [tilespmem:v2+s3+$0x0], $0xffff;
	v2 =	vshll.u32 v3, $0x5  }
0x4be: {  	v2 =	vor.u32 v0, v2  }
.Ltmp30:
0x4bf: {  	v2 =	vor.u32 v1, v2;
	(pc) =	sbr.rel @p0 .LBB2_63-.Ltmp30, $2  }
0x4c0: {  	_ =	sdelay $0x2  }
0x4c1: {  	s14 =	sadd.s32 $0x40, s14;
	v3 =	vmov s12;
	[tilespmem:s13+$0x0] =	vst v4  }
0x4c2: {  	_ =	sdelay $0x2  }
0x4c3: {  	v3 =	vshll.u32 v3, $0x5  }
0x4c4: {  	v2 =	vld.idx.msk [tilespmem:v2+s3+$0x0], $0xffff;
	v3 =	vor.u32 v0, v3  }
0x4c5: {  	v3 =	vor.u32 v1, v3;
	_ =	sdelay $0x1  }
0x4c6: {  	s14 =	sadd.s32 $0x10, s12  }
0x4c7: {  	v4 =	vmov s14  }
0x4c8: {  	[tilespmem:s13+$0x10] =	vst v2;
	v2 =	vshll.u32 v4, $0x5  }
0x4c9: {  	v2 =	vor.u32 v0, v2;
	v3 =	vld.idx.msk [tilespmem:v3+s3+$0x0], $0xffff  }
0x4ca: {  	v2 =	vor.u32 v1, v2;
	_ =	sdelay $0x1  }
0x4cb: {  	s15 =	sadd.s32 $0x20, s12  }
0x4cc: {  	v62 =	vmov s15;
	s13 =	sadd.s32 $0x40, s13  }
0x4cd: {  	[tilespmem:s13+$0xFFFFFFE0] =	vst v3;
	v3 =	vshll.u32 v62, $0x5  }
0x4ce: {  	v2 =	vld.idx.msk [tilespmem:v2+s3+$0x0], $0xffff;
	v3 =	vor.u32 v0, v3  }
0x4cf: {  	v3 =	vor.u32 v1, v3;
	_ =	sdelay $0x1  }
0x4d0: {  	s15 =	sadd.s32 $0x30, s12  }
0x4d1: {  	v63 =	vmov s15  }
0x4d2: {  	[tilespmem:s13+$0xFFFFFFF0] =	vst v2;
	v2 =	vshll.u32 v63, $0x5  }
0x4d3: {  	v3 =	vld.idx.msk [tilespmem:v3+s3+$0x0], $0xffff;
	v2 =	vor.u32 v0, v2  }
0x4d4: {  	v1 =	vor.u32 v1, v2;
	_ =	sdelay $0x3  }
0x4d5: {  	s11 =	sadd.s32 $0x1, s11;
	[tilespmem:s13+$0x0] =	vst v3  }
0x4d6: {  	p0 =	sne.s32 s11, $0x20;
	v1 =	vld.idx.msk [tilespmem:v1+s3+$0x0], $0xffff  }
.Ltmp31:
0x4d7: {  	_ = 	snop;
	(pc) =	sbr.rel @p0 .LBB2_62-.Ltmp31, $2  }
0x4d8: {  	_ =	sdelay $0x2  }
0x4d9: {  	s10 =	sadd.s32 $0x400, s10;
	[tilespmem:s13+$0x10] =	vst v1  }
0x4da: {  	[hbm4b:s18+s25] =	stream.strided.scatter [tilespmem:s5], [sflag:$0x4], $0x8000, s0, s25, $0x38;
	[tilespmem:$0x1E400] =	vst v63  }
0x4db: {  	_ =	swait.ge [sflag:s6], $0x8000  }
0x4dc: {  	[sflag:s6] =	ssyncset.done $0x0  }
0x4dd: {  	s9 =	simm.s32 $0x4400;
	[sflag:s6] =	ssyncadd.s32 $0xFFFF8000  }
0x4de: {  	[tilespmem:s3], [sflag:$0x3] =	stream.indirect.gather [hbm4b:s30+s25], $0x20, s9, s25, $0xb8;
	[tilespmem:$0x1E400] =	vst v63  }
0x4df: {  	_ =	swait.ge [sflag:s4], $0x8000  }
0x4e0: {  	s10 =	simm.s32 $0x16420;
	[sflag:s4] =	ssyncset.done $0x0  }
0x4e1: {  	s11 =	simm.s32 $0x0;
	s9 =	simm.s32 $0x0;
	[sflag:s4] =	ssyncadd.s32 $0xFFFF8000  }
.LBB2_66:
0x4e2: {  	v1 =	vmov s11  }
0x4e3: {  	v2 =	vmov s9;
	v1 =	vand.u32 $0x1F, v1  }
0x4e4: {  	v2 =	vshll.u32 v2, $0x5;
	v1 =	vbroadcast v1, $0x0  }
0x4e5: {  	v2 =	vor.u32 v0, v2  }
0x4e6: {  	v2 =	vor.u32 v1, v2;
	_ =	sdelay $0x1  }
0x4e7: {  	s12 =	simm.s32 $0x10  }
0x4e8: {  	v3 =	vmov s12  }
0x4e9: {  	v3 =	vshll.u32 v3, $0x5  }
0x4ea: {  	v3 =	vor.u32 v0, v3;
	v2 =	vld.idx.msk [tilespmem:v2+s2+$0x0], $0xffff  }
0x4eb: {  	v3 =	vor.u32 v1, v3;
	_ =	sdelay $0x1  }
0x4ec: {  	s14 =	simm.s32 $0x20  }
0x4ed: {  	v4 =	vmov s14  }
0x4ee: {  	[tilespmem:s10+$0xFFFFFFE0] =	vst v2;
	v2 =	vshll.u32 v4, $0x5  }
0x4ef: {  	v3 =	vld.idx.msk [tilespmem:v3+s2+$0x0], $0xffff;
	v2 =	vor.u32 v0, v2  }
0x4f0: {  	v2 =	vor.u32 v1, v2;
	_ =	sdelay $0x3  }
0x4f1: {  	s15 =	simm.s32 $0x30;
	[tilespmem:s10+$0xFFFFFFF0] =	vst v3  }
0x4f2: {  	v4 =	vld.idx.msk [tilespmem:v2+s2+$0x0], $0xffff;
	v2 =	vmov s15  }
0x4f3: {  	v2 =	vshll.u32 v2, $0x5  }
0x4f4: {  	v2 =	vor.u32 v0, v2  }
0x4f5: {  	v2 =	vor.u32 v1, v2;
	_ =	sdelay $0x2  }
0x4f6: {  	s12 =	simm.s32 $0x40  }
0x4f7: {  	s13 =	smov.u32 s10;
	s14 =	simm.s32 $0x80;
	v3 =	vmov s12;
	[tilespmem:s10+$0x0] =	vst v4  }
.LBB2_67:
0x4f8: {  	p0 =	sne.s32 s14, $0x3C0;
	v3 =	vshll.u32 v3, $0x5;
	v2 =	vld.idx.msk [tilespmem:v2+s2+$0x0], $0xffff  }
0x4f9: {  	v3 =	vor.u32 v0, v3  }
0x4fa: {  	v3 =	vor.u32 v1, v3;
	_ =	sdelay $0x2  }
0x4fb: {  	s15 =	sadd.s32 $0x10, s12  }
0x4fc: {  	v4 =	vmov s15;
	[tilespmem:s13+$0x10] =	vst v2  }
0x4fd: {  	v2 =	vld.idx.msk [tilespmem:v3+s2+$0x0], $0xffff;
	v3 =	vshll.u32 v4, $0x5  }
0x4fe: {  	v3 =	vor.u32 v0, v3  }
0x4ff: {  	v3 =	vor.u32 v1, v3;
	_ =	sdelay $0x2  }
0x500: {  	s15 =	sadd.s32 $0x20, s12;
	s13 =	sadd.s32 $0x40, s13  }
0x501: {  	[tilespmem:s13+$0xFFFFFFE0] =	vst v2;
	v2 =	vmov s15  }
0x502: {  	v3 =	vld.idx.msk [tilespmem:v3+s2+$0x0], $0xffff;
	v2 =	vshll.u32 v2, $0x5  }
0x503: {  	v2 =	vor.u32 v0, v2  }
0x504: {  	v2 =	vor.u32 v1, v2;
	_ =	sdelay $0x2  }
0x505: {  	s15 =	sadd.s32 $0x30, s12;
	s12 =	smov.u32 s14  }
0x506: {  	[tilespmem:s13+$0xFFFFFFF0] =	vst v3;
	v3 =	vmov s15  }
0x507: {  	v4 =	vld.idx.msk [tilespmem:v2+s2+$0x0], $0xffff;
	v2 =	vshll.u32 v3, $0x5  }
0x508: {  	v2 =	vor.u32 v0, v2  }
.Ltmp32:
0x509: {  	v2 =	vor.u32 v1, v2;
	(pc) =	sbr.rel @p0 .LBB2_67-.Ltmp32, $2  }
0x50a: {  	_ =	sdelay $0x2  }
0x50b: {  	s14 =	sadd.s32 $0x40, s14;
	v3 =	vmov s12;
	[tilespmem:s13+$0x0] =	vst v4  }
0x50c: {  	_ =	sdelay $0x2  }
0x50d: {  	v3 =	vshll.u32 v3, $0x5  }
0x50e: {  	v2 =	vld.idx.msk [tilespmem:v2+s2+$0x0], $0xffff;
	v3 =	vor.u32 v0, v3  }
0x50f: {  	v3 =	vor.u32 v1, v3;
	_ =	sdelay $0x1  }
0x510: {  	s14 =	sadd.s32 $0x10, s12  }
0x511: {  	v4 =	vmov s14  }
0x512: {  	[tilespmem:s13+$0x10] =	vst v2;
	v2 =	vshll.u32 v4, $0x5  }
0x513: {  	v2 =	vor.u32 v0, v2;
	v3 =	vld.idx.msk [tilespmem:v3+s2+$0x0], $0xffff  }
0x514: {  	v2 =	vor.u32 v1, v2;
	_ =	sdelay $0x1  }
0x515: {  	s15 =	sadd.s32 $0x20, s12  }
0x516: {  	v62 =	vmov s15;
	s13 =	sadd.s32 $0x40, s13  }
0x517: {  	[tilespmem:s13+$0xFFFFFFE0] =	vst v3;
	v3 =	vshll.u32 v62, $0x5  }
0x518: {  	v2 =	vld.idx.msk [tilespmem:v2+s2+$0x0], $0xffff;
	v3 =	vor.u32 v0, v3  }
0x519: {  	v3 =	vor.u32 v1, v3;
	_ =	sdelay $0x1  }
0x51a: {  	s15 =	sadd.s32 $0x30, s12  }
0x51b: {  	v63 =	vmov s15  }
0x51c: {  	[tilespmem:s13+$0xFFFFFFF0] =	vst v2;
	v2 =	vshll.u32 v63, $0x5  }
0x51d: {  	v3 =	vld.idx.msk [tilespmem:v3+s2+$0x0], $0xffff;
	v2 =	vor.u32 v0, v2  }
0x51e: {  	v1 =	vor.u32 v1, v2;
	_ =	sdelay $0x3  }
0x51f: {  	s11 =	sadd.s32 $0x1, s11;
	[tilespmem:s13+$0x0] =	vst v3  }
0x520: {  	p0 =	sne.s32 s11, $0x20;
	v1 =	vld.idx.msk [tilespmem:v1+s2+$0x0], $0xffff  }
.Ltmp33:
0x521: {  	_ = 	snop;
	(pc) =	sbr.rel @p0 .LBB2_66-.Ltmp33, $2  }
0x522: {  	_ =	sdelay $0x2  }
0x523: {  	s10 =	sadd.s32 $0x400, s10;
	[tilespmem:s13+$0x10] =	vst v1  }
0x524: {  	[hbm4b:s19+s25] =	stream.strided.scatter [tilespmem:s5], [sflag:$0x4], $0x8000, s0, s25, $0x38;
	[tilespmem:$0x1E400] =	vst v63  }
0x525: {  	_ =	swait.ge [sflag:s6], $0x8000  }
0x526: {  	[sflag:s6] =	ssyncset.done $0x0  }
0x527: {  	s9 =	simm.s32 $0x4800;
	[sflag:s6] =	ssyncadd.s32 $0xFFFF8000  }
0x528: {  	[tilespmem:s2], [sflag:$0x2] =	stream.indirect.gather [hbm4b:s30+s25], $0x20, s9, s25, $0xb8;
	[tilespmem:$0x1E400] =	vst v63  }
0x529: {  	_ =	swait.ge [sflag:s7], $0x8000  }
0x52a: {  	s10 =	simm.s32 $0x16420;
	[sflag:s7] =	ssyncset.done $0x0  }
0x52b: {  	s11 =	simm.s32 $0x0;
	s9 =	simm.s32 $0x0;
	[sflag:s7] =	ssyncadd.s32 $0xFFFF8000  }
.LBB2_70:
0x52c: {  	v1 =	vmov s11  }
0x52d: {  	v2 =	vmov s9;
	v1 =	vand.u32 $0x1F, v1  }
0x52e: {  	v2 =	vshll.u32 v2, $0x5;
	v1 =	vbroadcast v1, $0x0  }
0x52f: {  	v2 =	vor.u32 v0, v2  }
0x530: {  	v2 =	vor.u32 v1, v2;
	_ =	sdelay $0x1  }
0x531: {  	s12 =	simm.s32 $0x10  }
0x532: {  	v3 =	vmov s12  }
0x533: {  	v3 =	vshll.u32 v3, $0x5  }
0x534: {  	v3 =	vor.u32 v0, v3;
	v2 =	vld.idx.msk [tilespmem:v2+s3+$0x0], $0xffff  }
0x535: {  	v3 =	vor.u32 v1, v3;
	_ =	sdelay $0x1  }
0x536: {  	s14 =	simm.s32 $0x20  }
0x537: {  	v4 =	vmov s14  }
0x538: {  	[tilespmem:s10+$0xFFFFFFE0] =	vst v2;
	v2 =	vshll.u32 v4, $0x5  }
0x539: {  	v3 =	vld.idx.msk [tilespmem:v3+s3+$0x0], $0xffff;
	v2 =	vor.u32 v0, v2  }
0x53a: {  	v2 =	vor.u32 v1, v2;
	_ =	sdelay $0x3  }
0x53b: {  	s15 =	simm.s32 $0x30;
	[tilespmem:s10+$0xFFFFFFF0] =	vst v3  }
0x53c: {  	v4 =	vld.idx.msk [tilespmem:v2+s3+$0x0], $0xffff;
	v2 =	vmov s15  }
0x53d: {  	v2 =	vshll.u32 v2, $0x5  }
0x53e: {  	v2 =	vor.u32 v0, v2  }
0x53f: {  	v2 =	vor.u32 v1, v2;
	_ =	sdelay $0x2  }
0x540: {  	s12 =	simm.s32 $0x40  }
0x541: {  	s13 =	smov.u32 s10;
	s14 =	simm.s32 $0x80;
	v3 =	vmov s12;
	[tilespmem:s10+$0x0] =	vst v4  }
.LBB2_71:
0x542: {  	p0 =	sne.s32 s14, $0x3C0;
	v3 =	vshll.u32 v3, $0x5;
	v2 =	vld.idx.msk [tilespmem:v2+s3+$0x0], $0xffff  }
0x543: {  	v3 =	vor.u32 v0, v3  }
0x544: {  	v3 =	vor.u32 v1, v3;
	_ =	sdelay $0x2  }
0x545: {  	s15 =	sadd.s32 $0x10, s12  }
0x546: {  	v4 =	vmov s15;
	[tilespmem:s13+$0x10] =	vst v2  }
0x547: {  	v2 =	vld.idx.msk [tilespmem:v3+s3+$0x0], $0xffff;
	v3 =	vshll.u32 v4, $0x5  }
0x548: {  	v3 =	vor.u32 v0, v3  }
0x549: {  	v3 =	vor.u32 v1, v3;
	_ =	sdelay $0x2  }
0x54a: {  	s15 =	sadd.s32 $0x20, s12;
	s13 =	sadd.s32 $0x40, s13  }
0x54b: {  	[tilespmem:s13+$0xFFFFFFE0] =	vst v2;
	v2 =	vmov s15  }
0x54c: {  	v3 =	vld.idx.msk [tilespmem:v3+s3+$0x0], $0xffff;
	v2 =	vshll.u32 v2, $0x5  }
0x54d: {  	v2 =	vor.u32 v0, v2  }
0x54e: {  	v2 =	vor.u32 v1, v2;
	_ =	sdelay $0x2  }
0x54f: {  	s15 =	sadd.s32 $0x30, s12;
	s12 =	smov.u32 s14  }
0x550: {  	[tilespmem:s13+$0xFFFFFFF0] =	vst v3;
	v3 =	vmov s15  }
0x551: {  	v4 =	vld.idx.msk [tilespmem:v2+s3+$0x0], $0xffff;
	v2 =	vshll.u32 v3, $0x5  }
0x552: {  	v2 =	vor.u32 v0, v2  }
.Ltmp34:
0x553: {  	v2 =	vor.u32 v1, v2;
	(pc) =	sbr.rel @p0 .LBB2_71-.Ltmp34, $2  }
0x554: {  	_ =	sdelay $0x2  }
0x555: {  	s14 =	sadd.s32 $0x40, s14;
	v3 =	vmov s12;
	[tilespmem:s13+$0x0] =	vst v4  }
0x556: {  	_ =	sdelay $0x2  }
0x557: {  	v3 =	vshll.u32 v3, $0x5  }
0x558: {  	v2 =	vld.idx.msk [tilespmem:v2+s3+$0x0], $0xffff;
	v3 =	vor.u32 v0, v3  }
0x559: {  	v3 =	vor.u32 v1, v3;
	_ =	sdelay $0x1  }
0x55a: {  	s14 =	sadd.s32 $0x10, s12  }
0x55b: {  	v4 =	vmov s14  }
0x55c: {  	[tilespmem:s13+$0x10] =	vst v2;
	v2 =	vshll.u32 v4, $0x5  }
0x55d: {  	v2 =	vor.u32 v0, v2;
	v3 =	vld.idx.msk [tilespmem:v3+s3+$0x0], $0xffff  }
0x55e: {  	v2 =	vor.u32 v1, v2;
	_ =	sdelay $0x1  }
0x55f: {  	s15 =	sadd.s32 $0x20, s12  }
0x560: {  	v62 =	vmov s15;
	s13 =	sadd.s32 $0x40, s13  }
0x561: {  	[tilespmem:s13+$0xFFFFFFE0] =	vst v3;
	v3 =	vshll.u32 v62, $0x5  }
0x562: {  	v2 =	vld.idx.msk [tilespmem:v2+s3+$0x0], $0xffff;
	v3 =	vor.u32 v0, v3  }
0x563: {  	v3 =	vor.u32 v1, v3;
	_ =	sdelay $0x1  }
0x564: {  	s15 =	sadd.s32 $0x30, s12  }
0x565: {  	v63 =	vmov s15  }
0x566: {  	[tilespmem:s13+$0xFFFFFFF0] =	vst v2;
	v2 =	vshll.u32 v63, $0x5  }
0x567: {  	v3 =	vld.idx.msk [tilespmem:v3+s3+$0x0], $0xffff;
	v2 =	vor.u32 v0, v2  }
0x568: {  	v1 =	vor.u32 v1, v2;
	_ =	sdelay $0x3  }
0x569: {  	s11 =	sadd.s32 $0x1, s11;
	[tilespmem:s13+$0x0] =	vst v3  }
0x56a: {  	p0 =	sne.s32 s11, $0x20;
	v1 =	vld.idx.msk [tilespmem:v1+s3+$0x0], $0xffff  }
.Ltmp35:
0x56b: {  	_ = 	snop;
	(pc) =	sbr.rel @p0 .LBB2_70-.Ltmp35, $2  }
0x56c: {  	_ =	sdelay $0x2  }
0x56d: {  	s10 =	sadd.s32 $0x400, s10;
	[tilespmem:s13+$0x10] =	vst v1  }
0x56e: {  	[hbm4b:s20+s25] =	stream.strided.scatter [tilespmem:s5], [sflag:$0x4], $0x8000, s0, s25, $0x38;
	[tilespmem:$0x1E400] =	vst v63  }
0x56f: {  	_ =	swait.ge [sflag:s6], $0x8000  }
0x570: {  	[sflag:s6] =	ssyncset.done $0x0  }
0x571: {  	s9 =	simm.s32 $0x4C00;
	[sflag:s6] =	ssyncadd.s32 $0xFFFF8000  }
0x572: {  	[tilespmem:s3], [sflag:$0x3] =	stream.indirect.gather [hbm4b:s30+s25], $0x20, s9, s25, $0xb8;
	[tilespmem:$0x1E400] =	vst v63  }
0x573: {  	_ =	swait.ge [sflag:s4], $0x8000  }
0x574: {  	s10 =	simm.s32 $0x16420;
	[sflag:s4] =	ssyncset.done $0x0  }
0x575: {  	s11 =	simm.s32 $0x0;
	s9 =	simm.s32 $0x0;
	[sflag:s4] =	ssyncadd.s32 $0xFFFF8000  }
.LBB2_74:
0x576: {  	v1 =	vmov s11  }
0x577: {  	v2 =	vmov s9;
	v1 =	vand.u32 $0x1F, v1  }
0x578: {  	v2 =	vshll.u32 v2, $0x5;
	v1 =	vbroadcast v1, $0x0  }
0x579: {  	v2 =	vor.u32 v0, v2  }
0x57a: {  	v2 =	vor.u32 v1, v2;
	_ =	sdelay $0x1  }
0x57b: {  	s12 =	simm.s32 $0x10  }
0x57c: {  	v3 =	vmov s12  }
0x57d: {  	v3 =	vshll.u32 v3, $0x5  }
0x57e: {  	v3 =	vor.u32 v0, v3;
	v2 =	vld.idx.msk [tilespmem:v2+s2+$0x0], $0xffff  }
0x57f: {  	v3 =	vor.u32 v1, v3;
	_ =	sdelay $0x1  }
0x580: {  	s14 =	simm.s32 $0x20  }
0x581: {  	v4 =	vmov s14  }
0x582: {  	[tilespmem:s10+$0xFFFFFFE0] =	vst v2;
	v2 =	vshll.u32 v4, $0x5  }
0x583: {  	v3 =	vld.idx.msk [tilespmem:v3+s2+$0x0], $0xffff;
	v2 =	vor.u32 v0, v2  }
0x584: {  	v2 =	vor.u32 v1, v2;
	_ =	sdelay $0x3  }
0x585: {  	s15 =	simm.s32 $0x30;
	[tilespmem:s10+$0xFFFFFFF0] =	vst v3  }
0x586: {  	v4 =	vld.idx.msk [tilespmem:v2+s2+$0x0], $0xffff;
	v2 =	vmov s15  }
0x587: {  	v2 =	vshll.u32 v2, $0x5  }
0x588: {  	v2 =	vor.u32 v0, v2  }
0x589: {  	v2 =	vor.u32 v1, v2;
	_ =	sdelay $0x2  }
0x58a: {  	s12 =	simm.s32 $0x40  }
0x58b: {  	s13 =	smov.u32 s10;
	s14 =	simm.s32 $0x80;
	v3 =	vmov s12;
	[tilespmem:s10+$0x0] =	vst v4  }
.LBB2_75:
0x58c: {  	p0 =	sne.s32 s14, $0x3C0;
	v3 =	vshll.u32 v3, $0x5;
	v2 =	vld.idx.msk [tilespmem:v2+s2+$0x0], $0xffff  }
0x58d: {  	v3 =	vor.u32 v0, v3  }
0x58e: {  	v3 =	vor.u32 v1, v3;
	_ =	sdelay $0x2  }
0x58f: {  	s15 =	sadd.s32 $0x10, s12  }
0x590: {  	v4 =	vmov s15;
	[tilespmem:s13+$0x10] =	vst v2  }
0x591: {  	v2 =	vld.idx.msk [tilespmem:v3+s2+$0x0], $0xffff;
	v3 =	vshll.u32 v4, $0x5  }
0x592: {  	v3 =	vor.u32 v0, v3  }
0x593: {  	v3 =	vor.u32 v1, v3;
	_ =	sdelay $0x2  }
0x594: {  	s15 =	sadd.s32 $0x20, s12;
	s13 =	sadd.s32 $0x40, s13  }
0x595: {  	[tilespmem:s13+$0xFFFFFFE0] =	vst v2;
	v2 =	vmov s15  }
0x596: {  	v3 =	vld.idx.msk [tilespmem:v3+s2+$0x0], $0xffff;
	v2 =	vshll.u32 v2, $0x5  }
0x597: {  	v2 =	vor.u32 v0, v2  }
0x598: {  	v2 =	vor.u32 v1, v2;
	_ =	sdelay $0x2  }
0x599: {  	s15 =	sadd.s32 $0x30, s12;
	s12 =	smov.u32 s14  }
0x59a: {  	[tilespmem:s13+$0xFFFFFFF0] =	vst v3;
	v3 =	vmov s15  }
0x59b: {  	v4 =	vld.idx.msk [tilespmem:v2+s2+$0x0], $0xffff;
	v2 =	vshll.u32 v3, $0x5  }
0x59c: {  	v2 =	vor.u32 v0, v2  }
.Ltmp36:
0x59d: {  	v2 =	vor.u32 v1, v2;
	(pc) =	sbr.rel @p0 .LBB2_75-.Ltmp36, $2  }
0x59e: {  	_ =	sdelay $0x2  }
0x59f: {  	s14 =	sadd.s32 $0x40, s14;
	v3 =	vmov s12;
	[tilespmem:s13+$0x0] =	vst v4  }
0x5a0: {  	_ =	sdelay $0x2  }
0x5a1: {  	v3 =	vshll.u32 v3, $0x5  }
0x5a2: {  	v2 =	vld.idx.msk [tilespmem:v2+s2+$0x0], $0xffff;
	v3 =	vor.u32 v0, v3  }
0x5a3: {  	v3 =	vor.u32 v1, v3;
	_ =	sdelay $0x1  }
0x5a4: {  	s14 =	sadd.s32 $0x10, s12  }
0x5a5: {  	v4 =	vmov s14  }
0x5a6: {  	[tilespmem:s13+$0x10] =	vst v2;
	v2 =	vshll.u32 v4, $0x5  }
0x5a7: {  	v2 =	vor.u32 v0, v2;
	v3 =	vld.idx.msk [tilespmem:v3+s2+$0x0], $0xffff  }
0x5a8: {  	v2 =	vor.u32 v1, v2;
	_ =	sdelay $0x1  }
0x5a9: {  	s15 =	sadd.s32 $0x20, s12  }
0x5aa: {  	v62 =	vmov s15;
	s13 =	sadd.s32 $0x40, s13  }
0x5ab: {  	[tilespmem:s13+$0xFFFFFFE0] =	vst v3;
	v3 =	vshll.u32 v62, $0x5  }
0x5ac: {  	v2 =	vld.idx.msk [tilespmem:v2+s2+$0x0], $0xffff;
	v3 =	vor.u32 v0, v3  }
0x5ad: {  	v3 =	vor.u32 v1, v3;
	_ =	sdelay $0x1  }
0x5ae: {  	s15 =	sadd.s32 $0x30, s12  }
0x5af: {  	v63 =	vmov s15  }
0x5b0: {  	[tilespmem:s13+$0xFFFFFFF0] =	vst v2;
	v2 =	vshll.u32 v63, $0x5  }
0x5b1: {  	v3 =	vld.idx.msk [tilespmem:v3+s2+$0x0], $0xffff;
	v2 =	vor.u32 v0, v2  }
0x5b2: {  	v1 =	vor.u32 v1, v2;
	_ =	sdelay $0x3  }
0x5b3: {  	s11 =	sadd.s32 $0x1, s11;
	[tilespmem:s13+$0x0] =	vst v3  }
0x5b4: {  	p0 =	sne.s32 s11, $0x20;
	v1 =	vld.idx.msk [tilespmem:v1+s2+$0x0], $0xffff  }
.Ltmp37:
0x5b5: {  	_ = 	snop;
	(pc) =	sbr.rel @p0 .LBB2_74-.Ltmp37, $2  }
0x5b6: {  	_ =	sdelay $0x2  }
0x5b7: {  	s10 =	sadd.s32 $0x400, s10;
	[tilespmem:s13+$0x10] =	vst v1  }
0x5b8: {  	[hbm4b:s21+s25] =	stream.strided.scatter [tilespmem:s5], [sflag:$0x4], $0x8000, s0, s25, $0x38;
	[tilespmem:$0x1E400] =	vst v63  }
0x5b9: {  	_ =	swait.ge [sflag:s6], $0x8000  }
0x5ba: {  	[sflag:s6] =	ssyncset.done $0x0  }
0x5bb: {  	s9 =	simm.s32 $0x5000;
	[sflag:s6] =	ssyncadd.s32 $0xFFFF8000  }
0x5bc: {  	[tilespmem:s2], [sflag:$0x2] =	stream.indirect.gather [hbm4b:s30+s25], $0x20, s9, s25, $0xb8;
	[tilespmem:$0x1E400] =	vst v63  }
0x5bd: {  	_ =	swait.ge [sflag:s7], $0x8000  }
0x5be: {  	s10 =	simm.s32 $0x16420;
	[sflag:s7] =	ssyncset.done $0x0  }
0x5bf: {  	s11 =	simm.s32 $0x0;
	s9 =	simm.s32 $0x0;
	[sflag:s7] =	ssyncadd.s32 $0xFFFF8000  }
.LBB2_78:
0x5c0: {  	v1 =	vmov s11  }
0x5c1: {  	v2 =	vmov s9;
	v1 =	vand.u32 $0x1F, v1  }
0x5c2: {  	v2 =	vshll.u32 v2, $0x5;
	v1 =	vbroadcast v1, $0x0  }
0x5c3: {  	v2 =	vor.u32 v0, v2  }
0x5c4: {  	v2 =	vor.u32 v1, v2;
	_ =	sdelay $0x1  }
0x5c5: {  	s12 =	simm.s32 $0x10  }
0x5c6: {  	v3 =	vmov s12  }
0x5c7: {  	v3 =	vshll.u32 v3, $0x5  }
0x5c8: {  	v3 =	vor.u32 v0, v3;
	v2 =	vld.idx.msk [tilespmem:v2+s3+$0x0], $0xffff  }
0x5c9: {  	v3 =	vor.u32 v1, v3;
	_ =	sdelay $0x1  }
0x5ca: {  	s14 =	simm.s32 $0x20  }
0x5cb: {  	v4 =	vmov s14  }
0x5cc: {  	[tilespmem:s10+$0xFFFFFFE0] =	vst v2;
	v2 =	vshll.u32 v4, $0x5  }
0x5cd: {  	v3 =	vld.idx.msk [tilespmem:v3+s3+$0x0], $0xffff;
	v2 =	vor.u32 v0, v2  }
0x5ce: {  	v2 =	vor.u32 v1, v2;
	_ =	sdelay $0x3  }
0x5cf: {  	s15 =	simm.s32 $0x30;
	[tilespmem:s10+$0xFFFFFFF0] =	vst v3  }
0x5d0: {  	v4 =	vld.idx.msk [tilespmem:v2+s3+$0x0], $0xffff;
	v2 =	vmov s15  }
0x5d1: {  	v2 =	vshll.u32 v2, $0x5  }
0x5d2: {  	v2 =	vor.u32 v0, v2  }
0x5d3: {  	v2 =	vor.u32 v1, v2;
	_ =	sdelay $0x2  }
0x5d4: {  	s12 =	simm.s32 $0x40  }
0x5d5: {  	s13 =	smov.u32 s10;
	s14 =	simm.s32 $0x80;
	v3 =	vmov s12;
	[tilespmem:s10+$0x0] =	vst v4  }
.LBB2_79:
0x5d6: {  	p0 =	sne.s32 s14, $0x3C0;
	v3 =	vshll.u32 v3, $0x5;
	v2 =	vld.idx.msk [tilespmem:v2+s3+$0x0], $0xffff  }
0x5d7: {  	v3 =	vor.u32 v0, v3  }
0x5d8: {  	v3 =	vor.u32 v1, v3;
	_ =	sdelay $0x2  }
0x5d9: {  	s15 =	sadd.s32 $0x10, s12  }
0x5da: {  	v4 =	vmov s15;
	[tilespmem:s13+$0x10] =	vst v2  }
0x5db: {  	v2 =	vld.idx.msk [tilespmem:v3+s3+$0x0], $0xffff;
	v3 =	vshll.u32 v4, $0x5  }
0x5dc: {  	v3 =	vor.u32 v0, v3  }
0x5dd: {  	v3 =	vor.u32 v1, v3;
	_ =	sdelay $0x2  }
0x5de: {  	s15 =	sadd.s32 $0x20, s12;
	s13 =	sadd.s32 $0x40, s13  }
0x5df: {  	[tilespmem:s13+$0xFFFFFFE0] =	vst v2;
	v2 =	vmov s15  }
0x5e0: {  	v3 =	vld.idx.msk [tilespmem:v3+s3+$0x0], $0xffff;
	v2 =	vshll.u32 v2, $0x5  }
0x5e1: {  	v2 =	vor.u32 v0, v2  }
0x5e2: {  	v2 =	vor.u32 v1, v2;
	_ =	sdelay $0x2  }
0x5e3: {  	s15 =	sadd.s32 $0x30, s12;
	s12 =	smov.u32 s14  }
0x5e4: {  	[tilespmem:s13+$0xFFFFFFF0] =	vst v3;
	v3 =	vmov s15  }
0x5e5: {  	v4 =	vld.idx.msk [tilespmem:v2+s3+$0x0], $0xffff;
	v2 =	vshll.u32 v3, $0x5  }
0x5e6: {  	v2 =	vor.u32 v0, v2  }
.Ltmp38:
0x5e7: {  	v2 =	vor.u32 v1, v2;
	(pc) =	sbr.rel @p0 .LBB2_79-.Ltmp38, $2  }
0x5e8: {  	_ =	sdelay $0x2  }
0x5e9: {  	s14 =	sadd.s32 $0x40, s14;
	v3 =	vmov s12;
	[tilespmem:s13+$0x0] =	vst v4  }
0x5ea: {  	_ =	sdelay $0x2  }
0x5eb: {  	v3 =	vshll.u32 v3, $0x5  }
0x5ec: {  	v2 =	vld.idx.msk [tilespmem:v2+s3+$0x0], $0xffff;
	v3 =	vor.u32 v0, v3  }
0x5ed: {  	v3 =	vor.u32 v1, v3;
	_ =	sdelay $0x1  }
0x5ee: {  	s14 =	sadd.s32 $0x10, s12  }
0x5ef: {  	v4 =	vmov s14  }
0x5f0: {  	[tilespmem:s13+$0x10] =	vst v2;
	v2 =	vshll.u32 v4, $0x5  }
0x5f1: {  	v2 =	vor.u32 v0, v2;
	v3 =	vld.idx.msk [tilespmem:v3+s3+$0x0], $0xffff  }
0x5f2: {  	v2 =	vor.u32 v1, v2;
	_ =	sdelay $0x1  }
0x5f3: {  	s15 =	sadd.s32 $0x20, s12  }
0x5f4: {  	v62 =	vmov s15;
	s13 =	sadd.s32 $0x40, s13  }
0x5f5: {  	[tilespmem:s13+$0xFFFFFFE0] =	vst v3;
	v3 =	vshll.u32 v62, $0x5  }
0x5f6: {  	v2 =	vld.idx.msk [tilespmem:v2+s3+$0x0], $0xffff;
	v3 =	vor.u32 v0, v3  }
0x5f7: {  	v3 =	vor.u32 v1, v3;
	_ =	sdelay $0x1  }
0x5f8: {  	s15 =	sadd.s32 $0x30, s12  }
0x5f9: {  	v63 =	vmov s15  }
0x5fa: {  	[tilespmem:s13+$0xFFFFFFF0] =	vst v2;
	v2 =	vshll.u32 v63, $0x5  }
0x5fb: {  	v3 =	vld.idx.msk [tilespmem:v3+s3+$0x0], $0xffff;
	v2 =	vor.u32 v0, v2  }
0x5fc: {  	v1 =	vor.u32 v1, v2;
	_ =	sdelay $0x3  }
0x5fd: {  	s11 =	sadd.s32 $0x1, s11;
	[tilespmem:s13+$0x0] =	vst v3  }
0x5fe: {  	p0 =	sne.s32 s11, $0x20;
	v1 =	vld.idx.msk [tilespmem:v1+s3+$0x0], $0xffff  }
.Ltmp39:
0x5ff: {  	_ = 	snop;
	(pc) =	sbr.rel @p0 .LBB2_78-.Ltmp39, $2  }
0x600: {  	_ =	sdelay $0x2  }
0x601: {  	s10 =	sadd.s32 $0x400, s10;
	[tilespmem:s13+$0x10] =	vst v1  }
0x602: {  	[hbm4b:s22+s25] =	stream.strided.scatter [tilespmem:s5], [sflag:$0x4], $0x8000, s0, s25, $0x38;
	[tilespmem:$0x1E400] =	vst v63  }
0x603: {  	_ =	swait.ge [sflag:s6], $0x8000  }
0x604: {  	[sflag:s6] =	ssyncset.done $0x0  }
0x605: {  	s9 =	simm.s32 $0x5400;
	[sflag:s6] =	ssyncadd.s32 $0xFFFF8000  }
0x606: {  	[tilespmem:s3], [sflag:$0x3] =	stream.indirect.gather [hbm4b:s30+s25], $0x20, s9, s25, $0xb8;
	[tilespmem:$0x1E400] =	vst v63  }
0x607: {  	_ =	swait.ge [sflag:s4], $0x8000  }
0x608: {  	s10 =	simm.s32 $0x16420;
	[sflag:s4] =	ssyncset.done $0x0  }
0x609: {  	s11 =	simm.s32 $0x0;
	s9 =	simm.s32 $0x0;
	[sflag:s4] =	ssyncadd.s32 $0xFFFF8000  }
.LBB2_82:
0x60a: {  	v1 =	vmov s11  }
0x60b: {  	v2 =	vmov s9;
	v1 =	vand.u32 $0x1F, v1  }
0x60c: {  	v2 =	vshll.u32 v2, $0x5;
	v1 =	vbroadcast v1, $0x0  }
0x60d: {  	v2 =	vor.u32 v0, v2  }
0x60e: {  	v2 =	vor.u32 v1, v2;
	_ =	sdelay $0x1  }
0x60f: {  	s12 =	simm.s32 $0x10  }
0x610: {  	v3 =	vmov s12  }
0x611: {  	v3 =	vshll.u32 v3, $0x5  }
0x612: {  	v3 =	vor.u32 v0, v3;
	v2 =	vld.idx.msk [tilespmem:v2+s2+$0x0], $0xffff  }
0x613: {  	v3 =	vor.u32 v1, v3;
	_ =	sdelay $0x1  }
0x614: {  	s14 =	simm.s32 $0x20  }
0x615: {  	v4 =	vmov s14  }
0x616: {  	[tilespmem:s10+$0xFFFFFFE0] =	vst v2;
	v2 =	vshll.u32 v4, $0x5  }
0x617: {  	v3 =	vld.idx.msk [tilespmem:v3+s2+$0x0], $0xffff;
	v2 =	vor.u32 v0, v2  }
0x618: {  	v2 =	vor.u32 v1, v2;
	_ =	sdelay $0x3  }
0x619: {  	s15 =	simm.s32 $0x30;
	[tilespmem:s10+$0xFFFFFFF0] =	vst v3  }
0x61a: {  	v4 =	vld.idx.msk [tilespmem:v2+s2+$0x0], $0xffff;
	v2 =	vmov s15  }
0x61b: {  	v2 =	vshll.u32 v2, $0x5  }
0x61c: {  	v2 =	vor.u32 v0, v2  }
0x61d: {  	v2 =	vor.u32 v1, v2;
	_ =	sdelay $0x2  }
0x61e: {  	s12 =	simm.s32 $0x40  }
0x61f: {  	s13 =	smov.u32 s10;
	s14 =	simm.s32 $0x80;
	v3 =	vmov s12;
	[tilespmem:s10+$0x0] =	vst v4  }
.LBB2_83:
0x620: {  	p0 =	sne.s32 s14, $0x3C0;
	v3 =	vshll.u32 v3, $0x5;
	v2 =	vld.idx.msk [tilespmem:v2+s2+$0x0], $0xffff  }
0x621: {  	v3 =	vor.u32 v0, v3  }
0x622: {  	v3 =	vor.u32 v1, v3;
	_ =	sdelay $0x2  }
0x623: {  	s15 =	sadd.s32 $0x10, s12  }
0x624: {  	v4 =	vmov s15;
	[tilespmem:s13+$0x10] =	vst v2  }
0x625: {  	v2 =	vld.idx.msk [tilespmem:v3+s2+$0x0], $0xffff;
	v3 =	vshll.u32 v4, $0x5  }
0x626: {  	v3 =	vor.u32 v0, v3  }
0x627: {  	v3 =	vor.u32 v1, v3;
	_ =	sdelay $0x2  }
0x628: {  	s15 =	sadd.s32 $0x20, s12;
	s13 =	sadd.s32 $0x40, s13  }
0x629: {  	[tilespmem:s13+$0xFFFFFFE0] =	vst v2;
	v2 =	vmov s15  }
0x62a: {  	v3 =	vld.idx.msk [tilespmem:v3+s2+$0x0], $0xffff;
	v2 =	vshll.u32 v2, $0x5  }
0x62b: {  	v2 =	vor.u32 v0, v2  }
0x62c: {  	v2 =	vor.u32 v1, v2;
	_ =	sdelay $0x2  }
0x62d: {  	s15 =	sadd.s32 $0x30, s12;
	s12 =	smov.u32 s14  }
0x62e: {  	[tilespmem:s13+$0xFFFFFFF0] =	vst v3;
	v3 =	vmov s15  }
0x62f: {  	v4 =	vld.idx.msk [tilespmem:v2+s2+$0x0], $0xffff;
	v2 =	vshll.u32 v3, $0x5  }
0x630: {  	v2 =	vor.u32 v0, v2  }
.Ltmp40:
0x631: {  	v2 =	vor.u32 v1, v2;
	(pc) =	sbr.rel @p0 .LBB2_83-.Ltmp40, $2  }
0x632: {  	_ =	sdelay $0x2  }
0x633: {  	s14 =	sadd.s32 $0x40, s14;
	v3 =	vmov s12;
	[tilespmem:s13+$0x0] =	vst v4  }
0x634: {  	_ =	sdelay $0x2  }
0x635: {  	v3 =	vshll.u32 v3, $0x5  }
0x636: {  	v2 =	vld.idx.msk [tilespmem:v2+s2+$0x0], $0xffff;
	v3 =	vor.u32 v0, v3  }
0x637: {  	v3 =	vor.u32 v1, v3;
	_ =	sdelay $0x1  }
0x638: {  	s14 =	sadd.s32 $0x10, s12  }
0x639: {  	v4 =	vmov s14  }
0x63a: {  	[tilespmem:s13+$0x10] =	vst v2;
	v2 =	vshll.u32 v4, $0x5  }
0x63b: {  	v2 =	vor.u32 v0, v2;
	v3 =	vld.idx.msk [tilespmem:v3+s2+$0x0], $0xffff  }
0x63c: {  	v2 =	vor.u32 v1, v2;
	_ =	sdelay $0x1  }
0x63d: {  	s15 =	sadd.s32 $0x20, s12  }
0x63e: {  	v62 =	vmov s15;
	s13 =	sadd.s32 $0x40, s13  }
0x63f: {  	[tilespmem:s13+$0xFFFFFFE0] =	vst v3;
	v3 =	vshll.u32 v62, $0x5  }
0x640: {  	v2 =	vld.idx.msk [tilespmem:v2+s2+$0x0], $0xffff;
	v3 =	vor.u32 v0, v3  }
0x641: {  	v3 =	vor.u32 v1, v3;
	_ =	sdelay $0x1  }
0x642: {  	s15 =	sadd.s32 $0x30, s12  }
0x643: {  	v63 =	vmov s15  }
0x644: {  	[tilespmem:s13+$0xFFFFFFF0] =	vst v2;
	v2 =	vshll.u32 v63, $0x5  }
0x645: {  	v3 =	vld.idx.msk [tilespmem:v3+s2+$0x0], $0xffff;
	v2 =	vor.u32 v0, v2  }
0x646: {  	v1 =	vor.u32 v1, v2;
	_ =	sdelay $0x3  }
0x647: {  	s11 =	sadd.s32 $0x1, s11;
	[tilespmem:s13+$0x0] =	vst v3  }
0x648: {  	p0 =	sne.s32 s11, $0x20;
	v1 =	vld.idx.msk [tilespmem:v1+s2+$0x0], $0xffff  }
.Ltmp41:
0x649: {  	_ = 	snop;
	(pc) =	sbr.rel @p0 .LBB2_82-.Ltmp41, $2  }
0x64a: {  	_ =	sdelay $0x2  }
0x64b: {  	s10 =	sadd.s32 $0x400, s10;
	[tilespmem:s13+$0x10] =	vst v1  }
0x64c: {  	[hbm4b:s23+s25] =	stream.strided.scatter [tilespmem:s5], [sflag:$0x4], $0x8000, s0, s25, $0x38;
	[tilespmem:$0x1E400] =	vst v63  }
0x64d: {  	_ =	swait.ge [sflag:s6], $0x8000  }
0x64e: {  	[sflag:s6] =	ssyncset.done $0x0  }
0x64f: {  	s9 =	simm.s32 $0x5800;
	[sflag:s6] =	ssyncadd.s32 $0xFFFF8000  }
0x650: {  	[tilespmem:s2], [sflag:$0x2] =	stream.indirect.gather [hbm4b:s30+s25], $0x20, s9, s25, $0xb8;
	[tilespmem:$0x1E400] =	vst v63  }
0x651: {  	_ =	swait.ge [sflag:s7], $0x8000  }
0x652: {  	s10 =	simm.s32 $0x16420;
	[sflag:s7] =	ssyncset.done $0x0  }
0x653: {  	s11 =	simm.s32 $0x0;
	s9 =	simm.s32 $0x0;
	[sflag:s7] =	ssyncadd.s32 $0xFFFF8000  }
.LBB2_86:
0x654: {  	v1 =	vmov s11  }
0x655: {  	v2 =	vmov s9;
	v1 =	vand.u32 $0x1F, v1  }
0x656: {  	v2 =	vshll.u32 v2, $0x5;
	v1 =	vbroadcast v1, $0x0  }
0x657: {  	v2 =	vor.u32 v0, v2  }
0x658: {  	v2 =	vor.u32 v1, v2;
	_ =	sdelay $0x1  }
0x659: {  	s12 =	simm.s32 $0x10  }
0x65a: {  	v3 =	vmov s12  }
0x65b: {  	v3 =	vshll.u32 v3, $0x5  }
0x65c: {  	v3 =	vor.u32 v0, v3;
	v2 =	vld.idx.msk [tilespmem:v2+s3+$0x0], $0xffff  }
0x65d: {  	v3 =	vor.u32 v1, v3;
	_ =	sdelay $0x1  }
0x65e: {  	s14 =	simm.s32 $0x20  }
0x65f: {  	v4 =	vmov s14  }
0x660: {  	[tilespmem:s10+$0xFFFFFFE0] =	vst v2;
	v2 =	vshll.u32 v4, $0x5  }
0x661: {  	v3 =	vld.idx.msk [tilespmem:v3+s3+$0x0], $0xffff;
	v2 =	vor.u32 v0, v2  }
0x662: {  	v2 =	vor.u32 v1, v2;
	_ =	sdelay $0x3  }
0x663: {  	s15 =	simm.s32 $0x30;
	[tilespmem:s10+$0xFFFFFFF0] =	vst v3  }
0x664: {  	v4 =	vld.idx.msk [tilespmem:v2+s3+$0x0], $0xffff;
	v2 =	vmov s15  }
0x665: {  	v2 =	vshll.u32 v2, $0x5  }
0x666: {  	v2 =	vor.u32 v0, v2  }
0x667: {  	v2 =	vor.u32 v1, v2;
	_ =	sdelay $0x2  }
0x668: {  	s12 =	simm.s32 $0x40  }
0x669: {  	s13 =	smov.u32 s10;
	s14 =	simm.s32 $0x80;
	v3 =	vmov s12;
	[tilespmem:s10+$0x0] =	vst v4  }
.LBB2_87:
0x66a: {  	p0 =	sne.s32 s14, $0x3C0;
	v3 =	vshll.u32 v3, $0x5;
	v2 =	vld.idx.msk [tilespmem:v2+s3+$0x0], $0xffff  }
0x66b: {  	v3 =	vor.u32 v0, v3  }
0x66c: {  	v3 =	vor.u32 v1, v3;
	_ =	sdelay $0x2  }
0x66d: {  	s15 =	sadd.s32 $0x10, s12  }
0x66e: {  	v4 =	vmov s15;
	[tilespmem:s13+$0x10] =	vst v2  }
0x66f: {  	v2 =	vld.idx.msk [tilespmem:v3+s3+$0x0], $0xffff;
	v3 =	vshll.u32 v4, $0x5  }
0x670: {  	v3 =	vor.u32 v0, v3  }
0x671: {  	v3 =	vor.u32 v1, v3;
	_ =	sdelay $0x2  }
0x672: {  	s15 =	sadd.s32 $0x20, s12;
	s13 =	sadd.s32 $0x40, s13  }
0x673: {  	[tilespmem:s13+$0xFFFFFFE0] =	vst v2;
	v2 =	vmov s15  }
0x674: {  	v3 =	vld.idx.msk [tilespmem:v3+s3+$0x0], $0xffff;
	v2 =	vshll.u32 v2, $0x5  }
0x675: {  	v2 =	vor.u32 v0, v2  }
0x676: {  	v2 =	vor.u32 v1, v2;
	_ =	sdelay $0x2  }
0x677: {  	s15 =	sadd.s32 $0x30, s12;
	s12 =	smov.u32 s14  }
0x678: {  	[tilespmem:s13+$0xFFFFFFF0] =	vst v3;
	v3 =	vmov s15  }
0x679: {  	v4 =	vld.idx.msk [tilespmem:v2+s3+$0x0], $0xffff;
	v2 =	vshll.u32 v3, $0x5  }
0x67a: {  	v2 =	vor.u32 v0, v2  }
.Ltmp42:
0x67b: {  	v2 =	vor.u32 v1, v2;
	(pc) =	sbr.rel @p0 .LBB2_87-.Ltmp42, $2  }
0x67c: {  	_ =	sdelay $0x2  }
0x67d: {  	s14 =	sadd.s32 $0x40, s14;
	v3 =	vmov s12;
	[tilespmem:s13+$0x0] =	vst v4  }
0x67e: {  	_ =	sdelay $0x2  }
0x67f: {  	v3 =	vshll.u32 v3, $0x5  }
0x680: {  	v2 =	vld.idx.msk [tilespmem:v2+s3+$0x0], $0xffff;
	v3 =	vor.u32 v0, v3  }
0x681: {  	v3 =	vor.u32 v1, v3;
	_ =	sdelay $0x1  }
0x682: {  	s14 =	sadd.s32 $0x10, s12  }
0x683: {  	v4 =	vmov s14  }
0x684: {  	[tilespmem:s13+$0x10] =	vst v2;
	v2 =	vshll.u32 v4, $0x5  }
0x685: {  	v2 =	vor.u32 v0, v2;
	v3 =	vld.idx.msk [tilespmem:v3+s3+$0x0], $0xffff  }
0x686: {  	v2 =	vor.u32 v1, v2;
	_ =	sdelay $0x1  }
0x687: {  	s15 =	sadd.s32 $0x20, s12  }
0x688: {  	v62 =	vmov s15;
	s13 =	sadd.s32 $0x40, s13  }
0x689: {  	[tilespmem:s13+$0xFFFFFFE0] =	vst v3;
	v3 =	vshll.u32 v62, $0x5  }
0x68a: {  	v2 =	vld.idx.msk [tilespmem:v2+s3+$0x0], $0xffff;
	v3 =	vor.u32 v0, v3  }
0x68b: {  	v3 =	vor.u32 v1, v3;
	_ =	sdelay $0x1  }
0x68c: {  	s15 =	sadd.s32 $0x30, s12  }
0x68d: {  	v63 =	vmov s15  }
0x68e: {  	[tilespmem:s13+$0xFFFFFFF0] =	vst v2;
	v2 =	vshll.u32 v63, $0x5  }
0x68f: {  	v3 =	vld.idx.msk [tilespmem:v3+s3+$0x0], $0xffff;
	v2 =	vor.u32 v0, v2  }
0x690: {  	v1 =	vor.u32 v1, v2;
	_ =	sdelay $0x3  }
0x691: {  	s11 =	sadd.s32 $0x1, s11;
	[tilespmem:s13+$0x0] =	vst v3  }
0x692: {  	p0 =	sne.s32 s11, $0x20;
	v1 =	vld.idx.msk [tilespmem:v1+s3+$0x0], $0xffff  }
.Ltmp43:
0x693: {  	_ = 	snop;
	(pc) =	sbr.rel @p0 .LBB2_86-.Ltmp43, $2  }
0x694: {  	_ =	sdelay $0x2  }
0x695: {  	s10 =	sadd.s32 $0x400, s10;
	[tilespmem:s13+$0x10] =	vst v1  }
0x696: {  	[hbm4b:s24+s25] =	stream.strided.scatter [tilespmem:s5], [sflag:$0x4], $0x8000, s0, s25, $0x38;
	[tilespmem:$0x1E400] =	vst v63  }
0x697: {  	_ =	swait.ge [sflag:s6], $0x8000  }
0x698: {  	[sflag:s6] =	ssyncset.done $0x0  }
0x699: {  	s9 =	simm.s32 $0x5C00;
	[sflag:s6] =	ssyncadd.s32 $0xFFFF8000  }
0x69a: {  	[tilespmem:s3], [sflag:$0x3] =	stream.indirect.gather [hbm4b:s30+s25], $0x20, s9, s25, $0xb8;
	[tilespmem:$0x1E400] =	vst v63  }
0x69b: {  	_ =	swait.ge [sflag:s4], $0x8000  }
0x69c: {  	s10 =	simm.s32 $0x16420;
	[sflag:s4] =	ssyncset.done $0x0  }
0x69d: {  	s11 =	simm.s32 $0x0;
	s9 =	simm.s32 $0x0;
	[sflag:s4] =	ssyncadd.s32 $0xFFFF8000  }
.LBB2_90:
0x69e: {  	v1 =	vmov s11  }
0x69f: {  	v2 =	vmov s9;
	v1 =	vand.u32 $0x1F, v1  }
0x6a0: {  	v2 =	vshll.u32 v2, $0x5;
	v1 =	vbroadcast v1, $0x0  }
0x6a1: {  	v2 =	vor.u32 v0, v2  }
0x6a2: {  	v2 =	vor.u32 v1, v2;
	_ =	sdelay $0x1  }
0x6a3: {  	s12 =	simm.s32 $0x10  }
0x6a4: {  	v3 =	vmov s12  }
0x6a5: {  	v3 =	vshll.u32 v3, $0x5  }
0x6a6: {  	v3 =	vor.u32 v0, v3;
	v2 =	vld.idx.msk [tilespmem:v2+s2+$0x0], $0xffff  }
0x6a7: {  	v3 =	vor.u32 v1, v3;
	_ =	sdelay $0x1  }
0x6a8: {  	s14 =	simm.s32 $0x20  }
0x6a9: {  	v4 =	vmov s14  }
0x6aa: {  	[tilespmem:s10+$0xFFFFFFE0] =	vst v2;
	v2 =	vshll.u32 v4, $0x5  }
0x6ab: {  	v3 =	vld.idx.msk [tilespmem:v3+s2+$0x0], $0xffff;
	v2 =	vor.u32 v0, v2  }
0x6ac: {  	v2 =	vor.u32 v1, v2;
	_ =	sdelay $0x3  }
0x6ad: {  	s15 =	simm.s32 $0x30;
	[tilespmem:s10+$0xFFFFFFF0] =	vst v3  }
0x6ae: {  	v4 =	vld.idx.msk [tilespmem:v2+s2+$0x0], $0xffff;
	v2 =	vmov s15  }
0x6af: {  	v2 =	vshll.u32 v2, $0x5  }
0x6b0: {  	v2 =	vor.u32 v0, v2  }
0x6b1: {  	v2 =	vor.u32 v1, v2;
	_ =	sdelay $0x2  }
0x6b2: {  	s12 =	simm.s32 $0x40  }
0x6b3: {  	s13 =	smov.u32 s10;
	s14 =	simm.s32 $0x80;
	v3 =	vmov s12;
	[tilespmem:s10+$0x0] =	vst v4  }
.LBB2_91:
0x6b4: {  	p0 =	sne.s32 s14, $0x3C0;
	v3 =	vshll.u32 v3, $0x5;
	v2 =	vld.idx.msk [tilespmem:v2+s2+$0x0], $0xffff  }
0x6b5: {  	v3 =	vor.u32 v0, v3  }
0x6b6: {  	v3 =	vor.u32 v1, v3;
	_ =	sdelay $0x2  }
0x6b7: {  	s15 =	sadd.s32 $0x10, s12  }
0x6b8: {  	v4 =	vmov s15;
	[tilespmem:s13+$0x10] =	vst v2  }
0x6b9: {  	v2 =	vld.idx.msk [tilespmem:v3+s2+$0x0], $0xffff;
	v3 =	vshll.u32 v4, $0x5  }
0x6ba: {  	v3 =	vor.u32 v0, v3  }
0x6bb: {  	v3 =	vor.u32 v1, v3;
	_ =	sdelay $0x2  }
0x6bc: {  	s15 =	sadd.s32 $0x20, s12;
	s13 =	sadd.s32 $0x40, s13  }
0x6bd: {  	[tilespmem:s13+$0xFFFFFFE0] =	vst v2;
	v2 =	vmov s15  }
0x6be: {  	v3 =	vld.idx.msk [tilespmem:v3+s2+$0x0], $0xffff;
	v2 =	vshll.u32 v2, $0x5  }
0x6bf: {  	v2 =	vor.u32 v0, v2  }
0x6c0: {  	v2 =	vor.u32 v1, v2;
	_ =	sdelay $0x2  }
0x6c1: {  	s15 =	sadd.s32 $0x30, s12;
	s12 =	smov.u32 s14  }
0x6c2: {  	[tilespmem:s13+$0xFFFFFFF0] =	vst v3;
	v3 =	vmov s15  }
0x6c3: {  	v4 =	vld.idx.msk [tilespmem:v2+s2+$0x0], $0xffff;
	v2 =	vshll.u32 v3, $0x5  }
0x6c4: {  	v2 =	vor.u32 v0, v2  }
.Ltmp44:
0x6c5: {  	v2 =	vor.u32 v1, v2;
	(pc) =	sbr.rel @p0 .LBB2_91-.Ltmp44, $2  }
0x6c6: {  	_ =	sdelay $0x2  }
0x6c7: {  	s14 =	sadd.s32 $0x40, s14;
	v3 =	vmov s12;
	[tilespmem:s13+$0x0] =	vst v4  }
0x6c8: {  	_ =	sdelay $0x2  }
0x6c9: {  	v3 =	vshll.u32 v3, $0x5  }
0x6ca: {  	v2 =	vld.idx.msk [tilespmem:v2+s2+$0x0], $0xffff;
	v3 =	vor.u32 v0, v3  }
0x6cb: {  	v3 =	vor.u32 v1, v3;
	_ =	sdelay $0x1  }
0x6cc: {  	s14 =	sadd.s32 $0x10, s12  }
0x6cd: {  	v4 =	vmov s14  }
0x6ce: {  	[tilespmem:s13+$0x10] =	vst v2;
	v2 =	vshll.u32 v4, $0x5  }
0x6cf: {  	v2 =	vor.u32 v0, v2;
	v3 =	vld.idx.msk [tilespmem:v3+s2+$0x0], $0xffff  }
0x6d0: {  	v2 =	vor.u32 v1, v2;
	_ =	sdelay $0x1  }
0x6d1: {  	s15 =	sadd.s32 $0x20, s12  }
0x6d2: {  	v62 =	vmov s15;
	s13 =	sadd.s32 $0x40, s13  }
0x6d3: {  	[tilespmem:s13+$0xFFFFFFE0] =	vst v3;
	v3 =	vshll.u32 v62, $0x5  }
0x6d4: {  	v2 =	vld.idx.msk [tilespmem:v2+s2+$0x0], $0xffff;
	v3 =	vor.u32 v0, v3  }
0x6d5: {  	v3 =	vor.u32 v1, v3;
	_ =	sdelay $0x1  }
0x6d6: {  	s15 =	sadd.s32 $0x30, s12  }
0x6d7: {  	v63 =	vmov s15  }
0x6d8: {  	[tilespmem:s13+$0xFFFFFFF0] =	vst v2;
	v2 =	vshll.u32 v63, $0x5  }
0x6d9: {  	v3 =	vld.idx.msk [tilespmem:v3+s2+$0x0], $0xffff;
	v2 =	vor.u32 v0, v2  }
0x6da: {  	v1 =	vor.u32 v1, v2;
	_ =	sdelay $0x3  }
0x6db: {  	s11 =	sadd.s32 $0x1, s11;
	[tilespmem:s13+$0x0] =	vst v3  }
0x6dc: {  	p0 =	sne.s32 s11, $0x20;
	v1 =	vld.idx.msk [tilespmem:v1+s2+$0x0], $0xffff  }
.Ltmp45:
0x6dd: {  	_ = 	snop;
	(pc) =	sbr.rel @p0 .LBB2_90-.Ltmp45, $2  }
0x6de: {  	_ =	sdelay $0x2  }
0x6df: {  	s10 =	sadd.s32 $0x400, s10;
	[tilespmem:s13+$0x10] =	vst v1  }
0x6e0: {  	[hbm4b:s26+s25] =	stream.strided.scatter [tilespmem:s5], [sflag:$0x4], $0x8000, s0, s25, $0x38;
	[tilespmem:$0x1E400] =	vst v63  }
0x6e1: {  	_ =	swait.ge [sflag:s6], $0x8000  }
0x6e2: {  	[sflag:s6] =	ssyncset.done $0x0  }
0x6e3: {  	s9 =	simm.s32 $0x6000;
	[sflag:s6] =	ssyncadd.s32 $0xFFFF8000  }
0x6e4: {  	[tilespmem:s2], [sflag:$0x2] =	stream.indirect.gather [hbm4b:s30+s25], $0x20, s9, s25, $0xb8;
	[tilespmem:$0x1E400] =	vst v63  }
0x6e5: {  	_ =	swait.ge [sflag:s7], $0x8000  }
0x6e6: {  	s10 =	simm.s32 $0x16420;
	[sflag:s7] =	ssyncset.done $0x0  }
0x6e7: {  	s11 =	simm.s32 $0x0;
	s9 =	simm.s32 $0x0;
	[sflag:s7] =	ssyncadd.s32 $0xFFFF8000  }
.LBB2_94:
0x6e8: {  	v1 =	vmov s11  }
0x6e9: {  	v2 =	vmov s9;
	v1 =	vand.u32 $0x1F, v1  }
0x6ea: {  	v2 =	vshll.u32 v2, $0x5;
	v1 =	vbroadcast v1, $0x0  }
0x6eb: {  	v2 =	vor.u32 v0, v2  }
0x6ec: {  	v2 =	vor.u32 v1, v2;
	_ =	sdelay $0x1  }
0x6ed: {  	s12 =	simm.s32 $0x10  }
0x6ee: {  	v3 =	vmov s12  }
0x6ef: {  	v3 =	vshll.u32 v3, $0x5  }
0x6f0: {  	v3 =	vor.u32 v0, v3;
	v2 =	vld.idx.msk [tilespmem:v2+s3+$0x0], $0xffff  }
0x6f1: {  	v3 =	vor.u32 v1, v3;
	_ =	sdelay $0x1  }
0x6f2: {  	s14 =	simm.s32 $0x20  }
0x6f3: {  	v4 =	vmov s14  }
0x6f4: {  	[tilespmem:s10+$0xFFFFFFE0] =	vst v2;
	v2 =	vshll.u32 v4, $0x5  }
0x6f5: {  	v3 =	vld.idx.msk [tilespmem:v3+s3+$0x0], $0xffff;
	v2 =	vor.u32 v0, v2  }
0x6f6: {  	v2 =	vor.u32 v1, v2;
	_ =	sdelay $0x3  }
0x6f7: {  	s15 =	simm.s32 $0x30;
	[tilespmem:s10+$0xFFFFFFF0] =	vst v3  }
0x6f8: {  	v4 =	vld.idx.msk [tilespmem:v2+s3+$0x0], $0xffff;
	v2 =	vmov s15  }
0x6f9: {  	v2 =	vshll.u32 v2, $0x5  }
0x6fa: {  	v2 =	vor.u32 v0, v2  }
0x6fb: {  	v2 =	vor.u32 v1, v2;
	_ =	sdelay $0x2  }
0x6fc: {  	s12 =	simm.s32 $0x40  }
0x6fd: {  	s13 =	smov.u32 s10;
	s14 =	simm.s32 $0x80;
	v3 =	vmov s12;
	[tilespmem:s10+$0x0] =	vst v4  }
.LBB2_95:
0x6fe: {  	p0 =	sne.s32 s14, $0x3C0;
	v3 =	vshll.u32 v3, $0x5;
	v2 =	vld.idx.msk [tilespmem:v2+s3+$0x0], $0xffff  }
0x6ff: {  	v3 =	vor.u32 v0, v3  }
0x700: {  	v3 =	vor.u32 v1, v3;
	_ =	sdelay $0x2  }
0x701: {  	s15 =	sadd.s32 $0x10, s12  }
0x702: {  	v4 =	vmov s15;
	[tilespmem:s13+$0x10] =	vst v2  }
0x703: {  	v2 =	vld.idx.msk [tilespmem:v3+s3+$0x0], $0xffff;
	v3 =	vshll.u32 v4, $0x5  }
0x704: {  	v3 =	vor.u32 v0, v3  }
0x705: {  	v3 =	vor.u32 v1, v3;
	_ =	sdelay $0x2  }
0x706: {  	s15 =	sadd.s32 $0x20, s12;
	s13 =	sadd.s32 $0x40, s13  }
0x707: {  	[tilespmem:s13+$0xFFFFFFE0] =	vst v2;
	v2 =	vmov s15  }
0x708: {  	v3 =	vld.idx.msk [tilespmem:v3+s3+$0x0], $0xffff;
	v2 =	vshll.u32 v2, $0x5  }
0x709: {  	v2 =	vor.u32 v0, v2  }
0x70a: {  	v2 =	vor.u32 v1, v2;
	_ =	sdelay $0x2  }
0x70b: {  	s15 =	sadd.s32 $0x30, s12;
	s12 =	smov.u32 s14  }
0x70c: {  	[tilespmem:s13+$0xFFFFFFF0] =	vst v3;
	v3 =	vmov s15  }
0x70d: {  	v4 =	vld.idx.msk [tilespmem:v2+s3+$0x0], $0xffff;
	v2 =	vshll.u32 v3, $0x5  }
0x70e: {  	v2 =	vor.u32 v0, v2  }
.Ltmp46:
0x70f: {  	v2 =	vor.u32 v1, v2;
	(pc) =	sbr.rel @p0 .LBB2_95-.Ltmp46, $2  }
0x710: {  	_ =	sdelay $0x2  }
0x711: {  	s14 =	sadd.s32 $0x40, s14;
	v3 =	vmov s12;
	[tilespmem:s13+$0x0] =	vst v4  }
0x712: {  	_ =	sdelay $0x2  }
0x713: {  	v3 =	vshll.u32 v3, $0x5  }
0x714: {  	v2 =	vld.idx.msk [tilespmem:v2+s3+$0x0], $0xffff;
	v3 =	vor.u32 v0, v3  }
0x715: {  	v3 =	vor.u32 v1, v3;
	_ =	sdelay $0x1  }
0x716: {  	s14 =	sadd.s32 $0x10, s12  }
0x717: {  	v4 =	vmov s14  }
0x718: {  	[tilespmem:s13+$0x10] =	vst v2;
	v2 =	vshll.u32 v4, $0x5  }
0x719: {  	v2 =	vor.u32 v0, v2;
	v3 =	vld.idx.msk [tilespmem:v3+s3+$0x0], $0xffff  }
0x71a: {  	v2 =	vor.u32 v1, v2;
	_ =	sdelay $0x1  }
0x71b: {  	s15 =	sadd.s32 $0x20, s12  }
0x71c: {  	v62 =	vmov s15;
	s13 =	sadd.s32 $0x40, s13  }
0x71d: {  	[tilespmem:s13+$0xFFFFFFE0] =	vst v3;
	v3 =	vshll.u32 v62, $0x5  }
0x71e: {  	v2 =	vld.idx.msk [tilespmem:v2+s3+$0x0], $0xffff;
	v3 =	vor.u32 v0, v3  }
0x71f: {  	v3 =	vor.u32 v1, v3;
	_ =	sdelay $0x1  }
0x720: {  	s15 =	sadd.s32 $0x30, s12  }
0x721: {  	v63 =	vmov s15  }
0x722: {  	[tilespmem:s13+$0xFFFFFFF0] =	vst v2;
	v2 =	vshll.u32 v63, $0x5  }
0x723: {  	v3 =	vld.idx.msk [tilespmem:v3+s3+$0x0], $0xffff;
	v2 =	vor.u32 v0, v2  }
0x724: {  	v1 =	vor.u32 v1, v2;
	_ =	sdelay $0x3  }
0x725: {  	s11 =	sadd.s32 $0x1, s11;
	[tilespmem:s13+$0x0] =	vst v3  }
0x726: {  	p0 =	sne.s32 s11, $0x20;
	v1 =	vld.idx.msk [tilespmem:v1+s3+$0x0], $0xffff  }
.Ltmp47:
0x727: {  	_ = 	snop;
	(pc) =	sbr.rel @p0 .LBB2_94-.Ltmp47, $2  }
0x728: {  	_ =	sdelay $0x2  }
0x729: {  	s10 =	sadd.s32 $0x400, s10;
	[tilespmem:s13+$0x10] =	vst v1  }
0x72a: {  	[hbm4b:s28+s25] =	stream.strided.scatter [tilespmem:s5], [sflag:$0x4], $0x8000, s0, s25, $0x38;
	[tilespmem:$0x1E400] =	vst v63  }
0x72b: {  	_ =	swait.ge [sflag:s6], $0x8000  }
0x72c: {  	[sflag:s6] =	ssyncset.done $0x0  }
0x72d: {  	[sflag:s6] =	ssyncadd.s32 $0xFFFF8000  }
0x72e: {  	_ =	swait.ge [sflag:s4], $0x8000  }
0x72f: {  	s9 =	simm.s32 $0x0;
	[sflag:s4] =	ssyncset.done $0x0  }
0x730: {  	s10 =	simm.s32 $0x16420;
	s11 =	simm.s32 $0x0;
	[sflag:s4] =	ssyncadd.s32 $0xFFFF8000  }
.LBB2_98:
0x731: {  	v1 =	vmov s11  }
0x732: {  	v2 =	vmov s9;
	v1 =	vand.u32 $0x1F, v1  }
0x733: {  	v2 =	vshll.u32 v2, $0x5;
	v1 =	vbroadcast v1, $0x0  }
0x734: {  	v2 =	vor.u32 v0, v2  }
0x735: {  	v2 =	vor.u32 v1, v2;
	_ =	sdelay $0x1  }
0x736: {  	s12 =	simm.s32 $0x10  }
0x737: {  	v3 =	vmov s12  }
0x738: {  	v3 =	vshll.u32 v3, $0x5  }
0x739: {  	v3 =	vor.u32 v0, v3;
	v2 =	vld.idx.msk [tilespmem:v2+s2+$0x0], $0xffff  }
0x73a: {  	v3 =	vor.u32 v1, v3;
	_ =	sdelay $0x1  }
0x73b: {  	s14 =	simm.s32 $0x20  }
0x73c: {  	v4 =	vmov s14  }
0x73d: {  	[tilespmem:s10+$0xFFFFFFE0] =	vst v2;
	v2 =	vshll.u32 v4, $0x5  }
0x73e: {  	v3 =	vld.idx.msk [tilespmem:v3+s2+$0x0], $0xffff;
	v2 =	vor.u32 v0, v2  }
0x73f: {  	v2 =	vor.u32 v1, v2;
	_ =	sdelay $0x3  }
0x740: {  	s15 =	simm.s32 $0x30;
	[tilespmem:s10+$0xFFFFFFF0] =	vst v3  }
0x741: {  	v4 =	vld.idx.msk [tilespmem:v2+s2+$0x0], $0xffff;
	v2 =	vmov s15  }
0x742: {  	v2 =	vshll.u32 v2, $0x5  }
0x743: {  	v2 =	vor.u32 v0, v2  }
0x744: {  	v2 =	vor.u32 v1, v2;
	_ =	sdelay $0x2  }
0x745: {  	s12 =	simm.s32 $0x40  }
0x746: {  	s13 =	smov.u32 s10;
	s14 =	simm.s32 $0x80;
	v3 =	vmov s12;
	[tilespmem:s10+$0x0] =	vst v4  }
.LBB2_99:
0x747: {  	p0 =	sne.s32 s14, $0x3C0;
	v3 =	vshll.u32 v3, $0x5;
	v2 =	vld.idx.msk [tilespmem:v2+s2+$0x0], $0xffff  }
0x748: {  	v3 =	vor.u32 v0, v3  }
0x749: {  	v3 =	vor.u32 v1, v3;
	_ =	sdelay $0x2  }
0x74a: {  	s15 =	sadd.s32 $0x10, s12  }
0x74b: {  	v4 =	vmov s15;
	[tilespmem:s13+$0x10] =	vst v2  }
0x74c: {  	v2 =	vld.idx.msk [tilespmem:v3+s2+$0x0], $0xffff;
	v3 =	vshll.u32 v4, $0x5  }
0x74d: {  	v3 =	vor.u32 v0, v3  }
0x74e: {  	v3 =	vor.u32 v1, v3;
	_ =	sdelay $0x2  }
0x74f: {  	s15 =	sadd.s32 $0x20, s12;
	s13 =	sadd.s32 $0x40, s13  }
0x750: {  	[tilespmem:s13+$0xFFFFFFE0] =	vst v2;
	v2 =	vmov s15  }
0x751: {  	v3 =	vld.idx.msk [tilespmem:v3+s2+$0x0], $0xffff;
	v2 =	vshll.u32 v2, $0x5  }
0x752: {  	v2 =	vor.u32 v0, v2  }
0x753: {  	v2 =	vor.u32 v1, v2;
	_ =	sdelay $0x2  }
0x754: {  	s15 =	sadd.s32 $0x30, s12;
	s12 =	smov.u32 s14  }
0x755: {  	[tilespmem:s13+$0xFFFFFFF0] =	vst v3;
	v3 =	vmov s15  }
0x756: {  	v4 =	vld.idx.msk [tilespmem:v2+s2+$0x0], $0xffff;
	v2 =	vshll.u32 v3, $0x5  }
0x757: {  	v2 =	vor.u32 v0, v2  }
.Ltmp48:
0x758: {  	v2 =	vor.u32 v1, v2;
	(pc) =	sbr.rel @p0 .LBB2_99-.Ltmp48, $2  }
0x759: {  	_ =	sdelay $0x2  }
0x75a: {  	s14 =	sadd.s32 $0x40, s14;
	v3 =	vmov s12;
	[tilespmem:s13+$0x0] =	vst v4  }
0x75b: {  	_ =	sdelay $0x2  }
0x75c: {  	v3 =	vshll.u32 v3, $0x5  }
0x75d: {  	v2 =	vld.idx.msk [tilespmem:v2+s2+$0x0], $0xffff;
	v3 =	vor.u32 v0, v3  }
0x75e: {  	v3 =	vor.u32 v1, v3;
	_ =	sdelay $0x1  }
0x75f: {  	s14 =	sadd.s32 $0x10, s12  }
0x760: {  	v4 =	vmov s14  }
0x761: {  	[tilespmem:s13+$0x10] =	vst v2;
	v2 =	vshll.u32 v4, $0x5  }
0x762: {  	v2 =	vor.u32 v0, v2;
	v3 =	vld.idx.msk [tilespmem:v3+s2+$0x0], $0xffff  }
0x763: {  	v2 =	vor.u32 v1, v2;
	_ =	sdelay $0x1  }
0x764: {  	s15 =	sadd.s32 $0x20, s12  }
0x765: {  	v62 =	vmov s15;
	s13 =	sadd.s32 $0x40, s13  }
0x766: {  	[tilespmem:s13+$0xFFFFFFE0] =	vst v3;
	v3 =	vshll.u32 v62, $0x5  }
0x767: {  	v2 =	vld.idx.msk [tilespmem:v2+s2+$0x0], $0xffff;
	v3 =	vor.u32 v0, v3  }
0x768: {  	v3 =	vor.u32 v1, v3;
	_ =	sdelay $0x1  }
0x769: {  	s15 =	sadd.s32 $0x30, s12  }
0x76a: {  	v63 =	vmov s15  }
0x76b: {  	[tilespmem:s13+$0xFFFFFFF0] =	vst v2;
	v2 =	vshll.u32 v63, $0x5  }
0x76c: {  	v3 =	vld.idx.msk [tilespmem:v3+s2+$0x0], $0xffff;
	v2 =	vor.u32 v0, v2  }
0x76d: {  	v1 =	vor.u32 v1, v2;
	_ =	sdelay $0x3  }
0x76e: {  	s11 =	sadd.s32 $0x1, s11;
	[tilespmem:s13+$0x0] =	vst v3  }
0x76f: {  	p0 =	sne.s32 s11, $0x20;
	v1 =	vld.idx.msk [tilespmem:v1+s2+$0x0], $0xffff  }
.Ltmp49:
0x770: {  	_ = 	snop;
	(pc) =	sbr.rel @p0 .LBB2_98-.Ltmp49, $2  }
0x771: {  	_ =	sdelay $0x2  }
0x772: {  	s10 =	sadd.s32 $0x400, s10;
	[tilespmem:s13+$0x10] =	vst v1  }
0x773: {  	s8 =	sadd.s32 $0x1, s8  }
0x774: {  	p0 =	sne.s32 s8, s31  }
.Ltmp50:
0x775: {  	_ = 	snop;
	(pc) =	sbr.rel @p0 .LBB2_1-.Ltmp50, $4  }
0x776: {  	[hbm4b:s29+s25] =	stream.strided.scatter [tilespmem:s5], [sflag:$0x4], $0x8000, s0, s25, $0x38;
	[tilespmem:$0x1E400] =	vst v63  }
0x777: {  	_ =	swait.ge [sflag:s6], $0x8000  }
0x778: {  	[sflag:s6] =	ssyncset.done $0x0  }
0x779: {  	[sflag:s6] =	ssyncadd.s32 $0xFFFF8000  }
0x77a: {  	_ =	sfence.sel $0x180000  }
0x77b: {  	[bflag:$0x0] =	sbarrier.arrive $0xFFFF  }
0x77c: {  	_ =	strace $0x90000047  }
0x77d: {  	s0 =	stileid.u32;
	[bflag:$0x2] =	sbarrier.arrive $0xFFFF  }
0x77e: {  	p0 =	sne.s32 s0, $0x0;
	s0 =	rddreg [dreg:$0x2]  }
0x77f: {  	s0 =	sadd.s32 @!p0 $0x100000, s0  }
0x780: {  	[sflag:s0] =	ssyncadd.tile.s32 @!p0 $0x1;
	_ =	shalt  }
.Lfunc_end2:
_tile_overlayer_lowered:
.L_overlay_start_2:
0x781: {  	(tag) =	ssettag $0x2  }
0x782: {  	s0 =	rddreg [dreg:$0x0];
	s2 =	stileid.u32  }
0x783: {  	s1 =	rddreg [dreg:$0x1];
	p0 =	sne.s32 s2, $0x0  }
0x784: {  	s3 =	rddreg [dreg:$0x2];
	[bflag:$0x3] =	sbarrier.arrive $0xFFFF;
	s2 =	simm.s32 @!p0 $0x1C04  }
0x785: {  	[timem:s3], [sflag:s2] =	dma.local @!p0 [hbm:s0], s1  }
0x786: {  	s0 =	simm.s32 @!p0 $0x4  }
0x787: {  	_ =	swait.ge @!p0 [sflag:s0], s1  }
0x788: {  	s1 =	ssub.s32 @!p0 $0x0, s1;
	[sflag:s0] =	ssyncset.done @!p0 $0x0  }
0x789: {  	[sflag:s0] =	ssyncadd.s32 @!p0 s1  }
0x78a: {  	[bflag:$0x3] =	sbarrier.arrive $0xFFFF  }
0x78b: {  	_ =	shalt  }

</sc_bundles>
